<compile_context>
chip_gen: v7x
topology: tpu7x:2x2x1
jax: 0.10.2.dev20260603
libtpu: 0.0.44.dev20260713+nightly
codegen_flags: <defaults>
</compile_context>

<pallas_src>
import functools

import jax
import jax.numpy as jnp
from jax import lax
from jax.experimental import pallas as pl
from jax.experimental.pallas import tpu as pltpu
from jax.experimental.pallas import tpu_sc as plsc

N = 10000
E = 320000
D = 128
NPAD = 10240
NC = 2
NS = 16
W = NC * NS
EW = E // W
C = 64
EPW = 10240
EPAD = W * EPW
NCHUNK = EPW // C
RS = NPAD // NS
DEGC = 2000
PACK = 16384

_mesh = plsc.VectorSubcoreMesh(core_axis_name="c", subcore_axis_name="s")



@functools.partial(
    pl.kernel,
    out_type=jax.ShapeDtypeStruct((W, NPAD), jnp.float32),
    mesh=_mesh,
    compiler_params=pltpu.CompilerParams(needs_layout_passes=False),
    scratch_types=[
        pltpu.VMEM((NPAD,), jnp.float32),
        pltpu.VMEM((DEGC,), jnp.int32),
    ],
)
def _deg_kernel(col_hbm, degparts_hbm, degbuf, colbuf):
    cid = lax.axis_index("c")
    sid = lax.axis_index("s")
    w = sid * NC + cid

    def zero(i, carry):
        degbuf[pl.ds(i * 16, 16)] = jnp.zeros((16,), jnp.float32)
        return carry

    lax.fori_loop(0, NPAD // 16, zero, None)

    ones = jnp.ones((16,), jnp.float32)

    def chunk(k, carry):
        pltpu.sync_copy(col_hbm.at[pl.ds(w * EW + k * DEGC, DEGC)], colbuf)

        def scat(j, c2):
            idx = colbuf[pl.ds(j * 16, 16)]
            plsc.addupdate_scatter(degbuf, [idx], ones)
            return c2

        lax.fori_loop(0, DEGC // 16, scat, None)
        return carry

    lax.fori_loop(0, EW // DEGC, chunk, None)
    pltpu.sync_copy(degbuf, degparts_hbm.at[w])



@functools.partial(
    pl.kernel,
    out_type=[
        jax.ShapeDtypeStruct((NPAD, D), jnp.float32),
        jax.ShapeDtypeStruct((NPAD, D), jnp.float32),
    ],
    mesh=_mesh,
    compiler_params=pltpu.CompilerParams(needs_layout_passes=False),
    scratch_types=[
        pltpu.VMEM_SHARED((NPAD, D), jnp.float32),
        [pltpu.VMEM((C, D), jnp.float32) for _ in range(5)],
        [pltpu.VMEM((C,), jnp.int32) for _ in range(5)],
        [pltpu.VMEM((C,), jnp.int32) for _ in range(5)],
        [pltpu.VMEM((C,), jnp.int32) for _ in range(5)],
        [pltpu.SemaphoreType.DMA for _ in range(5)],
        [pltpu.SemaphoreType.DMA for _ in range(5)],
        [pltpu.SemaphoreType.DMA for _ in range(5)],
    ],
)
def _prop_kernel(g_hbm, packed3_hbm, zeros_hbm,
                 p0_hbm, p1_hbm,
                 acc_sh, rows, pbufs, irs, ics, psems, gsems, ssems):
    cid = lax.axis_index("c")
    sid = lax.axis_index("s")
    w = sid * NC + cid
    rbase = sid * RS

    pltpu.sync_copy(zeros_hbm, acc_sh.at[pl.ds(rbase, RS)])
    plsc.subcore_barrier()

    NB = 5

    def pfire(k, b):
        pltpu.async_copy(packed3_hbm.at[w, pl.ds(k * C, C)], pbufs[b], psems[b])

    def pwait(k, b):
        pltpu.make_async_copy(
            packed3_hbm.at[w, pl.ds(k * C, C)], pbufs[b], psems[b]).wait()

    def unpack(b):
        def lane(j, carry):
            p16 = pbufs[b][pl.ds(j * 16, 16)]
            irs[b][pl.ds(j * 16, 16)] = lax.shift_right_logical(p16, 14)
            ics[b][pl.ds(j * 16, 16)] = lax.bitwise_and(p16, PACK - 1)
            return carry

        lax.fori_loop(0, C // 16, lane, None)

    def gfire(b):
        pltpu.async_copy(g_hbm.at[irs[b]], rows[b], gsems[b])

    def gwait(b):
        pltpu.make_async_copy(g_hbm.at[irs[b]], rows[b], gsems[b]).wait()

    def sfire(b):
        pltpu.async_copy(rows[b], acc_sh.at[ics[b]], ssems[b], add=True)

    def swait(b):
        pltpu.make_async_copy(rows[b], acc_sh.at[ics[b]], ssems[b]).wait()

    for b in range(NB):
        pfire(b, b)
    for b in range(NB):
        pwait(b, b)
        unpack(b)
        pfire(b + NB, b)
        gfire(b)

    NGRP = NCHUNK // NB

    def group(i, carry):
        k = NB * i
        for b in range(NB):
            gwait(b)
            sfire(b)
        for b in range(NB):
            swait(b)
            pwait(k + NB + b, b)
            unpack(b)
            pfire(jnp.minimum(k + 2 * NB + b, NCHUNK - 1), b)
            gfire(b)
        return carry

    lax.fori_loop(0, NGRP - 1, group, None)
    for b in range(NB):
        gwait(b)
        sfire(b)
    for b in range(NB):
        swait(b)
        pwait(NCHUNK - 1, b)
    plsc.subcore_barrier()

    @pl.when(cid == 0)
    def _():
        pltpu.sync_copy(acc_sh.at[pl.ds(rbase, RS)], p0_hbm.at[pl.ds(rbase, RS)])

    @pl.when(cid == 1)
    def _():
        pltpu.sync_copy(acc_sh.at[pl.ds(rbase, RS)], p1_hbm.at[pl.ds(rbase, RS)])



def _scale1_body(dp_ref, x_ref, dis_ref, o_ref):
    i = pl.program_id(0)
    s = jnp.sum(dp_ref[...], axis=0, keepdims=True) + 1.0
    d_row = 1.0 / jnp.sqrt(s)
    d_col = d_row.reshape(256, 1)
    dis_ref[...] = d_col
    rid = i * 256 + lax.broadcasted_iota(jnp.int32, (256, 1), 0)
    o_ref[...] = jnp.where(rid < N, d_col * x_ref[...], 0.0)


_scale1_call = pl.pallas_call(
    _scale1_body,
    out_shape=[
        jax.ShapeDtypeStruct((NPAD, 1), jnp.float32),
        jax.ShapeDtypeStruct((NPAD, D), jnp.float32),
    ],
    grid=(NPAD // 256,),
    in_specs=[
        pl.BlockSpec((W, 256), lambda i: (0, i)),
        pl.BlockSpec((256, D), lambda i: (i, 0)),
    ],
    out_specs=[
        pl.BlockSpec((256, 1), lambda i: (i, 0)),
        pl.BlockSpec((256, D), lambda i: (i, 0)),
    ],
)


def _scale2_body(dis_ref, p0_ref, p1_ref, g_ref, o_ref):
    d = dis_ref[...]
    o_ref[...] = (d * d) * (p0_ref[...] + p1_ref[...] + g_ref[...])


_scale2_call = pl.pallas_call(
    _scale2_body,
    out_shape=jax.ShapeDtypeStruct((NPAD, D), jnp.float32),
    grid=(NPAD // 256,),
    in_specs=[
        pl.BlockSpec((256, 1), lambda i: (i, 0)),
        pl.BlockSpec((256, D), lambda i: (i, 0)),
        pl.BlockSpec((256, D), lambda i: (i, 0)),
        pl.BlockSpec((256, D), lambda i: (i, 0)),
    ],
    out_specs=pl.BlockSpec((256, D), lambda i: (i, 0)),
)


def _final_body(dis_ref, p0_ref, p1_ref, g_ref, o_ref):
    i = pl.program_id(0)

    @pl.when(i == 0)
    def _():
        o_ref[...] = jnp.zeros((1, 1), jnp.float32)

    h = dis_ref[...] * (p0_ref[...] + p1_ref[...] + g_ref[...])
    o_ref[...] = o_ref[...] + jnp.sum(h * h)

    @pl.when(i == pl.num_programs(0) - 1)
    def _():
        o_ref[...] = jnp.sqrt(o_ref[...])


_final_call = pl.pallas_call(
    _final_body,
    out_shape=jax.ShapeDtypeStruct((1, 1), jnp.float32),
    grid=(NPAD // 256,),
    in_specs=[
        pl.BlockSpec((256, 1), lambda i: (i, 0)),
        pl.BlockSpec((256, D), lambda i: (i, 0)),
        pl.BlockSpec((256, D), lambda i: (i, 0)),
        pl.BlockSpec((256, D), lambda i: (i, 0)),
    ],
    out_specs=pl.BlockSpec((1, 1), lambda i: (0, 0)),
)


def kernel(x, adj, pool):
    row = adj[0]
    col = adj[1]
    npad_ids = N + (jnp.arange(EPAD - E, dtype=jnp.int32) % (NPAD - N))
    rowp = jnp.concatenate([row, npad_ids])
    colp = jnp.concatenate([col, npad_ids])
    packed3 = (rowp * PACK + colp).reshape(W, EPW)
    zeros_rows = jnp.zeros((RS, D), jnp.float32)

    degparts = _deg_kernel(col)
    dis_col, g = _scale1_call(degparts, x)
    for r in range(3):
        p0, p1 = _prop_kernel(g, packed3, zeros_rows)
        if r < 2:
            g = _scale2_call(dis_col, p0, p1, g)
        else:
            out = _final_call(dis_col, p0, p1, g)
    return out.reshape(())

# --- scband reference (transcript-rebuilt; emitter-appended) ---
"""Pipeline reference for scband-akx-25520695673513 (READ-ONLY COPY).

The authoritative reference and input builder live on the scoring server;
editing this copy changes nothing except your own understanding.
"""

import jax, jax.numpy as jnp
import numpy as np

N = 10000
E = 320000
D = 128
K = 3

def setup_inputs(seed: int = 0) -> dict:
    key = jax.random.key(seed)
    k1, k2 = jax.random.split(key)
    x = jax.random.normal(k1, (N, D), dtype=jnp.float32)
    adj = jax.random.randint(k2, (2, E), 0, N, dtype=jnp.int32)
    return {"x": x, "adj": adj, "pool": 0}

def reference(x, adj, pool):
    # SGConv(K=3) with lin = Identity, i.e. K rounds of GCN-normalized propagation
    row, col = adj[0], adj[1]
    # gcn_norm: add self loops with weight 1
    loop = jnp.arange(N, dtype=row.dtype)
    row = jnp.concatenate([row, loop])
    col = jnp.concatenate([col, loop])
    w = jnp.ones(row.shape[0], dtype=x.dtype)
    deg = jnp.zeros((N,), dtype=x.dtype).at[col].add(w)
    deg_inv_sqrt = jnp.where(deg > 0, 1.0 / jnp.sqrt(deg), 0.0)
    norm = deg_inv_sqrt[row] * deg_inv_sqrt[col]
    h = x
    for _ in range(K):
        msg = h[row] * norm[:, None]          # gather + scale
        h = jnp.zeros_like(h).at[col].add(msg)  # scatter-add at destinations
    # pool is passed as int 0, so neither 'mean' nor 'sum' branch fires in the
    # original torch module; output is norm of the unpooled propagated features.
    return jnp.linalg.norm(h)

if __name__ == "__main__":
    import jax
    _d = setup_inputs()
    print(jax.jit(kernel)(*tuple(_d.values())))

</pallas_src>

<mosaic_0001>
#map = affine_map<(d0, d1) -> (0)>
#map1 = affine_map<(d0, d1) -> (0, 0)>
module attributes {stable_mosaic.version = 14 : i64} {
  func.func @_deg_kernel(%arg0: i32, %arg1: i32, %arg2: memref<320000xi32, #tpu.memory_space<hbm>>, %arg3: memref<32x10240xf32, #tpu.memory_space<hbm>>, %arg4: memref<10240xf32, #tpu.memory_space<vmem>>, %arg5: memref<2000xi32, #tpu.memory_space<vmem>>) attributes {dimension_semantics = [#tpu.dimension_semantics<core_parallel>, #tpu.dimension_semantics<subcore_parallel>], iteration_bounds = array<i64: 2, 16>, scalar_prefetch = 0 : i64, scratch_operands = 2 : i64, tpu.core_type = #tpu.core_type<sc_vector_subcore>, window_params = [{transform_indices = #map}, {transform_indices = #map1}]} {
    %mul3A = arith.constant 2 : i32
    %mul3A_0 = arith.muli %arg1, %mul3A : i32
    %add3A = arith.addi %mul3A_0, %arg0 : i32
    %scan3A = arith.constant 0 : i32
    %scan3A_1 = arith.constant 640 : i32
    %scan3A_2 = arith.addi %scan3A, %scan3A_1 : i32
    %scan3A_3 = arith.constant 1 : i32
    scf.for %scan3A_11 = %scan3A to %scan3A_2 step %scan3A_3  : i32 {
      %broadcast_in_dim3A_12 = arith.constant 0.000000e+00 : f32
      %broadcast_in_dim3A_13 = vector.broadcast %broadcast_in_dim3A_12 : f32 to vector<16xf32>
      %mul3A_14 = arith.constant 16 : i32
      %mul3A_15 = arith.muli %scan3A_11, %mul3A_14 : i32
      %swap3A = arith.index_cast %mul3A_15 : i32 to index
      %swap3A_16 = tpu.vector_load %arg4[%swap3A] {strides = array<i32>} : memref<10240xf32, #tpu.memory_space<vmem>>, vector<16xf32>,
      tpu.vector_store %arg4[%swap3A], %broadcast_in_dim3A_13 {strides = array<i32>} : memref<10240xf32, #tpu.memory_space<vmem>>, vector<16xf32>,
    }
    %scan3A_4 = arith.constant 640 : i32
    %broadcast_in_dim3A = arith.constant 1.000000e+00 : f32
    %broadcast_in_dim3A_5 = vector.broadcast %broadcast_in_dim3A : f32 to vector<16xf32>
    %scan3A_6 = arith.constant 0 : i32
    %scan3A_7 = arith.constant 5 : i32
    %scan3A_8 = arith.addi %scan3A_6, %scan3A_7 : i32
    %scan3A_9 = arith.constant 1 : i32
    scf.for %scan3A_11 = %scan3A_6 to %scan3A_8 step %scan3A_9  : i32 {
      %mul3A_12 = arith.constant 10000 : i32
      %mul3A_13 = arith.muli %add3A, %mul3A_12 : i32
      %mul3A_14 = arith.constant 2000 : i32
      %mul3A_15 = arith.muli %scan3A_11, %mul3A_14 : i32
      %add3A_16 = arith.addi %mul3A_13, %mul3A_15 : i32
      "tpu.region"() ({
        %run_scoped3A = tpu.sem_alloc : memref<!tpu.dma_semaphore, #tpu.memory_space<semaphore_mem>>
        %dma_start3A = tpu.memref_slice %arg2[%add3A_16] : memref<320000xi32, #tpu.memory_space<hbm>> -> memref<2000xi32, #tpu.memory_space<hbm>>
        %dma_start3A_22 = tpu.memref_slice %arg2[%add3A_16] : memref<320000xi32, #tpu.memory_space<hbm>> -> memref<2000xi32, #tpu.memory_space<hbm>>
        tpu.enqueue_dma source(%dma_start3A_22 : memref<2000xi32, #tpu.memory_space<hbm>>) target(%arg5 : memref<2000xi32, #tpu.memory_space<vmem>>) target_semaphore(%run_scoped3A : memref<!tpu.dma_semaphore, #tpu.memory_space<semaphore_mem>>)
        %dma_wait3A = tpu.memref_slice %arg2[%add3A_16] : memref<320000xi32, #tpu.memory_space<hbm>> -> memref<2000xi32, #tpu.memory_space<hbm>>
        %dma_wait3A_23 = tpu.memref_slice %arg2[%add3A_16] : memref<320000xi32, #tpu.memory_space<hbm>> -> memref<2000xi32, #tpu.memory_space<hbm>>
        tpu.wait_dma2 semaphore(%run_scoped3A : memref<!tpu.dma_semaphore, #tpu.memory_space<semaphore_mem>>) src(%dma_wait3A_23 : memref<2000xi32, #tpu.memory_space<hbm>>) dst(%arg5 : memref<2000xi32, #tpu.memory_space<vmem>>)
        tpu.yield
      }) : () -> ()
      %scan3A_17 = arith.constant 0 : i32
      %scan3A_18 = arith.constant 125 : i32
      %scan3A_19 = arith.addi %scan3A_17, %scan3A_18 : i32
      %scan3A_20 = arith.constant 1 : i32
      scf.for %scan3A_22 = %scan3A_17 to %scan3A_19 step %scan3A_20  : i32 {
        %mul3A_23 = arith.constant 16 : i32
        %mul3A_24 = arith.muli %scan3A_22, %mul3A_23 : i32
        %get3A = arith.index_cast %mul3A_24 : i32 to index
        %get3A_25 = tpu.vector_load %arg5[%get3A] {strides = array<i32>} : memref<2000xi32, #tpu.memory_space<vmem>>, vector<16xi32>,
        tpu.vector_store_idx %arg4[%get3A_25], %broadcast_in_dim3A_5 {add = true} : memref<10240xf32, #tpu.memory_space<vmem>>[vector<16xi32>], vector<16xf32>,
      }
      %scan3A_21 = arith.constant 125 : i32
    }
    %scan3A_10 = arith.constant 5 : i32
    "tpu.region"() ({
      %run_scoped3A = tpu.sem_alloc : memref<!tpu.dma_semaphore, #tpu.memory_space<semaphore_mem>>
      %dma_start3A = arith.constant 0 : i32
      %dma_start3A_11 = tpu.memref_slice %arg3[%add3A, %dma_start3A] : memref<32x10240xf32, #tpu.memory_space<hbm>> -> memref<1x10240xf32, #tpu.memory_space<hbm>>
      %dma_start3A_12 = tpu.memref_squeeze %dma_start3A_11 : memref<1x10240xf32, #tpu.memory_space<hbm>> -> memref<10240xf32, #tpu.memory_space<hbm>>
      %dma_start3A_13 = arith.constant 0 : i32
      %dma_start3A_14 = tpu.memref_slice %arg3[%add3A, %dma_start3A_13] : memref<32x10240xf32, #tpu.memory_space<hbm>> -> memref<1x10240xf32, #tpu.memory_space<hbm>>
      %dma_start3A_15 = tpu.memref_squeeze %dma_start3A_14 : memref<1x10240xf32, #tpu.memory_space<hbm>> -> memref<10240xf32, #tpu.memory_space<hbm>>
      tpu.enqueue_dma source(%arg4 : memref<10240xf32, #tpu.memory_space<vmem>>) target(%dma_start3A_15 : memref<10240xf32, #tpu.memory_space<hbm>>) target_semaphore(%run_scoped3A : memref<!tpu.dma_semaphore, #tpu.memory_space<semaphore_mem>>)
      %dma_wait3A = arith.constant 0 : i32
      %dma_wait3A_16 = tpu.memref_slice %arg3[%add3A, %dma_wait3A] : memref<32x10240xf32, #tpu.memory_space<hbm>> -> memref<1x10240xf32, #tpu.memory_space<hbm>>
      %dma_wait3A_17 = tpu.memref_squeeze %dma_wait3A_16 : memref<1x10240xf32, #tpu.memory_space<hbm>> -> memref<10240xf32, #tpu.memory_space<hbm>>
      %dma_wait3A_18 = arith.constant 0 : i32
      %dma_wait3A_19 = tpu.memref_slice %arg3[%add3A, %dma_wait3A_18] : memref<32x10240xf32, #tpu.memory_space<hbm>> -> memref<1x10240xf32, #tpu.memory_space<hbm>>
      %dma_wait3A_20 = tpu.memref_squeeze %dma_wait3A_19 : memref<1x10240xf32, #tpu.memory_space<hbm>> -> memref<10240xf32, #tpu.memory_space<hbm>>
      tpu.wait_dma2 semaphore(%run_scoped3A : memref<!tpu.dma_semaphore, #tpu.memory_space<semaphore_mem>>) src(%arg4 : memref<10240xf32, #tpu.memory_space<vmem>>) dst(%dma_wait3A_20 : memref<10240xf32, #tpu.memory_space<hbm>>)
      tpu.yield
    }) : () -> ()
    return
  }
}

#map = affine_map<(d0, d1) -> (0, 0)>
module attributes {stable_mosaic.version = 14 : i64} {
  func.func @_prop_kernel(%arg0: i32, %arg1: i32, %arg2: memref<10240x128xf32, #tpu.memory_space<hbm>>, %arg3: memref<32x10240xi32, #tpu.memory_space<hbm>>, %arg4: memref<640x128xf32, #tpu.memory_space<hbm>>, %arg5: memref<10240x128xf32, #tpu.memory_space<hbm>>, %arg6: memref<10240x128xf32, #tpu.memory_space<hbm>>, %arg7: memref<10240x128xf32, #tpu.memory_space<vmem_shared>>, %arg8: memref<64x128xf32, #tpu.memory_space<vmem>>, %arg9: memref<64x128xf32, #tpu.memory_space<vmem>>, %arg10: memref<64x128xf32, #tpu.memory_space<vmem>>, %arg11: memref<64x128xf32, #tpu.memory_space<vmem>>, %arg12: memref<64x128xf32, #tpu.memory_space<vmem>>, %arg13: memref<64xi32, #tpu.memory_space<vmem>>, %arg14: memref<64xi32, #tpu.memory_space<vmem>>, %arg15: memref<64xi32, #tpu.memory_space<vmem>>, %arg16: memref<64xi32, #tpu.memory_space<vmem>>, %arg17: memref<64xi32, #tpu.memory_space<vmem>>, %arg18: memref<64xi32, #tpu.memory_space<vmem>>, %arg19: memref<64xi32, #tpu.memory_space<vmem>>, %arg20: memref<64xi32, #tpu.memory_space<vmem>>, %arg21: memref<64xi32, #tpu.memory_space<vmem>>, %arg22: memref<64xi32, #tpu.memory_space<vmem>>, %arg23: memref<64xi32, #tpu.memory_space<vmem>>, %arg24: memref<64xi32, #tpu.memory_space<vmem>>, %arg25: memref<64xi32, #tpu.memory_space<vmem>>, %arg26: memref<64xi32, #tpu.memory_space<vmem>>, %arg27: memref<64xi32, #tpu.memory_space<vmem>>, %arg28: memref<!tpu.dma_semaphore, #tpu.memory_space<semaphore_mem>>, %arg29: memref<!tpu.dma_semaphore, #tpu.memory_space<semaphore_mem>>, %arg30: memref<!tpu.dma_semaphore, #tpu.memory_space<semaphore_mem>>, %arg31: memref<!tpu.dma_semaphore, #tpu.memory_space<semaphore_mem>>, %arg32: memref<!tpu.dma_semaphore, #tpu.memory_space<semaphore_mem>>, %arg33: memref<!tpu.dma_semaphore, #tpu.memory_space<semaphore_mem>>, %arg34: memref<!tpu.dma_semaphore, #tpu.memory_space<semaphore_mem>>, %arg35: memref<!tpu.dma_semaphore, #tpu.memory_space<semaphore_mem>>, %arg36: memref<!tpu.dma_semaphore, #tpu.memory_space<semaphore_mem>>, %arg37: memref<!tpu.dma_semaphore, #tpu.memory_space<semaphore_mem>>, %arg38: memref<!tpu.dma_semaphore, #tpu.memory_space<semaphore_mem>>, %arg39: memref<!tpu.dma_semaphore, #tpu.memory_space<semaphore_mem>>, %arg40: memref<!tpu.dma_semaphore, #tpu.memory_space<semaphore_mem>>, %arg41: memref<!tpu.dma_semaphore, #tpu.memory_space<semaphore_mem>>, %arg42: memref<!tpu.dma_semaphore, #tpu.memory_space<semaphore_mem>>) attributes {dimension_semantics = [#tpu.dimension_semantics<core_parallel>, #tpu.dimension_semantics<subcore_parallel>], iteration_bounds = array<i64: 2, 16>, scalar_prefetch = 0 : i64, scratch_operands = 36 : i64, tpu.core_type = #tpu.core_type<sc_vector_subcore>, window_params = [{transform_indices = #map}, {transform_indices = #map}, {transform_indices = #map}, {transform_indices = #map}, {transform_indices = #map}]} {
    %mul3A = arith.constant 2 : i32
    %mul3A_0 = arith.muli %arg1, %mul3A : i32
    %add3A = arith.addi %mul3A_0, %arg0 : i32
    %mul3A_1 = arith.constant 640 : i32
    %mul3A_2 = arith.muli %arg1, %mul3A_1 : i32
    "tpu.region"() ({
      %run_scoped3A = tpu.sem_alloc : memref<!tpu.dma_semaphore, #tpu.memory_space<semaphore_mem>>
      %dma_start3A_218 = arith.constant 0 : i32
      %dma_start3A_219 = tpu.memref_slice %arg7[%mul3A_2, %dma_start3A_218] : memref<10240x128xf32, #tpu.memory_space<vmem_shared>> -> memref<640x128xf32, #tpu.memory_space<vmem_shared>>
      tpu.enqueue_dma source(%arg4 : memref<640x128xf32, #tpu.memory_space<hbm>>) target(%dma_start3A_219 : memref<640x128xf32, #tpu.memory_space<vmem_shared>>) target_semaphore(%run_scoped3A : memref<!tpu.dma_semaphore, #tpu.memory_space<semaphore_mem>>)
      %dma_wait3A_220 = arith.constant 0 : i32
      %dma_wait3A_221 = tpu.memref_slice %arg7[%mul3A_2, %dma_wait3A_220] : memref<10240x128xf32, #tpu.memory_space<vmem_shared>> -> memref<640x128xf32, #tpu.memory_space<vmem_shared>>
      tpu.wait_dma2 semaphore(%run_scoped3A : memref<!tpu.dma_semaphore, #tpu.memory_space<semaphore_mem>>) src(%arg4 : memref<640x128xf32, #tpu.memory_space<hbm>>) dst(%dma_wait3A_221 : memref<640x128xf32, #tpu.memory_space<vmem_shared>>)
      tpu.yield
    }) : () -> ()
    %barrier3A = arith.constant 0 : index
    tpu.barrier barrier_id(%barrier3A)
    %dma_start3A = arith.constant 0 : i32
    %dma_start3A_3 = tpu.memref_slice %arg3[%add3A, %dma_start3A] : memref<32x10240xi32, #tpu.memory_space<hbm>> -> memref<1x64xi32, #tpu.memory_space<hbm>>
    %dma_start3A_4 = tpu.memref_squeeze %dma_start3A_3 : memref<1x64xi32, #tpu.memory_space<hbm>> -> memref<64xi32, #tpu.memory_space<hbm>>
    %dma_start3A_5 = arith.constant 0 : i32
    %dma_start3A_6 = tpu.memref_slice %arg3[%add3A, %dma_start3A_5] : memref<32x10240xi32, #tpu.memory_space<hbm>> -> memref<1x64xi32, #tpu.memory_space<hbm>>
    %dma_start3A_7 = tpu.memref_squeeze %dma_start3A_6 : memref<1x64xi32, #tpu.memory_space<hbm>> -> memref<64xi32, #tpu.memory_space<hbm>>
    tpu.enqueue_dma source(%dma_start3A_7 : memref<64xi32, #tpu.memory_space<hbm>>) target(%arg13 : memref<64xi32, #tpu.memory_space<vmem>>) target_semaphore(%arg28 : memref<!tpu.dma_semaphore, #tpu.memory_space<semaphore_mem>>)
    %dma_start3A_8 = arith.constant 64 : i32
    %dma_start3A_9 = tpu.memref_slice %arg3[%add3A, %dma_start3A_8] : memref<32x10240xi32, #tpu.memory_space<hbm>> -> memref<1x64xi32, #tpu.memory_space<hbm>>
    %dma_start3A_10 = tpu.memref_squeeze %dma_start3A_9 : memref<1x64xi32, #tpu.memory_space<hbm>> -> memref<64xi32, #tpu.memory_space<hbm>>
    %dma_start3A_11 = arith.constant 64 : i32
    %dma_start3A_12 = tpu.memref_slice %arg3[%add3A, %dma_start3A_11] : memref<32x10240xi32, #tpu.memory_space<hbm>> -> memref<1x64xi32, #tpu.memory_space<hbm>>
    %dma_start3A_13 = tpu.memref_squeeze %dma_start3A_12 : memref<1x64xi32, #tpu.memory_space<hbm>> -> memref<64xi32, #tpu.memory_space<hbm>>
    tpu.enqueue_dma source(%dma_start3A_13 : memref<64xi32, #tpu.memory_space<hbm>>) target(%arg14 : memref<64xi32, #tpu.memory_space<vmem>>) target_semaphore(%arg29 : memref<!tpu.dma_semaphore, #tpu.memory_space<semaphore_mem>>)
    %dma_start3A_14 = arith.constant 128 : i32
    %dma_start3A_15 = tpu.memref_slice %arg3[%add3A, %dma_start3A_14] : memref<32x10240xi32, #tpu.memory_space<hbm>> -> memref<1x64xi32, #tpu.memory_space<hbm>>
    %dma_start3A_16 = tpu.memref_squeeze %dma_start3A_15 : memref<1x64xi32, #tpu.memory_space<hbm>> -> memref<64xi32, #tpu.memory_space<hbm>>
    %dma_start3A_17 = arith.constant 128 : i32
    %dma_start3A_18 = tpu.memref_slice %arg3[%add3A, %dma_start3A_17] : memref<32x10240xi32, #tpu.memory_space<hbm>> -> memref<1x64xi32, #tpu.memory_space<hbm>>
    %dma_start3A_19 = tpu.memref_squeeze %dma_start3A_18 : memref<1x64xi32, #tpu.memory_space<hbm>> -> memref<64xi32, #tpu.memory_space<hbm>>
    tpu.enqueue_dma source(%dma_start3A_19 : memref<64xi32, #tpu.memory_space<hbm>>) target(%arg15 : memref<64xi32, #tpu.memory_space<vmem>>) target_semaphore(%arg30 : memref<!tpu.dma_semaphore, #tpu.memory_space<semaphore_mem>>)
    %dma_start3A_20 = arith.constant 192 : i32
    %dma_start3A_21 = tpu.memref_slice %arg3[%add3A, %dma_start3A_20] : memref<32x10240xi32, #tpu.memory_space<hbm>> -> memref<1x64xi32, #tpu.memory_space<hbm>>
    %dma_start3A_22 = tpu.memref_squeeze %dma_start3A_21 : memref<1x64xi32, #tpu.memory_space<hbm>> -> memref<64xi32, #tpu.memory_space<hbm>>
    %dma_start3A_23 = arith.constant 192 : i32
    %dma_start3A_24 = tpu.memref_slice %arg3[%add3A, %dma_start3A_23] : memref<32x10240xi32, #tpu.memory_space<hbm>> -> memref<1x64xi32, #tpu.memory_space<hbm>>
    %dma_start3A_25 = tpu.memref_squeeze %dma_start3A_24 : memref<1x64xi32, #tpu.memory_space<hbm>> -> memref<64xi32, #tpu.memory_space<hbm>>
    tpu.enqueue_dma source(%dma_start3A_25 : memref<64xi32, #tpu.memory_space<hbm>>) target(%arg16 : memref<64xi32, #tpu.memory_space<vmem>>) target_semaphore(%arg31 : memref<!tpu.dma_semaphore, #tpu.memory_space<semaphore_mem>>)
    %dma_start3A_26 = arith.constant 256 : i32
    %dma_start3A_27 = tpu.memref_slice %arg3[%add3A, %dma_start3A_26] : memref<32x10240xi32, #tpu.memory_space<hbm>> -> memref<1x64xi32, #tpu.memory_space<hbm>>
    %dma_start3A_28 = tpu.memref_squeeze %dma_start3A_27 : memref<1x64xi32, #tpu.memory_space<hbm>> -> memref<64xi32, #tpu.memory_space<hbm>>
    %dma_start3A_29 = arith.constant 256 : i32
    %dma_start3A_30 = tpu.memref_slice %arg3[%add3A, %dma_start3A_29] : memref<32x10240xi32, #tpu.memory_space<hbm>> -> memref<1x64xi32, #tpu.memory_space<hbm>>
    %dma_start3A_31 = tpu.memref_squeeze %dma_start3A_30 : memref<1x64xi32, #tpu.memory_space<hbm>> -> memref<64xi32, #tpu.memory_space<hbm>>
    tpu.enqueue_dma source(%dma_start3A_31 : memref<64xi32, #tpu.memory_space<hbm>>) target(%arg17 : memref<64xi32, #tpu.memory_space<vmem>>) target_semaphore(%arg32 : memref<!tpu.dma_semaphore, #tpu.memory_space<semaphore_mem>>)
    %dma_wait3A = arith.constant 0 : i32
    %dma_wait3A_32 = tpu.memref_slice %arg3[%add3A, %dma_wait3A] : memref<32x10240xi32, #tpu.memory_space<hbm>> -> memref<1x64xi32, #tpu.memory_space<hbm>>
    %dma_wait3A_33 = tpu.memref_squeeze %dma_wait3A_32 : memref<1x64xi32, #tpu.memory_space<hbm>> -> memref<64xi32, #tpu.memory_space<hbm>>
    %dma_wait3A_34 = arith.constant 0 : i32
    %dma_wait3A_35 = tpu.memref_slice %arg3[%add3A, %dma_wait3A_34] : memref<32x10240xi32, #tpu.memory_space<hbm>> -> memref<1x64xi32, #tpu.memory_space<hbm>>
    %dma_wait3A_36 = tpu.memref_squeeze %dma_wait3A_35 : memref<1x64xi32, #tpu.memory_space<hbm>> -> memref<64xi32, #tpu.memory_space<hbm>>
    tpu.wait_dma2 semaphore(%arg28 : memref<!tpu.dma_semaphore, #tpu.memory_space<semaphore_mem>>) src(%dma_wait3A_36 : memref<64xi32, #tpu.memory_space<hbm>>) dst(%arg13 : memref<64xi32, #tpu.memory_space<vmem>>)
    %scan3A = arith.constant 0 : i32
    %scan3A_37 = arith.constant 4 : i32
    %scan3A_38 = arith.addi %scan3A, %scan3A_37 : i32
    %scan3A_39 = arith.constant 1 : i32
    scf.for %scan3A_218 = %scan3A to %scan3A_38 step %scan3A_39  : i32 {
      %mul3A_219 = arith.constant 16 : i32
      %mul3A_220 = arith.muli %scan3A_218, %mul3A_219 : i32
      %get3A = arith.index_cast %mul3A_220 : i32 to index
      %get3A_221 = tpu.vector_load %arg13[%get3A] {strides = array<i32>} : memref<64xi32, #tpu.memory_space<vmem>>, vector<16xi32>,
      %shift_right_logical3A = arith.constant 14 : i32
      %shift_right_logical3A_222 = vector.broadcast %shift_right_logical3A : i32 to vector<16xi32>
      %shift_right_logical3A_223 = arith.shrui %get3A_221, %shift_right_logical3A_222 : vector<16xi32>
      %mul3A_224 = arith.constant 16 : i32
      %mul3A_225 = arith.muli %scan3A_218, %mul3A_224 : i32
      %swap3A = arith.index_cast %mul3A_225 : i32 to index
      %swap3A_226 = tpu.vector_load %arg18[%swap3A] {strides = array<i32>} : memref<64xi32, #tpu.memory_space<vmem>>, vector<16xi32>,
      tpu.vector_store %arg18[%swap3A], %shift_right_logical3A_223 {strides = array<i32>} : memref<64xi32, #tpu.memory_space<vmem>>, vector<16xi32>,
      %and3A = arith.constant 16383 : i32
      %and3A_227 = vector.broadcast %and3A : i32 to vector<16xi32>
      %and3A_228 = arith.andi %get3A_221, %and3A_227 : vector<16xi32>
      %mul3A_229 = arith.constant 16 : i32
      %mul3A_230 = arith.muli %scan3A_218, %mul3A_229 : i32
      %swap3A_231 = arith.index_cast %mul3A_230 : i32 to index
      %swap3A_232 = tpu.vector_load %arg23[%swap3A_231] {strides = array<i32>} : memref<64xi32, #tpu.memory_space<vmem>>, vector<16xi32>,
      tpu.vector_store %arg23[%swap3A_231], %and3A_228 {strides = array<i32>} : memref<64xi32, #tpu.memory_space<vmem>>, vector<16xi32>,
    }
    %scan3A_40 = arith.constant 4 : i32
    %dma_start3A_41 = arith.constant 320 : i32
    %dma_start3A_42 = tpu.memref_slice %arg3[%add3A, %dma_start3A_41] : memref<32x10240xi32, #tpu.memory_space<hbm>> -> memref<1x64xi32, #tpu.memory_space<hbm>>
    %dma_start3A_43 = tpu.memref_squeeze %dma_start3A_42 : memref<1x64xi32, #tpu.memory_space<hbm>> -> memref<64xi32, #tpu.memory_space<hbm>>
    %dma_start3A_44 = arith.constant 320 : i32
    %dma_start3A_45 = tpu.memref_slice %arg3[%add3A, %dma_start3A_44] : memref<32x10240xi32, #tpu.memory_space<hbm>> -> memref<1x64xi32, #tpu.memory_space<hbm>>
    %dma_start3A_46 = tpu.memref_squeeze %dma_start3A_45 : memref<1x64xi32, #tpu.memory_space<hbm>> -> memref<64xi32, #tpu.memory_space<hbm>>
    tpu.enqueue_dma source(%dma_start3A_46 : memref<64xi32, #tpu.memory_space<hbm>>) target(%arg13 : memref<64xi32, #tpu.memory_space<vmem>>) target_semaphore(%arg28 : memref<!tpu.dma_semaphore, #tpu.memory_space<semaphore_mem>>)
    %dma_start3A_47 = arith.constant 0 : i32
    %dma_start3A_48 = arith.constant 0 : i32
    %dma_start3A_49 = tpu.memref_slice %arg2[%dma_start3A_47, %dma_start3A_48] : memref<10240x128xf32, #tpu.memory_space<hbm>> -> memref<10240x128xf32, #tpu.memory_space<hbm>>
    tpu.enqueue_indirect_dma source(%dma_start3A_49 : memref<10240x128xf32, #tpu.memory_space<hbm>>) target(%arg8 : memref<64x128xf32, #tpu.memory_space<vmem>>) offsets(%arg18 : memref<64xi32, #tpu.memory_space<vmem>>) semaphore(%arg33 : memref<!tpu.dma_semaphore, #tpu.memory_space<semaphore_mem>>)
    %dma_wait3A_50 = arith.constant 64 : i32
    %dma_wait3A_51 = tpu.memref_slice %arg3[%add3A, %dma_wait3A_50] : memref<32x10240xi32, #tpu.memory_space<hbm>> -> memref<1x64xi32, #tpu.memory_space<hbm>>
    %dma_wait3A_52 = tpu.memref_squeeze %dma_wait3A_51 : memref<1x64xi32, #tpu.memory_space<hbm>> -> memref<64xi32, #tpu.memory_space<hbm>>
    %dma_wait3A_53 = arith.constant 64 : i32
    %dma_wait3A_54 = tpu.memref_slice %arg3[%add3A, %dma_wait3A_53] : memref<32x10240xi32, #tpu.memory_space<hbm>> -> memref<1x64xi32, #tpu.memory_space<hbm>>
    %dma_wait3A_55 = tpu.memref_squeeze %dma_wait3A_54 : memref<1x64xi32, #tpu.memory_space<hbm>> -> memref<64xi32, #tpu.memory_space<hbm>>
    tpu.wait_dma2 semaphore(%arg29 : memref<!tpu.dma_semaphore, #tpu.memory_space<semaphore_mem>>) src(%dma_wait3A_55 : memref<64xi32, #tpu.memory_space<hbm>>) dst(%arg14 : memref<64xi32, #tpu.memory_space<vmem>>)
    %scan3A_56 = arith.constant 0 : i32
    %scan3A_57 = arith.constant 4 : i32
    %scan3A_58 = arith.addi %scan3A_56, %scan3A_57 : i32
    %scan3A_59 = arith.constant 1 : i32
    scf.for %scan3A_218 = %scan3A_56 to %scan3A_58 step %scan3A_59  : i32 {
      %mul3A_219 = arith.constant 16 : i32
      %mul3A_220 = arith.muli %scan3A_218, %mul3A_219 : i32
      %get3A = arith.index_cast %mul3A_220 : i32 to index
      %get3A_221 = tpu.vector_load %arg14[%get3A] {strides = array<i32>} : memref<64xi32, #tpu.memory_space<vmem>>, vector<16xi32>,
      %shift_right_logical3A = arith.constant 14 : i32
      %shift_right_logical3A_222 = vector.broadcast %shift_right_logical3A : i32 to vector<16xi32>
      %shift_right_logical3A_223 = arith.shrui %get3A_221, %shift_right_logical3A_222 : vector<16xi32>
      %mul3A_224 = arith.constant 16 : i32
      %mul3A_225 = arith.muli %scan3A_218, %mul3A_224 : i32
      %swap3A = arith.index_cast %mul3A_225 : i32 to index
      %swap3A_226 = tpu.vector_load %arg19[%swap3A] {strides = array<i32>} : memref<64xi32, #tpu.memory_space<vmem>>, vector<16xi32>,
      tpu.vector_store %arg19[%swap3A], %shift_right_logical3A_223 {strides = array<i32>} : memref<64xi32, #tpu.memory_space<vmem>>, vector<16xi32>,
      %and3A = arith.constant 16383 : i32
      %and3A_227 = vector.broadcast %and3A : i32 to vector<16xi32>
      %and3A_228 = arith.andi %get3A_221, %and3A_227 : vector<16xi32>
      %mul3A_229 = arith.constant 16 : i32
      %mul3A_230 = arith.muli %scan3A_218, %mul3A_229 : i32
      %swap3A_231 = arith.index_cast %mul3A_230 : i32 to index
      %swap3A_232 = tpu.vector_load %arg24[%swap3A_231] {strides = array<i32>} : memref<64xi32, #tpu.memory_space<vmem>>, vector<16xi32>,
      tpu.vector_store %arg24[%swap3A_231], %and3A_228 {strides = array<i32>} : memref<64xi32, #tpu.memory_space<vmem>>, vector<16xi32>,
    }
    %scan3A_60 = arith.constant 4 : i32
    %dma_start3A_61 = arith.constant 384 : i32
    %dma_start3A_62 = tpu.memref_slice %arg3[%add3A, %dma_start3A_61] : memref<32x10240xi32, #tpu.memory_space<hbm>> -> memref<1x64xi32, #tpu.memory_space<hbm>>
    %dma_start3A_63 = tpu.memref_squeeze %dma_start3A_62 : memref<1x64xi32, #tpu.memory_space<hbm>> -> memref<64xi32, #tpu.memory_space<hbm>>
    %dma_start3A_64 = arith.constant 384 : i32
    %dma_start3A_65 = tpu.memref_slice %arg3[%add3A, %dma_start3A_64] : memref<32x10240xi32, #tpu.memory_space<hbm>> -> memref<1x64xi32, #tpu.memory_space<hbm>>
    %dma_start3A_66 = tpu.memref_squeeze %dma_start3A_65 : memref<1x64xi32, #tpu.memory_space<hbm>> -> memref<64xi32, #tpu.memory_space<hbm>>
    tpu.enqueue_dma source(%dma_start3A_66 : memref<64xi32, #tpu.memory_space<hbm>>) target(%arg14 : memref<64xi32, #tpu.memory_space<vmem>>) target_semaphore(%arg29 : memref<!tpu.dma_semaphore, #tpu.memory_space<semaphore_mem>>)
    %dma_start3A_67 = arith.constant 0 : i32
    %dma_start3A_68 = arith.constant 0 : i32
    %dma_start3A_69 = tpu.memref_slice %arg2[%dma_start3A_67, %dma_start3A_68] : memref<10240x128xf32, #tpu.memory_space<hbm>> -> memref<10240x128xf32, #tpu.memory_space<hbm>>
    tpu.enqueue_indirect_dma source(%dma_start3A_69 : memref<10240x128xf32, #tpu.memory_space<hbm>>) target(%arg9 : memref<64x128xf32, #tpu.memory_space<vmem>>) offsets(%arg19 : memref<64xi32, #tpu.memory_space<vmem>>) semaphore(%arg34 : memref<!tpu.dma_semaphore, #tpu.memory_space<semaphore_mem>>)
    %dma_wait3A_70 = arith.constant 128 : i32
    %dma_wait3A_71 = tpu.memref_slice %arg3[%add3A, %dma_wait3A_70] : memref<32x10240xi32, #tpu.memory_space<hbm>> -> memref<1x64xi32, #tpu.memory_space<hbm>>
    %dma_wait3A_72 = tpu.memref_squeeze %dma_wait3A_71 : memref<1x64xi32, #tpu.memory_space<hbm>> -> memref<64xi32, #tpu.memory_space<hbm>>
    %dma_wait3A_73 = arith.constant 128 : i32
    %dma_wait3A_74 = tpu.memref_slice %arg3[%add3A, %dma_wait3A_73] : memref<32x10240xi32, #tpu.memory_space<hbm>> -> memref<1x64xi32, #tpu.memory_space<hbm>>
    %dma_wait3A_75 = tpu.memref_squeeze %dma_wait3A_74 : memref<1x64xi32, #tpu.memory_space<hbm>> -> memref<64xi32, #tpu.memory_space<hbm>>
    tpu.wait_dma2 semaphore(%arg30 : memref<!tpu.dma_semaphore, #tpu.memory_space<semaphore_mem>>) src(%dma_wait3A_75 : memref<64xi32, #tpu.memory_space<hbm>>) dst(%arg15 : memref<64xi32, #tpu.memory_space<vmem>>)
    %scan3A_76 = arith.constant 0 : i32
    %scan3A_77 = arith.constant 4 : i32
    %scan3A_78 = arith.addi %scan3A_76, %scan3A_77 : i32
    %scan3A_79 = arith.constant 1 : i32
    scf.for %scan3A_218 = %scan3A_76 to %scan3A_78 step %scan3A_79  : i32 {
      %mul3A_219 = arith.constant 16 : i32
      %mul3A_220 = arith.muli %scan3A_218, %mul3A_219 : i32
      %get3A = arith.index_cast %mul3A_220 : i32 to index
      %get3A_221 = tpu.vector_load %arg15[%get3A] {strides = array<i32>} : memref<64xi32, #tpu.memory_space<vmem>>, vector<16xi32>,
      %shift_right_logical3A = arith.constant 14 : i32
      %shift_right_logical3A_222 = vector.broadcast %shift_right_logical3A : i32 to vector<16xi32>
      %shift_right_logical3A_223 = arith.shrui %get3A_221, %shift_right_logical3A_222 : vector<16xi32>
      %mul3A_224 = arith.constant 16 : i32
      %mul3A_225 = arith.muli %scan3A_218, %mul3A_224 : i32
      %swap3A = arith.index_cast %mul3A_225 : i32 to index
      %swap3A_226 = tpu.vector_load %arg20[%swap3A] {strides = array<i32>} : memref<64xi32, #tpu.memory_space<vmem>>, vector<16xi32>,
      tpu.vector_store %arg20[%swap3A], %shift_right_logical3A_223 {strides = array<i32>} : memref<64xi32, #tpu.memory_space<vmem>>, vector<16xi32>,
      %and3A = arith.constant 16383 : i32
      %and3A_227 = vector.broadcast %and3A : i32 to vector<16xi32>
      %and3A_228 = arith.andi %get3A_221, %and3A_227 : vector<16xi32>
      %mul3A_229 = arith.constant 16 : i32
      %mul3A_230 = arith.muli %scan3A_218, %mul3A_229 : i32
      %swap3A_231 = arith.index_cast %mul3A_230 : i32 to index
      %swap3A_232 = tpu.vector_load %arg25[%swap3A_231] {strides = array<i32>} : memref<64xi32, #tpu.memory_space<vmem>>, vector<16xi32>,
      tpu.vector_store %arg25[%swap3A_231], %and3A_228 {strides = array<i32>} : memref<64xi32, #tpu.memory_space<vmem>>, vector<16xi32>,
    }
    %scan3A_80 = arith.constant 4 : i32
    %dma_start3A_81 = arith.constant 448 : i32
    %dma_start3A_82 = tpu.memref_slice %arg3[%add3A, %dma_start3A_81] : memref<32x10240xi32, #tpu.memory_space<hbm>> -> memref<1x64xi32, #tpu.memory_space<hbm>>
    %dma_start3A_83 = tpu.memref_squeeze %dma_start3A_82 : memref<1x64xi32, #tpu.memory_space<hbm>> -> memref<64xi32, #tpu.memory_space<hbm>>
    %dma_start3A_84 = arith.constant 448 : i32
    %dma_start3A_85 = tpu.memref_slice %arg3[%add3A, %dma_start3A_84] : memref<32x10240xi32, #tpu.memory_space<hbm>> -> memref<1x64xi32, #tpu.memory_space<hbm>>
    %dma_start3A_86 = tpu.memref_squeeze %dma_start3A_85 : memref<1x64xi32, #tpu.memory_space<hbm>> -> memref<64xi32, #tpu.memory_space<hbm>>
    tpu.enqueue_dma source(%dma_start3A_86 : memref<64xi32, #tpu.memory_space<hbm>>) target(%arg15 : memref<64xi32, #tpu.memory_space<vmem>>) target_semaphore(%arg30 : memref<!tpu.dma_semaphore, #tpu.memory_space<semaphore_mem>>)
    %dma_start3A_87 = arith.constant 0 : i32
    %dma_start3A_88 = arith.constant 0 : i32
    %dma_start3A_89 = tpu.memref_slice %arg2[%dma_start3A_87, %dma_start3A_88] : memref<10240x128xf32, #tpu.memory_space<hbm>> -> memref<10240x128xf32, #tpu.memory_space<hbm>>
    tpu.enqueue_indirect_dma source(%dma_start3A_89 : memref<10240x128xf32, #tpu.memory_space<hbm>>) target(%arg10 : memref<64x128xf32, #tpu.memory_space<vmem>>) offsets(%arg20 : memref<64xi32, #tpu.memory_space<vmem>>) semaphore(%arg35 : memref<!tpu.dma_semaphore, #tpu.memory_space<semaphore_mem>>)
    %dma_wait3A_90 = arith.constant 192 : i32
    %dma_wait3A_91 = tpu.memref_slice %arg3[%add3A, %dma_wait3A_90] : memref<32x10240xi32, #tpu.memory_space<hbm>> -> memref<1x64xi32, #tpu.memory_space<hbm>>
    %dma_wait3A_92 = tpu.memref_squeeze %dma_wait3A_91 : memref<1x64xi32, #tpu.memory_space<hbm>> -> memref<64xi32, #tpu.memory_space<hbm>>
    %dma_wait3A_93 = arith.constant 192 : i32
    %dma_wait3A_94 = tpu.memref_slice %arg3[%add3A, %dma_wait3A_93] : memref<32x10240xi32, #tpu.memory_space<hbm>> -> memref<1x64xi32, #tpu.memory_space<hbm>>
    %dma_wait3A_95 = tpu.memref_squeeze %dma_wait3A_94 : memref<1x64xi32, #tpu.memory_space<hbm>> -> memref<64xi32, #tpu.memory_space<hbm>>
    tpu.wait_dma2 semaphore(%arg31 : memref<!tpu.dma_semaphore, #tpu.memory_space<semaphore_mem>>) src(%dma_wait3A_95 : memref<64xi32, #tpu.memory_space<hbm>>) dst(%arg16 : memref<64xi32, #tpu.memory_space<vmem>>)
    %scan3A_96 = arith.constant 0 : i32
    %scan3A_97 = arith.constant 4 : i32
    %scan3A_98 = arith.addi %scan3A_96, %scan3A_97 : i32
    %scan3A_99 = arith.constant 1 : i32
    scf.for %scan3A_218 = %scan3A_96 to %scan3A_98 step %scan3A_99  : i32 {
      %mul3A_219 = arith.constant 16 : i32
      %mul3A_220 = arith.muli %scan3A_218, %mul3A_219 : i32
      %get3A = arith.index_cast %mul3A_220 : i32 to index
      %get3A_221 = tpu.vector_load %arg16[%get3A] {strides = array<i32>} : memref<64xi32, #tpu.memory_space<vmem>>, vector<16xi32>,
      %shift_right_logical3A = arith.constant 14 : i32
      %shift_right_logical3A_222 = vector.broadcast %shift_right_logical3A : i32 to vector<16xi32>
      %shift_right_logical3A_223 = arith.shrui %get3A_221, %shift_right_logical3A_222 : vector<16xi32>
      %mul3A_224 = arith.constant 16 : i32
      %mul3A_225 = arith.muli %scan3A_218, %mul3A_224 : i32
      %swap3A = arith.index_cast %mul3A_225 : i32 to index
      %swap3A_226 = tpu.vector_load %arg21[%swap3A] {strides = array<i32>} : memref<64xi32, #tpu.memory_space<vmem>>, vector<16xi32>,
      tpu.vector_store %arg21[%swap3A], %shift_right_logical3A_223 {strides = array<i32>} : memref<64xi32, #tpu.memory_space<vmem>>, vector<16xi32>,
      %and3A = arith.constant 16383 : i32
      %and3A_227 = vector.broadcast %and3A : i32 to vector<16xi32>
      %and3A_228 = arith.andi %get3A_221, %and3A_227 : vector<16xi32>
      %mul3A_229 = arith.constant 16 : i32
      %mul3A_230 = arith.muli %scan3A_218, %mul3A_229 : i32
      %swap3A_231 = arith.index_cast %mul3A_230 : i32 to index
      %swap3A_232 = tpu.vector_load %arg26[%swap3A_231] {strides = array<i32>} : memref<64xi32, #tpu.memory_space<vmem>>, vector<16xi32>,
      tpu.vector_store %arg26[%swap3A_231], %and3A_228 {strides = array<i32>} : memref<64xi32, #tpu.memory_space<vmem>>, vector<16xi32>,
    }
    %scan3A_100 = arith.constant 4 : i32
    %dma_start3A_101 = arith.constant 512 : i32
    %dma_start3A_102 = tpu.memref_slice %arg3[%add3A, %dma_start3A_101] : memref<32x10240xi32, #tpu.memory_space<hbm>> -> memref<1x64xi32, #tpu.memory_space<hbm>>
    %dma_start3A_103 = tpu.memref_squeeze %dma_start3A_102 : memref<1x64xi32, #tpu.memory_space<hbm>> -> memref<64xi32, #tpu.memory_space<hbm>>
    %dma_start3A_104 = arith.constant 512 : i32
    %dma_start3A_105 = tpu.memref_slice %arg3[%add3A, %dma_start3A_104] : memref<32x10240xi32, #tpu.memory_space<hbm>> -> memref<1x64xi32, #tpu.memory_space<hbm>>
    %dma_start3A_106 = tpu.memref_squeeze %dma_start3A_105 : memref<1x64xi32, #tpu.memory_space<hbm>> -> memref<64xi32, #tpu.memory_space<hbm>>
    tpu.enqueue_dma source(%dma_start3A_106 : memref<64xi32, #tpu.memory_space<hbm>>) target(%arg16 : memref<64xi32, #tpu.memory_space<vmem>>) target_semaphore(%arg31 : memref<!tpu.dma_semaphore, #tpu.memory_space<semaphore_mem>>)
    %dma_start3A_107 = arith.constant 0 : i32
    %dma_start3A_108 = arith.constant 0 : i32
    %dma_start3A_109 = tpu.memref_slice %arg2[%dma_start3A_107, %dma_start3A_108] : memref<10240x128xf32, #tpu.memory_space<hbm>> -> memref<10240x128xf32, #tpu.memory_space<hbm>>
    tpu.enqueue_indirect_dma source(%dma_start3A_109 : memref<10240x128xf32, #tpu.memory_space<hbm>>) target(%arg11 : memref<64x128xf32, #tpu.memory_space<vmem>>) offsets(%arg21 : memref<64xi32, #tpu.memory_space<vmem>>) semaphore(%arg36 : memref<!tpu.dma_semaphore, #tpu.memory_space<semaphore_mem>>)
    %dma_wait3A_110 = arith.constant 256 : i32
    %dma_wait3A_111 = tpu.memref_slice %arg3[%add3A, %dma_wait3A_110] : memref<32x10240xi32, #tpu.memory_space<hbm>> -> memref<1x64xi32, #tpu.memory_space<hbm>>
    %dma_wait3A_112 = tpu.memref_squeeze %dma_wait3A_111 : memref<1x64xi32, #tpu.memory_space<hbm>> -> memref<64xi32, #tpu.memory_space<hbm>>
    %dma_wait3A_113 = arith.constant 256 : i32
    %dma_wait3A_114 = tpu.memref_slice %arg3[%add3A, %dma_wait3A_113] : memref<32x10240xi32, #tpu.memory_space<hbm>> -> memref<1x64xi32, #tpu.memory_space<hbm>>
    %dma_wait3A_115 = tpu.memref_squeeze %dma_wait3A_114 : memref<1x64xi32, #tpu.memory_space<hbm>> -> memref<64xi32, #tpu.memory_space<hbm>>
    tpu.wait_dma2 semaphore(%arg32 : memref<!tpu.dma_semaphore, #tpu.memory_space<semaphore_mem>>) src(%dma_wait3A_115 : memref<64xi32, #tpu.memory_space<hbm>>) dst(%arg17 : memref<64xi32, #tpu.memory_space<vmem>>)
    %scan3A_116 = arith.constant 0 : i32
    %scan3A_117 = arith.constant 4 : i32
    %scan3A_118 = arith.addi %scan3A_116, %scan3A_117 : i32
    %scan3A_119 = arith.constant 1 : i32
    scf.for %scan3A_218 = %scan3A_116 to %scan3A_118 step %scan3A_119  : i32 {
      %mul3A_219 = arith.constant 16 : i32
      %mul3A_220 = arith.muli %scan3A_218, %mul3A_219 : i32
      %get3A = arith.index_cast %mul3A_220 : i32 to index
      %get3A_221 = tpu.vector_load %arg17[%get3A] {strides = array<i32>} : memref<64xi32, #tpu.memory_space<vmem>>, vector<16xi32>,
      %shift_right_logical3A = arith.constant 14 : i32
      %shift_right_logical3A_222 = vector.broadcast %shift_right_logical3A : i32 to vector<16xi32>
      %shift_right_logical3A_223 = arith.shrui %get3A_221, %shift_right_logical3A_222 : vector<16xi32>
      %mul3A_224 = arith.constant 16 : i32
      %mul3A_225 = arith.muli %scan3A_218, %mul3A_224 : i32
      %swap3A = arith.index_cast %mul3A_225 : i32 to index
      %swap3A_226 = tpu.vector_load %arg22[%swap3A] {strides = array<i32>} : memref<64xi32, #tpu.memory_space<vmem>>, vector<16xi32>,
      tpu.vector_store %arg22[%swap3A], %shift_right_logical3A_223 {strides = array<i32>} : memref<64xi32, #tpu.memory_space<vmem>>, vector<16xi32>,
      %and3A = arith.constant 16383 : i32
      %and3A_227 = vector.broadcast %and3A : i32 to vector<16xi32>
      %and3A_228 = arith.andi %get3A_221, %and3A_227 : vector<16xi32>
      %mul3A_229 = arith.constant 16 : i32
      %mul3A_230 = arith.muli %scan3A_218, %mul3A_229 : i32
      %swap3A_231 = arith.index_cast %mul3A_230 : i32 to index
      %swap3A_232 = tpu.vector_load %arg27[%swap3A_231] {strides = array<i32>} : memref<64xi32, #tpu.memory_space<vmem>>, vector<16xi32>,
      tpu.vector_store %arg27[%swap3A_231], %and3A_228 {strides = array<i32>} : memref<64xi32, #tpu.memory_space<vmem>>, vector<16xi32>,
    }
    %scan3A_120 = arith.constant 4 : i32
    %dma_start3A_121 = arith.constant 576 : i32
    %dma_start3A_122 = tpu.memref_slice %arg3[%add3A, %dma_start3A_121] : memref<32x10240xi32, #tpu.memory_space<hbm>> -> memref<1x64xi32, #tpu.memory_space<hbm>>
    %dma_start3A_123 = tpu.memref_squeeze %dma_start3A_122 : memref<1x64xi32, #tpu.memory_space<hbm>> -> memref<64xi32, #tpu.memory_space<hbm>>
    %dma_start3A_124 = arith.constant 576 : i32
    %dma_start3A_125 = tpu.memref_slice %arg3[%add3A, %dma_start3A_124] : memref<32x10240xi32, #tpu.memory_space<hbm>> -> memref<1x64xi32, #tpu.memory_space<hbm>>
    %dma_start3A_126 = tpu.memref_squeeze %dma_start3A_125 : memref<1x64xi32, #tpu.memory_space<hbm>> -> memref<64xi32, #tpu.memory_space<hbm>>
    tpu.enqueue_dma source(%dma_start3A_126 : memref<64xi32, #tpu.memory_space<hbm>>) target(%arg17 : memref<64xi32, #tpu.memory_space<vmem>>) target_semaphore(%arg32 : memref<!tpu.dma_semaphore, #tpu.memory_space<semaphore_mem>>)
    %dma_start3A_127 = arith.constant 0 : i32
    %dma_start3A_128 = arith.constant 0 : i32
    %dma_start3A_129 = tpu.memref_slice %arg2[%dma_start3A_127, %dma_start3A_128] : memref<10240x128xf32, #tpu.memory_space<hbm>> -> memref<10240x128xf32, #tpu.memory_space<hbm>>
    tpu.enqueue_indirect_dma source(%dma_start3A_129 : memref<10240x128xf32, #tpu.memory_space<hbm>>) target(%arg12 : memref<64x128xf32, #tpu.memory_space<vmem>>) offsets(%arg22 : memref<64xi32, #tpu.memory_space<vmem>>) semaphore(%arg37 : memref<!tpu.dma_semaphore, #tpu.memory_space<semaphore_mem>>)
    %scan3A_130 = arith.constant 0 : i32
    %scan3A_131 = arith.constant 31 : i32
    %scan3A_132 = arith.addi %scan3A_130, %scan3A_131 : i32
    %scan3A_133 = arith.constant 1 : i32
    scf.for %scan3A_218 = %scan3A_130 to %scan3A_132 step %scan3A_133  : i32 {
      %mul3A_219 = arith.constant 5 : i32
      %mul3A_220 = arith.muli %mul3A_219, %scan3A_218 : i32
      %dma_wait3A_221 = arith.constant 0 : i32
      %dma_wait3A_222 = arith.constant 0 : i32
      %dma_wait3A_223 = tpu.memref_slice %arg2[%dma_wait3A_221, %dma_wait3A_222] : memref<10240x128xf32, #tpu.memory_space<hbm>> -> memref<10240x128xf32, #tpu.memory_space<hbm>>
      tpu.wait_indirect_dma semaphore(%arg33 : memref<!tpu.dma_semaphore, #tpu.memory_space<semaphore_mem>>) src(%dma_wait3A_223 : memref<10240x128xf32, #tpu.memory_space<hbm>>) dst(%arg8 : memref<64x128xf32, #tpu.memory_space<vmem>>)
      %dma_start3A_224 = arith.constant 0 : i32
      %dma_start3A_225 = arith.constant 0 : i32
      %dma_start3A_226 = tpu.memref_slice %arg7[%dma_start3A_224, %dma_start3A_225] : memref<10240x128xf32, #tpu.memory_space<vmem_shared>> -> memref<10240x128xf32, #tpu.memory_space<vmem_shared>>
      tpu.enqueue_indirect_dma source(%arg8 : memref<64x128xf32, #tpu.memory_space<vmem>>) target(%dma_start3A_226 : memref<10240x128xf32, #tpu.memory_space<vmem_shared>>) offsets(%arg23 : memref<64xi32, #tpu.memory_space<vmem>>) semaphore(%arg38 : memref<!tpu.dma_semaphore, #tpu.memory_space<semaphore_mem>>) {add = true}
      %dma_wait3A_227 = arith.constant 0 : i32
      %dma_wait3A_228 = arith.constant 0 : i32
      %dma_wait3A_229 = tpu.memref_slice %arg2[%dma_wait3A_227, %dma_wait3A_228] : memref<10240x128xf32, #tpu.memory_space<hbm>> -> memref<10240x128xf32, #tpu.memory_space<hbm>>
      tpu.wait_indirect_dma semaphore(%arg34 : memref<!tpu.dma_semaphore, #tpu.memory_space<semaphore_mem>>) src(%dma_wait3A_229 : memref<10240x128xf32, #tpu.memory_space<hbm>>) dst(%arg9 : memref<64x128xf32, #tpu.memory_space<vmem>>)
      %dma_start3A_230 = arith.constant 0 : i32
      %dma_start3A_231 = arith.constant 0 : i32
      %dma_start3A_232 = tpu.memref_slice %arg7[%dma_start3A_230, %dma_start3A_231] : memref<10240x128xf32, #tpu.memory_space<vmem_shared>> -> memref<10240x128xf32, #tpu.memory_space<vmem_shared>>
      tpu.enqueue_indirect_dma source(%arg9 : memref<64x128xf32, #tpu.memory_space<vmem>>) target(%dma_start3A_232 : memref<10240x128xf32, #tpu.memory_space<vmem_shared>>) offsets(%arg24 : memref<64xi32, #tpu.memory_space<vmem>>) semaphore(%arg39 : memref<!tpu.dma_semaphore, #tpu.memory_space<semaphore_mem>>) {add = true}
      %dma_wait3A_233 = arith.constant 0 : i32
      %dma_wait3A_234 = arith.constant 0 : i32
      %dma_wait3A_235 = tpu.memref_slice %arg2[%dma_wait3A_233, %dma_wait3A_234] : memref<10240x128xf32, #tpu.memory_space<hbm>> -> memref<10240x128xf32, #tpu.memory_space<hbm>>
      tpu.wait_indirect_dma semaphore(%arg35 : memref<!tpu.dma_semaphore, #tpu.memory_space<semaphore_mem>>) src(%dma_wait3A_235 : memref<10240x128xf32, #tpu.memory_space<hbm>>) dst(%arg10 : memref<64x128xf32, #tpu.memory_space<vmem>>)
      %dma_start3A_236 = arith.constant 0 : i32
      %dma_start3A_237 = arith.constant 0 : i32
      %dma_start3A_238 = tpu.memref_slice %arg7[%dma_start3A_236, %dma_start3A_237] : memref<10240x128xf32, #tpu.memory_space<vmem_shared>> -> memref<10240x128xf32, #tpu.memory_space<vmem_shared>>
      tpu.enqueue_indirect_dma source(%arg10 : memref<64x128xf32, #tpu.memory_space<vmem>>) target(%dma_start3A_238 : memref<10240x128xf32, #tpu.memory_space<vmem_shared>>) offsets(%arg25 : memref<64xi32, #tpu.memory_space<vmem>>) semaphore(%arg40 : memref<!tpu.dma_semaphore, #tpu.memory_space<semaphore_mem>>) {add = true}
      %dma_wait3A_239 = arith.constant 0 : i32
      %dma_wait3A_240 = arith.constant 0 : i32
      %dma_wait3A_241 = tpu.memref_slice %arg2[%dma_wait3A_239, %dma_wait3A_240] : memref<10240x128xf32, #tpu.memory_space<hbm>> -> memref<10240x128xf32, #tpu.memory_space<hbm>>
      tpu.wait_indirect_dma semaphore(%arg36 : memref<!tpu.dma_semaphore, #tpu.memory_space<semaphore_mem>>) src(%dma_wait3A_241 : memref<10240x128xf32, #tpu.memory_space<hbm>>) dst(%arg11 : memref<64x128xf32, #tpu.memory_space<vmem>>)
      %dma_start3A_242 = arith.constant 0 : i32
      %dma_start3A_243 = arith.constant 0 : i32
      %dma_start3A_244 = tpu.memref_slice %arg7[%dma_start3A_242, %dma_start3A_243] : memref<10240x128xf32, #tpu.memory_space<vmem_shared>> -> memref<10240x128xf32, #tpu.memory_space<vmem_shared>>
      tpu.enqueue_indirect_dma source(%arg11 : memref<64x128xf32, #tpu.memory_space<vmem>>) target(%dma_start3A_244 : memref<10240x128xf32, #tpu.memory_space<vmem_shared>>) offsets(%arg26 : memref<64xi32, #tpu.memory_space<vmem>>) semaphore(%arg41 : memref<!tpu.dma_semaphore, #tpu.memory_space<semaphore_mem>>) {add = true}
      %dma_wait3A_245 = arith.constant 0 : i32
      %dma_wait3A_246 = arith.constant 0 : i32
      %dma_wait3A_247 = tpu.memref_slice %arg2[%dma_wait3A_245, %dma_wait3A_246] : memref<10240x128xf32, #tpu.memory_space<hbm>> -> memref<10240x128xf32, #tpu.memory_space<hbm>>
      tpu.wait_indirect_dma semaphore(%arg37 : memref<!tpu.dma_semaphore, #tpu.memory_space<semaphore_mem>>) src(%dma_wait3A_247 : memref<10240x128xf32, #tpu.memory_space<hbm>>) dst(%arg12 : memref<64x128xf32, #tpu.memory_space<vmem>>)
      %dma_start3A_248 = arith.constant 0 : i32
      %dma_start3A_249 = arith.constant 0 : i32
      %dma_start3A_250 = tpu.memref_slice %arg7[%dma_start3A_248, %dma_start3A_249] : memref<10240x128xf32, #tpu.memory_space<vmem_shared>> -> memref<10240x128xf32, #tpu.memory_space<vmem_shared>>
      tpu.enqueue_indirect_dma source(%arg12 : memref<64x128xf32, #tpu.memory_space<vmem>>) target(%dma_start3A_250 : memref<10240x128xf32, #tpu.memory_space<vmem_shared>>) offsets(%arg27 : memref<64xi32, #tpu.memory_space<vmem>>) semaphore(%arg42 : memref<!tpu.dma_semaphore, #tpu.memory_space<semaphore_mem>>) {add = true}
      %dma_wait3A_251 = arith.constant 0 : i32
      %dma_wait3A_252 = arith.constant 0 : i32
      %dma_wait3A_253 = tpu.memref_slice %arg7[%dma_wait3A_251, %dma_wait3A_252] : memref<10240x128xf32, #tpu.memory_space<vmem_shared>> -> memref<10240x128xf32, #tpu.memory_space<vmem_shared>>
      tpu.wait_indirect_dma semaphore(%arg38 : memref<!tpu.dma_semaphore, #tpu.memory_space<semaphore_mem>>) src(%arg8 : memref<64x128xf32, #tpu.memory_space<vmem>>) dst(%dma_wait3A_253 : memref<10240x128xf32, #tpu.memory_space<vmem_shared>>)
      %add3A_254 = arith.constant 5 : i32
      %add3A_255 = arith.addi %mul3A_220, %add3A_254 : i32
      %add3A_256 = arith.constant 0 : i32
      %add3A_257 = arith.addi %add3A_255, %add3A_256 : i32
      %mul3A_258 = arith.constant 64 : i32
      %mul3A_259 = arith.muli %add3A_257, %mul3A_258 : i32
      %dma_wait3A_260 = tpu.memref_slice %arg3[%add3A, %mul3A_259] : memref<32x10240xi32, #tpu.memory_space<hbm>> -> memref<1x64xi32, #tpu.memory_space<hbm>>
      %dma_wait3A_261 = tpu.memref_squeeze %dma_wait3A_260 : memref<1x64xi32, #tpu.memory_space<hbm>> -> memref<64xi32, #tpu.memory_space<hbm>>
      %dma_wait3A_262 = tpu.memref_slice %arg3[%add3A, %mul3A_259] : memref<32x10240xi32, #tpu.memory_space<hbm>> -> memref<1x64xi32, #tpu.memory_space<hbm>>
      %dma_wait3A_263 = tpu.memref_squeeze %dma_wait3A_262 : memref<1x64xi32, #tpu.memory_space<hbm>> -> memref<64xi32, #tpu.memory_space<hbm>>
      tpu.wait_dma2 semaphore(%arg28 : memref<!tpu.dma_semaphore, #tpu.memory_space<semaphore_mem>>) src(%dma_wait3A_263 : memref<64xi32, #tpu.memory_space<hbm>>) dst(%arg13 : memref<64xi32, #tpu.memory_space<vmem>>)
      %scan3A_264 = arith.constant 0 : i32
      %scan3A_265 = arith.constant 4 : i32
      %scan3A_266 = arith.addi %scan3A_264, %scan3A_265 : i32
      %scan3A_267 = arith.constant 1 : i32
      scf.for %scan3A_415 = %scan3A_264 to %scan3A_266 step %scan3A_267  : i32 {
        %mul3A_416 = arith.constant 16 : i32
        %mul3A_417 = arith.muli %scan3A_415, %mul3A_416 : i32
        %get3A = arith.index_cast %mul3A_417 : i32 to index
        %get3A_418 = tpu.vector_load %arg13[%get3A] {strides = array<i32>} : memref<64xi32, #tpu.memory_space<vmem>>, vector<16xi32>,
        %shift_right_logical3A = arith.constant 14 : i32
        %shift_right_logical3A_419 = vector.broadcast %shift_right_logical3A : i32 to vector<16xi32>
        %shift_right_logical3A_420 = arith.shrui %get3A_418, %shift_right_logical3A_419 : vector<16xi32>
        %mul3A_421 = arith.constant 16 : i32
        %mul3A_422 = arith.muli %scan3A_415, %mul3A_421 : i32
        %swap3A = arith.index_cast %mul3A_422 : i32 to index
        %swap3A_423 = tpu.vector_load %arg18[%swap3A] {strides = array<i32>} : memref<64xi32, #tpu.memory_space<vmem>>, vector<16xi32>,
        tpu.vector_store %arg18[%swap3A], %shift_right_logical3A_420 {strides = array<i32>} : memref<64xi32, #tpu.memory_space<vmem>>, vector<16xi32>,
        %and3A = arith.constant 16383 : i32
        %and3A_424 = vector.broadcast %and3A : i32 to vector<16xi32>
        %and3A_425 = arith.andi %get3A_418, %and3A_424 : vector<16xi32>
        %mul3A_426 = arith.constant 16 : i32
        %mul3A_427 = arith.muli %scan3A_415, %mul3A_426 : i32
        %swap3A_428 = arith.index_cast %mul3A_427 : i32 to index
        %swap3A_429 = tpu.vector_load %arg23[%swap3A_428] {strides = array<i32>} : memref<64xi32, #tpu.memory_space<vmem>>, vector<16xi32>,
        tpu.vector_store %arg23[%swap3A_428], %and3A_425 {strides = array<i32>} : memref<64xi32, #tpu.memory_space<vmem>>, vector<16xi32>,
      }
      %scan3A_268 = arith.constant 4 : i32
      %add3A_269 = arith.constant 10 : i32
      %add3A_270 = arith.addi %mul3A_220, %add3A_269 : i32
      %add3A_271 = arith.constant 0 : i32
      %add3A_272 = arith.addi %add3A_270, %add3A_271 : i32
      %min3A = arith.constant 159 : i32
      %min3A_273 = arith.minsi %add3A_272, %min3A : i32
      %mul3A_274 = arith.constant 64 : i32
      %mul3A_275 = arith.muli %min3A_273, %mul3A_274 : i32
      %dma_start3A_276 = tpu.memref_slice %arg3[%add3A, %mul3A_275] : memref<32x10240xi32, #tpu.memory_space<hbm>> -> memref<1x64xi32, #tpu.memory_space<hbm>>
      %dma_start3A_277 = tpu.memref_squeeze %dma_start3A_276 : memref<1x64xi32, #tpu.memory_space<hbm>> -> memref<64xi32, #tpu.memory_space<hbm>>
      %dma_start3A_278 = tpu.memref_slice %arg3[%add3A, %mul3A_275] : memref<32x10240xi32, #tpu.memory_space<hbm>> -> memref<1x64xi32, #tpu.memory_space<hbm>>
      %dma_start3A_279 = tpu.memref_squeeze %dma_start3A_278 : memref<1x64xi32, #tpu.memory_space<hbm>> -> memref<64xi32, #tpu.memory_space<hbm>>
      tpu.enqueue_dma source(%dma_start3A_279 : memref<64xi32, #tpu.memory_space<hbm>>) target(%arg13 : memref<64xi32, #tpu.memory_space<vmem>>) target_semaphore(%arg28 : memref<!tpu.dma_semaphore, #tpu.memory_space<semaphore_mem>>)
      %dma_start3A_280 = arith.constant 0 : i32
      %dma_start3A_281 = arith.constant 0 : i32
      %dma_start3A_282 = tpu.memref_slice %arg2[%dma_start3A_280, %dma_start3A_281] : memref<10240x128xf32, #tpu.memory_space<hbm>> -> memref<10240x128xf32, #tpu.memory_space<hbm>>
      tpu.enqueue_indirect_dma source(%dma_start3A_282 : memref<10240x128xf32, #tpu.memory_space<hbm>>) target(%arg8 : memref<64x128xf32, #tpu.memory_space<vmem>>) offsets(%arg18 : memref<64xi32, #tpu.memory_space<vmem>>) semaphore(%arg33 : memref<!tpu.dma_semaphore, #tpu.memory_space<semaphore_mem>>)
      %dma_wait3A_283 = arith.constant 0 : i32
      %dma_wait3A_284 = arith.constant 0 : i32
      %dma_wait3A_285 = tpu.memref_slice %arg7[%dma_wait3A_283, %dma_wait3A_284] : memref<10240x128xf32, #tpu.memory_space<vmem_shared>> -> memref<10240x128xf32, #tpu.memory_space<vmem_shared>>
      tpu.wait_indirect_dma semaphore(%arg39 : memref<!tpu.dma_semaphore, #tpu.memory_space<semaphore_mem>>) src(%arg9 : memref<64x128xf32, #tpu.memory_space<vmem>>) dst(%dma_wait3A_285 : memref<10240x128xf32, #tpu.memory_space<vmem_shared>>)
      %add3A_286 = arith.constant 5 : i32
      %add3A_287 = arith.addi %mul3A_220, %add3A_286 : i32
      %add3A_288 = arith.constant 1 : i32
      %add3A_289 = arith.addi %add3A_287, %add3A_288 : i32
      %mul3A_290 = arith.constant 64 : i32
      %mul3A_291 = arith.muli %add3A_289, %mul3A_290 : i32
      %dma_wait3A_292 = tpu.memref_slice %arg3[%add3A, %mul3A_291] : memref<32x10240xi32, #tpu.memory_space<hbm>> -> memref<1x64xi32, #tpu.memory_space<hbm>>
      %dma_wait3A_293 = tpu.memref_squeeze %dma_wait3A_292 : memref<1x64xi32, #tpu.memory_space<hbm>> -> memref<64xi32, #tpu.memory_space<hbm>>
      %dma_wait3A_294 = tpu.memref_slice %arg3[%add3A, %mul3A_291] : memref<32x10240xi32, #tpu.memory_space<hbm>> -> memref<1x64xi32, #tpu.memory_space<hbm>>
      %dma_wait3A_295 = tpu.memref_squeeze %dma_wait3A_294 : memref<1x64xi32, #tpu.memory_space<hbm>> -> memref<64xi32, #tpu.memory_space<hbm>>
      tpu.wait_dma2 semaphore(%arg29 : memref<!tpu.dma_semaphore, #tpu.memory_space<semaphore_mem>>) src(%dma_wait3A_295 : memref<64xi32, #tpu.memory_space<hbm>>) dst(%arg14 : memref<64xi32, #tpu.memory_space<vmem>>)
      %scan3A_296 = arith.constant 0 : i32
      %scan3A_297 = arith.constant 4 : i32
      %scan3A_298 = arith.addi %scan3A_296, %scan3A_297 : i32
      %scan3A_299 = arith.constant 1 : i32
      scf.for %scan3A_415 = %scan3A_296 to %scan3A_298 step %scan3A_299  : i32 {
        %mul3A_416 = arith.constant 16 : i32
        %mul3A_417 = arith.muli %scan3A_415, %mul3A_416 : i32
        %get3A = arith.index_cast %mul3A_417 : i32 to index
        %get3A_418 = tpu.vector_load %arg14[%get3A] {strides = array<i32>} : memref<64xi32, #tpu.memory_space<vmem>>, vector<16xi32>,
        %shift_right_logical3A = arith.constant 14 : i32
        %shift_right_logical3A_419 = vector.broadcast %shift_right_logical3A : i32 to vector<16xi32>
        %shift_right_logical3A_420 = arith.shrui %get3A_418, %shift_right_logical3A_419 : vector<16xi32>
        %mul3A_421 = arith.constant 16 : i32
        %mul3A_422 = arith.muli %scan3A_415, %mul3A_421 : i32
        %swap3A = arith.index_cast %mul3A_422 : i32 to index
        %swap3A_423 = tpu.vector_load %arg19[%swap3A] {strides = array<i32>} : memref<64xi32, #tpu.memory_space<vmem>>, vector<16xi32>,
        tpu.vector_store %arg19[%swap3A], %shift_right_logical3A_420 {strides = array<i32>} : memref<64xi32, #tpu.memory_space<vmem>>, vector<16xi32>,
        %and3A = arith.constant 16383 : i32
        %and3A_424 = vector.broadcast %and3A : i32 to vector<16xi32>
        %and3A_425 = arith.andi %get3A_418, %and3A_424 : vector<16xi32>
        %mul3A_426 = arith.constant 16 : i32
        %mul3A_427 = arith.muli %scan3A_415, %mul3A_426 : i32
        %swap3A_428 = arith.index_cast %mul3A_427 : i32 to index
        %swap3A_429 = tpu.vector_load %arg24[%swap3A_428] {strides = array<i32>} : memref<64xi32, #tpu.memory_space<vmem>>, vector<16xi32>,
        tpu.vector_store %arg24[%swap3A_428], %and3A_425 {strides = array<i32>} : memref<64xi32, #tpu.memory_space<vmem>>, vector<16xi32>,
      }
      %scan3A_300 = arith.constant 4 : i32
      %add3A_301 = arith.constant 10 : i32
      %add3A_302 = arith.addi %mul3A_220, %add3A_301 : i32
      %add3A_303 = arith.constant 1 : i32
      %add3A_304 = arith.addi %add3A_302, %add3A_303 : i32
      %min3A_305 = arith.constant 159 : i32
      %min3A_306 = arith.minsi %add3A_304, %min3A_305 : i32
      %mul3A_307 = arith.constant 64 : i32
      %mul3A_308 = arith.muli %min3A_306, %mul3A_307 : i32
      %dma_start3A_309 = tpu.memref_slice %arg3[%add3A, %mul3A_308] : memref<32x10240xi32, #tpu.memory_space<hbm>> -> memref<1x64xi32, #tpu.memory_space<hbm>>
      %dma_start3A_310 = tpu.memref_squeeze %dma_start3A_309 : memref<1x64xi32, #tpu.memory_space<hbm>> -> memref<64xi32, #tpu.memory_space<hbm>>
      %dma_start3A_311 = tpu.memref_slice %arg3[%add3A, %mul3A_308] : memref<32x10240xi32, #tpu.memory_space<hbm>> -> memref<1x64xi32, #tpu.memory_space<hbm>>
      %dma_start3A_312 = tpu.memref_squeeze %dma_start3A_311 : memref<1x64xi32, #tpu.memory_space<hbm>> -> memref<64xi32, #tpu.memory_space<hbm>>
      tpu.enqueue_dma source(%dma_start3A_312 : memref<64xi32, #tpu.memory_space<hbm>>) target(%arg14 : memref<64xi32, #tpu.memory_space<vmem>>) target_semaphore(%arg29 : memref<!tpu.dma_semaphore, #tpu.memory_space<semaphore_mem>>)
      %dma_start3A_313 = arith.constant 0 : i32
      %dma_start3A_314 = arith.constant 0 : i32
      %dma_start3A_315 = tpu.memref_slice %arg2[%dma_start3A_313, %dma_start3A_314] : memref<10240x128xf32, #tpu.memory_space<hbm>> -> memref<10240x128xf32, #tpu.memory_space<hbm>>
      tpu.enqueue_indirect_dma source(%dma_start3A_315 : memref<10240x128xf32, #tpu.memory_space<hbm>>) target(%arg9 : memref<64x128xf32, #tpu.memory_space<vmem>>) offsets(%arg19 : memref<64xi32, #tpu.memory_space<vmem>>) semaphore(%arg34 : memref<!tpu.dma_semaphore, #tpu.memory_space<semaphore_mem>>)
      %dma_wait3A_316 = arith.constant 0 : i32
      %dma_wait3A_317 = arith.constant 0 : i32
      %dma_wait3A_318 = tpu.memref_slice %arg7[%dma_wait3A_316, %dma_wait3A_317] : memref<10240x128xf32, #tpu.memory_space<vmem_shared>> -> memref<10240x128xf32, #tpu.memory_space<vmem_shared>>
      tpu.wait_indirect_dma semaphore(%arg40 : memref<!tpu.dma_semaphore, #tpu.memory_space<semaphore_mem>>) src(%arg10 : memref<64x128xf32, #tpu.memory_space<vmem>>) dst(%dma_wait3A_318 : memref<10240x128xf32, #tpu.memory_space<vmem_shared>>)
      %add3A_319 = arith.constant 5 : i32
      %add3A_320 = arith.addi %mul3A_220, %add3A_319 : i32
      %add3A_321 = arith.constant 2 : i32
      %add3A_322 = arith.addi %add3A_320, %add3A_321 : i32
      %mul3A_323 = arith.constant 64 : i32
      %mul3A_324 = arith.muli %add3A_322, %mul3A_323 : i32
      %dma_wait3A_325 = tpu.memref_slice %arg3[%add3A, %mul3A_324] : memref<32x10240xi32, #tpu.memory_space<hbm>> -> memref<1x64xi32, #tpu.memory_space<hbm>>
      %dma_wait3A_326 = tpu.memref_squeeze %dma_wait3A_325 : memref<1x64xi32, #tpu.memory_space<hbm>> -> memref<64xi32, #tpu.memory_space<hbm>>
      %dma_wait3A_327 = tpu.memref_slice %arg3[%add3A, %mul3A_324] : memref<32x10240xi32, #tpu.memory_space<hbm>> -> memref<1x64xi32, #tpu.memory_space<hbm>>
      %dma_wait3A_328 = tpu.memref_squeeze %dma_wait3A_327 : memref<1x64xi32, #tpu.memory_space<hbm>> -> memref<64xi32, #tpu.memory_space<hbm>>
      tpu.wait_dma2 semaphore(%arg30 : memref<!tpu.dma_semaphore, #tpu.memory_space<semaphore_mem>>) src(%dma_wait3A_328 : memref<64xi32, #tpu.memory_space<hbm>>) dst(%arg15 : memref<64xi32, #tpu.memory_space<vmem>>)
      %scan3A_329 = arith.constant 0 : i32
      %scan3A_330 = arith.constant 4 : i32
      %scan3A_331 = arith.addi %scan3A_329, %scan3A_330 : i32
      %scan3A_332 = arith.constant 1 : i32
      scf.for %scan3A_415 = %scan3A_329 to %scan3A_331 step %scan3A_332  : i32 {
        %mul3A_416 = arith.constant 16 : i32
        %mul3A_417 = arith.muli %scan3A_415, %mul3A_416 : i32
        %get3A = arith.index_cast %mul3A_417 : i32 to index
        %get3A_418 = tpu.vector_load %arg15[%get3A] {strides = array<i32>} : memref<64xi32, #tpu.memory_space<vmem>>, vector<16xi32>,
        %shift_right_logical3A = arith.constant 14 : i32
        %shift_right_logical3A_419 = vector.broadcast %shift_right_logical3A : i32 to vector<16xi32>
        %shift_right_logical3A_420 = arith.shrui %get3A_418, %shift_right_logical3A_419 : vector<16xi32>
        %mul3A_421 = arith.constant 16 : i32
        %mul3A_422 = arith.muli %scan3A_415, %mul3A_421 : i32
        %swap3A = arith.index_cast %mul3A_422 : i32 to index
        %swap3A_423 = tpu.vector_load %arg20[%swap3A] {strides = array<i32>} : memref<64xi32, #tpu.memory_space<vmem>>, vector<16xi32>,
        tpu.vector_store %arg20[%swap3A], %shift_right_logical3A_420 {strides = array<i32>} : memref<64xi32, #tpu.memory_space<vmem>>, vector<16xi32>,
        %and3A = arith.constant 16383 : i32
        %and3A_424 = vector.broadcast %and3A : i32 to vector<16xi32>
        %and3A_425 = arith.andi %get3A_418, %and3A_424 : vector<16xi32>
        %mul3A_426 = arith.constant 16 : i32
        %mul3A_427 = arith.muli %scan3A_415, %mul3A_426 : i32
        %swap3A_428 = arith.index_cast %mul3A_427 : i32 to index
        %swap3A_429 = tpu.vector_load %arg25[%swap3A_428] {strides = array<i32>} : memref<64xi32, #tpu.memory_space<vmem>>, vector<16xi32>,
        tpu.vector_store %arg25[%swap3A_428], %and3A_425 {strides = array<i32>} : memref<64xi32, #tpu.memory_space<vmem>>, vector<16xi32>,
      }
      %scan3A_333 = arith.constant 4 : i32
      %add3A_334 = arith.constant 10 : i32
      %add3A_335 = arith.addi %mul3A_220, %add3A_334 : i32
      %add3A_336 = arith.constant 2 : i32
      %add3A_337 = arith.addi %add3A_335, %add3A_336 : i32
      %min3A_338 = arith.constant 159 : i32
      %min3A_339 = arith.minsi %add3A_337, %min3A_338 : i32
      %mul3A_340 = arith.constant 64 : i32
      %mul3A_341 = arith.muli %min3A_339, %mul3A_340 : i32
      %dma_start3A_342 = tpu.memref_slice %arg3[%add3A, %mul3A_341] : memref<32x10240xi32, #tpu.memory_space<hbm>> -> memref<1x64xi32, #tpu.memory_space<hbm>>
      %dma_start3A_343 = tpu.memref_squeeze %dma_start3A_342 : memref<1x64xi32, #tpu.memory_space<hbm>> -> memref<64xi32, #tpu.memory_space<hbm>>
      %dma_start3A_344 = tpu.memref_slice %arg3[%add3A, %mul3A_341] : memref<32x10240xi32, #tpu.memory_space<hbm>> -> memref<1x64xi32, #tpu.memory_space<hbm>>
      %dma_start3A_345 = tpu.memref_squeeze %dma_start3A_344 : memref<1x64xi32, #tpu.memory_space<hbm>> -> memref<64xi32, #tpu.memory_space<hbm>>
      tpu.enqueue_dma source(%dma_start3A_345 : memref<64xi32, #tpu.memory_space<hbm>>) target(%arg15 : memref<64xi32, #tpu.memory_space<vmem>>) target_semaphore(%arg30 : memref<!tpu.dma_semaphore, #tpu.memory_space<semaphore_mem>>)
      %dma_start3A_346 = arith.constant 0 : i32
      %dma_start3A_347 = arith.constant 0 : i32
      %dma_start3A_348 = tpu.memref_slice %arg2[%dma_start3A_346, %dma_start3A_347] : memref<10240x128xf32, #tpu.memory_space<hbm>> -> memref<10240x128xf32, #tpu.memory_space<hbm>>
      tpu.enqueue_indirect_dma source(%dma_start3A_348 : memref<10240x128xf32, #tpu.memory_space<hbm>>) target(%arg10 : memref<64x128xf32, #tpu.memory_space<vmem>>) offsets(%arg20 : memref<64xi32, #tpu.memory_space<vmem>>) semaphore(%arg35 : memref<!tpu.dma_semaphore, #tpu.memory_space<semaphore_mem>>)
      %dma_wait3A_349 = arith.constant 0 : i32
      %dma_wait3A_350 = arith.constant 0 : i32
      %dma_wait3A_351 = tpu.memref_slice %arg7[%dma_wait3A_349, %dma_wait3A_350] : memref<10240x128xf32, #tpu.memory_space<vmem_shared>> -> memref<10240x128xf32, #tpu.memory_space<vmem_shared>>
      tpu.wait_indirect_dma semaphore(%arg41 : memref<!tpu.dma_semaphore, #tpu.memory_space<semaphore_mem>>) src(%arg11 : memref<64x128xf32, #tpu.memory_space<vmem>>) dst(%dma_wait3A_351 : memref<10240x128xf32, #tpu.memory_space<vmem_shared>>)
      %add3A_352 = arith.constant 5 : i32
      %add3A_353 = arith.addi %mul3A_220, %add3A_352 : i32
      %add3A_354 = arith.constant 3 : i32
      %add3A_355 = arith.addi %add3A_353, %add3A_354 : i32
      %mul3A_356 = arith.constant 64 : i32
      %mul3A_357 = arith.muli %add3A_355, %mul3A_356 : i32
      %dma_wait3A_358 = tpu.memref_slice %arg3[%add3A, %mul3A_357] : memref<32x10240xi32, #tpu.memory_space<hbm>> -> memref<1x64xi32, #tpu.memory_space<hbm>>
      %dma_wait3A_359 = tpu.memref_squeeze %dma_wait3A_358 : memref<1x64xi32, #tpu.memory_space<hbm>> -> memref<64xi32, #tpu.memory_space<hbm>>
      %dma_wait3A_360 = tpu.memref_slice %arg3[%add3A, %mul3A_357] : memref<32x10240xi32, #tpu.memory_space<hbm>> -> memref<1x64xi32, #tpu.memory_space<hbm>>
      %dma_wait3A_361 = tpu.memref_squeeze %dma_wait3A_360 : memref<1x64xi32, #tpu.memory_space<hbm>> -> memref<64xi32, #tpu.memory_space<hbm>>
      tpu.wait_dma2 semaphore(%arg31 : memref<!tpu.dma_semaphore, #tpu.memory_space<semaphore_mem>>) src(%dma_wait3A_361 : memref<64xi32, #tpu.memory_space<hbm>>) dst(%arg16 : memref<64xi32, #tpu.memory_space<vmem>>)
      %scan3A_362 = arith.constant 0 : i32
      %scan3A_363 = arith.constant 4 : i32
      %scan3A_364 = arith.addi %scan3A_362, %scan3A_363 : i32
      %scan3A_365 = arith.constant 1 : i32
      scf.for %scan3A_415 = %scan3A_362 to %scan3A_364 step %scan3A_365  : i32 {
        %mul3A_416 = arith.constant 16 : i32
        %mul3A_417 = arith.muli %scan3A_415, %mul3A_416 : i32
        %get3A = arith.index_cast %mul3A_417 : i32 to index
        %get3A_418 = tpu.vector_load %arg16[%get3A] {strides = array<i32>} : memref<64xi32, #tpu.memory_space<vmem>>, vector<16xi32>,
        %shift_right_logical3A = arith.constant 14 : i32
        %shift_right_logical3A_419 = vector.broadcast %shift_right_logical3A : i32 to vector<16xi32>
        %shift_right_logical3A_420 = arith.shrui %get3A_418, %shift_right_logical3A_419 : vector<16xi32>
        %mul3A_421 = arith.constant 16 : i32
        %mul3A_422 = arith.muli %scan3A_415, %mul3A_421 : i32
        %swap3A = arith.index_cast %mul3A_422 : i32 to index
        %swap3A_423 = tpu.vector_load %arg21[%swap3A] {strides = array<i32>} : memref<64xi32, #tpu.memory_space<vmem>>, vector<16xi32>,
        tpu.vector_store %arg21[%swap3A], %shift_right_logical3A_420 {strides = array<i32>} : memref<64xi32, #tpu.memory_space<vmem>>, vector<16xi32>,
        %and3A = arith.constant 16383 : i32
        %and3A_424 = vector.broadcast %and3A : i32 to vector<16xi32>
        %and3A_425 = arith.andi %get3A_418, %and3A_424 : vector<16xi32>
        %mul3A_426 = arith.constant 16 : i32
        %mul3A_427 = arith.muli %scan3A_415, %mul3A_426 : i32
        %swap3A_428 = arith.index_cast %mul3A_427 : i32 to index
        %swap3A_429 = tpu.vector_load %arg26[%swap3A_428] {strides = array<i32>} : memref<64xi32, #tpu.memory_space<vmem>>, vector<16xi32>,
        tpu.vector_store %arg26[%swap3A_428], %and3A_425 {strides = array<i32>} : memref<64xi32, #tpu.memory_space<vmem>>, vector<16xi32>,
      }
      %scan3A_366 = arith.constant 4 : i32
      %add3A_367 = arith.constant 10 : i32
      %add3A_368 = arith.addi %mul3A_220, %add3A_367 : i32
      %add3A_369 = arith.constant 3 : i32
      %add3A_370 = arith.addi %add3A_368, %add3A_369 : i32
      %min3A_371 = arith.constant 159 : i32
      %min3A_372 = arith.minsi %add3A_370, %min3A_371 : i32
      %mul3A_373 = arith.constant 64 : i32
      %mul3A_374 = arith.muli %min3A_372, %mul3A_373 : i32
      %dma_start3A_375 = tpu.memref_slice %arg3[%add3A, %mul3A_374] : memref<32x10240xi32, #tpu.memory_space<hbm>> -> memref<1x64xi32, #tpu.memory_space<hbm>>
      %dma_start3A_376 = tpu.memref_squeeze %dma_start3A_375 : memref<1x64xi32, #tpu.memory_space<hbm>> -> memref<64xi32, #tpu.memory_space<hbm>>
      %dma_start3A_377 = tpu.memref_slice %arg3[%add3A, %mul3A_374] : memref<32x10240xi32, #tpu.memory_space<hbm>> -> memref<1x64xi32, #tpu.memory_space<hbm>>
      %dma_start3A_378 = tpu.memref_squeeze %dma_start3A_377 : memref<1x64xi32, #tpu.memory_space<hbm>> -> memref<64xi32, #tpu.memory_space<hbm>>
      tpu.enqueue_dma source(%dma_start3A_378 : memref<64xi32, #tpu.memory_space<hbm>>) target(%arg16 : memref<64xi32, #tpu.memory_space<vmem>>) target_semaphore(%arg31 : memref<!tpu.dma_semaphore, #tpu.memory_space<semaphore_mem>>)
      %dma_start3A_379 = arith.constant 0 : i32
      %dma_start3A_380 = arith.constant 0 : i32
      %dma_start3A_381 = tpu.memref_slice %arg2[%dma_start3A_379, %dma_start3A_380] : memref<10240x128xf32, #tpu.memory_space<hbm>> -> memref<10240x128xf32, #tpu.memory_space<hbm>>
      tpu.enqueue_indirect_dma source(%dma_start3A_381 : memref<10240x128xf32, #tpu.memory_space<hbm>>) target(%arg11 : memref<64x128xf32, #tpu.memory_space<vmem>>) offsets(%arg21 : memref<64xi32, #tpu.memory_space<vmem>>) semaphore(%arg36 : memref<!tpu.dma_semaphore, #tpu.memory_space<semaphore_mem>>)
      %dma_wait3A_382 = arith.constant 0 : i32
      %dma_wait3A_383 = arith.constant 0 : i32
      %dma_wait3A_384 = tpu.memref_slice %arg7[%dma_wait3A_382, %dma_wait3A_383] : memref<10240x128xf32, #tpu.memory_space<vmem_shared>> -> memref<10240x128xf32, #tpu.memory_space<vmem_shared>>
      tpu.wait_indirect_dma semaphore(%arg42 : memref<!tpu.dma_semaphore, #tpu.memory_space<semaphore_mem>>) src(%arg12 : memref<64x128xf32, #tpu.memory_space<vmem>>) dst(%dma_wait3A_384 : memref<10240x128xf32, #tpu.memory_space<vmem_shared>>)
      %add3A_385 = arith.constant 5 : i32
      %add3A_386 = arith.addi %mul3A_220, %add3A_385 : i32
      %add3A_387 = arith.constant 4 : i32
      %add3A_388 = arith.addi %add3A_386, %add3A_387 : i32
      %mul3A_389 = arith.constant 64 : i32
      %mul3A_390 = arith.muli %add3A_388, %mul3A_389 : i32
      %dma_wait3A_391 = tpu.memref_slice %arg3[%add3A, %mul3A_390] : memref<32x10240xi32, #tpu.memory_space<hbm>> -> memref<1x64xi32, #tpu.memory_space<hbm>>
      %dma_wait3A_392 = tpu.memref_squeeze %dma_wait3A_391 : memref<1x64xi32, #tpu.memory_space<hbm>> -> memref<64xi32, #tpu.memory_space<hbm>>
      %dma_wait3A_393 = tpu.memref_slice %arg3[%add3A, %mul3A_390] : memref<32x10240xi32, #tpu.memory_space<hbm>> -> memref<1x64xi32, #tpu.memory_space<hbm>>
      %dma_wait3A_394 = tpu.memref_squeeze %dma_wait3A_393 : memref<1x64xi32, #tpu.memory_space<hbm>> -> memref<64xi32, #tpu.memory_space<hbm>>
      tpu.wait_dma2 semaphore(%arg32 : memref<!tpu.dma_semaphore, #tpu.memory_space<semaphore_mem>>) src(%dma_wait3A_394 : memref<64xi32, #tpu.memory_space<hbm>>) dst(%arg17 : memref<64xi32, #tpu.memory_space<vmem>>)
      %scan3A_395 = arith.constant 0 : i32
      %scan3A_396 = arith.constant 4 : i32
      %scan3A_397 = arith.addi %scan3A_395, %scan3A_396 : i32
      %scan3A_398 = arith.constant 1 : i32
      scf.for %scan3A_415 = %scan3A_395 to %scan3A_397 step %scan3A_398  : i32 {
        %mul3A_416 = arith.constant 16 : i32
        %mul3A_417 = arith.muli %scan3A_415, %mul3A_416 : i32
        %get3A = arith.index_cast %mul3A_417 : i32 to index
        %get3A_418 = tpu.vector_load %arg17[%get3A] {strides = array<i32>} : memref<64xi32, #tpu.memory_space<vmem>>, vector<16xi32>,
        %shift_right_logical3A = arith.constant 14 : i32
        %shift_right_logical3A_419 = vector.broadcast %shift_right_logical3A : i32 to vector<16xi32>
        %shift_right_logical3A_420 = arith.shrui %get3A_418, %shift_right_logical3A_419 : vector<16xi32>
        %mul3A_421 = arith.constant 16 : i32
        %mul3A_422 = arith.muli %scan3A_415, %mul3A_421 : i32
        %swap3A = arith.index_cast %mul3A_422 : i32 to index
        %swap3A_423 = tpu.vector_load %arg22[%swap3A] {strides = array<i32>} : memref<64xi32, #tpu.memory_space<vmem>>, vector<16xi32>,
        tpu.vector_store %arg22[%swap3A], %shift_right_logical3A_420 {strides = array<i32>} : memref<64xi32, #tpu.memory_space<vmem>>, vector<16xi32>,
        %and3A = arith.constant 16383 : i32
        %and3A_424 = vector.broadcast %and3A : i32 to vector<16xi32>
        %and3A_425 = arith.andi %get3A_418, %and3A_424 : vector<16xi32>
        %mul3A_426 = arith.constant 16 : i32
        %mul3A_427 = arith.muli %scan3A_415, %mul3A_426 : i32
        %swap3A_428 = arith.index_cast %mul3A_427 : i32 to index
        %swap3A_429 = tpu.vector_load %arg27[%swap3A_428] {strides = array<i32>} : memref<64xi32, #tpu.memory_space<vmem>>, vector<16xi32>,
        tpu.vector_store %arg27[%swap3A_428], %and3A_425 {strides = array<i32>} : memref<64xi32, #tpu.memory_space<vmem>>, vector<16xi32>,
      }
      %scan3A_399 = arith.constant 4 : i32
      %add3A_400 = arith.constant 10 : i32
      %add3A_401 = arith.addi %mul3A_220, %add3A_400 : i32
      %add3A_402 = arith.constant 4 : i32
      %add3A_403 = arith.addi %add3A_401, %add3A_402 : i32
      %min3A_404 = arith.constant 159 : i32
      %min3A_405 = arith.minsi %add3A_403, %min3A_404 : i32
      %mul3A_406 = arith.constant 64 : i32
      %mul3A_407 = arith.muli %min3A_405, %mul3A_406 : i32
      %dma_start3A_408 = tpu.memref_slice %arg3[%add3A, %mul3A_407] : memref<32x10240xi32, #tpu.memory_space<hbm>> -> memref<1x64xi32, #tpu.memory_space<hbm>>
      %dma_start3A_409 = tpu.memref_squeeze %dma_start3A_408 : memref<1x64xi32, #tpu.memory_space<hbm>> -> memref<64xi32, #tpu.memory_space<hbm>>
      %dma_start3A_410 = tpu.memref_slice %arg3[%add3A, %mul3A_407] : memref<32x10240xi32, #tpu.memory_space<hbm>> -> memref<1x64xi32, #tpu.memory_space<hbm>>
      %dma_start3A_411 = tpu.memref_squeeze %dma_start3A_410 : memref<1x64xi32, #tpu.memory_space<hbm>> -> memref<64xi32, #tpu.memory_space<hbm>>
      tpu.enqueue_dma source(%dma_start3A_411 : memref<64xi32, #tpu.memory_space<hbm>>) target(%arg17 : memref<64xi32, #tpu.memory_space<vmem>>) target_semaphore(%arg32 : memref<!tpu.dma_semaphore, #tpu.memory_space<semaphore_mem>>)
      %dma_start3A_412 = arith.constant 0 : i32
      %dma_start3A_413 = arith.constant 0 : i32
      %dma_start3A_414 = tpu.memref_slice %arg2[%dma_start3A_412, %dma_start3A_413] : memref<10240x128xf32, #tpu.memory_space<hbm>> -> memref<10240x128xf32, #tpu.memory_space<hbm>>
      tpu.enqueue_indirect_dma source(%dma_start3A_414 : memref<10240x128xf32, #tpu.memory_space<hbm>>) target(%arg12 : memref<64x128xf32, #tpu.memory_space<vmem>>) offsets(%arg22 : memref<64xi32, #tpu.memory_space<vmem>>) semaphore(%arg37 : memref<!tpu.dma_semaphore, #tpu.memory_space<semaphore_mem>>)
    }
    %scan3A_134 = arith.constant 31 : i32
    %dma_wait3A_135 = arith.constant 0 : i32
    %dma_wait3A_136 = arith.constant 0 : i32
    %dma_wait3A_137 = tpu.memref_slice %arg2[%dma_wait3A_135, %dma_wait3A_136] : memref<10240x128xf32, #tpu.memory_space<hbm>> -> memref<10240x128xf32, #tpu.memory_space<hbm>>
    tpu.wait_indirect_dma semaphore(%arg33 : memref<!tpu.dma_semaphore, #tpu.memory_space<semaphore_mem>>) src(%dma_wait3A_137 : memref<10240x128xf32, #tpu.memory_space<hbm>>) dst(%arg8 : memref<64x128xf32, #tpu.memory_space<vmem>>)
    %dma_start3A_138 = arith.constant 0 : i32
    %dma_start3A_139 = arith.constant 0 : i32
    %dma_start3A_140 = tpu.memref_slice %arg7[%dma_start3A_138, %dma_start3A_139] : memref<10240x128xf32, #tpu.memory_space<vmem_shared>> -> memref<10240x128xf32, #tpu.memory_space<vmem_shared>>
    tpu.enqueue_indirect_dma source(%arg8 : memref<64x128xf32, #tpu.memory_space<vmem>>) target(%dma_start3A_140 : memref<10240x128xf32, #tpu.memory_space<vmem_shared>>) offsets(%arg23 : memref<64xi32, #tpu.memory_space<vmem>>) semaphore(%arg38 : memref<!tpu.dma_semaphore, #tpu.memory_space<semaphore_mem>>) {add = true}
    %dma_wait3A_141 = arith.constant 0 : i32
    %dma_wait3A_142 = arith.constant 0 : i32
    %dma_wait3A_143 = tpu.memref_slice %arg2[%dma_wait3A_141, %dma_wait3A_142] : memref<10240x128xf32, #tpu.memory_space<hbm>> -> memref<10240x128xf32, #tpu.memory_space<hbm>>
    tpu.wait_indirect_dma semaphore(%arg34 : memref<!tpu.dma_semaphore, #tpu.memory_space<semaphore_mem>>) src(%dma_wait3A_143 : memref<10240x128xf32, #tpu.memory_space<hbm>>) dst(%arg9 : memref<64x128xf32, #tpu.memory_space<vmem>>)
    %dma_start3A_144 = arith.constant 0 : i32
    %dma_start3A_145 = arith.constant 0 : i32
    %dma_start3A_146 = tpu.memref_slice %arg7[%dma_start3A_144, %dma_start3A_145] : memref<10240x128xf32, #tpu.memory_space<vmem_shared>> -> memref<10240x128xf32, #tpu.memory_space<vmem_shared>>
    tpu.enqueue_indirect_dma source(%arg9 : memref<64x128xf32, #tpu.memory_space<vmem>>) target(%dma_start3A_146 : memref<10240x128xf32, #tpu.memory_space<vmem_shared>>) offsets(%arg24 : memref<64xi32, #tpu.memory_space<vmem>>) semaphore(%arg39 : memref<!tpu.dma_semaphore, #tpu.memory_space<semaphore_mem>>) {add = true}
    %dma_wait3A_147 = arith.constant 0 : i32
    %dma_wait3A_148 = arith.constant 0 : i32
    %dma_wait3A_149 = tpu.memref_slice %arg2[%dma_wait3A_147, %dma_wait3A_148] : memref<10240x128xf32, #tpu.memory_space<hbm>> -> memref<10240x128xf32, #tpu.memory_space<hbm>>
    tpu.wait_indirect_dma semaphore(%arg35 : memref<!tpu.dma_semaphore, #tpu.memory_space<semaphore_mem>>) src(%dma_wait3A_149 : memref<10240x128xf32, #tpu.memory_space<hbm>>) dst(%arg10 : memref<64x128xf32, #tpu.memory_space<vmem>>)
    %dma_start3A_150 = arith.constant 0 : i32
    %dma_start3A_151 = arith.constant 0 : i32
    %dma_start3A_152 = tpu.memref_slice %arg7[%dma_start3A_150, %dma_start3A_151] : memref<10240x128xf32, #tpu.memory_space<vmem_shared>> -> memref<10240x128xf32, #tpu.memory_space<vmem_shared>>
    tpu.enqueue_indirect_dma source(%arg10 : memref<64x128xf32, #tpu.memory_space<vmem>>) target(%dma_start3A_152 : memref<10240x128xf32, #tpu.memory_space<vmem_shared>>) offsets(%arg25 : memref<64xi32, #tpu.memory_space<vmem>>) semaphore(%arg40 : memref<!tpu.dma_semaphore, #tpu.memory_space<semaphore_mem>>) {add = true}
    %dma_wait3A_153 = arith.constant 0 : i32
    %dma_wait3A_154 = arith.constant 0 : i32
    %dma_wait3A_155 = tpu.memref_slice %arg2[%dma_wait3A_153, %dma_wait3A_154] : memref<10240x128xf32, #tpu.memory_space<hbm>> -> memref<10240x128xf32, #tpu.memory_space<hbm>>
    tpu.wait_indirect_dma semaphore(%arg36 : memref<!tpu.dma_semaphore, #tpu.memory_space<semaphore_mem>>) src(%dma_wait3A_155 : memref<10240x128xf32, #tpu.memory_space<hbm>>) dst(%arg11 : memref<64x128xf32, #tpu.memory_space<vmem>>)
    %dma_start3A_156 = arith.constant 0 : i32
    %dma_start3A_157 = arith.constant 0 : i32
    %dma_start3A_158 = tpu.memref_slice %arg7[%dma_start3A_156, %dma_start3A_157] : memref<10240x128xf32, #tpu.memory_space<vmem_shared>> -> memref<10240x128xf32, #tpu.memory_space<vmem_shared>>
    tpu.enqueue_indirect_dma source(%arg11 : memref<64x128xf32, #tpu.memory_space<vmem>>) target(%dma_start3A_158 : memref<10240x128xf32, #tpu.memory_space<vmem_shared>>) offsets(%arg26 : memref<64xi32, #tpu.memory_space<vmem>>) semaphore(%arg41 : memref<!tpu.dma_semaphore, #tpu.memory_space<semaphore_mem>>) {add = true}
    %dma_wait3A_159 = arith.constant 0 : i32
    %dma_wait3A_160 = arith.constant 0 : i32
    %dma_wait3A_161 = tpu.memref_slice %arg2[%dma_wait3A_159, %dma_wait3A_160] : memref<10240x128xf32, #tpu.memory_space<hbm>> -> memref<10240x128xf32, #tpu.memory_space<hbm>>
    tpu.wait_indirect_dma semaphore(%arg37 : memref<!tpu.dma_semaphore, #tpu.memory_space<semaphore_mem>>) src(%dma_wait3A_161 : memref<10240x128xf32, #tpu.memory_space<hbm>>) dst(%arg12 : memref<64x128xf32, #tpu.memory_space<vmem>>)
    %dma_start3A_162 = arith.constant 0 : i32
    %dma_start3A_163 = arith.constant 0 : i32
    %dma_start3A_164 = tpu.memref_slice %arg7[%dma_start3A_162, %dma_start3A_163] : memref<10240x128xf32, #tpu.memory_space<vmem_shared>> -> memref<10240x128xf32, #tpu.memory_space<vmem_shared>>
    tpu.enqueue_indirect_dma source(%arg12 : memref<64x128xf32, #tpu.memory_space<vmem>>) target(%dma_start3A_164 : memref<10240x128xf32, #tpu.memory_space<vmem_shared>>) offsets(%arg27 : memref<64xi32, #tpu.memory_space<vmem>>) semaphore(%arg42 : memref<!tpu.dma_semaphore, #tpu.memory_space<semaphore_mem>>) {add = true}
    %dma_wait3A_165 = arith.constant 0 : i32
    %dma_wait3A_166 = arith.constant 0 : i32
    %dma_wait3A_167 = tpu.memref_slice %arg7[%dma_wait3A_165, %dma_wait3A_166] : memref<10240x128xf32, #tpu.memory_space<vmem_shared>> -> memref<10240x128xf32, #tpu.memory_space<vmem_shared>>
    tpu.wait_indirect_dma semaphore(%arg38 : memref<!tpu.dma_semaphore, #tpu.memory_space<semaphore_mem>>) src(%arg8 : memref<64x128xf32, #tpu.memory_space<vmem>>) dst(%dma_wait3A_167 : memref<10240x128xf32, #tpu.memory_space<vmem_shared>>)
    %dma_wait3A_168 = arith.constant 10176 : i32
    %dma_wait3A_169 = tpu.memref_slice %arg3[%add3A, %dma_wait3A_168] : memref<32x10240xi32, #tpu.memory_space<hbm>> -> memref<1x64xi32, #tpu.memory_space<hbm>>
    %dma_wait3A_170 = tpu.memref_squeeze %dma_wait3A_169 : memref<1x64xi32, #tpu.memory_space<hbm>> -> memref<64xi32, #tpu.memory_space<hbm>>
    %dma_wait3A_171 = arith.constant 10176 : i32
    %dma_wait3A_172 = tpu.memref_slice %arg3[%add3A, %dma_wait3A_171] : memref<32x10240xi32, #tpu.memory_space<hbm>> -> memref<1x64xi32, #tpu.memory_space<hbm>>
    %dma_wait3A_173 = tpu.memref_squeeze %dma_wait3A_172 : memref<1x64xi32, #tpu.memory_space<hbm>> -> memref<64xi32, #tpu.memory_space<hbm>>
    tpu.wait_dma2 semaphore(%arg28 : memref<!tpu.dma_semaphore, #tpu.memory_space<semaphore_mem>>) src(%dma_wait3A_173 : memref<64xi32, #tpu.memory_space<hbm>>) dst(%arg13 : memref<64xi32, #tpu.memory_space<vmem>>)
    %dma_wait3A_174 = arith.constant 0 : i32
    %dma_wait3A_175 = arith.constant 0 : i32
    %dma_wait3A_176 = tpu.memref_slice %arg7[%dma_wait3A_174, %dma_wait3A_175] : memref<10240x128xf32, #tpu.memory_space<vmem_shared>> -> memref<10240x128xf32, #tpu.memory_space<vmem_shared>>
    tpu.wait_indirect_dma semaphore(%arg39 : memref<!tpu.dma_semaphore, #tpu.memory_space<semaphore_mem>>) src(%arg9 : memref<64x128xf32, #tpu.memory_space<vmem>>) dst(%dma_wait3A_176 : memref<10240x128xf32, #tpu.memory_space<vmem_shared>>)
    %dma_wait3A_177 = arith.constant 10176 : i32
    %dma_wait3A_178 = tpu.memref_slice %arg3[%add3A, %dma_wait3A_177] : memref<32x10240xi32, #tpu.memory_space<hbm>> -> memref<1x64xi32, #tpu.memory_space<hbm>>
    %dma_wait3A_179 = tpu.memref_squeeze %dma_wait3A_178 : memref<1x64xi32, #tpu.memory_space<hbm>> -> memref<64xi32, #tpu.memory_space<hbm>>
    %dma_wait3A_180 = arith.constant 10176 : i32
    %dma_wait3A_181 = tpu.memref_slice %arg3[%add3A, %dma_wait3A_180] : memref<32x10240xi32, #tpu.memory_space<hbm>> -> memref<1x64xi32, #tpu.memory_space<hbm>>
    %dma_wait3A_182 = tpu.memref_squeeze %dma_wait3A_181 : memref<1x64xi32, #tpu.memory_space<hbm>> -> memref<64xi32, #tpu.memory_space<hbm>>
    tpu.wait_dma2 semaphore(%arg29 : memref<!tpu.dma_semaphore, #tpu.memory_space<semaphore_mem>>) src(%dma_wait3A_182 : memref<64xi32, #tpu.memory_space<hbm>>) dst(%arg14 : memref<64xi32, #tpu.memory_space<vmem>>)
    %dma_wait3A_183 = arith.constant 0 : i32
    %dma_wait3A_184 = arith.constant 0 : i32
    %dma_wait3A_185 = tpu.memref_slice %arg7[%dma_wait3A_183, %dma_wait3A_184] : memref<10240x128xf32, #tpu.memory_space<vmem_shared>> -> memref<10240x128xf32, #tpu.memory_space<vmem_shared>>
    tpu.wait_indirect_dma semaphore(%arg40 : memref<!tpu.dma_semaphore, #tpu.memory_space<semaphore_mem>>) src(%arg10 : memref<64x128xf32, #tpu.memory_space<vmem>>) dst(%dma_wait3A_185 : memref<10240x128xf32, #tpu.memory_space<vmem_shared>>)
    %dma_wait3A_186 = arith.constant 10176 : i32
    %dma_wait3A_187 = tpu.memref_slice %arg3[%add3A, %dma_wait3A_186] : memref<32x10240xi32, #tpu.memory_space<hbm>> -> memref<1x64xi32, #tpu.memory_space<hbm>>
    %dma_wait3A_188 = tpu.memref_squeeze %dma_wait3A_187 : memref<1x64xi32, #tpu.memory_space<hbm>> -> memref<64xi32, #tpu.memory_space<hbm>>
    %dma_wait3A_189 = arith.constant 10176 : i32
    %dma_wait3A_190 = tpu.memref_slice %arg3[%add3A, %dma_wait3A_189] : memref<32x10240xi32, #tpu.memory_space<hbm>> -> memref<1x64xi32, #tpu.memory_space<hbm>>
    %dma_wait3A_191 = tpu.memref_squeeze %dma_wait3A_190 : memref<1x64xi32, #tpu.memory_space<hbm>> -> memref<64xi32, #tpu.memory_space<hbm>>
    tpu.wait_dma2 semaphore(%arg30 : memref<!tpu.dma_semaphore, #tpu.memory_space<semaphore_mem>>) src(%dma_wait3A_191 : memref<64xi32, #tpu.memory_space<hbm>>) dst(%arg15 : memref<64xi32, #tpu.memory_space<vmem>>)
    %dma_wait3A_192 = arith.constant 0 : i32
    %dma_wait3A_193 = arith.constant 0 : i32
    %dma_wait3A_194 = tpu.memref_slice %arg7[%dma_wait3A_192, %dma_wait3A_193] : memref<10240x128xf32, #tpu.memory_space<vmem_shared>> -> memref<10240x128xf32, #tpu.memory_space<vmem_shared>>
    tpu.wait_indirect_dma semaphore(%arg41 : memref<!tpu.dma_semaphore, #tpu.memory_space<semaphore_mem>>) src(%arg11 : memref<64x128xf32, #tpu.memory_space<vmem>>) dst(%dma_wait3A_194 : memref<10240x128xf32, #tpu.memory_space<vmem_shared>>)
    %dma_wait3A_195 = arith.constant 10176 : i32
    %dma_wait3A_196 = tpu.memref_slice %arg3[%add3A, %dma_wait3A_195] : memref<32x10240xi32, #tpu.memory_space<hbm>> -> memref<1x64xi32, #tpu.memory_space<hbm>>
    %dma_wait3A_197 = tpu.memref_squeeze %dma_wait3A_196 : memref<1x64xi32, #tpu.memory_space<hbm>> -> memref<64xi32, #tpu.memory_space<hbm>>
    %dma_wait3A_198 = arith.constant 10176 : i32
    %dma_wait3A_199 = tpu.memref_slice %arg3[%add3A, %dma_wait3A_198] : memref<32x10240xi32, #tpu.memory_space<hbm>> -> memref<1x64xi32, #tpu.memory_space<hbm>>
    %dma_wait3A_200 = tpu.memref_squeeze %dma_wait3A_199 : memref<1x64xi32, #tpu.memory_space<hbm>> -> memref<64xi32, #tpu.memory_space<hbm>>
    tpu.wait_dma2 semaphore(%arg31 : memref<!tpu.dma_semaphore, #tpu.memory_space<semaphore_mem>>) src(%dma_wait3A_200 : memref<64xi32, #tpu.memory_space<hbm>>) dst(%arg16 : memref<64xi32, #tpu.memory_space<vmem>>)
    %dma_wait3A_201 = arith.constant 0 : i32
    %dma_wait3A_202 = arith.constant 0 : i32
    %dma_wait3A_203 = tpu.memref_slice %arg7[%dma_wait3A_201, %dma_wait3A_202] : memref<10240x128xf32, #tpu.memory_space<vmem_shared>> -> memref<10240x128xf32, #tpu.memory_space<vmem_shared>>
    tpu.wait_indirect_dma semaphore(%arg42 : memref<!tpu.dma_semaphore, #tpu.memory_space<semaphore_mem>>) src(%arg12 : memref<64x128xf32, #tpu.memory_space<vmem>>) dst(%dma_wait3A_203 : memref<10240x128xf32, #tpu.memory_space<vmem_shared>>)
    %dma_wait3A_204 = arith.constant 10176 : i32
    %dma_wait3A_205 = tpu.memref_slice %arg3[%add3A, %dma_wait3A_204] : memref<32x10240xi32, #tpu.memory_space<hbm>> -> memref<1x64xi32, #tpu.memory_space<hbm>>
    %dma_wait3A_206 = tpu.memref_squeeze %dma_wait3A_205 : memref<1x64xi32, #tpu.memory_space<hbm>> -> memref<64xi32, #tpu.memory_space<hbm>>
    %dma_wait3A_207 = arith.constant 10176 : i32
    %dma_wait3A_208 = tpu.memref_slice %arg3[%add3A, %dma_wait3A_207] : memref<32x10240xi32, #tpu.memory_space<hbm>> -> memref<1x64xi32, #tpu.memory_space<hbm>>
    %dma_wait3A_209 = tpu.memref_squeeze %dma_wait3A_208 : memref<1x64xi32, #tpu.memory_space<hbm>> -> memref<64xi32, #tpu.memory_space<hbm>>
    tpu.wait_dma2 semaphore(%arg32 : memref<!tpu.dma_semaphore, #tpu.memory_space<semaphore_mem>>) src(%dma_wait3A_209 : memref<64xi32, #tpu.memory_space<hbm>>) dst(%arg17 : memref<64xi32, #tpu.memory_space<vmem>>)
    %barrier3A_210 = arith.constant 0 : index
    tpu.barrier barrier_id(%barrier3A_210)
    %eq3A = arith.constant 0 : i32
    %eq3A_211 = arith.cmpi eq, %arg0, %eq3A : i32
    %convert_element_type3A = arith.extui %eq3A_211 : i1 to i32
    %cond3A = arith.constant 0 : i32
    %cond3A_212 = arith.cmpi ne, %convert_element_type3A, %cond3A : i32
    scf.if %cond3A_212 {
      "tpu.region"() ({
        %run_scoped3A = tpu.sem_alloc : memref<!tpu.dma_semaphore, #tpu.memory_space<semaphore_mem>>
        %dma_start3A_218 = arith.constant 0 : i32
        %dma_start3A_219 = tpu.memref_slice %arg5[%mul3A_2, %dma_start3A_218] : memref<10240x128xf32, #tpu.memory_space<hbm>> -> memref<640x128xf32, #tpu.memory_space<hbm>>
        %dma_start3A_220 = arith.constant 0 : i32
        %dma_start3A_221 = tpu.memref_slice %arg7[%mul3A_2, %dma_start3A_220] : memref<10240x128xf32, #tpu.memory_space<vmem_shared>> -> memref<640x128xf32, #tpu.memory_space<vmem_shared>>
        tpu.enqueue_dma source(%dma_start3A_221 : memref<640x128xf32, #tpu.memory_space<vmem_shared>>) target(%dma_start3A_219 : memref<640x128xf32, #tpu.memory_space<hbm>>) target_semaphore(%run_scoped3A : memref<!tpu.dma_semaphore, #tpu.memory_space<semaphore_mem>>)
        %dma_wait3A_222 = arith.constant 0 : i32
        %dma_wait3A_223 = tpu.memref_slice %arg5[%mul3A_2, %dma_wait3A_222] : memref<10240x128xf32, #tpu.memory_space<hbm>> -> memref<640x128xf32, #tpu.memory_space<hbm>>
        %dma_wait3A_224 = arith.constant 0 : i32
        %dma_wait3A_225 = tpu.memref_slice %arg7[%mul3A_2, %dma_wait3A_224] : memref<10240x128xf32, #tpu.memory_space<vmem_shared>> -> memref<640x128xf32, #tpu.memory_space<vmem_shared>>
        tpu.wait_dma2 semaphore(%run_scoped3A : memref<!tpu.dma_semaphore, #tpu.memory_space<semaphore_mem>>) src(%dma_wait3A_225 : memref<640x128xf32, #tpu.memory_space<vmem_shared>>) dst(%dma_wait3A_223 : memref<640x128xf32, #tpu.memory_space<hbm>>)
        tpu.yield
      }) : () -> ()
    } else {
    }
    %eq3A_213 = arith.constant 1 : i32
    %eq3A_214 = arith.cmpi eq, %arg0, %eq3A_213 : i32
    %convert_element_type3A_215 = arith.extui %eq3A_214 : i1 to i32
    %cond3A_216 = arith.constant 0 : i32
    %cond3A_217 = arith.cmpi ne, %convert_element_type3A_215, %cond3A_216 : i32
    scf.if %cond3A_217 {
      "tpu.region"() ({
        %run_scoped3A = tpu.sem_alloc : memref<!tpu.dma_semaphore, #tpu.memory_space<semaphore_mem>>
        %dma_start3A_218 = arith.constant 0 : i32
        %dma_start3A_219 = tpu.memref_slice %arg6[%mul3A_2, %dma_start3A_218] : memref<10240x128xf32, #tpu.memory_space<hbm>> -> memref<640x128xf32, #tpu.memory_space<hbm>>
        %dma_start3A_220 = arith.constant 0 : i32
        %dma_start3A_221 = tpu.memref_slice %arg7[%mul3A_2, %dma_start3A_220] : memref<10240x128xf32, #tpu.memory_space<vmem_shared>> -> memref<640x128xf32, #tpu.memory_space<vmem_shared>>
        tpu.enqueue_dma source(%dma_start3A_221 : memref<640x128xf32, #tpu.memory_space<vmem_shared>>) target(%dma_start3A_219 : memref<640x128xf32, #tpu.memory_space<hbm>>) target_semaphore(%run_scoped3A : memref<!tpu.dma_semaphore, #tpu.memory_space<semaphore_mem>>)
        %dma_wait3A_222 = arith.constant 0 : i32
        %dma_wait3A_223 = tpu.memref_slice %arg6[%mul3A_2, %dma_wait3A_222] : memref<10240x128xf32, #tpu.memory_space<hbm>> -> memref<640x128xf32, #tpu.memory_space<hbm>>
        %dma_wait3A_224 = arith.constant 0 : i32
        %dma_wait3A_225 = tpu.memref_slice %arg7[%mul3A_2, %dma_wait3A_224] : memref<10240x128xf32, #tpu.memory_space<vmem_shared>> -> memref<640x128xf32, #tpu.memory_space<vmem_shared>>
        tpu.wait_dma2 semaphore(%run_scoped3A : memref<!tpu.dma_semaphore, #tpu.memory_space<semaphore_mem>>) src(%dma_wait3A_225 : memref<640x128xf32, #tpu.memory_space<vmem_shared>>) dst(%dma_wait3A_223 : memref<640x128xf32, #tpu.memory_space<hbm>>)
        tpu.yield
      }) : () -> ()
    } else {
    }
    return
  }
}

#map = affine_map<(d0, d1) -> (0, 0)>
module attributes {stable_mosaic.version = 14 : i64} {
  func.func @_prop_kernel(%arg0: i32, %arg1: i32, %arg2: memref<10240x128xf32, #tpu.memory_space<hbm>>, %arg3: memref<32x10240xi32, #tpu.memory_space<hbm>>, %arg4: memref<640x128xf32, #tpu.memory_space<hbm>>, %arg5: memref<10240x128xf32, #tpu.memory_space<hbm>>, %arg6: memref<10240x128xf32, #tpu.memory_space<hbm>>, %arg7: memref<10240x128xf32, #tpu.memory_space<vmem_shared>>, %arg8: memref<64x128xf32, #tpu.memory_space<vmem>>, %arg9: memref<64x128xf32, #tpu.memory_space<vmem>>, %arg10: memref<64x128xf32, #tpu.memory_space<vmem>>, %arg11: memref<64x128xf32, #tpu.memory_space<vmem>>, %arg12: memref<64x128xf32, #tpu.memory_space<vmem>>, %arg13: memref<64xi32, #tpu.memory_space<vmem>>, %arg14: memref<64xi32, #tpu.memory_space<vmem>>, %arg15: memref<64xi32, #tpu.memory_space<vmem>>, %arg16: memref<64xi32, #tpu.memory_space<vmem>>, %arg17: memref<64xi32, #tpu.memory_space<vmem>>, %arg18: memref<64xi32, #tpu.memory_space<vmem>>, %arg19: memref<64xi32, #tpu.memory_space<vmem>>, %arg20: memref<64xi32, #tpu.memory_space<vmem>>, %arg21: memref<64xi32, #tpu.memory_space<vmem>>, %arg22: memref<64xi32, #tpu.memory_space<vmem>>, %arg23: memref<64xi32, #tpu.memory_space<vmem>>, %arg24: memref<64xi32, #tpu.memory_space<vmem>>, %arg25: memref<64xi32, #tpu.memory_space<vmem>>, %arg26: memref<64xi32, #tpu.memory_space<vmem>>, %arg27: memref<64xi32, #tpu.memory_space<vmem>>, %arg28: memref<!tpu.dma_semaphore, #tpu.memory_space<semaphore_mem>>, %arg29: memref<!tpu.dma_semaphore, #tpu.memory_space<semaphore_mem>>, %arg30: memref<!tpu.dma_semaphore, #tpu.memory_space<semaphore_mem>>, %arg31: memref<!tpu.dma_semaphore, #tpu.memory_space<semaphore_mem>>, %arg32: memref<!tpu.dma_semaphore, #tpu.memory_space<semaphore_mem>>, %arg33: memref<!tpu.dma_semaphore, #tpu.memory_space<semaphore_mem>>, %arg34: memref<!tpu.dma_semaphore, #tpu.memory_space<semaphore_mem>>, %arg35: memref<!tpu.dma_semaphore, #tpu.memory_space<semaphore_mem>>, %arg36: memref<!tpu.dma_semaphore, #tpu.memory_space<semaphore_mem>>, %arg37: memref<!tpu.dma_semaphore, #tpu.memory_space<semaphore_mem>>, %arg38: memref<!tpu.dma_semaphore, #tpu.memory_space<semaphore_mem>>, %arg39: memref<!tpu.dma_semaphore, #tpu.memory_space<semaphore_mem>>, %arg40: memref<!tpu.dma_semaphore, #tpu.memory_space<semaphore_mem>>, %arg41: memref<!tpu.dma_semaphore, #tpu.memory_space<semaphore_mem>>, %arg42: memref<!tpu.dma_semaphore, #tpu.memory_space<semaphore_mem>>) attributes {dimension_semantics = [#tpu.dimension_semantics<core_parallel>, #tpu.dimension_semantics<subcore_parallel>], iteration_bounds = array<i64: 2, 16>, scalar_prefetch = 0 : i64, scratch_operands = 36 : i64, tpu.core_type = #tpu.core_type<sc_vector_subcore>, window_params = [{transform_indices = #map}, {transform_indices = #map}, {transform_indices = #map}, {transform_indices = #map}, {transform_indices = #map}]} {
    %mul3A = arith.constant 2 : i32
    %mul3A_0 = arith.muli %arg1, %mul3A : i32
    %add3A = arith.addi %mul3A_0, %arg0 : i32
    %mul3A_1 = arith.constant 640 : i32
    %mul3A_2 = arith.muli %arg1, %mul3A_1 : i32
    "tpu.region"() ({
      %run_scoped3A = tpu.sem_alloc : memref<!tpu.dma_semaphore, #tpu.memory_space<semaphore_mem>>
      %dma_start3A_218 = arith.constant 0 : i32
      %dma_start3A_219 = tpu.memref_slice %arg7[%mul3A_2, %dma_start3A_218] : memref<10240x128xf32, #tpu.memory_space<vmem_shared>> -> memref<640x128xf32, #tpu.memory_space<vmem_shared>>
      tpu.enqueue_dma source(%arg4 : memref<640x128xf32, #tpu.memory_space<hbm>>) target(%dma_start3A_219 : memref<640x128xf32, #tpu.memory_space<vmem_shared>>) target_semaphore(%run_scoped3A : memref<!tpu.dma_semaphore, #tpu.memory_space<semaphore_mem>>)
      %dma_wait3A_220 = arith.constant 0 : i32
      %dma_wait3A_221 = tpu.memref_slice %arg7[%mul3A_2, %dma_wait3A_220] : memref<10240x128xf32, #tpu.memory_space<vmem_shared>> -> memref<640x128xf32, #tpu.memory_space<vmem_shared>>
      tpu.wait_dma2 semaphore(%run_scoped3A : memref<!tpu.dma_semaphore, #tpu.memory_space<semaphore_mem>>) src(%arg4 : memref<640x128xf32, #tpu.memory_space<hbm>>) dst(%dma_wait3A_221 : memref<640x128xf32, #tpu.memory_space<vmem_shared>>)
      tpu.yield
    }) : () -> ()
    %barrier3A = arith.constant 0 : index
    tpu.barrier barrier_id(%barrier3A)
    %dma_start3A = arith.constant 0 : i32
    %dma_start3A_3 = tpu.memref_slice %arg3[%add3A, %dma_start3A] : memref<32x10240xi32, #tpu.memory_space<hbm>> -> memref<1x64xi32, #tpu.memory_space<hbm>>
    %dma_start3A_4 = tpu.memref_squeeze %dma_start3A_3 : memref<1x64xi32, #tpu.memory_space<hbm>> -> memref<64xi32, #tpu.memory_space<hbm>>
    %dma_start3A_5 = arith.constant 0 : i32
    %dma_start3A_6 = tpu.memref_slice %arg3[%add3A, %dma_start3A_5] : memref<32x10240xi32, #tpu.memory_space<hbm>> -> memref<1x64xi32, #tpu.memory_space<hbm>>
    %dma_start3A_7 = tpu.memref_squeeze %dma_start3A_6 : memref<1x64xi32, #tpu.memory_space<hbm>> -> memref<64xi32, #tpu.memory_space<hbm>>
    tpu.enqueue_dma source(%dma_start3A_7 : memref<64xi32, #tpu.memory_space<hbm>>) target(%arg13 : memref<64xi32, #tpu.memory_space<vmem>>) target_semaphore(%arg28 : memref<!tpu.dma_semaphore, #tpu.memory_space<semaphore_mem>>)
    %dma_start3A_8 = arith.constant 64 : i32
    %dma_start3A_9 = tpu.memref_slice %arg3[%add3A, %dma_start3A_8] : memref<32x10240xi32, #tpu.memory_space<hbm>> -> memref<1x64xi32, #tpu.memory_space<hbm>>
    %dma_start3A_10 = tpu.memref_squeeze %dma_start3A_9 : memref<1x64xi32, #tpu.memory_space<hbm>> -> memref<64xi32, #tpu.memory_space<hbm>>
    %dma_start3A_11 = arith.constant 64 : i32
    %dma_start3A_12 = tpu.memref_slice %arg3[%add3A, %dma_start3A_11] : memref<32x10240xi32, #tpu.memory_space<hbm>> -> memref<1x64xi32, #tpu.memory_space<hbm>>
    %dma_start3A_13 = tpu.memref_squeeze %dma_start3A_12 : memref<1x64xi32, #tpu.memory_space<hbm>> -> memref<64xi32, #tpu.memory_space<hbm>>
    tpu.enqueue_dma source(%dma_start3A_13 : memref<64xi32, #tpu.memory_space<hbm>>) target(%arg14 : memref<64xi32, #tpu.memory_space<vmem>>) target_semaphore(%arg29 : memref<!tpu.dma_semaphore, #tpu.memory_space<semaphore_mem>>)
    %dma_start3A_14 = arith.constant 128 : i32
    %dma_start3A_15 = tpu.memref_slice %arg3[%add3A, %dma_start3A_14] : memref<32x10240xi32, #tpu.memory_space<hbm>> -> memref<1x64xi32, #tpu.memory_space<hbm>>
    %dma_start3A_16 = tpu.memref_squeeze %dma_start3A_15 : memref<1x64xi32, #tpu.memory_space<hbm>> -> memref<64xi32, #tpu.memory_space<hbm>>
    %dma_start3A_17 = arith.constant 128 : i32
    %dma_start3A_18 = tpu.memref_slice %arg3[%add3A, %dma_start3A_17] : memref<32x10240xi32, #tpu.memory_space<hbm>> -> memref<1x64xi32, #tpu.memory_space<hbm>>
    %dma_start3A_19 = tpu.memref_squeeze %dma_start3A_18 : memref<1x64xi32, #tpu.memory_space<hbm>> -> memref<64xi32, #tpu.memory_space<hbm>>
    tpu.enqueue_dma source(%dma_start3A_19 : memref<64xi32, #tpu.memory_space<hbm>>) target(%arg15 : memref<64xi32, #tpu.memory_space<vmem>>) target_semaphore(%arg30 : memref<!tpu.dma_semaphore, #tpu.memory_space<semaphore_mem>>)
    %dma_start3A_20 = arith.constant 192 : i32
    %dma_start3A_21 = tpu.memref_slice %arg3[%add3A, %dma_start3A_20] : memref<32x10240xi32, #tpu.memory_space<hbm>> -> memref<1x64xi32, #tpu.memory_space<hbm>>
    %dma_start3A_22 = tpu.memref_squeeze %dma_start3A_21 : memref<1x64xi32, #tpu.memory_space<hbm>> -> memref<64xi32, #tpu.memory_space<hbm>>
    %dma_start3A_23 = arith.constant 192 : i32
    %dma_start3A_24 = tpu.memref_slice %arg3[%add3A, %dma_start3A_23] : memref<32x10240xi32, #tpu.memory_space<hbm>> -> memref<1x64xi32, #tpu.memory_space<hbm>>
    %dma_start3A_25 = tpu.memref_squeeze %dma_start3A_24 : memref<1x64xi32, #tpu.memory_space<hbm>> -> memref<64xi32, #tpu.memory_space<hbm>>
    tpu.enqueue_dma source(%dma_start3A_25 : memref<64xi32, #tpu.memory_space<hbm>>) target(%arg16 : memref<64xi32, #tpu.memory_space<vmem>>) target_semaphore(%arg31 : memref<!tpu.dma_semaphore, #tpu.memory_space<semaphore_mem>>)
    %dma_start3A_26 = arith.constant 256 : i32
    %dma_start3A_27 = tpu.memref_slice %arg3[%add3A, %dma_start3A_26] : memref<32x10240xi32, #tpu.memory_space<hbm>> -> memref<1x64xi32, #tpu.memory_space<hbm>>
    %dma_start3A_28 = tpu.memref_squeeze %dma_start3A_27 : memref<1x64xi32, #tpu.memory_space<hbm>> -> memref<64xi32, #tpu.memory_space<hbm>>
    %dma_start3A_29 = arith.constant 256 : i32
    %dma_start3A_30 = tpu.memref_slice %arg3[%add3A, %dma_start3A_29] : memref<32x10240xi32, #tpu.memory_space<hbm>> -> memref<1x64xi32, #tpu.memory_space<hbm>>
    %dma_start3A_31 = tpu.memref_squeeze %dma_start3A_30 : memref<1x64xi32, #tpu.memory_space<hbm>> -> memref<64xi32, #tpu.memory_space<hbm>>
    tpu.enqueue_dma source(%dma_start3A_31 : memref<64xi32, #tpu.memory_space<hbm>>) target(%arg17 : memref<64xi32, #tpu.memory_space<vmem>>) target_semaphore(%arg32 : memref<!tpu.dma_semaphore, #tpu.memory_space<semaphore_mem>>)
    %dma_wait3A = arith.constant 0 : i32
    %dma_wait3A_32 = tpu.memref_slice %arg3[%add3A, %dma_wait3A] : memref<32x10240xi32, #tpu.memory_space<hbm>> -> memref<1x64xi32, #tpu.memory_space<hbm>>
    %dma_wait3A_33 = tpu.memref_squeeze %dma_wait3A_32 : memref<1x64xi32, #tpu.memory_space<hbm>> -> memref<64xi32, #tpu.memory_space<hbm>>
    %dma_wait3A_34 = arith.constant 0 : i32
    %dma_wait3A_35 = tpu.memref_slice %arg3[%add3A, %dma_wait3A_34] : memref<32x10240xi32, #tpu.memory_space<hbm>> -> memref<1x64xi32, #tpu.memory_space<hbm>>
    %dma_wait3A_36 = tpu.memref_squeeze %dma_wait3A_35 : memref<1x64xi32, #tpu.memory_space<hbm>> -> memref<64xi32, #tpu.memory_space<hbm>>
    tpu.wait_dma2 semaphore(%arg28 : memref<!tpu.dma_semaphore, #tpu.memory_space<semaphore_mem>>) src(%dma_wait3A_36 : memref<64xi32, #tpu.memory_space<hbm>>) dst(%arg13 : memref<64xi32, #tpu.memory_space<vmem>>)
    %scan3A = arith.constant 0 : i32
    %scan3A_37 = arith.constant 4 : i32
    %scan3A_38 = arith.addi %scan3A, %scan3A_37 : i32
    %scan3A_39 = arith.constant 1 : i32
    scf.for %scan3A_218 = %scan3A to %scan3A_38 step %scan3A_39  : i32 {
      %mul3A_219 = arith.constant 16 : i32
      %mul3A_220 = arith.muli %scan3A_218, %mul3A_219 : i32
      %get3A = arith.index_cast %mul3A_220 : i32 to index
      %get3A_221 = tpu.vector_load %arg13[%get3A] {strides = array<i32>} : memref<64xi32, #tpu.memory_space<vmem>>, vector<16xi32>,
      %shift_right_logical3A = arith.constant 14 : i32
      %shift_right_logical3A_222 = vector.broadcast %shift_right_logical3A : i32 to vector<16xi32>
      %shift_right_logical3A_223 = arith.shrui %get3A_221, %shift_right_logical3A_222 : vector<16xi32>
      %mul3A_224 = arith.constant 16 : i32
      %mul3A_225 = arith.muli %scan3A_218, %mul3A_224 : i32
      %swap3A = arith.index_cast %mul3A_225 : i32 to index
      %swap3A_226 = tpu.vector_load %arg18[%swap3A] {strides = array<i32>} : memref<64xi32, #tpu.memory_space<vmem>>, vector<16xi32>,
      tpu.vector_store %arg18[%swap3A], %shift_right_logical3A_223 {strides = array<i32>} : memref<64xi32, #tpu.memory_space<vmem>>, vector<16xi32>,
      %and3A = arith.constant 16383 : i32
      %and3A_227 = vector.broadcast %and3A : i32 to vector<16xi32>
      %and3A_228 = arith.andi %get3A_221, %and3A_227 : vector<16xi32>
      %mul3A_229 = arith.constant 16 : i32
      %mul3A_230 = arith.muli %scan3A_218, %mul3A_229 : i32
      %swap3A_231 = arith.index_cast %mul3A_230 : i32 to index
      %swap3A_232 = tpu.vector_load %arg23[%swap3A_231] {strides = array<i32>} : memref<64xi32, #tpu.memory_space<vmem>>, vector<16xi32>,
      tpu.vector_store %arg23[%swap3A_231], %and3A_228 {strides = array<i32>} : memref<64xi32, #tpu.memory_space<vmem>>, vector<16xi32>,
    }
    %scan3A_40 = arith.constant 4 : i32
    %dma_start3A_41 = arith.constant 320 : i32
    %dma_start3A_42 = tpu.memref_slice %arg3[%add3A, %dma_start3A_41] : memref<32x10240xi32, #tpu.memory_space<hbm>> -> memref<1x64xi32, #tpu.memory_space<hbm>>
    %dma_start3A_43 = tpu.memref_squeeze %dma_start3A_42 : memref<1x64xi32, #tpu.memory_space<hbm>> -> memref<64xi32, #tpu.memory_space<hbm>>
    %dma_start3A_44 = arith.constant 320 : i32
    %dma_start3A_45 = tpu.memref_slice %arg3[%add3A, %dma_start3A_44] : memref<32x10240xi32, #tpu.memory_space<hbm>> -> memref<1x64xi32, #tpu.memory_space<hbm>>
    %dma_start3A_46 = tpu.memref_squeeze %dma_start3A_45 : memref<1x64xi32, #tpu.memory_space<hbm>> -> memref<64xi32, #tpu.memory_space<hbm>>
    tpu.enqueue_dma source(%dma_start3A_46 : memref<64xi32, #tpu.memory_space<hbm>>) target(%arg13 : memref<64xi32, #tpu.memory_space<vmem>>) target_semaphore(%arg28 : memref<!tpu.dma_semaphore, #tpu.memory_space<semaphore_mem>>)
    %dma_start3A_47 = arith.constant 0 : i32
    %dma_start3A_48 = arith.constant 0 : i32
    %dma_start3A_49 = tpu.memref_slice %arg2[%dma_start3A_47, %dma_start3A_48] : memref<10240x128xf32, #tpu.memory_space<hbm>> -> memref<10240x128xf32, #tpu.memory_space<hbm>>
    tpu.enqueue_indirect_dma source(%dma_start3A_49 : memref<10240x128xf32, #tpu.memory_space<hbm>>) target(%arg8 : memref<64x128xf32, #tpu.memory_space<vmem>>) offsets(%arg18 : memref<64xi32, #tpu.memory_space<vmem>>) semaphore(%arg33 : memref<!tpu.dma_semaphore, #tpu.memory_space<semaphore_mem>>)
    %dma_wait3A_50 = arith.constant 64 : i32
    %dma_wait3A_51 = tpu.memref_slice %arg3[%add3A, %dma_wait3A_50] : memref<32x10240xi32, #tpu.memory_space<hbm>> -> memref<1x64xi32, #tpu.memory_space<hbm>>
    %dma_wait3A_52 = tpu.memref_squeeze %dma_wait3A_51 : memref<1x64xi32, #tpu.memory_space<hbm>> -> memref<64xi32, #tpu.memory_space<hbm>>
    %dma_wait3A_53 = arith.constant 64 : i32
    %dma_wait3A_54 = tpu.memref_slice %arg3[%add3A, %dma_wait3A_53] : memref<32x10240xi32, #tpu.memory_space<hbm>> -> memref<1x64xi32, #tpu.memory_space<hbm>>
    %dma_wait3A_55 = tpu.memref_squeeze %dma_wait3A_54 : memref<1x64xi32, #tpu.memory_space<hbm>> -> memref<64xi32, #tpu.memory_space<hbm>>
    tpu.wait_dma2 semaphore(%arg29 : memref<!tpu.dma_semaphore, #tpu.memory_space<semaphore_mem>>) src(%dma_wait3A_55 : memref<64xi32, #tpu.memory_space<hbm>>) dst(%arg14 : memref<64xi32, #tpu.memory_space<vmem>>)
    %scan3A_56 = arith.constant 0 : i32
    %scan3A_57 = arith.constant 4 : i32
    %scan3A_58 = arith.addi %scan3A_56, %scan3A_57 : i32
    %scan3A_59 = arith.constant 1 : i32
    scf.for %scan3A_218 = %scan3A_56 to %scan3A_58 step %scan3A_59  : i32 {
      %mul3A_219 = arith.constant 16 : i32
      %mul3A_220 = arith.muli %scan3A_218, %mul3A_219 : i32
      %get3A = arith.index_cast %mul3A_220 : i32 to index
      %get3A_221 = tpu.vector_load %arg14[%get3A] {strides = array<i32>} : memref<64xi32, #tpu.memory_space<vmem>>, vector<16xi32>,
      %shift_right_logical3A = arith.constant 14 : i32
      %shift_right_logical3A_222 = vector.broadcast %shift_right_logical3A : i32 to vector<16xi32>
      %shift_right_logical3A_223 = arith.shrui %get3A_221, %shift_right_logical3A_222 : vector<16xi32>
      %mul3A_224 = arith.constant 16 : i32
      %mul3A_225 = arith.muli %scan3A_218, %mul3A_224 : i32
      %swap3A = arith.index_cast %mul3A_225 : i32 to index
      %swap3A_226 = tpu.vector_load %arg19[%swap3A] {strides = array<i32>} : memref<64xi32, #tpu.memory_space<vmem>>, vector<16xi32>,
      tpu.vector_store %arg19[%swap3A], %shift_right_logical3A_223 {strides = array<i32>} : memref<64xi32, #tpu.memory_space<vmem>>, vector<16xi32>,
      %and3A = arith.constant 16383 : i32
      %and3A_227 = vector.broadcast %and3A : i32 to vector<16xi32>
      %and3A_228 = arith.andi %get3A_221, %and3A_227 : vector<16xi32>
      %mul3A_229 = arith.constant 16 : i32
      %mul3A_230 = arith.muli %scan3A_218, %mul3A_229 : i32
      %swap3A_231 = arith.index_cast %mul3A_230 : i32 to index
      %swap3A_232 = tpu.vector_load %arg24[%swap3A_231] {strides = array<i32>} : memref<64xi32, #tpu.memory_space<vmem>>, vector<16xi32>,
      tpu.vector_store %arg24[%swap3A_231], %and3A_228 {strides = array<i32>} : memref<64xi32, #tpu.memory_space<vmem>>, vector<16xi32>,
    }
    %scan3A_60 = arith.constant 4 : i32
    %dma_start3A_61 = arith.constant 384 : i32
    %dma_start3A_62 = tpu.memref_slice %arg3[%add3A, %dma_start3A_61] : memref<32x10240xi32, #tpu.memory_space<hbm>> -> memref<1x64xi32, #tpu.memory_space<hbm>>
    %dma_start3A_63 = tpu.memref_squeeze %dma_start3A_62 : memref<1x64xi32, #tpu.memory_space<hbm>> -> memref<64xi32, #tpu.memory_space<hbm>>
    %dma_start3A_64 = arith.constant 384 : i32
    %dma_start3A_65 = tpu.memref_slice %arg3[%add3A, %dma_start3A_64] : memref<32x10240xi32, #tpu.memory_space<hbm>> -> memref<1x64xi32, #tpu.memory_space<hbm>>
    %dma_start3A_66 = tpu.memref_squeeze %dma_start3A_65 : memref<1x64xi32, #tpu.memory_space<hbm>> -> memref<64xi32, #tpu.memory_space<hbm>>
    tpu.enqueue_dma source(%dma_start3A_66 : memref<64xi32, #tpu.memory_space<hbm>>) target(%arg14 : memref<64xi32, #tpu.memory_space<vmem>>) target_semaphore(%arg29 : memref<!tpu.dma_semaphore, #tpu.memory_space<semaphore_mem>>)
    %dma_start3A_67 = arith.constant 0 : i32
    %dma_start3A_68 = arith.constant 0 : i32
    %dma_start3A_69 = tpu.memref_slice %arg2[%dma_start3A_67, %dma_start3A_68] : memref<10240x128xf32, #tpu.memory_space<hbm>> -> memref<10240x128xf32, #tpu.memory_space<hbm>>
    tpu.enqueue_indirect_dma source(%dma_start3A_69 : memref<10240x128xf32, #tpu.memory_space<hbm>>) target(%arg9 : memref<64x128xf32, #tpu.memory_space<vmem>>) offsets(%arg19 : memref<64xi32, #tpu.memory_space<vmem>>) semaphore(%arg34 : memref<!tpu.dma_semaphore, #tpu.memory_space<semaphore_mem>>)
    %dma_wait3A_70 = arith.constant 128 : i32
    %dma_wait3A_71 = tpu.memref_slice %arg3[%add3A, %dma_wait3A_70] : memref<32x10240xi32, #tpu.memory_space<hbm>> -> memref<1x64xi32, #tpu.memory_space<hbm>>
    %dma_wait3A_72 = tpu.memref_squeeze %dma_wait3A_71 : memref<1x64xi32, #tpu.memory_space<hbm>> -> memref<64xi32, #tpu.memory_space<hbm>>
    %dma_wait3A_73 = arith.constant 128 : i32
    %dma_wait3A_74 = tpu.memref_slice %arg3[%add3A, %dma_wait3A_73] : memref<32x10240xi32, #tpu.memory_space<hbm>> -> memref<1x64xi32, #tpu.memory_space<hbm>>
    %dma_wait3A_75 = tpu.memref_squeeze %dma_wait3A_74 : memref<1x64xi32, #tpu.memory_space<hbm>> -> memref<64xi32, #tpu.memory_space<hbm>>
    tpu.wait_dma2 semaphore(%arg30 : memref<!tpu.dma_semaphore, #tpu.memory_space<semaphore_mem>>) src(%dma_wait3A_75 : memref<64xi32, #tpu.memory_space<hbm>>) dst(%arg15 : memref<64xi32, #tpu.memory_space<vmem>>)
    %scan3A_76 = arith.constant 0 : i32
    %scan3A_77 = arith.constant 4 : i32
    %scan3A_78 = arith.addi %scan3A_76, %scan3A_77 : i32
    %scan3A_79 = arith.constant 1 : i32
    scf.for %scan3A_218 = %scan3A_76 to %scan3A_78 step %scan3A_79  : i32 {
      %mul3A_219 = arith.constant 16 : i32
      %mul3A_220 = arith.muli %scan3A_218, %mul3A_219 : i32
      %get3A = arith.index_cast %mul3A_220 : i32 to index
      %get3A_221 = tpu.vector_load %arg15[%get3A] {strides = array<i32>} : memref<64xi32, #tpu.memory_space<vmem>>, vector<16xi32>,
      %shift_right_logical3A = arith.constant 14 : i32
      %shift_right_logical3A_222 = vector.broadcast %shift_right_logical3A : i32 to vector<16xi32>
      %shift_right_logical3A_223 = arith.shrui %get3A_221, %shift_right_logical3A_222 : vector<16xi32>
      %mul3A_224 = arith.constant 16 : i32
      %mul3A_225 = arith.muli %scan3A_218, %mul3A_224 : i32
      %swap3A = arith.index_cast %mul3A_225 : i32 to index
      %swap3A_226 = tpu.vector_load %arg20[%swap3A] {strides = array<i32>} : memref<64xi32, #tpu.memory_space<vmem>>, vector<16xi32>,
      tpu.vector_store %arg20[%swap3A], %shift_right_logical3A_223 {strides = array<i32>} : memref<64xi32, #tpu.memory_space<vmem>>, vector<16xi32>,
      %and3A = arith.constant 16383 : i32
      %and3A_227 = vector.broadcast %and3A : i32 to vector<16xi32>
      %and3A_228 = arith.andi %get3A_221, %and3A_227 : vector<16xi32>
      %mul3A_229 = arith.constant 16 : i32
      %mul3A_230 = arith.muli %scan3A_218, %mul3A_229 : i32
      %swap3A_231 = arith.index_cast %mul3A_230 : i32 to index
      %swap3A_232 = tpu.vector_load %arg25[%swap3A_231] {strides = array<i32>} : memref<64xi32, #tpu.memory_space<vmem>>, vector<16xi32>,
      tpu.vector_store %arg25[%swap3A_231], %and3A_228 {strides = array<i32>} : memref<64xi32, #tpu.memory_space<vmem>>, vector<16xi32>,
    }
    %scan3A_80 = arith.constant 4 : i32
    %dma_start3A_81 = arith.constant 448 : i32
    %dma_start3A_82 = tpu.memref_slice %arg3[%add3A, %dma_start3A_81] : memref<32x10240xi32, #tpu.memory_space<hbm>> -> memref<1x64xi32, #tpu.memory_space<hbm>>
    %dma_start3A_83 = tpu.memref_squeeze %dma_start3A_82 : memref<1x64xi32, #tpu.memory_space<hbm>> -> memref<64xi32, #tpu.memory_space<hbm>>
    %dma_start3A_84 = arith.constant 448 : i32
    %dma_start3A_85 = tpu.memref_slice %arg3[%add3A, %dma_start3A_84] : memref<32x10240xi32, #tpu.memory_space<hbm>> -> memref<1x64xi32, #tpu.memory_space<hbm>>
    %dma_start3A_86 = tpu.memref_squeeze %dma_start3A_85 : memref<1x64xi32, #tpu.memory_space<hbm>> -> memref<64xi32, #tpu.memory_space<hbm>>
    tpu.enqueue_dma source(%dma_start3A_86 : memref<64xi32, #tpu.memory_space<hbm>>) target(%arg15 : memref<64xi32, #tpu.memory_space<vmem>>) target_semaphore(%arg30 : memref<!tpu.dma_semaphore, #tpu.memory_space<semaphore_mem>>)
    %dma_start3A_87 = arith.constant 0 : i32
    %dma_start3A_88 = arith.constant 0 : i32
    %dma_start3A_89 = tpu.memref_slice %arg2[%dma_start3A_87, %dma_start3A_88] : memref<10240x128xf32, #tpu.memory_space<hbm>> -> memref<10240x128xf32, #tpu.memory_space<hbm>>
    tpu.enqueue_indirect_dma source(%dma_start3A_89 : memref<10240x128xf32, #tpu.memory_space<hbm>>) target(%arg10 : memref<64x128xf32, #tpu.memory_space<vmem>>) offsets(%arg20 : memref<64xi32, #tpu.memory_space<vmem>>) semaphore(%arg35 : memref<!tpu.dma_semaphore, #tpu.memory_space<semaphore_mem>>)
    %dma_wait3A_90 = arith.constant 192 : i32
    %dma_wait3A_91 = tpu.memref_slice %arg3[%add3A, %dma_wait3A_90] : memref<32x10240xi32, #tpu.memory_space<hbm>> -> memref<1x64xi32, #tpu.memory_space<hbm>>
    %dma_wait3A_92 = tpu.memref_squeeze %dma_wait3A_91 : memref<1x64xi32, #tpu.memory_space<hbm>> -> memref<64xi32, #tpu.memory_space<hbm>>
    %dma_wait3A_93 = arith.constant 192 : i32
    %dma_wait3A_94 = tpu.memref_slice %arg3[%add3A, %dma_wait3A_93] : memref<32x10240xi32, #tpu.memory_space<hbm>> -> memref<1x64xi32, #tpu.memory_space<hbm>>
    %dma_wait3A_95 = tpu.memref_squeeze %dma_wait3A_94 : memref<1x64xi32, #tpu.memory_space<hbm>> -> memref<64xi32, #tpu.memory_space<hbm>>
    tpu.wait_dma2 semaphore(%arg31 : memref<!tpu.dma_semaphore, #tpu.memory_space<semaphore_mem>>) src(%dma_wait3A_95 : memref<64xi32, #tpu.memory_space<hbm>>) dst(%arg16 : memref<64xi32, #tpu.memory_space<vmem>>)
    %scan3A_96 = arith.constant 0 : i32
    %scan3A_97 = arith.constant 4 : i32
    %scan3A_98 = arith.addi %scan3A_96, %scan3A_97 : i32
    %scan3A_99 = arith.constant 1 : i32
    scf.for %scan3A_218 = %scan3A_96 to %scan3A_98 step %scan3A_99  : i32 {
      %mul3A_219 = arith.constant 16 : i32
      %mul3A_220 = arith.muli %scan3A_218, %mul3A_219 : i32
      %get3A = arith.index_cast %mul3A_220 : i32 to index
      %get3A_221 = tpu.vector_load %arg16[%get3A] {strides = array<i32>} : memref<64xi32, #tpu.memory_space<vmem>>, vector<16xi32>,
      %shift_right_logical3A = arith.constant 14 : i32
      %shift_right_logical3A_222 = vector.broadcast %shift_right_logical3A : i32 to vector<16xi32>
      %shift_right_logical3A_223 = arith.shrui %get3A_221, %shift_right_logical3A_222 : vector<16xi32>
      %mul3A_224 = arith.constant 16 : i32
      %mul3A_225 = arith.muli %scan3A_218, %mul3A_224 : i32
      %swap3A = arith.index_cast %mul3A_225 : i32 to index
      %swap3A_226 = tpu.vector_load %arg21[%swap3A] {strides = array<i32>} : memref<64xi32, #tpu.memory_space<vmem>>, vector<16xi32>,
      tpu.vector_store %arg21[%swap3A], %shift_right_logical3A_223 {strides = array<i32>} : memref<64xi32, #tpu.memory_space<vmem>>, vector<16xi32>,
      %and3A = arith.constant 16383 : i32
      %and3A_227 = vector.broadcast %and3A : i32 to vector<16xi32>
      %and3A_228 = arith.andi %get3A_221, %and3A_227 : vector<16xi32>
      %mul3A_229 = arith.constant 16 : i32
      %mul3A_230 = arith.muli %scan3A_218, %mul3A_229 : i32
      %swap3A_231 = arith.index_cast %mul3A_230 : i32 to index
      %swap3A_232 = tpu.vector_load %arg26[%swap3A_231] {strides = array<i32>} : memref<64xi32, #tpu.memory_space<vmem>>, vector<16xi32>,
      tpu.vector_store %arg26[%swap3A_231], %and3A_228 {strides = array<i32>} : memref<64xi32, #tpu.memory_space<vmem>>, vector<16xi32>,
    }
    %scan3A_100 = arith.constant 4 : i32
    %dma_start3A_101 = arith.constant 512 : i32
    %dma_start3A_102 = tpu.memref_slice %arg3[%add3A, %dma_start3A_101] : memref<32x10240xi32, #tpu.memory_space<hbm>> -> memref<1x64xi32, #tpu.memory_space<hbm>>
    %dma_start3A_103 = tpu.memref_squeeze %dma_start3A_102 : memref<1x64xi32, #tpu.memory_space<hbm>> -> memref<64xi32, #tpu.memory_space<hbm>>
    %dma_start3A_104 = arith.constant 512 : i32
    %dma_start3A_105 = tpu.memref_slice %arg3[%add3A, %dma_start3A_104] : memref<32x10240xi32, #tpu.memory_space<hbm>> -> memref<1x64xi32, #tpu.memory_space<hbm>>
    %dma_start3A_106 = tpu.memref_squeeze %dma_start3A_105 : memref<1x64xi32, #tpu.memory_space<hbm>> -> memref<64xi32, #tpu.memory_space<hbm>>
    tpu.enqueue_dma source(%dma_start3A_106 : memref<64xi32, #tpu.memory_space<hbm>>) target(%arg16 : memref<64xi32, #tpu.memory_space<vmem>>) target_semaphore(%arg31 : memref<!tpu.dma_semaphore, #tpu.memory_space<semaphore_mem>>)
    %dma_start3A_107 = arith.constant 0 : i32
    %dma_start3A_108 = arith.constant 0 : i32
    %dma_start3A_109 = tpu.memref_slice %arg2[%dma_start3A_107, %dma_start3A_108] : memref<10240x128xf32, #tpu.memory_space<hbm>> -> memref<10240x128xf32, #tpu.memory_space<hbm>>
    tpu.enqueue_indirect_dma source(%dma_start3A_109 : memref<10240x128xf32, #tpu.memory_space<hbm>>) target(%arg11 : memref<64x128xf32, #tpu.memory_space<vmem>>) offsets(%arg21 : memref<64xi32, #tpu.memory_space<vmem>>) semaphore(%arg36 : memref<!tpu.dma_semaphore, #tpu.memory_space<semaphore_mem>>)
    %dma_wait3A_110 = arith.constant 256 : i32
    %dma_wait3A_111 = tpu.memref_slice %arg3[%add3A, %dma_wait3A_110] : memref<32x10240xi32, #tpu.memory_space<hbm>> -> memref<1x64xi32, #tpu.memory_space<hbm>>
    %dma_wait3A_112 = tpu.memref_squeeze %dma_wait3A_111 : memref<1x64xi32, #tpu.memory_space<hbm>> -> memref<64xi32, #tpu.memory_space<hbm>>
    %dma_wait3A_113 = arith.constant 256 : i32
    %dma_wait3A_114 = tpu.memref_slice %arg3[%add3A, %dma_wait3A_113] : memref<32x10240xi32, #tpu.memory_space<hbm>> -> memref<1x64xi32, #tpu.memory_space<hbm>>
    %dma_wait3A_115 = tpu.memref_squeeze %dma_wait3A_114 : memref<1x64xi32, #tpu.memory_space<hbm>> -> memref<64xi32, #tpu.memory_space<hbm>>
    tpu.wait_dma2 semaphore(%arg32 : memref<!tpu.dma_semaphore, #tpu.memory_space<semaphore_mem>>) src(%dma_wait3A_115 : memref<64xi32, #tpu.memory_space<hbm>>) dst(%arg17 : memref<64xi32, #tpu.memory_space<vmem>>)
    %scan3A_116 = arith.constant 0 : i32
    %scan3A_117 = arith.constant 4 : i32
    %scan3A_118 = arith.addi %scan3A_116, %scan3A_117 : i32
    %scan3A_119 = arith.constant 1 : i32
    scf.for %scan3A_218 = %scan3A_116 to %scan3A_118 step %scan3A_119  : i32 {
      %mul3A_219 = arith.constant 16 : i32
      %mul3A_220 = arith.muli %scan3A_218, %mul3A_219 : i32
      %get3A = arith.index_cast %mul3A_220 : i32 to index
      %get3A_221 = tpu.vector_load %arg17[%get3A] {strides = array<i32>} : memref<64xi32, #tpu.memory_space<vmem>>, vector<16xi32>,
      %shift_right_logical3A = arith.constant 14 : i32
      %shift_right_logical3A_222 = vector.broadcast %shift_right_logical3A : i32 to vector<16xi32>
      %shift_right_logical3A_223 = arith.shrui %get3A_221, %shift_right_logical3A_222 : vector<16xi32>
      %mul3A_224 = arith.constant 16 : i32
      %mul3A_225 = arith.muli %scan3A_218, %mul3A_224 : i32
      %swap3A = arith.index_cast %mul3A_225 : i32 to index
      %swap3A_226 = tpu.vector_load %arg22[%swap3A] {strides = array<i32>} : memref<64xi32, #tpu.memory_space<vmem>>, vector<16xi32>,
      tpu.vector_store %arg22[%swap3A], %shift_right_logical3A_223 {strides = array<i32>} : memref<64xi32, #tpu.memory_space<vmem>>, vector<16xi32>,
      %and3A = arith.constant 16383 : i32
      %and3A_227 = vector.broadcast %and3A : i32 to vector<16xi32>
      %and3A_228 = arith.andi %get3A_221, %and3A_227 : vector<16xi32>
      %mul3A_229 = arith.constant 16 : i32
      %mul3A_230 = arith.muli %scan3A_218, %mul3A_229 : i32
      %swap3A_231 = arith.index_cast %mul3A_230 : i32 to index
      %swap3A_232 = tpu.vector_load %arg27[%swap3A_231] {strides = array<i32>} : memref<64xi32, #tpu.memory_space<vmem>>, vector<16xi32>,
      tpu.vector_store %arg27[%swap3A_231], %and3A_228 {strides = array<i32>} : memref<64xi32, #tpu.memory_space<vmem>>, vector<16xi32>,
    }
    %scan3A_120 = arith.constant 4 : i32
    %dma_start3A_121 = arith.constant 576 : i32
    %dma_start3A_122 = tpu.memref_slice %arg3[%add3A, %dma_start3A_121] : memref<32x10240xi32, #tpu.memory_space<hbm>> -> memref<1x64xi32, #tpu.memory_space<hbm>>
    %dma_start3A_123 = tpu.memref_squeeze %dma_start3A_122 : memref<1x64xi32, #tpu.memory_space<hbm>> -> memref<64xi32, #tpu.memory_space<hbm>>
    %dma_start3A_124 = arith.constant 576 : i32
    %dma_start3A_125 = tpu.memref_slice %arg3[%add3A, %dma_start3A_124] : memref<32x10240xi32, #tpu.memory_space<hbm>> -> memref<1x64xi32, #tpu.memory_space<hbm>>
    %dma_start3A_126 = tpu.memref_squeeze %dma_start3A_125 : memref<1x64xi32, #tpu.memory_space<hbm>> -> memref<64xi32, #tpu.memory_space<hbm>>
    tpu.enqueue_dma source(%dma_start3A_126 : memref<64xi32, #tpu.memory_space<hbm>>) target(%arg17 : memref<64xi32, #tpu.memory_space<vmem>>) target_semaphore(%arg32 : memref<!tpu.dma_semaphore, #tpu.memory_space<semaphore_mem>>)
    %dma_start3A_127 = arith.constant 0 : i32
    %dma_start3A_128 = arith.constant 0 : i32
    %dma_start3A_129 = tpu.memref_slice %arg2[%dma_start3A_127, %dma_start3A_128] : memref<10240x128xf32, #tpu.memory_space<hbm>> -> memref<10240x128xf32, #tpu.memory_space<hbm>>
    tpu.enqueue_indirect_dma source(%dma_start3A_129 : memref<10240x128xf32, #tpu.memory_space<hbm>>) target(%arg12 : memref<64x128xf32, #tpu.memory_space<vmem>>) offsets(%arg22 : memref<64xi32, #tpu.memory_space<vmem>>) semaphore(%arg37 : memref<!tpu.dma_semaphore, #tpu.memory_space<semaphore_mem>>)
    %scan3A_130 = arith.constant 0 : i32
    %scan3A_131 = arith.constant 31 : i32
    %scan3A_132 = arith.addi %scan3A_130, %scan3A_131 : i32
    %scan3A_133 = arith.constant 1 : i32
    scf.for %scan3A_218 = %scan3A_130 to %scan3A_132 step %scan3A_133  : i32 {
      %mul3A_219 = arith.constant 5 : i32
      %mul3A_220 = arith.muli %mul3A_219, %scan3A_218 : i32
      %dma_wait3A_221 = arith.constant 0 : i32
      %dma_wait3A_222 = arith.constant 0 : i32
      %dma_wait3A_223 = tpu.memref_slice %arg2[%dma_wait3A_221, %dma_wait3A_222] : memref<10240x128xf32, #tpu.memory_space<hbm>> -> memref<10240x128xf32, #tpu.memory_space<hbm>>
      tpu.wait_indirect_dma semaphore(%arg33 : memref<!tpu.dma_semaphore, #tpu.memory_space<semaphore_mem>>) src(%dma_wait3A_223 : memref<10240x128xf32, #tpu.memory_space<hbm>>) dst(%arg8 : memref<64x128xf32, #tpu.memory_space<vmem>>)
      %dma_start3A_224 = arith.constant 0 : i32
      %dma_start3A_225 = arith.constant 0 : i32
      %dma_start3A_226 = tpu.memref_slice %arg7[%dma_start3A_224, %dma_start3A_225] : memref<10240x128xf32, #tpu.memory_space<vmem_shared>> -> memref<10240x128xf32, #tpu.memory_space<vmem_shared>>
      tpu.enqueue_indirect_dma source(%arg8 : memref<64x128xf32, #tpu.memory_space<vmem>>) target(%dma_start3A_226 : memref<10240x128xf32, #tpu.memory_space<vmem_shared>>) offsets(%arg23 : memref<64xi32, #tpu.memory_space<vmem>>) semaphore(%arg38 : memref<!tpu.dma_semaphore, #tpu.memory_space<semaphore_mem>>) {add = true}
      %dma_wait3A_227 = arith.constant 0 : i32
      %dma_wait3A_228 = arith.constant 0 : i32
      %dma_wait3A_229 = tpu.memref_slice %arg2[%dma_wait3A_227, %dma_wait3A_228] : memref<10240x128xf32, #tpu.memory_space<hbm>> -> memref<10240x128xf32, #tpu.memory_space<hbm>>
      tpu.wait_indirect_dma semaphore(%arg34 : memref<!tpu.dma_semaphore, #tpu.memory_space<semaphore_mem>>) src(%dma_wait3A_229 : memref<10240x128xf32, #tpu.memory_space<hbm>>) dst(%arg9 : memref<64x128xf32, #tpu.memory_space<vmem>>)
      %dma_start3A_230 = arith.constant 0 : i32
      %dma_start3A_231 = arith.constant 0 : i32
      %dma_start3A_232 = tpu.memref_slice %arg7[%dma_start3A_230, %dma_start3A_231] : memref<10240x128xf32, #tpu.memory_space<vmem_shared>> -> memref<10240x128xf32, #tpu.memory_space<vmem_shared>>
      tpu.enqueue_indirect_dma source(%arg9 : memref<64x128xf32, #tpu.memory_space<vmem>>) target(%dma_start3A_232 : memref<10240x128xf32, #tpu.memory_space<vmem_shared>>) offsets(%arg24 : memref<64xi32, #tpu.memory_space<vmem>>) semaphore(%arg39 : memref<!tpu.dma_semaphore, #tpu.memory_space<semaphore_mem>>) {add = true}
      %dma_wait3A_233 = arith.constant 0 : i32
      %dma_wait3A_234 = arith.constant 0 : i32
      %dma_wait3A_235 = tpu.memref_slice %arg2[%dma_wait3A_233, %dma_wait3A_234] : memref<10240x128xf32, #tpu.memory_space<hbm>> -> memref<10240x128xf32, #tpu.memory_space<hbm>>
      tpu.wait_indirect_dma semaphore(%arg35 : memref<!tpu.dma_semaphore, #tpu.memory_space<semaphore_mem>>) src(%dma_wait3A_235 : memref<10240x128xf32, #tpu.memory_space<hbm>>) dst(%arg10 : memref<64x128xf32, #tpu.memory_space<vmem>>)
      %dma_start3A_236 = arith.constant 0 : i32
      %dma_start3A_237 = arith.constant 0 : i32
      %dma_start3A_238 = tpu.memref_slice %arg7[%dma_start3A_236, %dma_start3A_237] : memref<10240x128xf32, #tpu.memory_space<vmem_shared>> -> memref<10240x128xf32, #tpu.memory_space<vmem_shared>>
      tpu.enqueue_indirect_dma source(%arg10 : memref<64x128xf32, #tpu.memory_space<vmem>>) target(%dma_start3A_238 : memref<10240x128xf32, #tpu.memory_space<vmem_shared>>) offsets(%arg25 : memref<64xi32, #tpu.memory_space<vmem>>) semaphore(%arg40 : memref<!tpu.dma_semaphore, #tpu.memory_space<semaphore_mem>>) {add = true}
      %dma_wait3A_239 = arith.constant 0 : i32
      %dma_wait3A_240 = arith.constant 0 : i32
      %dma_wait3A_241 = tpu.memref_slice %arg2[%dma_wait3A_239, %dma_wait3A_240] : memref<10240x128xf32, #tpu.memory_space<hbm>> -> memref<10240x128xf32, #tpu.memory_space<hbm>>
      tpu.wait_indirect_dma semaphore(%arg36 : memref<!tpu.dma_semaphore, #tpu.memory_space<semaphore_mem>>) src(%dma_wait3A_241 : memref<10240x128xf32, #tpu.memory_space<hbm>>) dst(%arg11 : memref<64x128xf32, #tpu.memory_space<vmem>>)
      %dma_start3A_242 = arith.constant 0 : i32
      %dma_start3A_243 = arith.constant 0 : i32
      %dma_start3A_244 = tpu.memref_slice %arg7[%dma_start3A_242, %dma_start3A_243] : memref<10240x128xf32, #tpu.memory_space<vmem_shared>> -> memref<10240x128xf32, #tpu.memory_space<vmem_shared>>
      tpu.enqueue_indirect_dma source(%arg11 : memref<64x128xf32, #tpu.memory_space<vmem>>) target(%dma_start3A_244 : memref<10240x128xf32, #tpu.memory_space<vmem_shared>>) offsets(%arg26 : memref<64xi32, #tpu.memory_space<vmem>>) semaphore(%arg41 : memref<!tpu.dma_semaphore, #tpu.memory_space<semaphore_mem>>) {add = true}
      %dma_wait3A_245 = arith.constant 0 : i32
      %dma_wait3A_246 = arith.constant 0 : i32
      %dma_wait3A_247 = tpu.memref_slice %arg2[%dma_wait3A_245, %dma_wait3A_246] : memref<10240x128xf32, #tpu.memory_space<hbm>> -> memref<10240x128xf32, #tpu.memory_space<hbm>>
      tpu.wait_indirect_dma semaphore(%arg37 : memref<!tpu.dma_semaphore, #tpu.memory_space<semaphore_mem>>) src(%dma_wait3A_247 : memref<10240x128xf32, #tpu.memory_space<hbm>>) dst(%arg12 : memref<64x128xf32, #tpu.memory_space<vmem>>)
      %dma_start3A_248 = arith.constant 0 : i32
      %dma_start3A_249 = arith.constant 0 : i32
      %dma_start3A_250 = tpu.memref_slice %arg7[%dma_start3A_248, %dma_start3A_249] : memref<10240x128xf32, #tpu.memory_space<vmem_shared>> -> memref<10240x128xf32, #tpu.memory_space<vmem_shared>>
      tpu.enqueue_indirect_dma source(%arg12 : memref<64x128xf32, #tpu.memory_space<vmem>>) target(%dma_start3A_250 : memref<10240x128xf32, #tpu.memory_space<vmem_shared>>) offsets(%arg27 : memref<64xi32, #tpu.memory_space<vmem>>) semaphore(%arg42 : memref<!tpu.dma_semaphore, #tpu.memory_space<semaphore_mem>>) {add = true}
      %dma_wait3A_251 = arith.constant 0 : i32
      %dma_wait3A_252 = arith.constant 0 : i32
      %dma_wait3A_253 = tpu.memref_slice %arg7[%dma_wait3A_251, %dma_wait3A_252] : memref<10240x128xf32, #tpu.memory_space<vmem_shared>> -> memref<10240x128xf32, #tpu.memory_space<vmem_shared>>
      tpu.wait_indirect_dma semaphore(%arg38 : memref<!tpu.dma_semaphore, #tpu.memory_space<semaphore_mem>>) src(%arg8 : memref<64x128xf32, #tpu.memory_space<vmem>>) dst(%dma_wait3A_253 : memref<10240x128xf32, #tpu.memory_space<vmem_shared>>)
      %add3A_254 = arith.constant 5 : i32
      %add3A_255 = arith.addi %mul3A_220, %add3A_254 : i32
      %add3A_256 = arith.constant 0 : i32
      %add3A_257 = arith.addi %add3A_255, %add3A_256 : i32
      %mul3A_258 = arith.constant 64 : i32
      %mul3A_259 = arith.muli %add3A_257, %mul3A_258 : i32
      %dma_wait3A_260 = tpu.memref_slice %arg3[%add3A, %mul3A_259] : memref<32x10240xi32, #tpu.memory_space<hbm>> -> memref<1x64xi32, #tpu.memory_space<hbm>>
      %dma_wait3A_261 = tpu.memref_squeeze %dma_wait3A_260 : memref<1x64xi32, #tpu.memory_space<hbm>> -> memref<64xi32, #tpu.memory_space<hbm>>
      %dma_wait3A_262 = tpu.memref_slice %arg3[%add3A, %mul3A_259] : memref<32x10240xi32, #tpu.memory_space<hbm>> -> memref<1x64xi32, #tpu.memory_space<hbm>>
      %dma_wait3A_263 = tpu.memref_squeeze %dma_wait3A_262 : memref<1x64xi32, #tpu.memory_space<hbm>> -> memref<64xi32, #tpu.memory_space<hbm>>
      tpu.wait_dma2 semaphore(%arg28 : memref<!tpu.dma_semaphore, #tpu.memory_space<semaphore_mem>>) src(%dma_wait3A_263 : memref<64xi32, #tpu.memory_space<hbm>>) dst(%arg13 : memref<64xi32, #tpu.memory_space<vmem>>)
      %scan3A_264 = arith.constant 0 : i32
      %scan3A_265 = arith.constant 4 : i32
      %scan3A_266 = arith.addi %scan3A_264, %scan3A_265 : i32
      %scan3A_267 = arith.constant 1 : i32
      scf.for %scan3A_415 = %scan3A_264 to %scan3A_266 step %scan3A_267  : i32 {
        %mul3A_416 = arith.constant 16 : i32
        %mul3A_417 = arith.muli %scan3A_415, %mul3A_416 : i32
        %get3A = arith.index_cast %mul3A_417 : i32 to index
        %get3A_418 = tpu.vector_load %arg13[%get3A] {strides = array<i32>} : memref<64xi32, #tpu.memory_space<vmem>>, vector<16xi32>,
        %shift_right_logical3A = arith.constant 14 : i32
        %shift_right_logical3A_419 = vector.broadcast %shift_right_logical3A : i32 to vector<16xi32>
        %shift_right_logical3A_420 = arith.shrui %get3A_418, %shift_right_logical3A_419 : vector<16xi32>
        %mul3A_421 = arith.constant 16 : i32
        %mul3A_422 = arith.muli %scan3A_415, %mul3A_421 : i32
        %swap3A = arith.index_cast %mul3A_422 : i32 to index
        %swap3A_423 = tpu.vector_load %arg18[%swap3A] {strides = array<i32>} : memref<64xi32, #tpu.memory_space<vmem>>, vector<16xi32>,
        tpu.vector_store %arg18[%swap3A], %shift_right_logical3A_420 {strides = array<i32>} : memref<64xi32, #tpu.memory_space<vmem>>, vector<16xi32>,
        %and3A = arith.constant 16383 : i32
        %and3A_424 = vector.broadcast %and3A : i32 to vector<16xi32>
        %and3A_425 = arith.andi %get3A_418, %and3A_424 : vector<16xi32>
        %mul3A_426 = arith.constant 16 : i32
        %mul3A_427 = arith.muli %scan3A_415, %mul3A_426 : i32
        %swap3A_428 = arith.index_cast %mul3A_427 : i32 to index
        %swap3A_429 = tpu.vector_load %arg23[%swap3A_428] {strides = array<i32>} : memref<64xi32, #tpu.memory_space<vmem>>, vector<16xi32>,
        tpu.vector_store %arg23[%swap3A_428], %and3A_425 {strides = array<i32>} : memref<64xi32, #tpu.memory_space<vmem>>, vector<16xi32>,
      }
      %scan3A_268 = arith.constant 4 : i32
      %add3A_269 = arith.constant 10 : i32
      %add3A_270 = arith.addi %mul3A_220, %add3A_269 : i32
      %add3A_271 = arith.constant 0 : i32
      %add3A_272 = arith.addi %add3A_270, %add3A_271 : i32
      %min3A = arith.constant 159 : i32
      %min3A_273 = arith.minsi %add3A_272, %min3A : i32
      %mul3A_274 = arith.constant 64 : i32
      %mul3A_275 = arith.muli %min3A_273, %mul3A_274 : i32
      %dma_start3A_276 = tpu.memref_slice %arg3[%add3A, %mul3A_275] : memref<32x10240xi32, #tpu.memory_space<hbm>> -> memref<1x64xi32, #tpu.memory_space<hbm>>
      %dma_start3A_277 = tpu.memref_squeeze %dma_start3A_276 : memref<1x64xi32, #tpu.memory_space<hbm>> -> memref<64xi32, #tpu.memory_space<hbm>>
      %dma_start3A_278 = tpu.memref_slice %arg3[%add3A, %mul3A_275] : memref<32x10240xi32, #tpu.memory_space<hbm>> -> memref<1x64xi32, #tpu.memory_space<hbm>>
      %dma_start3A_279 = tpu.memref_squeeze %dma_start3A_278 : memref<1x64xi32, #tpu.memory_space<hbm>> -> memref<64xi32, #tpu.memory_space<hbm>>
      tpu.enqueue_dma source(%dma_start3A_279 : memref<64xi32, #tpu.memory_space<hbm>>) target(%arg13 : memref<64xi32, #tpu.memory_space<vmem>>) target_semaphore(%arg28 : memref<!tpu.dma_semaphore, #tpu.memory_space<semaphore_mem>>)
      %dma_start3A_280 = arith.constant 0 : i32
      %dma_start3A_281 = arith.constant 0 : i32
      %dma_start3A_282 = tpu.memref_slice %arg2[%dma_start3A_280, %dma_start3A_281] : memref<10240x128xf32, #tpu.memory_space<hbm>> -> memref<10240x128xf32, #tpu.memory_space<hbm>>
      tpu.enqueue_indirect_dma source(%dma_start3A_282 : memref<10240x128xf32, #tpu.memory_space<hbm>>) target(%arg8 : memref<64x128xf32, #tpu.memory_space<vmem>>) offsets(%arg18 : memref<64xi32, #tpu.memory_space<vmem>>) semaphore(%arg33 : memref<!tpu.dma_semaphore, #tpu.memory_space<semaphore_mem>>)
      %dma_wait3A_283 = arith.constant 0 : i32
      %dma_wait3A_284 = arith.constant 0 : i32
      %dma_wait3A_285 = tpu.memref_slice %arg7[%dma_wait3A_283, %dma_wait3A_284] : memref<10240x128xf32, #tpu.memory_space<vmem_shared>> -> memref<10240x128xf32, #tpu.memory_space<vmem_shared>>
      tpu.wait_indirect_dma semaphore(%arg39 : memref<!tpu.dma_semaphore, #tpu.memory_space<semaphore_mem>>) src(%arg9 : memref<64x128xf32, #tpu.memory_space<vmem>>) dst(%dma_wait3A_285 : memref<10240x128xf32, #tpu.memory_space<vmem_shared>>)
      %add3A_286 = arith.constant 5 : i32
      %add3A_287 = arith.addi %mul3A_220, %add3A_286 : i32
      %add3A_288 = arith.constant 1 : i32
      %add3A_289 = arith.addi %add3A_287, %add3A_288 : i32
      %mul3A_290 = arith.constant 64 : i32
      %mul3A_291 = arith.muli %add3A_289, %mul3A_290 : i32
      %dma_wait3A_292 = tpu.memref_slice %arg3[%add3A, %mul3A_291] : memref<32x10240xi32, #tpu.memory_space<hbm>> -> memref<1x64xi32, #tpu.memory_space<hbm>>
      %dma_wait3A_293 = tpu.memref_squeeze %dma_wait3A_292 : memref<1x64xi32, #tpu.memory_space<hbm>> -> memref<64xi32, #tpu.memory_space<hbm>>
      %dma_wait3A_294 = tpu.memref_slice %arg3[%add3A, %mul3A_291] : memref<32x10240xi32, #tpu.memory_space<hbm>> -> memref<1x64xi32, #tpu.memory_space<hbm>>
      %dma_wait3A_295 = tpu.memref_squeeze %dma_wait3A_294 : memref<1x64xi32, #tpu.memory_space<hbm>> -> memref<64xi32, #tpu.memory_space<hbm>>
      tpu.wait_dma2 semaphore(%arg29 : memref<!tpu.dma_semaphore, #tpu.memory_space<semaphore_mem>>) src(%dma_wait3A_295 : memref<64xi32, #tpu.memory_space<hbm>>) dst(%arg14 : memref<64xi32, #tpu.memory_space<vmem>>)
      %scan3A_296 = arith.constant 0 : i32
      %scan3A_297 = arith.constant 4 : i32
      %scan3A_298 = arith.addi %scan3A_296, %scan3A_297 : i32
      %scan3A_299 = arith.constant 1 : i32
      scf.for %scan3A_415 = %scan3A_296 to %scan3A_298 step %scan3A_299  : i32 {
        %mul3A_416 = arith.constant 16 : i32
        %mul3A_417 = arith.muli %scan3A_415, %mul3A_416 : i32
        %get3A = arith.index_cast %mul3A_417 : i32 to index
        %get3A_418 = tpu.vector_load %arg14[%get3A] {strides = array<i32>} : memref<64xi32, #tpu.memory_space<vmem>>, vector<16xi32>,
        %shift_right_logical3A = arith.constant 14 : i32
        %shift_right_logical3A_419 = vector.broadcast %shift_right_logical3A : i32 to vector<16xi32>
        %shift_right_logical3A_420 = arith.shrui %get3A_418, %shift_right_logical3A_419 : vector<16xi32>
        %mul3A_421 = arith.constant 16 : i32
        %mul3A_422 = arith.muli %scan3A_415, %mul3A_421 : i32
        %swap3A = arith.index_cast %mul3A_422 : i32 to index
        %swap3A_423 = tpu.vector_load %arg19[%swap3A] {strides = array<i32>} : memref<64xi32, #tpu.memory_space<vmem>>, vector<16xi32>,
        tpu.vector_store %arg19[%swap3A], %shift_right_logical3A_420 {strides = array<i32>} : memref<64xi32, #tpu.memory_space<vmem>>, vector<16xi32>,
        %and3A = arith.constant 16383 : i32
        %and3A_424 = vector.broadcast %and3A : i32 to vector<16xi32>
        %and3A_425 = arith.andi %get3A_418, %and3A_424 : vector<16xi32>
        %mul3A_426 = arith.constant 16 : i32
        %mul3A_427 = arith.muli %scan3A_415, %mul3A_426 : i32
        %swap3A_428 = arith.index_cast %mul3A_427 : i32 to index
        %swap3A_429 = tpu.vector_load %arg24[%swap3A_428] {strides = array<i32>} : memref<64xi32, #tpu.memory_space<vmem>>, vector<16xi32>,
        tpu.vector_store %arg24[%swap3A_428], %and3A_425 {strides = array<i32>} : memref<64xi32, #tpu.memory_space<vmem>>, vector<16xi32>,
      }
      %scan3A_300 = arith.constant 4 : i32
      %add3A_301 = arith.constant 10 : i32
      %add3A_302 = arith.addi %mul3A_220, %add3A_301 : i32
      %add3A_303 = arith.constant 1 : i32
      %add3A_304 = arith.addi %add3A_302, %add3A_303 : i32
      %min3A_305 = arith.constant 159 : i32
      %min3A_306 = arith.minsi %add3A_304, %min3A_305 : i32
      %mul3A_307 = arith.constant 64 : i32
      %mul3A_308 = arith.muli %min3A_306, %mul3A_307 : i32
      %dma_start3A_309 = tpu.memref_slice %arg3[%add3A, %mul3A_308] : memref<32x10240xi32, #tpu.memory_space<hbm>> -> memref<1x64xi32, #tpu.memory_space<hbm>>
      %dma_start3A_310 = tpu.memref_squeeze %dma_start3A_309 : memref<1x64xi32, #tpu.memory_space<hbm>> -> memref<64xi32, #tpu.memory_space<hbm>>
      %dma_start3A_311 = tpu.memref_slice %arg3[%add3A, %mul3A_308] : memref<32x10240xi32, #tpu.memory_space<hbm>> -> memref<1x64xi32, #tpu.memory_space<hbm>>
      %dma_start3A_312 = tpu.memref_squeeze %dma_start3A_311 : memref<1x64xi32, #tpu.memory_space<hbm>> -> memref<64xi32, #tpu.memory_space<hbm>>
      tpu.enqueue_dma source(%dma_start3A_312 : memref<64xi32, #tpu.memory_space<hbm>>) target(%arg14 : memref<64xi32, #tpu.memory_space<vmem>>) target_semaphore(%arg29 : memref<!tpu.dma_semaphore, #tpu.memory_space<semaphore_mem>>)
      %dma_start3A_313 = arith.constant 0 : i32
      %dma_start3A_314 = arith.constant 0 : i32
      %dma_start3A_315 = tpu.memref_slice %arg2[%dma_start3A_313, %dma_start3A_314] : memref<10240x128xf32, #tpu.memory_space<hbm>> -> memref<10240x128xf32, #tpu.memory_space<hbm>>
      tpu.enqueue_indirect_dma source(%dma_start3A_315 : memref<10240x128xf32, #tpu.memory_space<hbm>>) target(%arg9 : memref<64x128xf32, #tpu.memory_space<vmem>>) offsets(%arg19 : memref<64xi32, #tpu.memory_space<vmem>>) semaphore(%arg34 : memref<!tpu.dma_semaphore, #tpu.memory_space<semaphore_mem>>)
      %dma_wait3A_316 = arith.constant 0 : i32
      %dma_wait3A_317 = arith.constant 0 : i32
      %dma_wait3A_318 = tpu.memref_slice %arg7[%dma_wait3A_316, %dma_wait3A_317] : memref<10240x128xf32, #tpu.memory_space<vmem_shared>> -> memref<10240x128xf32, #tpu.memory_space<vmem_shared>>
      tpu.wait_indirect_dma semaphore(%arg40 : memref<!tpu.dma_semaphore, #tpu.memory_space<semaphore_mem>>) src(%arg10 : memref<64x128xf32, #tpu.memory_space<vmem>>) dst(%dma_wait3A_318 : memref<10240x128xf32, #tpu.memory_space<vmem_shared>>)
      %add3A_319 = arith.constant 5 : i32
      %add3A_320 = arith.addi %mul3A_220, %add3A_319 : i32
      %add3A_321 = arith.constant 2 : i32
      %add3A_322 = arith.addi %add3A_320, %add3A_321 : i32
      %mul3A_323 = arith.constant 64 : i32
      %mul3A_324 = arith.muli %add3A_322, %mul3A_323 : i32
      %dma_wait3A_325 = tpu.memref_slice %arg3[%add3A, %mul3A_324] : memref<32x10240xi32, #tpu.memory_space<hbm>> -> memref<1x64xi32, #tpu.memory_space<hbm>>
      %dma_wait3A_326 = tpu.memref_squeeze %dma_wait3A_325 : memref<1x64xi32, #tpu.memory_space<hbm>> -> memref<64xi32, #tpu.memory_space<hbm>>
      %dma_wait3A_327 = tpu.memref_slice %arg3[%add3A, %mul3A_324] : memref<32x10240xi32, #tpu.memory_space<hbm>> -> memref<1x64xi32, #tpu.memory_space<hbm>>
      %dma_wait3A_328 = tpu.memref_squeeze %dma_wait3A_327 : memref<1x64xi32, #tpu.memory_space<hbm>> -> memref<64xi32, #tpu.memory_space<hbm>>
      tpu.wait_dma2 semaphore(%arg30 : memref<!tpu.dma_semaphore, #tpu.memory_space<semaphore_mem>>) src(%dma_wait3A_328 : memref<64xi32, #tpu.memory_space<hbm>>) dst(%arg15 : memref<64xi32, #tpu.memory_space<vmem>>)
      %scan3A_329 = arith.constant 0 : i32
      %scan3A_330 = arith.constant 4 : i32
      %scan3A_331 = arith.addi %scan3A_329, %scan3A_330 : i32
      %scan3A_332 = arith.constant 1 : i32
      scf.for %scan3A_415 = %scan3A_329 to %scan3A_331 step %scan3A_332  : i32 {
        %mul3A_416 = arith.constant 16 : i32
        %mul3A_417 = arith.muli %scan3A_415, %mul3A_416 : i32
        %get3A = arith.index_cast %mul3A_417 : i32 to index
        %get3A_418 = tpu.vector_load %arg15[%get3A] {strides = array<i32>} : memref<64xi32, #tpu.memory_space<vmem>>, vector<16xi32>,
        %shift_right_logical3A = arith.constant 14 : i32
        %shift_right_logical3A_419 = vector.broadcast %shift_right_logical3A : i32 to vector<16xi32>
        %shift_right_logical3A_420 = arith.shrui %get3A_418, %shift_right_logical3A_419 : vector<16xi32>
        %mul3A_421 = arith.constant 16 : i32
        %mul3A_422 = arith.muli %scan3A_415, %mul3A_421 : i32
        %swap3A = arith.index_cast %mul3A_422 : i32 to index
        %swap3A_423 = tpu.vector_load %arg20[%swap3A] {strides = array<i32>} : memref<64xi32, #tpu.memory_space<vmem>>, vector<16xi32>,
        tpu.vector_store %arg20[%swap3A], %shift_right_logical3A_420 {strides = array<i32>} : memref<64xi32, #tpu.memory_space<vmem>>, vector<16xi32>,
        %and3A = arith.constant 16383 : i32
        %and3A_424 = vector.broadcast %and3A : i32 to vector<16xi32>
        %and3A_425 = arith.andi %get3A_418, %and3A_424 : vector<16xi32>
        %mul3A_426 = arith.constant 16 : i32
        %mul3A_427 = arith.muli %scan3A_415, %mul3A_426 : i32
        %swap3A_428 = arith.index_cast %mul3A_427 : i32 to index
        %swap3A_429 = tpu.vector_load %arg25[%swap3A_428] {strides = array<i32>} : memref<64xi32, #tpu.memory_space<vmem>>, vector<16xi32>,
        tpu.vector_store %arg25[%swap3A_428], %and3A_425 {strides = array<i32>} : memref<64xi32, #tpu.memory_space<vmem>>, vector<16xi32>,
      }
      %scan3A_333 = arith.constant 4 : i32
      %add3A_334 = arith.constant 10 : i32
      %add3A_335 = arith.addi %mul3A_220, %add3A_334 : i32
      %add3A_336 = arith.constant 2 : i32
      %add3A_337 = arith.addi %add3A_335, %add3A_336 : i32
      %min3A_338 = arith.constant 159 : i32
      %min3A_339 = arith.minsi %add3A_337, %min3A_338 : i32
      %mul3A_340 = arith.constant 64 : i32
      %mul3A_341 = arith.muli %min3A_339, %mul3A_340 : i32
      %dma_start3A_342 = tpu.memref_slice %arg3[%add3A, %mul3A_341] : memref<32x10240xi32, #tpu.memory_space<hbm>> -> memref<1x64xi32, #tpu.memory_space<hbm>>
      %dma_start3A_343 = tpu.memref_squeeze %dma_start3A_342 : memref<1x64xi32, #tpu.memory_space<hbm>> -> memref<64xi32, #tpu.memory_space<hbm>>
      %dma_start3A_344 = tpu.memref_slice %arg3[%add3A, %mul3A_341] : memref<32x10240xi32, #tpu.memory_space<hbm>> -> memref<1x64xi32, #tpu.memory_space<hbm>>
      %dma_start3A_345 = tpu.memref_squeeze %dma_start3A_344 : memref<1x64xi32, #tpu.memory_space<hbm>> -> memref<64xi32, #tpu.memory_space<hbm>>
      tpu.enqueue_dma source(%dma_start3A_345 : memref<64xi32, #tpu.memory_space<hbm>>) target(%arg15 : memref<64xi32, #tpu.memory_space<vmem>>) target_semaphore(%arg30 : memref<!tpu.dma_semaphore, #tpu.memory_space<semaphore_mem>>)
      %dma_start3A_346 = arith.constant 0 : i32
      %dma_start3A_347 = arith.constant 0 : i32
      %dma_start3A_348 = tpu.memref_slice %arg2[%dma_start3A_346, %dma_start3A_347] : memref<10240x128xf32, #tpu.memory_space<hbm>> -> memref<10240x128xf32, #tpu.memory_space<hbm>>
      tpu.enqueue_indirect_dma source(%dma_start3A_348 : memref<10240x128xf32, #tpu.memory_space<hbm>>) target(%arg10 : memref<64x128xf32, #tpu.memory_space<vmem>>) offsets(%arg20 : memref<64xi32, #tpu.memory_space<vmem>>) semaphore(%arg35 : memref<!tpu.dma_semaphore, #tpu.memory_space<semaphore_mem>>)
      %dma_wait3A_349 = arith.constant 0 : i32
      %dma_wait3A_350 = arith.constant 0 : i32
      %dma_wait3A_351 = tpu.memref_slice %arg7[%dma_wait3A_349, %dma_wait3A_350] : memref<10240x128xf32, #tpu.memory_space<vmem_shared>> -> memref<10240x128xf32, #tpu.memory_space<vmem_shared>>
      tpu.wait_indirect_dma semaphore(%arg41 : memref<!tpu.dma_semaphore, #tpu.memory_space<semaphore_mem>>) src(%arg11 : memref<64x128xf32, #tpu.memory_space<vmem>>) dst(%dma_wait3A_351 : memref<10240x128xf32, #tpu.memory_space<vmem_shared>>)
      %add3A_352 = arith.constant 5 : i32
      %add3A_353 = arith.addi %mul3A_220, %add3A_352 : i32
      %add3A_354 = arith.constant 3 : i32
      %add3A_355 = arith.addi %add3A_353, %add3A_354 : i32
      %mul3A_356 = arith.constant 64 : i32
      %mul3A_357 = arith.muli %add3A_355, %mul3A_356 : i32
      %dma_wait3A_358 = tpu.memref_slice %arg3[%add3A, %mul3A_357] : memref<32x10240xi32, #tpu.memory_space<hbm>> -> memref<1x64xi32, #tpu.memory_space<hbm>>
      %dma_wait3A_359 = tpu.memref_squeeze %dma_wait3A_358 : memref<1x64xi32, #tpu.memory_space<hbm>> -> memref<64xi32, #tpu.memory_space<hbm>>
      %dma_wait3A_360 = tpu.memref_slice %arg3[%add3A, %mul3A_357] : memref<32x10240xi32, #tpu.memory_space<hbm>> -> memref<1x64xi32, #tpu.memory_space<hbm>>
      %dma_wait3A_361 = tpu.memref_squeeze %dma_wait3A_360 : memref<1x64xi32, #tpu.memory_space<hbm>> -> memref<64xi32, #tpu.memory_space<hbm>>
      tpu.wait_dma2 semaphore(%arg31 : memref<!tpu.dma_semaphore, #tpu.memory_space<semaphore_mem>>) src(%dma_wait3A_361 : memref<64xi32, #tpu.memory_space<hbm>>) dst(%arg16 : memref<64xi32, #tpu.memory_space<vmem>>)
      %scan3A_362 = arith.constant 0 : i32
      %scan3A_363 = arith.constant 4 : i32
      %scan3A_364 = arith.addi %scan3A_362, %scan3A_363 : i32
      %scan3A_365 = arith.constant 1 : i32
      scf.for %scan3A_415 = %scan3A_362 to %scan3A_364 step %scan3A_365  : i32 {
        %mul3A_416 = arith.constant 16 : i32
        %mul3A_417 = arith.muli %scan3A_415, %mul3A_416 : i32
        %get3A = arith.index_cast %mul3A_417 : i32 to index
        %get3A_418 = tpu.vector_load %arg16[%get3A] {strides = array<i32>} : memref<64xi32, #tpu.memory_space<vmem>>, vector<16xi32>,
        %shift_right_logical3A = arith.constant 14 : i32
        %shift_right_logical3A_419 = vector.broadcast %shift_right_logical3A : i32 to vector<16xi32>
        %shift_right_logical3A_420 = arith.shrui %get3A_418, %shift_right_logical3A_419 : vector<16xi32>
        %mul3A_421 = arith.constant 16 : i32
        %mul3A_422 = arith.muli %scan3A_415, %mul3A_421 : i32
        %swap3A = arith.index_cast %mul3A_422 : i32 to index
        %swap3A_423 = tpu.vector_load %arg21[%swap3A] {strides = array<i32>} : memref<64xi32, #tpu.memory_space<vmem>>, vector<16xi32>,
        tpu.vector_store %arg21[%swap3A], %shift_right_logical3A_420 {strides = array<i32>} : memref<64xi32, #tpu.memory_space<vmem>>, vector<16xi32>,
        %and3A = arith.constant 16383 : i32
        %and3A_424 = vector.broadcast %and3A : i32 to vector<16xi32>
        %and3A_425 = arith.andi %get3A_418, %and3A_424 : vector<16xi32>
        %mul3A_426 = arith.constant 16 : i32
        %mul3A_427 = arith.muli %scan3A_415, %mul3A_426 : i32
        %swap3A_428 = arith.index_cast %mul3A_427 : i32 to index
        %swap3A_429 = tpu.vector_load %arg26[%swap3A_428] {strides = array<i32>} : memref<64xi32, #tpu.memory_space<vmem>>, vector<16xi32>,
        tpu.vector_store %arg26[%swap3A_428], %and3A_425 {strides = array<i32>} : memref<64xi32, #tpu.memory_space<vmem>>, vector<16xi32>,
      }
      %scan3A_366 = arith.constant 4 : i32
      %add3A_367 = arith.constant 10 : i32
      %add3A_368 = arith.addi %mul3A_220, %add3A_367 : i32
      %add3A_369 = arith.constant 3 : i32
      %add3A_370 = arith.addi %add3A_368, %add3A_369 : i32
      %min3A_371 = arith.constant 159 : i32
      %min3A_372 = arith.minsi %add3A_370, %min3A_371 : i32
      %mul3A_373 = arith.constant 64 : i32
      %mul3A_374 = arith.muli %min3A_372, %mul3A_373 : i32
      %dma_start3A_375 = tpu.memref_slice %arg3[%add3A, %mul3A_374] : memref<32x10240xi32, #tpu.memory_space<hbm>> -> memref<1x64xi32, #tpu.memory_space<hbm>>
      %dma_start3A_376 = tpu.memref_squeeze %dma_start3A_375 : memref<1x64xi32, #tpu.memory_space<hbm>> -> memref<64xi32, #tpu.memory_space<hbm>>
      %dma_start3A_377 = tpu.memref_slice %arg3[%add3A, %mul3A_374] : memref<32x10240xi32, #tpu.memory_space<hbm>> -> memref<1x64xi32, #tpu.memory_space<hbm>>
      %dma_start3A_378 = tpu.memref_squeeze %dma_start3A_377 : memref<1x64xi32, #tpu.memory_space<hbm>> -> memref<64xi32, #tpu.memory_space<hbm>>
      tpu.enqueue_dma source(%dma_start3A_378 : memref<64xi32, #tpu.memory_space<hbm>>) target(%arg16 : memref<64xi32, #tpu.memory_space<vmem>>) target_semaphore(%arg31 : memref<!tpu.dma_semaphore, #tpu.memory_space<semaphore_mem>>)
      %dma_start3A_379 = arith.constant 0 : i32
      %dma_start3A_380 = arith.constant 0 : i32
      %dma_start3A_381 = tpu.memref_slice %arg2[%dma_start3A_379, %dma_start3A_380] : memref<10240x128xf32, #tpu.memory_space<hbm>> -> memref<10240x128xf32, #tpu.memory_space<hbm>>
      tpu.enqueue_indirect_dma source(%dma_start3A_381 : memref<10240x128xf32, #tpu.memory_space<hbm>>) target(%arg11 : memref<64x128xf32, #tpu.memory_space<vmem>>) offsets(%arg21 : memref<64xi32, #tpu.memory_space<vmem>>) semaphore(%arg36 : memref<!tpu.dma_semaphore, #tpu.memory_space<semaphore_mem>>)
      %dma_wait3A_382 = arith.constant 0 : i32
      %dma_wait3A_383 = arith.constant 0 : i32
      %dma_wait3A_384 = tpu.memref_slice %arg7[%dma_wait3A_382, %dma_wait3A_383] : memref<10240x128xf32, #tpu.memory_space<vmem_shared>> -> memref<10240x128xf32, #tpu.memory_space<vmem_shared>>
      tpu.wait_indirect_dma semaphore(%arg42 : memref<!tpu.dma_semaphore, #tpu.memory_space<semaphore_mem>>) src(%arg12 : memref<64x128xf32, #tpu.memory_space<vmem>>) dst(%dma_wait3A_384 : memref<10240x128xf32, #tpu.memory_space<vmem_shared>>)
      %add3A_385 = arith.constant 5 : i32
      %add3A_386 = arith.addi %mul3A_220, %add3A_385 : i32
      %add3A_387 = arith.constant 4 : i32
      %add3A_388 = arith.addi %add3A_386, %add3A_387 : i32
      %mul3A_389 = arith.constant 64 : i32
      %mul3A_390 = arith.muli %add3A_388, %mul3A_389 : i32
      %dma_wait3A_391 = tpu.memref_slice %arg3[%add3A, %mul3A_390] : memref<32x10240xi32, #tpu.memory_space<hbm>> -> memref<1x64xi32, #tpu.memory_space<hbm>>
      %dma_wait3A_392 = tpu.memref_squeeze %dma_wait3A_391 : memref<1x64xi32, #tpu.memory_space<hbm>> -> memref<64xi32, #tpu.memory_space<hbm>>
      %dma_wait3A_393 = tpu.memref_slice %arg3[%add3A, %mul3A_390] : memref<32x10240xi32, #tpu.memory_space<hbm>> -> memref<1x64xi32, #tpu.memory_space<hbm>>
      %dma_wait3A_394 = tpu.memref_squeeze %dma_wait3A_393 : memref<1x64xi32, #tpu.memory_space<hbm>> -> memref<64xi32, #tpu.memory_space<hbm>>
      tpu.wait_dma2 semaphore(%arg32 : memref<!tpu.dma_semaphore, #tpu.memory_space<semaphore_mem>>) src(%dma_wait3A_394 : memref<64xi32, #tpu.memory_space<hbm>>) dst(%arg17 : memref<64xi32, #tpu.memory_space<vmem>>)
      %scan3A_395 = arith.constant 0 : i32
      %scan3A_396 = arith.constant 4 : i32
      %scan3A_397 = arith.addi %scan3A_395, %scan3A_396 : i32
      %scan3A_398 = arith.constant 1 : i32
      scf.for %scan3A_415 = %scan3A_395 to %scan3A_397 step %scan3A_398  : i32 {
        %mul3A_416 = arith.constant 16 : i32
        %mul3A_417 = arith.muli %scan3A_415, %mul3A_416 : i32
        %get3A = arith.index_cast %mul3A_417 : i32 to index
        %get3A_418 = tpu.vector_load %arg17[%get3A] {strides = array<i32>} : memref<64xi32, #tpu.memory_space<vmem>>, vector<16xi32>,
        %shift_right_logical3A = arith.constant 14 : i32
        %shift_right_logical3A_419 = vector.broadcast %shift_right_logical3A : i32 to vector<16xi32>
        %shift_right_logical3A_420 = arith.shrui %get3A_418, %shift_right_logical3A_419 : vector<16xi32>
        %mul3A_421 = arith.constant 16 : i32
        %mul3A_422 = arith.muli %scan3A_415, %mul3A_421 : i32
        %swap3A = arith.index_cast %mul3A_422 : i32 to index
        %swap3A_423 = tpu.vector_load %arg22[%swap3A] {strides = array<i32>} : memref<64xi32, #tpu.memory_space<vmem>>, vector<16xi32>,
        tpu.vector_store %arg22[%swap3A], %shift_right_logical3A_420 {strides = array<i32>} : memref<64xi32, #tpu.memory_space<vmem>>, vector<16xi32>,
        %and3A = arith.constant 16383 : i32
        %and3A_424 = vector.broadcast %and3A : i32 to vector<16xi32>
        %and3A_425 = arith.andi %get3A_418, %and3A_424 : vector<16xi32>
        %mul3A_426 = arith.constant 16 : i32
        %mul3A_427 = arith.muli %scan3A_415, %mul3A_426 : i32
        %swap3A_428 = arith.index_cast %mul3A_427 : i32 to index
        %swap3A_429 = tpu.vector_load %arg27[%swap3A_428] {strides = array<i32>} : memref<64xi32, #tpu.memory_space<vmem>>, vector<16xi32>,
        tpu.vector_store %arg27[%swap3A_428], %and3A_425 {strides = array<i32>} : memref<64xi32, #tpu.memory_space<vmem>>, vector<16xi32>,
      }
      %scan3A_399 = arith.constant 4 : i32
      %add3A_400 = arith.constant 10 : i32
      %add3A_401 = arith.addi %mul3A_220, %add3A_400 : i32
      %add3A_402 = arith.constant 4 : i32
      %add3A_403 = arith.addi %add3A_401, %add3A_402 : i32
      %min3A_404 = arith.constant 159 : i32
      %min3A_405 = arith.minsi %add3A_403, %min3A_404 : i32
      %mul3A_406 = arith.constant 64 : i32
      %mul3A_407 = arith.muli %min3A_405, %mul3A_406 : i32
      %dma_start3A_408 = tpu.memref_slice %arg3[%add3A, %mul3A_407] : memref<32x10240xi32, #tpu.memory_space<hbm>> -> memref<1x64xi32, #tpu.memory_space<hbm>>
      %dma_start3A_409 = tpu.memref_squeeze %dma_start3A_408 : memref<1x64xi32, #tpu.memory_space<hbm>> -> memref<64xi32, #tpu.memory_space<hbm>>
      %dma_start3A_410 = tpu.memref_slice %arg3[%add3A, %mul3A_407] : memref<32x10240xi32, #tpu.memory_space<hbm>> -> memref<1x64xi32, #tpu.memory_space<hbm>>
      %dma_start3A_411 = tpu.memref_squeeze %dma_start3A_410 : memref<1x64xi32, #tpu.memory_space<hbm>> -> memref<64xi32, #tpu.memory_space<hbm>>
      tpu.enqueue_dma source(%dma_start3A_411 : memref<64xi32, #tpu.memory_space<hbm>>) target(%arg17 : memref<64xi32, #tpu.memory_space<vmem>>) target_semaphore(%arg32 : memref<!tpu.dma_semaphore, #tpu.memory_space<semaphore_mem>>)
      %dma_start3A_412 = arith.constant 0 : i32
      %dma_start3A_413 = arith.constant 0 : i32
      %dma_start3A_414 = tpu.memref_slice %arg2[%dma_start3A_412, %dma_start3A_413] : memref<10240x128xf32, #tpu.memory_space<hbm>> -> memref<10240x128xf32, #tpu.memory_space<hbm>>
      tpu.enqueue_indirect_dma source(%dma_start3A_414 : memref<10240x128xf32, #tpu.memory_space<hbm>>) target(%arg12 : memref<64x128xf32, #tpu.memory_space<vmem>>) offsets(%arg22 : memref<64xi32, #tpu.memory_space<vmem>>) semaphore(%arg37 : memref<!tpu.dma_semaphore, #tpu.memory_space<semaphore_mem>>)
    }
    %scan3A_134 = arith.constant 31 : i32
    %dma_wait3A_135 = arith.constant 0 : i32
    %dma_wait3A_136 = arith.constant 0 : i32
    %dma_wait3A_137 = tpu.memref_slice %arg2[%dma_wait3A_135, %dma_wait3A_136] : memref<10240x128xf32, #tpu.memory_space<hbm>> -> memref<10240x128xf32, #tpu.memory_space<hbm>>
    tpu.wait_indirect_dma semaphore(%arg33 : memref<!tpu.dma_semaphore, #tpu.memory_space<semaphore_mem>>) src(%dma_wait3A_137 : memref<10240x128xf32, #tpu.memory_space<hbm>>) dst(%arg8 : memref<64x128xf32, #tpu.memory_space<vmem>>)
    %dma_start3A_138 = arith.constant 0 : i32
    %dma_start3A_139 = arith.constant 0 : i32
    %dma_start3A_140 = tpu.memref_slice %arg7[%dma_start3A_138, %dma_start3A_139] : memref<10240x128xf32, #tpu.memory_space<vmem_shared>> -> memref<10240x128xf32, #tpu.memory_space<vmem_shared>>
    tpu.enqueue_indirect_dma source(%arg8 : memref<64x128xf32, #tpu.memory_space<vmem>>) target(%dma_start3A_140 : memref<10240x128xf32, #tpu.memory_space<vmem_shared>>) offsets(%arg23 : memref<64xi32, #tpu.memory_space<vmem>>) semaphore(%arg38 : memref<!tpu.dma_semaphore, #tpu.memory_space<semaphore_mem>>) {add = true}
    %dma_wait3A_141 = arith.constant 0 : i32
    %dma_wait3A_142 = arith.constant 0 : i32
    %dma_wait3A_143 = tpu.memref_slice %arg2[%dma_wait3A_141, %dma_wait3A_142] : memref<10240x128xf32, #tpu.memory_space<hbm>> -> memref<10240x128xf32, #tpu.memory_space<hbm>>
    tpu.wait_indirect_dma semaphore(%arg34 : memref<!tpu.dma_semaphore, #tpu.memory_space<semaphore_mem>>) src(%dma_wait3A_143 : memref<10240x128xf32, #tpu.memory_space<hbm>>) dst(%arg9 : memref<64x128xf32, #tpu.memory_space<vmem>>)
    %dma_start3A_144 = arith.constant 0 : i32
    %dma_start3A_145 = arith.constant 0 : i32
    %dma_start3A_146 = tpu.memref_slice %arg7[%dma_start3A_144, %dma_start3A_145] : memref<10240x128xf32, #tpu.memory_space<vmem_shared>> -> memref<10240x128xf32, #tpu.memory_space<vmem_shared>>
    tpu.enqueue_indirect_dma source(%arg9 : memref<64x128xf32, #tpu.memory_space<vmem>>) target(%dma_start3A_146 : memref<10240x128xf32, #tpu.memory_space<vmem_shared>>) offsets(%arg24 : memref<64xi32, #tpu.memory_space<vmem>>) semaphore(%arg39 : memref<!tpu.dma_semaphore, #tpu.memory_space<semaphore_mem>>) {add = true}
    %dma_wait3A_147 = arith.constant 0 : i32
    %dma_wait3A_148 = arith.constant 0 : i32
    %dma_wait3A_149 = tpu.memref_slice %arg2[%dma_wait3A_147, %dma_wait3A_148] : memref<10240x128xf32, #tpu.memory_space<hbm>> -> memref<10240x128xf32, #tpu.memory_space<hbm>>
    tpu.wait_indirect_dma semaphore(%arg35 : memref<!tpu.dma_semaphore, #tpu.memory_space<semaphore_mem>>) src(%dma_wait3A_149 : memref<10240x128xf32, #tpu.memory_space<hbm>>) dst(%arg10 : memref<64x128xf32, #tpu.memory_space<vmem>>)
    %dma_start3A_150 = arith.constant 0 : i32
    %dma_start3A_151 = arith.constant 0 : i32
    %dma_start3A_152 = tpu.memref_slice %arg7[%dma_start3A_150, %dma_start3A_151] : memref<10240x128xf32, #tpu.memory_space<vmem_shared>> -> memref<10240x128xf32, #tpu.memory_space<vmem_shared>>
    tpu.enqueue_indirect_dma source(%arg10 : memref<64x128xf32, #tpu.memory_space<vmem>>) target(%dma_start3A_152 : memref<10240x128xf32, #tpu.memory_space<vmem_shared>>) offsets(%arg25 : memref<64xi32, #tpu.memory_space<vmem>>) semaphore(%arg40 : memref<!tpu.dma_semaphore, #tpu.memory_space<semaphore_mem>>) {add = true}
    %dma_wait3A_153 = arith.constant 0 : i32
    %dma_wait3A_154 = arith.constant 0 : i32
    %dma_wait3A_155 = tpu.memref_slice %arg2[%dma_wait3A_153, %dma_wait3A_154] : memref<10240x128xf32, #tpu.memory_space<hbm>> -> memref<10240x128xf32, #tpu.memory_space<hbm>>
    tpu.wait_indirect_dma semaphore(%arg36 : memref<!tpu.dma_semaphore, #tpu.memory_space<semaphore_mem>>) src(%dma_wait3A_155 : memref<10240x128xf32, #tpu.memory_space<hbm>>) dst(%arg11 : memref<64x128xf32, #tpu.memory_space<vmem>>)
    %dma_start3A_156 = arith.constant 0 : i32
    %dma_start3A_157 = arith.constant 0 : i32
    %dma_start3A_158 = tpu.memref_slice %arg7[%dma_start3A_156, %dma_start3A_157] : memref<10240x128xf32, #tpu.memory_space<vmem_shared>> -> memref<10240x128xf32, #tpu.memory_space<vmem_shared>>
    tpu.enqueue_indirect_dma source(%arg11 : memref<64x128xf32, #tpu.memory_space<vmem>>) target(%dma_start3A_158 : memref<10240x128xf32, #tpu.memory_space<vmem_shared>>) offsets(%arg26 : memref<64xi32, #tpu.memory_space<vmem>>) semaphore(%arg41 : memref<!tpu.dma_semaphore, #tpu.memory_space<semaphore_mem>>) {add = true}
    %dma_wait3A_159 = arith.constant 0 : i32
    %dma_wait3A_160 = arith.constant 0 : i32
    %dma_wait3A_161 = tpu.memref_slice %arg2[%dma_wait3A_159, %dma_wait3A_160] : memref<10240x128xf32, #tpu.memory_space<hbm>> -> memref<10240x128xf32, #tpu.memory_space<hbm>>
    tpu.wait_indirect_dma semaphore(%arg37 : memref<!tpu.dma_semaphore, #tpu.memory_space<semaphore_mem>>) src(%dma_wait3A_161 : memref<10240x128xf32, #tpu.memory_space<hbm>>) dst(%arg12 : memref<64x128xf32, #tpu.memory_space<vmem>>)
    %dma_start3A_162 = arith.constant 0 : i32
    %dma_start3A_163 = arith.constant 0 : i32
    %dma_start3A_164 = tpu.memref_slice %arg7[%dma_start3A_162, %dma_start3A_163] : memref<10240x128xf32, #tpu.memory_space<vmem_shared>> -> memref<10240x128xf32, #tpu.memory_space<vmem_shared>>
    tpu.enqueue_indirect_dma source(%arg12 : memref<64x128xf32, #tpu.memory_space<vmem>>) target(%dma_start3A_164 : memref<10240x128xf32, #tpu.memory_space<vmem_shared>>) offsets(%arg27 : memref<64xi32, #tpu.memory_space<vmem>>) semaphore(%arg42 : memref<!tpu.dma_semaphore, #tpu.memory_space<semaphore_mem>>) {add = true}
    %dma_wait3A_165 = arith.constant 0 : i32
    %dma_wait3A_166 = arith.constant 0 : i32
    %dma_wait3A_167 = tpu.memref_slice %arg7[%dma_wait3A_165, %dma_wait3A_166] : memref<10240x128xf32, #tpu.memory_space<vmem_shared>> -> memref<10240x128xf32, #tpu.memory_space<vmem_shared>>
    tpu.wait_indirect_dma semaphore(%arg38 : memref<!tpu.dma_semaphore, #tpu.memory_space<semaphore_mem>>) src(%arg8 : memref<64x128xf32, #tpu.memory_space<vmem>>) dst(%dma_wait3A_167 : memref<10240x128xf32, #tpu.memory_space<vmem_shared>>)
    %dma_wait3A_168 = arith.constant 10176 : i32
    %dma_wait3A_169 = tpu.memref_slice %arg3[%add3A, %dma_wait3A_168] : memref<32x10240xi32, #tpu.memory_space<hbm>> -> memref<1x64xi32, #tpu.memory_space<hbm>>
    %dma_wait3A_170 = tpu.memref_squeeze %dma_wait3A_169 : memref<1x64xi32, #tpu.memory_space<hbm>> -> memref<64xi32, #tpu.memory_space<hbm>>
    %dma_wait3A_171 = arith.constant 10176 : i32
    %dma_wait3A_172 = tpu.memref_slice %arg3[%add3A, %dma_wait3A_171] : memref<32x10240xi32, #tpu.memory_space<hbm>> -> memref<1x64xi32, #tpu.memory_space<hbm>>
    %dma_wait3A_173 = tpu.memref_squeeze %dma_wait3A_172 : memref<1x64xi32, #tpu.memory_space<hbm>> -> memref<64xi32, #tpu.memory_space<hbm>>
    tpu.wait_dma2 semaphore(%arg28 : memref<!tpu.dma_semaphore, #tpu.memory_space<semaphore_mem>>) src(%dma_wait3A_173 : memref<64xi32, #tpu.memory_space<hbm>>) dst(%arg13 : memref<64xi32, #tpu.memory_space<vmem>>)
    %dma_wait3A_174 = arith.constant 0 : i32
    %dma_wait3A_175 = arith.constant 0 : i32
    %dma_wait3A_176 = tpu.memref_slice %arg7[%dma_wait3A_174, %dma_wait3A_175] : memref<10240x128xf32, #tpu.memory_space<vmem_shared>> -> memref<10240x128xf32, #tpu.memory_space<vmem_shared>>
    tpu.wait_indirect_dma semaphore(%arg39 : memref<!tpu.dma_semaphore, #tpu.memory_space<semaphore_mem>>) src(%arg9 : memref<64x128xf32, #tpu.memory_space<vmem>>) dst(%dma_wait3A_176 : memref<10240x128xf32, #tpu.memory_space<vmem_shared>>)
    %dma_wait3A_177 = arith.constant 10176 : i32
    %dma_wait3A_178 = tpu.memref_slice %arg3[%add3A, %dma_wait3A_177] : memref<32x10240xi32, #tpu.memory_space<hbm>> -> memref<1x64xi32, #tpu.memory_space<hbm>>
    %dma_wait3A_179 = tpu.memref_squeeze %dma_wait3A_178 : memref<1x64xi32, #tpu.memory_space<hbm>> -> memref<64xi32, #tpu.memory_space<hbm>>
    %dma_wait3A_180 = arith.constant 10176 : i32
    %dma_wait3A_181 = tpu.memref_slice %arg3[%add3A, %dma_wait3A_180] : memref<32x10240xi32, #tpu.memory_space<hbm>> -> memref<1x64xi32, #tpu.memory_space<hbm>>
    %dma_wait3A_182 = tpu.memref_squeeze %dma_wait3A_181 : memref<1x64xi32, #tpu.memory_space<hbm>> -> memref<64xi32, #tpu.memory_space<hbm>>
    tpu.wait_dma2 semaphore(%arg29 : memref<!tpu.dma_semaphore, #tpu.memory_space<semaphore_mem>>) src(%dma_wait3A_182 : memref<64xi32, #tpu.memory_space<hbm>>) dst(%arg14 : memref<64xi32, #tpu.memory_space<vmem>>)
    %dma_wait3A_183 = arith.constant 0 : i32
    %dma_wait3A_184 = arith.constant 0 : i32
    %dma_wait3A_185 = tpu.memref_slice %arg7[%dma_wait3A_183, %dma_wait3A_184] : memref<10240x128xf32, #tpu.memory_space<vmem_shared>> -> memref<10240x128xf32, #tpu.memory_space<vmem_shared>>
    tpu.wait_indirect_dma semaphore(%arg40 : memref<!tpu.dma_semaphore, #tpu.memory_space<semaphore_mem>>) src(%arg10 : memref<64x128xf32, #tpu.memory_space<vmem>>) dst(%dma_wait3A_185 : memref<10240x128xf32, #tpu.memory_space<vmem_shared>>)
    %dma_wait3A_186 = arith.constant 10176 : i32
    %dma_wait3A_187 = tpu.memref_slice %arg3[%add3A, %dma_wait3A_186] : memref<32x10240xi32, #tpu.memory_space<hbm>> -> memref<1x64xi32, #tpu.memory_space<hbm>>
    %dma_wait3A_188 = tpu.memref_squeeze %dma_wait3A_187 : memref<1x64xi32, #tpu.memory_space<hbm>> -> memref<64xi32, #tpu.memory_space<hbm>>
    %dma_wait3A_189 = arith.constant 10176 : i32
    %dma_wait3A_190 = tpu.memref_slice %arg3[%add3A, %dma_wait3A_189] : memref<32x10240xi32, #tpu.memory_space<hbm>> -> memref<1x64xi32, #tpu.memory_space<hbm>>
    %dma_wait3A_191 = tpu.memref_squeeze %dma_wait3A_190 : memref<1x64xi32, #tpu.memory_space<hbm>> -> memref<64xi32, #tpu.memory_space<hbm>>
    tpu.wait_dma2 semaphore(%arg30 : memref<!tpu.dma_semaphore, #tpu.memory_space<semaphore_mem>>) src(%dma_wait3A_191 : memref<64xi32, #tpu.memory_space<hbm>>) dst(%arg15 : memref<64xi32, #tpu.memory_space<vmem>>)
    %dma_wait3A_192 = arith.constant 0 : i32
    %dma_wait3A_193 = arith.constant 0 : i32
    %dma_wait3A_194 = tpu.memref_slice %arg7[%dma_wait3A_192, %dma_wait3A_193] : memref<10240x128xf32, #tpu.memory_space<vmem_shared>> -> memref<10240x128xf32, #tpu.memory_space<vmem_shared>>
    tpu.wait_indirect_dma semaphore(%arg41 : memref<!tpu.dma_semaphore, #tpu.memory_space<semaphore_mem>>) src(%arg11 : memref<64x128xf32, #tpu.memory_space<vmem>>) dst(%dma_wait3A_194 : memref<10240x128xf32, #tpu.memory_space<vmem_shared>>)
    %dma_wait3A_195 = arith.constant 10176 : i32
    %dma_wait3A_196 = tpu.memref_slice %arg3[%add3A, %dma_wait3A_195] : memref<32x10240xi32, #tpu.memory_space<hbm>> -> memref<1x64xi32, #tpu.memory_space<hbm>>
    %dma_wait3A_197 = tpu.memref_squeeze %dma_wait3A_196 : memref<1x64xi32, #tpu.memory_space<hbm>> -> memref<64xi32, #tpu.memory_space<hbm>>
    %dma_wait3A_198 = arith.constant 10176 : i32
    %dma_wait3A_199 = tpu.memref_slice %arg3[%add3A, %dma_wait3A_198] : memref<32x10240xi32, #tpu.memory_space<hbm>> -> memref<1x64xi32, #tpu.memory_space<hbm>>
    %dma_wait3A_200 = tpu.memref_squeeze %dma_wait3A_199 : memref<1x64xi32, #tpu.memory_space<hbm>> -> memref<64xi32, #tpu.memory_space<hbm>>
    tpu.wait_dma2 semaphore(%arg31 : memref<!tpu.dma_semaphore, #tpu.memory_space<semaphore_mem>>) src(%dma_wait3A_200 : memref<64xi32, #tpu.memory_space<hbm>>) dst(%arg16 : memref<64xi32, #tpu.memory_space<vmem>>)
    %dma_wait3A_201 = arith.constant 0 : i32
    %dma_wait3A_202 = arith.constant 0 : i32
    %dma_wait3A_203 = tpu.memref_slice %arg7[%dma_wait3A_201, %dma_wait3A_202] : memref<10240x128xf32, #tpu.memory_space<vmem_shared>> -> memref<10240x128xf32, #tpu.memory_space<vmem_shared>>
    tpu.wait_indirect_dma semaphore(%arg42 : memref<!tpu.dma_semaphore, #tpu.memory_space<semaphore_mem>>) src(%arg12 : memref<64x128xf32, #tpu.memory_space<vmem>>) dst(%dma_wait3A_203 : memref<10240x128xf32, #tpu.memory_space<vmem_shared>>)
    %dma_wait3A_204 = arith.constant 10176 : i32
    %dma_wait3A_205 = tpu.memref_slice %arg3[%add3A, %dma_wait3A_204] : memref<32x10240xi32, #tpu.memory_space<hbm>> -> memref<1x64xi32, #tpu.memory_space<hbm>>
    %dma_wait3A_206 = tpu.memref_squeeze %dma_wait3A_205 : memref<1x64xi32, #tpu.memory_space<hbm>> -> memref<64xi32, #tpu.memory_space<hbm>>
    %dma_wait3A_207 = arith.constant 10176 : i32
    %dma_wait3A_208 = tpu.memref_slice %arg3[%add3A, %dma_wait3A_207] : memref<32x10240xi32, #tpu.memory_space<hbm>> -> memref<1x64xi32, #tpu.memory_space<hbm>>
    %dma_wait3A_209 = tpu.memref_squeeze %dma_wait3A_208 : memref<1x64xi32, #tpu.memory_space<hbm>> -> memref<64xi32, #tpu.memory_space<hbm>>
    tpu.wait_dma2 semaphore(%arg32 : memref<!tpu.dma_semaphore, #tpu.memory_space<semaphore_mem>>) src(%dma_wait3A_209 : memref<64xi32, #tpu.memory_space<hbm>>) dst(%arg17 : memref<64xi32, #tpu.memory_space<vmem>>)
    %barrier3A_210 = arith.constant 0 : index
    tpu.barrier barrier_id(%barrier3A_210)
    %eq3A = arith.constant 0 : i32
    %eq3A_211 = arith.cmpi eq, %arg0, %eq3A : i32
    %convert_element_type3A = arith.extui %eq3A_211 : i1 to i32
    %cond3A = arith.constant 0 : i32
    %cond3A_212 = arith.cmpi ne, %convert_element_type3A, %cond3A : i32
    scf.if %cond3A_212 {
      "tpu.region"() ({
        %run_scoped3A = tpu.sem_alloc : memref<!tpu.dma_semaphore, #tpu.memory_space<semaphore_mem>>
        %dma_start3A_218 = arith.constant 0 : i32
        %dma_start3A_219 = tpu.memref_slice %arg5[%mul3A_2, %dma_start3A_218] : memref<10240x128xf32, #tpu.memory_space<hbm>> -> memref<640x128xf32, #tpu.memory_space<hbm>>
        %dma_start3A_220 = arith.constant 0 : i32
        %dma_start3A_221 = tpu.memref_slice %arg7[%mul3A_2, %dma_start3A_220] : memref<10240x128xf32, #tpu.memory_space<vmem_shared>> -> memref<640x128xf32, #tpu.memory_space<vmem_shared>>
        tpu.enqueue_dma source(%dma_start3A_221 : memref<640x128xf32, #tpu.memory_space<vmem_shared>>) target(%dma_start3A_219 : memref<640x128xf32, #tpu.memory_space<hbm>>) target_semaphore(%run_scoped3A : memref<!tpu.dma_semaphore, #tpu.memory_space<semaphore_mem>>)
        %dma_wait3A_222 = arith.constant 0 : i32
        %dma_wait3A_223 = tpu.memref_slice %arg5[%mul3A_2, %dma_wait3A_222] : memref<10240x128xf32, #tpu.memory_space<hbm>> -> memref<640x128xf32, #tpu.memory_space<hbm>>
        %dma_wait3A_224 = arith.constant 0 : i32
        %dma_wait3A_225 = tpu.memref_slice %arg7[%mul3A_2, %dma_wait3A_224] : memref<10240x128xf32, #tpu.memory_space<vmem_shared>> -> memref<640x128xf32, #tpu.memory_space<vmem_shared>>
        tpu.wait_dma2 semaphore(%run_scoped3A : memref<!tpu.dma_semaphore, #tpu.memory_space<semaphore_mem>>) src(%dma_wait3A_225 : memref<640x128xf32, #tpu.memory_space<vmem_shared>>) dst(%dma_wait3A_223 : memref<640x128xf32, #tpu.memory_space<hbm>>)
        tpu.yield
      }) : () -> ()
    } else {
    }
    %eq3A_213 = arith.constant 1 : i32
    %eq3A_214 = arith.cmpi eq, %arg0, %eq3A_213 : i32
    %convert_element_type3A_215 = arith.extui %eq3A_214 : i1 to i32
    %cond3A_216 = arith.constant 0 : i32
    %cond3A_217 = arith.cmpi ne, %convert_element_type3A_215, %cond3A_216 : i32
    scf.if %cond3A_217 {
      "tpu.region"() ({
        %run_scoped3A = tpu.sem_alloc : memref<!tpu.dma_semaphore, #tpu.memory_space<semaphore_mem>>
        %dma_start3A_218 = arith.constant 0 : i32
        %dma_start3A_219 = tpu.memref_slice %arg6[%mul3A_2, %dma_start3A_218] : memref<10240x128xf32, #tpu.memory_space<hbm>> -> memref<640x128xf32, #tpu.memory_space<hbm>>
        %dma_start3A_220 = arith.constant 0 : i32
        %dma_start3A_221 = tpu.memref_slice %arg7[%mul3A_2, %dma_start3A_220] : memref<10240x128xf32, #tpu.memory_space<vmem_shared>> -> memref<640x128xf32, #tpu.memory_space<vmem_shared>>
        tpu.enqueue_dma source(%dma_start3A_221 : memref<640x128xf32, #tpu.memory_space<vmem_shared>>) target(%dma_start3A_219 : memref<640x128xf32, #tpu.memory_space<hbm>>) target_semaphore(%run_scoped3A : memref<!tpu.dma_semaphore, #tpu.memory_space<semaphore_mem>>)
        %dma_wait3A_222 = arith.constant 0 : i32
        %dma_wait3A_223 = tpu.memref_slice %arg6[%mul3A_2, %dma_wait3A_222] : memref<10240x128xf32, #tpu.memory_space<hbm>> -> memref<640x128xf32, #tpu.memory_space<hbm>>
        %dma_wait3A_224 = arith.constant 0 : i32
        %dma_wait3A_225 = tpu.memref_slice %arg7[%mul3A_2, %dma_wait3A_224] : memref<10240x128xf32, #tpu.memory_space<vmem_shared>> -> memref<640x128xf32, #tpu.memory_space<vmem_shared>>
        tpu.wait_dma2 semaphore(%run_scoped3A : memref<!tpu.dma_semaphore, #tpu.memory_space<semaphore_mem>>) src(%dma_wait3A_225 : memref<640x128xf32, #tpu.memory_space<vmem_shared>>) dst(%dma_wait3A_223 : memref<640x128xf32, #tpu.memory_space<hbm>>)
        tpu.yield
      }) : () -> ()
    } else {
    }
    return
  }
}

#map = affine_map<(d0, d1) -> (0, 0)>
module attributes {stable_mosaic.version = 14 : i64} {
  func.func @_prop_kernel(%arg0: i32, %arg1: i32, %arg2: memref<10240x128xf32, #tpu.memory_space<hbm>>, %arg3: memref<32x10240xi32, #tpu.memory_space<hbm>>, %arg4: memref<640x128xf32, #tpu.memory_space<hbm>>, %arg5: memref<10240x128xf32, #tpu.memory_space<hbm>>, %arg6: memref<10240x128xf32, #tpu.memory_space<hbm>>, %arg7: memref<10240x128xf32, #tpu.memory_space<vmem_shared>>, %arg8: memref<64x128xf32, #tpu.memory_space<vmem>>, %arg9: memref<64x128xf32, #tpu.memory_space<vmem>>, %arg10: memref<64x128xf32, #tpu.memory_space<vmem>>, %arg11: memref<64x128xf32, #tpu.memory_space<vmem>>, %arg12: memref<64x128xf32, #tpu.memory_space<vmem>>, %arg13: memref<64xi32, #tpu.memory_space<vmem>>, %arg14: memref<64xi32, #tpu.memory_space<vmem>>, %arg15: memref<64xi32, #tpu.memory_space<vmem>>, %arg16: memref<64xi32, #tpu.memory_space<vmem>>, %arg17: memref<64xi32, #tpu.memory_space<vmem>>, %arg18: memref<64xi32, #tpu.memory_space<vmem>>, %arg19: memref<64xi32, #tpu.memory_space<vmem>>, %arg20: memref<64xi32, #tpu.memory_space<vmem>>, %arg21: memref<64xi32, #tpu.memory_space<vmem>>, %arg22: memref<64xi32, #tpu.memory_space<vmem>>, %arg23: memref<64xi32, #tpu.memory_space<vmem>>, %arg24: memref<64xi32, #tpu.memory_space<vmem>>, %arg25: memref<64xi32, #tpu.memory_space<vmem>>, %arg26: memref<64xi32, #tpu.memory_space<vmem>>, %arg27: memref<64xi32, #tpu.memory_space<vmem>>, %arg28: memref<!tpu.dma_semaphore, #tpu.memory_space<semaphore_mem>>, %arg29: memref<!tpu.dma_semaphore, #tpu.memory_space<semaphore_mem>>, %arg30: memref<!tpu.dma_semaphore, #tpu.memory_space<semaphore_mem>>, %arg31: memref<!tpu.dma_semaphore, #tpu.memory_space<semaphore_mem>>, %arg32: memref<!tpu.dma_semaphore, #tpu.memory_space<semaphore_mem>>, %arg33: memref<!tpu.dma_semaphore, #tpu.memory_space<semaphore_mem>>, %arg34: memref<!tpu.dma_semaphore, #tpu.memory_space<semaphore_mem>>, %arg35: memref<!tpu.dma_semaphore, #tpu.memory_space<semaphore_mem>>, %arg36: memref<!tpu.dma_semaphore, #tpu.memory_space<semaphore_mem>>, %arg37: memref<!tpu.dma_semaphore, #tpu.memory_space<semaphore_mem>>, %arg38: memref<!tpu.dma_semaphore, #tpu.memory_space<semaphore_mem>>, %arg39: memref<!tpu.dma_semaphore, #tpu.memory_space<semaphore_mem>>, %arg40: memref<!tpu.dma_semaphore, #tpu.memory_space<semaphore_mem>>, %arg41: memref<!tpu.dma_semaphore, #tpu.memory_space<semaphore_mem>>, %arg42: memref<!tpu.dma_semaphore, #tpu.memory_space<semaphore_mem>>) attributes {dimension_semantics = [#tpu.dimension_semantics<core_parallel>, #tpu.dimension_semantics<subcore_parallel>], iteration_bounds = array<i64: 2, 16>, scalar_prefetch = 0 : i64, scratch_operands = 36 : i64, tpu.core_type = #tpu.core_type<sc_vector_subcore>, window_params = [{transform_indices = #map}, {transform_indices = #map}, {transform_indices = #map}, {transform_indices = #map}, {transform_indices = #map}]} {
    %mul3A = arith.constant 2 : i32
    %mul3A_0 = arith.muli %arg1, %mul3A : i32
    %add3A = arith.addi %mul3A_0, %arg0 : i32
    %mul3A_1 = arith.constant 640 : i32
    %mul3A_2 = arith.muli %arg1, %mul3A_1 : i32
    "tpu.region"() ({
      %run_scoped3A = tpu.sem_alloc : memref<!tpu.dma_semaphore, #tpu.memory_space<semaphore_mem>>
      %dma_start3A_218 = arith.constant 0 : i32
      %dma_start3A_219 = tpu.memref_slice %arg7[%mul3A_2, %dma_start3A_218] : memref<10240x128xf32, #tpu.memory_space<vmem_shared>> -> memref<640x128xf32, #tpu.memory_space<vmem_shared>>
      tpu.enqueue_dma source(%arg4 : memref<640x128xf32, #tpu.memory_space<hbm>>) target(%dma_start3A_219 : memref<640x128xf32, #tpu.memory_space<vmem_shared>>) target_semaphore(%run_scoped3A : memref<!tpu.dma_semaphore, #tpu.memory_space<semaphore_mem>>)
      %dma_wait3A_220 = arith.constant 0 : i32
      %dma_wait3A_221 = tpu.memref_slice %arg7[%mul3A_2, %dma_wait3A_220] : memref<10240x128xf32, #tpu.memory_space<vmem_shared>> -> memref<640x128xf32, #tpu.memory_space<vmem_shared>>
      tpu.wait_dma2 semaphore(%run_scoped3A : memref<!tpu.dma_semaphore, #tpu.memory_space<semaphore_mem>>) src(%arg4 : memref<640x128xf32, #tpu.memory_space<hbm>>) dst(%dma_wait3A_221 : memref<640x128xf32, #tpu.memory_space<vmem_shared>>)
      tpu.yield
    }) : () -> ()
    %barrier3A = arith.constant 0 : index
    tpu.barrier barrier_id(%barrier3A)
    %dma_start3A = arith.constant 0 : i32
    %dma_start3A_3 = tpu.memref_slice %arg3[%add3A, %dma_start3A] : memref<32x10240xi32, #tpu.memory_space<hbm>> -> memref<1x64xi32, #tpu.memory_space<hbm>>
    %dma_start3A_4 = tpu.memref_squeeze %dma_start3A_3 : memref<1x64xi32, #tpu.memory_space<hbm>> -> memref<64xi32, #tpu.memory_space<hbm>>
    %dma_start3A_5 = arith.constant 0 : i32
    %dma_start3A_6 = tpu.memref_slice %arg3[%add3A, %dma_start3A_5] : memref<32x10240xi32, #tpu.memory_space<hbm>> -> memref<1x64xi32, #tpu.memory_space<hbm>>
    %dma_start3A_7 = tpu.memref_squeeze %dma_start3A_6 : memref<1x64xi32, #tpu.memory_space<hbm>> -> memref<64xi32, #tpu.memory_space<hbm>>
    tpu.enqueue_dma source(%dma_start3A_7 : memref<64xi32, #tpu.memory_space<hbm>>) target(%arg13 : memref<64xi32, #tpu.memory_space<vmem>>) target_semaphore(%arg28 : memref<!tpu.dma_semaphore, #tpu.memory_space<semaphore_mem>>)
    %dma_start3A_8 = arith.constant 64 : i32
    %dma_start3A_9 = tpu.memref_slice %arg3[%add3A, %dma_start3A_8] : memref<32x10240xi32, #tpu.memory_space<hbm>> -> memref<1x64xi32, #tpu.memory_space<hbm>>
    %dma_start3A_10 = tpu.memref_squeeze %dma_start3A_9 : memref<1x64xi32, #tpu.memory_space<hbm>> -> memref<64xi32, #tpu.memory_space<hbm>>
    %dma_start3A_11 = arith.constant 64 : i32
    %dma_start3A_12 = tpu.memref_slice %arg3[%add3A, %dma_start3A_11] : memref<32x10240xi32, #tpu.memory_space<hbm>> -> memref<1x64xi32, #tpu.memory_space<hbm>>
    %dma_start3A_13 = tpu.memref_squeeze %dma_start3A_12 : memref<1x64xi32, #tpu.memory_space<hbm>> -> memref<64xi32, #tpu.memory_space<hbm>>
    tpu.enqueue_dma source(%dma_start3A_13 : memref<64xi32, #tpu.memory_space<hbm>>) target(%arg14 : memref<64xi32, #tpu.memory_space<vmem>>) target_semaphore(%arg29 : memref<!tpu.dma_semaphore, #tpu.memory_space<semaphore_mem>>)
    %dma_start3A_14 = arith.constant 128 : i32
    %dma_start3A_15 = tpu.memref_slice %arg3[%add3A, %dma_start3A_14] : memref<32x10240xi32, #tpu.memory_space<hbm>> -> memref<1x64xi32, #tpu.memory_space<hbm>>
    %dma_start3A_16 = tpu.memref_squeeze %dma_start3A_15 : memref<1x64xi32, #tpu.memory_space<hbm>> -> memref<64xi32, #tpu.memory_space<hbm>>
    %dma_start3A_17 = arith.constant 128 : i32
    %dma_start3A_18 = tpu.memref_slice %arg3[%add3A, %dma_start3A_17] : memref<32x10240xi32, #tpu.memory_space<hbm>> -> memref<1x64xi32, #tpu.memory_space<hbm>>
    %dma_start3A_19 = tpu.memref_squeeze %dma_start3A_18 : memref<1x64xi32, #tpu.memory_space<hbm>> -> memref<64xi32, #tpu.memory_space<hbm>>
    tpu.enqueue_dma source(%dma_start3A_19 : memref<64xi32, #tpu.memory_space<hbm>>) target(%arg15 : memref<64xi32, #tpu.memory_space<vmem>>) target_semaphore(%arg30 : memref<!tpu.dma_semaphore, #tpu.memory_space<semaphore_mem>>)
    %dma_start3A_20 = arith.constant 192 : i32
    %dma_start3A_21 = tpu.memref_slice %arg3[%add3A, %dma_start3A_20] : memref<32x10240xi32, #tpu.memory_space<hbm>> -> memref<1x64xi32, #tpu.memory_space<hbm>>
    %dma_start3A_22 = tpu.memref_squeeze %dma_start3A_21 : memref<1x64xi32, #tpu.memory_space<hbm>> -> memref<64xi32, #tpu.memory_space<hbm>>
    %dma_start3A_23 = arith.constant 192 : i32
    %dma_start3A_24 = tpu.memref_slice %arg3[%add3A, %dma_start3A_23] : memref<32x10240xi32, #tpu.memory_space<hbm>> -> memref<1x64xi32, #tpu.memory_space<hbm>>
    %dma_start3A_25 = tpu.memref_squeeze %dma_start3A_24 : memref<1x64xi32, #tpu.memory_space<hbm>> -> memref<64xi32, #tpu.memory_space<hbm>>
    tpu.enqueue_dma source(%dma_start3A_25 : memref<64xi32, #tpu.memory_space<hbm>>) target(%arg16 : memref<64xi32, #tpu.memory_space<vmem>>) target_semaphore(%arg31 : memref<!tpu.dma_semaphore, #tpu.memory_space<semaphore_mem>>)
    %dma_start3A_26 = arith.constant 256 : i32
    %dma_start3A_27 = tpu.memref_slice %arg3[%add3A, %dma_start3A_26] : memref<32x10240xi32, #tpu.memory_space<hbm>> -> memref<1x64xi32, #tpu.memory_space<hbm>>
    %dma_start3A_28 = tpu.memref_squeeze %dma_start3A_27 : memref<1x64xi32, #tpu.memory_space<hbm>> -> memref<64xi32, #tpu.memory_space<hbm>>
    %dma_start3A_29 = arith.constant 256 : i32
    %dma_start3A_30 = tpu.memref_slice %arg3[%add3A, %dma_start3A_29] : memref<32x10240xi32, #tpu.memory_space<hbm>> -> memref<1x64xi32, #tpu.memory_space<hbm>>
    %dma_start3A_31 = tpu.memref_squeeze %dma_start3A_30 : memref<1x64xi32, #tpu.memory_space<hbm>> -> memref<64xi32, #tpu.memory_space<hbm>>
    tpu.enqueue_dma source(%dma_start3A_31 : memref<64xi32, #tpu.memory_space<hbm>>) target(%arg17 : memref<64xi32, #tpu.memory_space<vmem>>) target_semaphore(%arg32 : memref<!tpu.dma_semaphore, #tpu.memory_space<semaphore_mem>>)
    %dma_wait3A = arith.constant 0 : i32
    %dma_wait3A_32 = tpu.memref_slice %arg3[%add3A, %dma_wait3A] : memref<32x10240xi32, #tpu.memory_space<hbm>> -> memref<1x64xi32, #tpu.memory_space<hbm>>
    %dma_wait3A_33 = tpu.memref_squeeze %dma_wait3A_32 : memref<1x64xi32, #tpu.memory_space<hbm>> -> memref<64xi32, #tpu.memory_space<hbm>>
    %dma_wait3A_34 = arith.constant 0 : i32
    %dma_wait3A_35 = tpu.memref_slice %arg3[%add3A, %dma_wait3A_34] : memref<32x10240xi32, #tpu.memory_space<hbm>> -> memref<1x64xi32, #tpu.memory_space<hbm>>
    %dma_wait3A_36 = tpu.memref_squeeze %dma_wait3A_35 : memref<1x64xi32, #tpu.memory_space<hbm>> -> memref<64xi32, #tpu.memory_space<hbm>>
    tpu.wait_dma2 semaphore(%arg28 : memref<!tpu.dma_semaphore, #tpu.memory_space<semaphore_mem>>) src(%dma_wait3A_36 : memref<64xi32, #tpu.memory_space<hbm>>) dst(%arg13 : memref<64xi32, #tpu.memory_space<vmem>>)
    %scan3A = arith.constant 0 : i32
    %scan3A_37 = arith.constant 4 : i32
    %scan3A_38 = arith.addi %scan3A, %scan3A_37 : i32
    %scan3A_39 = arith.constant 1 : i32
    scf.for %scan3A_218 = %scan3A to %scan3A_38 step %scan3A_39  : i32 {
      %mul3A_219 = arith.constant 16 : i32
      %mul3A_220 = arith.muli %scan3A_218, %mul3A_219 : i32
      %get3A = arith.index_cast %mul3A_220 : i32 to index
      %get3A_221 = tpu.vector_load %arg13[%get3A] {strides = array<i32>} : memref<64xi32, #tpu.memory_space<vmem>>, vector<16xi32>,
      %shift_right_logical3A = arith.constant 14 : i32
      %shift_right_logical3A_222 = vector.broadcast %shift_right_logical3A : i32 to vector<16xi32>
      %shift_right_logical3A_223 = arith.shrui %get3A_221, %shift_right_logical3A_222 : vector<16xi32>
      %mul3A_224 = arith.constant 16 : i32
      %mul3A_225 = arith.muli %scan3A_218, %mul3A_224 : i32
      %swap3A = arith.index_cast %mul3A_225 : i32 to index
      %swap3A_226 = tpu.vector_load %arg18[%swap3A] {strides = array<i32>} : memref<64xi32, #tpu.memory_space<vmem>>, vector<16xi32>,
      tpu.vector_store %arg18[%swap3A], %shift_right_logical3A_223 {strides = array<i32>} : memref<64xi32, #tpu.memory_space<vmem>>, vector<16xi32>,
      %and3A = arith.constant 16383 : i32
      %and3A_227 = vector.broadcast %and3A : i32 to vector<16xi32>
      %and3A_228 = arith.andi %get3A_221, %and3A_227 : vector<16xi32>
      %mul3A_229 = arith.constant 16 : i32
      %mul3A_230 = arith.muli %scan3A_218, %mul3A_229 : i32
      %swap3A_231 = arith.index_cast %mul3A_230 : i32 to index
      %swap3A_232 = tpu.vector_load %arg23[%swap3A_231] {strides = array<i32>} : memref<64xi32, #tpu.memory_space<vmem>>, vector<16xi32>,
      tpu.vector_store %arg23[%swap3A_231], %and3A_228 {strides = array<i32>} : memref<64xi32, #tpu.memory_space<vmem>>, vector<16xi32>,
    }
    %scan3A_40 = arith.constant 4 : i32
    %dma_start3A_41 = arith.constant 320 : i32
    %dma_start3A_42 = tpu.memref_slice %arg3[%add3A, %dma_start3A_41] : memref<32x10240xi32, #tpu.memory_space<hbm>> -> memref<1x64xi32, #tpu.memory_space<hbm>>
    %dma_start3A_43 = tpu.memref_squeeze %dma_start3A_42 : memref<1x64xi32, #tpu.memory_space<hbm>> -> memref<64xi32, #tpu.memory_space<hbm>>
    %dma_start3A_44 = arith.constant 320 : i32
    %dma_start3A_45 = tpu.memref_slice %arg3[%add3A, %dma_start3A_44] : memref<32x10240xi32, #tpu.memory_space<hbm>> -> memref<1x64xi32, #tpu.memory_space<hbm>>
    %dma_start3A_46 = tpu.memref_squeeze %dma_start3A_45 : memref<1x64xi32, #tpu.memory_space<hbm>> -> memref<64xi32, #tpu.memory_space<hbm>>
    tpu.enqueue_dma source(%dma_start3A_46 : memref<64xi32, #tpu.memory_space<hbm>>) target(%arg13 : memref<64xi32, #tpu.memory_space<vmem>>) target_semaphore(%arg28 : memref<!tpu.dma_semaphore, #tpu.memory_space<semaphore_mem>>)
    %dma_start3A_47 = arith.constant 0 : i32
    %dma_start3A_48 = arith.constant 0 : i32
    %dma_start3A_49 = tpu.memref_slice %arg2[%dma_start3A_47, %dma_start3A_48] : memref<10240x128xf32, #tpu.memory_space<hbm>> -> memref<10240x128xf32, #tpu.memory_space<hbm>>
    tpu.enqueue_indirect_dma source(%dma_start3A_49 : memref<10240x128xf32, #tpu.memory_space<hbm>>) target(%arg8 : memref<64x128xf32, #tpu.memory_space<vmem>>) offsets(%arg18 : memref<64xi32, #tpu.memory_space<vmem>>) semaphore(%arg33 : memref<!tpu.dma_semaphore, #tpu.memory_space<semaphore_mem>>)
    %dma_wait3A_50 = arith.constant 64 : i32
    %dma_wait3A_51 = tpu.memref_slice %arg3[%add3A, %dma_wait3A_50] : memref<32x10240xi32, #tpu.memory_space<hbm>> -> memref<1x64xi32, #tpu.memory_space<hbm>>
    %dma_wait3A_52 = tpu.memref_squeeze %dma_wait3A_51 : memref<1x64xi32, #tpu.memory_space<hbm>> -> memref<64xi32, #tpu.memory_space<hbm>>
    %dma_wait3A_53 = arith.constant 64 : i32
    %dma_wait3A_54 = tpu.memref_slice %arg3[%add3A, %dma_wait3A_53] : memref<32x10240xi32, #tpu.memory_space<hbm>> -> memref<1x64xi32, #tpu.memory_space<hbm>>
    %dma_wait3A_55 = tpu.memref_squeeze %dma_wait3A_54 : memref<1x64xi32, #tpu.memory_space<hbm>> -> memref<64xi32, #tpu.memory_space<hbm>>
    tpu.wait_dma2 semaphore(%arg29 : memref<!tpu.dma_semaphore, #tpu.memory_space<semaphore_mem>>) src(%dma_wait3A_55 : memref<64xi32, #tpu.memory_space<hbm>>) dst(%arg14 : memref<64xi32, #tpu.memory_space<vmem>>)
    %scan3A_56 = arith.constant 0 : i32
    %scan3A_57 = arith.constant 4 : i32
    %scan3A_58 = arith.addi %scan3A_56, %scan3A_57 : i32
    %scan3A_59 = arith.constant 1 : i32
    scf.for %scan3A_218 = %scan3A_56 to %scan3A_58 step %scan3A_59  : i32 {
      %mul3A_219 = arith.constant 16 : i32
      %mul3A_220 = arith.muli %scan3A_218, %mul3A_219 : i32
      %get3A = arith.index_cast %mul3A_220 : i32 to index
      %get3A_221 = tpu.vector_load %arg14[%get3A] {strides = array<i32>} : memref<64xi32, #tpu.memory_space<vmem>>, vector<16xi32>,
      %shift_right_logical3A = arith.constant 14 : i32
      %shift_right_logical3A_222 = vector.broadcast %shift_right_logical3A : i32 to vector<16xi32>
      %shift_right_logical3A_223 = arith.shrui %get3A_221, %shift_right_logical3A_222 : vector<16xi32>
      %mul3A_224 = arith.constant 16 : i32
      %mul3A_225 = arith.muli %scan3A_218, %mul3A_224 : i32
      %swap3A = arith.index_cast %mul3A_225 : i32 to index
      %swap3A_226 = tpu.vector_load %arg19[%swap3A] {strides = array<i32>} : memref<64xi32, #tpu.memory_space<vmem>>, vector<16xi32>,
      tpu.vector_store %arg19[%swap3A], %shift_right_logical3A_223 {strides = array<i32>} : memref<64xi32, #tpu.memory_space<vmem>>, vector<16xi32>,
      %and3A = arith.constant 16383 : i32
      %and3A_227 = vector.broadcast %and3A : i32 to vector<16xi32>
      %and3A_228 = arith.andi %get3A_221, %and3A_227 : vector<16xi32>
      %mul3A_229 = arith.constant 16 : i32
      %mul3A_230 = arith.muli %scan3A_218, %mul3A_229 : i32
      %swap3A_231 = arith.index_cast %mul3A_230 : i32 to index
      %swap3A_232 = tpu.vector_load %arg24[%swap3A_231] {strides = array<i32>} : memref<64xi32, #tpu.memory_space<vmem>>, vector<16xi32>,
      tpu.vector_store %arg24[%swap3A_231], %and3A_228 {strides = array<i32>} : memref<64xi32, #tpu.memory_space<vmem>>, vector<16xi32>,
    }
    %scan3A_60 = arith.constant 4 : i32
    %dma_start3A_61 = arith.constant 384 : i32
    %dma_start3A_62 = tpu.memref_slice %arg3[%add3A, %dma_start3A_61] : memref<32x10240xi32, #tpu.memory_space<hbm>> -> memref<1x64xi32, #tpu.memory_space<hbm>>
    %dma_start3A_63 = tpu.memref_squeeze %dma_start3A_62 : memref<1x64xi32, #tpu.memory_space<hbm>> -> memref<64xi32, #tpu.memory_space<hbm>>
    %dma_start3A_64 = arith.constant 384 : i32
    %dma_start3A_65 = tpu.memref_slice %arg3[%add3A, %dma_start3A_64] : memref<32x10240xi32, #tpu.memory_space<hbm>> -> memref<1x64xi32, #tpu.memory_space<hbm>>
    %dma_start3A_66 = tpu.memref_squeeze %dma_start3A_65 : memref<1x64xi32, #tpu.memory_space<hbm>> -> memref<64xi32, #tpu.memory_space<hbm>>
    tpu.enqueue_dma source(%dma_start3A_66 : memref<64xi32, #tpu.memory_space<hbm>>) target(%arg14 : memref<64xi32, #tpu.memory_space<vmem>>) target_semaphore(%arg29 : memref<!tpu.dma_semaphore, #tpu.memory_space<semaphore_mem>>)
    %dma_start3A_67 = arith.constant 0 : i32
    %dma_start3A_68 = arith.constant 0 : i32
    %dma_start3A_69 = tpu.memref_slice %arg2[%dma_start3A_67, %dma_start3A_68] : memref<10240x128xf32, #tpu.memory_space<hbm>> -> memref<10240x128xf32, #tpu.memory_space<hbm>>
    tpu.enqueue_indirect_dma source(%dma_start3A_69 : memref<10240x128xf32, #tpu.memory_space<hbm>>) target(%arg9 : memref<64x128xf32, #tpu.memory_space<vmem>>) offsets(%arg19 : memref<64xi32, #tpu.memory_space<vmem>>) semaphore(%arg34 : memref<!tpu.dma_semaphore, #tpu.memory_space<semaphore_mem>>)
    %dma_wait3A_70 = arith.constant 128 : i32
    %dma_wait3A_71 = tpu.memref_slice %arg3[%add3A, %dma_wait3A_70] : memref<32x10240xi32, #tpu.memory_space<hbm>> -> memref<1x64xi32, #tpu.memory_space<hbm>>
    %dma_wait3A_72 = tpu.memref_squeeze %dma_wait3A_71 : memref<1x64xi32, #tpu.memory_space<hbm>> -> memref<64xi32, #tpu.memory_space<hbm>>
    %dma_wait3A_73 = arith.constant 128 : i32
    %dma_wait3A_74 = tpu.memref_slice %arg3[%add3A, %dma_wait3A_73] : memref<32x10240xi32, #tpu.memory_space<hbm>> -> memref<1x64xi32, #tpu.memory_space<hbm>>
    %dma_wait3A_75 = tpu.memref_squeeze %dma_wait3A_74 : memref<1x64xi32, #tpu.memory_space<hbm>> -> memref<64xi32, #tpu.memory_space<hbm>>
    tpu.wait_dma2 semaphore(%arg30 : memref<!tpu.dma_semaphore, #tpu.memory_space<semaphore_mem>>) src(%dma_wait3A_75 : memref<64xi32, #tpu.memory_space<hbm>>) dst(%arg15 : memref<64xi32, #tpu.memory_space<vmem>>)
    %scan3A_76 = arith.constant 0 : i32
    %scan3A_77 = arith.constant 4 : i32
    %scan3A_78 = arith.addi %scan3A_76, %scan3A_77 : i32
    %scan3A_79 = arith.constant 1 : i32
    scf.for %scan3A_218 = %scan3A_76 to %scan3A_78 step %scan3A_79  : i32 {
      %mul3A_219 = arith.constant 16 : i32
      %mul3A_220 = arith.muli %scan3A_218, %mul3A_219 : i32
      %get3A = arith.index_cast %mul3A_220 : i32 to index
      %get3A_221 = tpu.vector_load %arg15[%get3A] {strides = array<i32>} : memref<64xi32, #tpu.memory_space<vmem>>, vector<16xi32>,
      %shift_right_logical3A = arith.constant 14 : i32
      %shift_right_logical3A_222 = vector.broadcast %shift_right_logical3A : i32 to vector<16xi32>
      %shift_right_logical3A_223 = arith.shrui %get3A_221, %shift_right_logical3A_222 : vector<16xi32>
      %mul3A_224 = arith.constant 16 : i32
      %mul3A_225 = arith.muli %scan3A_218, %mul3A_224 : i32
      %swap3A = arith.index_cast %mul3A_225 : i32 to index
      %swap3A_226 = tpu.vector_load %arg20[%swap3A] {strides = array<i32>} : memref<64xi32, #tpu.memory_space<vmem>>, vector<16xi32>,
      tpu.vector_store %arg20[%swap3A], %shift_right_logical3A_223 {strides = array<i32>} : memref<64xi32, #tpu.memory_space<vmem>>, vector<16xi32>,
      %and3A = arith.constant 16383 : i32
      %and3A_227 = vector.broadcast %and3A : i32 to vector<16xi32>
      %and3A_228 = arith.andi %get3A_221, %and3A_227 : vector<16xi32>
      %mul3A_229 = arith.constant 16 : i32
      %mul3A_230 = arith.muli %scan3A_218, %mul3A_229 : i32
      %swap3A_231 = arith.index_cast %mul3A_230 : i32 to index
      %swap3A_232 = tpu.vector_load %arg25[%swap3A_231] {strides = array<i32>} : memref<64xi32, #tpu.memory_space<vmem>>, vector<16xi32>,
      tpu.vector_store %arg25[%swap3A_231], %and3A_228 {strides = array<i32>} : memref<64xi32, #tpu.memory_space<vmem>>, vector<16xi32>,
    }
    %scan3A_80 = arith.constant 4 : i32
    %dma_start3A_81 = arith.constant 448 : i32
    %dma_start3A_82 = tpu.memref_slice %arg3[%add3A, %dma_start3A_81] : memref<32x10240xi32, #tpu.memory_space<hbm>> -> memref<1x64xi32, #tpu.memory_space<hbm>>
    %dma_start3A_83 = tpu.memref_squeeze %dma_start3A_82 : memref<1x64xi32, #tpu.memory_space<hbm>> -> memref<64xi32, #tpu.memory_space<hbm>>
    %dma_start3A_84 = arith.constant 448 : i32
    %dma_start3A_85 = tpu.memref_slice %arg3[%add3A, %dma_start3A_84] : memref<32x10240xi32, #tpu.memory_space<hbm>> -> memref<1x64xi32, #tpu.memory_space<hbm>>
    %dma_start3A_86 = tpu.memref_squeeze %dma_start3A_85 : memref<1x64xi32, #tpu.memory_space<hbm>> -> memref<64xi32, #tpu.memory_space<hbm>>
    tpu.enqueue_dma source(%dma_start3A_86 : memref<64xi32, #tpu.memory_space<hbm>>) target(%arg15 : memref<64xi32, #tpu.memory_space<vmem>>) target_semaphore(%arg30 : memref<!tpu.dma_semaphore, #tpu.memory_space<semaphore_mem>>)
    %dma_start3A_87 = arith.constant 0 : i32
    %dma_start3A_88 = arith.constant 0 : i32
    %dma_start3A_89 = tpu.memref_slice %arg2[%dma_start3A_87, %dma_start3A_88] : memref<10240x128xf32, #tpu.memory_space<hbm>> -> memref<10240x128xf32, #tpu.memory_space<hbm>>
    tpu.enqueue_indirect_dma source(%dma_start3A_89 : memref<10240x128xf32, #tpu.memory_space<hbm>>) target(%arg10 : memref<64x128xf32, #tpu.memory_space<vmem>>) offsets(%arg20 : memref<64xi32, #tpu.memory_space<vmem>>) semaphore(%arg35 : memref<!tpu.dma_semaphore, #tpu.memory_space<semaphore_mem>>)
    %dma_wait3A_90 = arith.constant 192 : i32
    %dma_wait3A_91 = tpu.memref_slice %arg3[%add3A, %dma_wait3A_90] : memref<32x10240xi32, #tpu.memory_space<hbm>> -> memref<1x64xi32, #tpu.memory_space<hbm>>
    %dma_wait3A_92 = tpu.memref_squeeze %dma_wait3A_91 : memref<1x64xi32, #tpu.memory_space<hbm>> -> memref<64xi32, #tpu.memory_space<hbm>>
    %dma_wait3A_93 = arith.constant 192 : i32
    %dma_wait3A_94 = tpu.memref_slice %arg3[%add3A, %dma_wait3A_93] : memref<32x10240xi32, #tpu.memory_space<hbm>> -> memref<1x64xi32, #tpu.memory_space<hbm>>
    %dma_wait3A_95 = tpu.memref_squeeze %dma_wait3A_94 : memref<1x64xi32, #tpu.memory_space<hbm>> -> memref<64xi32, #tpu.memory_space<hbm>>
    tpu.wait_dma2 semaphore(%arg31 : memref<!tpu.dma_semaphore, #tpu.memory_space<semaphore_mem>>) src(%dma_wait3A_95 : memref<64xi32, #tpu.memory_space<hbm>>) dst(%arg16 : memref<64xi32, #tpu.memory_space<vmem>>)
    %scan3A_96 = arith.constant 0 : i32
    %scan3A_97 = arith.constant 4 : i32
    %scan3A_98 = arith.addi %scan3A_96, %scan3A_97 : i32
    %scan3A_99 = arith.constant 1 : i32
    scf.for %scan3A_218 = %scan3A_96 to %scan3A_98 step %scan3A_99  : i32 {
      %mul3A_219 = arith.constant 16 : i32
      %mul3A_220 = arith.muli %scan3A_218, %mul3A_219 : i32
      %get3A = arith.index_cast %mul3A_220 : i32 to index
      %get3A_221 = tpu.vector_load %arg16[%get3A] {strides = array<i32>} : memref<64xi32, #tpu.memory_space<vmem>>, vector<16xi32>,
      %shift_right_logical3A = arith.constant 14 : i32
      %shift_right_logical3A_222 = vector.broadcast %shift_right_logical3A : i32 to vector<16xi32>
      %shift_right_logical3A_223 = arith.shrui %get3A_221, %shift_right_logical3A_222 : vector<16xi32>
      %mul3A_224 = arith.constant 16 : i32
      %mul3A_225 = arith.muli %scan3A_218, %mul3A_224 : i32
      %swap3A = arith.index_cast %mul3A_225 : i32 to index
      %swap3A_226 = tpu.vector_load %arg21[%swap3A] {strides = array<i32>} : memref<64xi32, #tpu.memory_space<vmem>>, vector<16xi32>,
      tpu.vector_store %arg21[%swap3A], %shift_right_logical3A_223 {strides = array<i32>} : memref<64xi32, #tpu.memory_space<vmem>>, vector<16xi32>,
      %and3A = arith.constant 16383 : i32
      %and3A_227 = vector.broadcast %and3A : i32 to vector<16xi32>
      %and3A_228 = arith.andi %get3A_221, %and3A_227 : vector<16xi32>
      %mul3A_229 = arith.constant 16 : i32
      %mul3A_230 = arith.muli %scan3A_218, %mul3A_229 : i32
      %swap3A_231 = arith.index_cast %mul3A_230 : i32 to index
      %swap3A_232 = tpu.vector_load %arg26[%swap3A_231] {strides = array<i32>} : memref<64xi32, #tpu.memory_space<vmem>>, vector<16xi32>,
      tpu.vector_store %arg26[%swap3A_231], %and3A_228 {strides = array<i32>} : memref<64xi32, #tpu.memory_space<vmem>>, vector<16xi32>,
    }
    %scan3A_100 = arith.constant 4 : i32
    %dma_start3A_101 = arith.constant 512 : i32
    %dma_start3A_102 = tpu.memref_slice %arg3[%add3A, %dma_start3A_101] : memref<32x10240xi32, #tpu.memory_space<hbm>> -> memref<1x64xi32, #tpu.memory_space<hbm>>
    %dma_start3A_103 = tpu.memref_squeeze %dma_start3A_102 : memref<1x64xi32, #tpu.memory_space<hbm>> -> memref<64xi32, #tpu.memory_space<hbm>>
    %dma_start3A_104 = arith.constant 512 : i32
    %dma_start3A_105 = tpu.memref_slice %arg3[%add3A, %dma_start3A_104] : memref<32x10240xi32, #tpu.memory_space<hbm>> -> memref<1x64xi32, #tpu.memory_space<hbm>>
    %dma_start3A_106 = tpu.memref_squeeze %dma_start3A_105 : memref<1x64xi32, #tpu.memory_space<hbm>> -> memref<64xi32, #tpu.memory_space<hbm>>
    tpu.enqueue_dma source(%dma_start3A_106 : memref<64xi32, #tpu.memory_space<hbm>>) target(%arg16 : memref<64xi32, #tpu.memory_space<vmem>>) target_semaphore(%arg31 : memref<!tpu.dma_semaphore, #tpu.memory_space<semaphore_mem>>)
    %dma_start3A_107 = arith.constant 0 : i32
    %dma_start3A_108 = arith.constant 0 : i32
    %dma_start3A_109 = tpu.memref_slice %arg2[%dma_start3A_107, %dma_start3A_108] : memref<10240x128xf32, #tpu.memory_space<hbm>> -> memref<10240x128xf32, #tpu.memory_space<hbm>>
    tpu.enqueue_indirect_dma source(%dma_start3A_109 : memref<10240x128xf32, #tpu.memory_space<hbm>>) target(%arg11 : memref<64x128xf32, #tpu.memory_space<vmem>>) offsets(%arg21 : memref<64xi32, #tpu.memory_space<vmem>>) semaphore(%arg36 : memref<!tpu.dma_semaphore, #tpu.memory_space<semaphore_mem>>)
    %dma_wait3A_110 = arith.constant 256 : i32
    %dma_wait3A_111 = tpu.memref_slice %arg3[%add3A, %dma_wait3A_110] : memref<32x10240xi32, #tpu.memory_space<hbm>> -> memref<1x64xi32, #tpu.memory_space<hbm>>
    %dma_wait3A_112 = tpu.memref_squeeze %dma_wait3A_111 : memref<1x64xi32, #tpu.memory_space<hbm>> -> memref<64xi32, #tpu.memory_space<hbm>>
    %dma_wait3A_113 = arith.constant 256 : i32
    %dma_wait3A_114 = tpu.memref_slice %arg3[%add3A, %dma_wait3A_113] : memref<32x10240xi32, #tpu.memory_space<hbm>> -> memref<1x64xi32, #tpu.memory_space<hbm>>
    %dma_wait3A_115 = tpu.memref_squeeze %dma_wait3A_114 : memref<1x64xi32, #tpu.memory_space<hbm>> -> memref<64xi32, #tpu.memory_space<hbm>>
    tpu.wait_dma2 semaphore(%arg32 : memref<!tpu.dma_semaphore, #tpu.memory_space<semaphore_mem>>) src(%dma_wait3A_115 : memref<64xi32, #tpu.memory_space<hbm>>) dst(%arg17 : memref<64xi32, #tpu.memory_space<vmem>>)
    %scan3A_116 = arith.constant 0 : i32
    %scan3A_117 = arith.constant 4 : i32
    %scan3A_118 = arith.addi %scan3A_116, %scan3A_117 : i32
    %scan3A_119 = arith.constant 1 : i32
    scf.for %scan3A_218 = %scan3A_116 to %scan3A_118 step %scan3A_119  : i32 {
      %mul3A_219 = arith.constant 16 : i32
      %mul3A_220 = arith.muli %scan3A_218, %mul3A_219 : i32
      %get3A = arith.index_cast %mul3A_220 : i32 to index
      %get3A_221 = tpu.vector_load %arg17[%get3A] {strides = array<i32>} : memref<64xi32, #tpu.memory_space<vmem>>, vector<16xi32>,
      %shift_right_logical3A = arith.constant 14 : i32
      %shift_right_logical3A_222 = vector.broadcast %shift_right_logical3A : i32 to vector<16xi32>
      %shift_right_logical3A_223 = arith.shrui %get3A_221, %shift_right_logical3A_222 : vector<16xi32>
      %mul3A_224 = arith.constant 16 : i32
      %mul3A_225 = arith.muli %scan3A_218, %mul3A_224 : i32
      %swap3A = arith.index_cast %mul3A_225 : i32 to index
      %swap3A_226 = tpu.vector_load %arg22[%swap3A] {strides = array<i32>} : memref<64xi32, #tpu.memory_space<vmem>>, vector<16xi32>,
      tpu.vector_store %arg22[%swap3A], %shift_right_logical3A_223 {strides = array<i32>} : memref<64xi32, #tpu.memory_space<vmem>>, vector<16xi32>,
      %and3A = arith.constant 16383 : i32
      %and3A_227 = vector.broadcast %and3A : i32 to vector<16xi32>
      %and3A_228 = arith.andi %get3A_221, %and3A_227 : vector<16xi32>
      %mul3A_229 = arith.constant 16 : i32
      %mul3A_230 = arith.muli %scan3A_218, %mul3A_229 : i32
      %swap3A_231 = arith.index_cast %mul3A_230 : i32 to index
      %swap3A_232 = tpu.vector_load %arg27[%swap3A_231] {strides = array<i32>} : memref<64xi32, #tpu.memory_space<vmem>>, vector<16xi32>,
      tpu.vector_store %arg27[%swap3A_231], %and3A_228 {strides = array<i32>} : memref<64xi32, #tpu.memory_space<vmem>>, vector<16xi32>,
    }
    %scan3A_120 = arith.constant 4 : i32
    %dma_start3A_121 = arith.constant 576 : i32
    %dma_start3A_122 = tpu.memref_slice %arg3[%add3A, %dma_start3A_121] : memref<32x10240xi32, #tpu.memory_space<hbm>> -> memref<1x64xi32, #tpu.memory_space<hbm>>
    %dma_start3A_123 = tpu.memref_squeeze %dma_start3A_122 : memref<1x64xi32, #tpu.memory_space<hbm>> -> memref<64xi32, #tpu.memory_space<hbm>>
    %dma_start3A_124 = arith.constant 576 : i32
    %dma_start3A_125 = tpu.memref_slice %arg3[%add3A, %dma_start3A_124] : memref<32x10240xi32, #tpu.memory_space<hbm>> -> memref<1x64xi32, #tpu.memory_space<hbm>>
    %dma_start3A_126 = tpu.memref_squeeze %dma_start3A_125 : memref<1x64xi32, #tpu.memory_space<hbm>> -> memref<64xi32, #tpu.memory_space<hbm>>
    tpu.enqueue_dma source(%dma_start3A_126 : memref<64xi32, #tpu.memory_space<hbm>>) target(%arg17 : memref<64xi32, #tpu.memory_space<vmem>>) target_semaphore(%arg32 : memref<!tpu.dma_semaphore, #tpu.memory_space<semaphore_mem>>)
    %dma_start3A_127 = arith.constant 0 : i32
    %dma_start3A_128 = arith.constant 0 : i32
    %dma_start3A_129 = tpu.memref_slice %arg2[%dma_start3A_127, %dma_start3A_128] : memref<10240x128xf32, #tpu.memory_space<hbm>> -> memref<10240x128xf32, #tpu.memory_space<hbm>>
    tpu.enqueue_indirect_dma source(%dma_start3A_129 : memref<10240x128xf32, #tpu.memory_space<hbm>>) target(%arg12 : memref<64x128xf32, #tpu.memory_space<vmem>>) offsets(%arg22 : memref<64xi32, #tpu.memory_space<vmem>>) semaphore(%arg37 : memref<!tpu.dma_semaphore, #tpu.memory_space<semaphore_mem>>)
    %scan3A_130 = arith.constant 0 : i32
    %scan3A_131 = arith.constant 31 : i32
    %scan3A_132 = arith.addi %scan3A_130, %scan3A_131 : i32
    %scan3A_133 = arith.constant 1 : i32
    scf.for %scan3A_218 = %scan3A_130 to %scan3A_132 step %scan3A_133  : i32 {
      %mul3A_219 = arith.constant 5 : i32
      %mul3A_220 = arith.muli %mul3A_219, %scan3A_218 : i32
      %dma_wait3A_221 = arith.constant 0 : i32
      %dma_wait3A_222 = arith.constant 0 : i32
      %dma_wait3A_223 = tpu.memref_slice %arg2[%dma_wait3A_221, %dma_wait3A_222] : memref<10240x128xf32, #tpu.memory_space<hbm>> -> memref<10240x128xf32, #tpu.memory_space<hbm>>
      tpu.wait_indirect_dma semaphore(%arg33 : memref<!tpu.dma_semaphore, #tpu.memory_space<semaphore_mem>>) src(%dma_wait3A_223 : memref<10240x128xf32, #tpu.memory_space<hbm>>) dst(%arg8 : memref<64x128xf32, #tpu.memory_space<vmem>>)
      %dma_start3A_224 = arith.constant 0 : i32
      %dma_start3A_225 = arith.constant 0 : i32
      %dma_start3A_226 = tpu.memref_slice %arg7[%dma_start3A_224, %dma_start3A_225] : memref<10240x128xf32, #tpu.memory_space<vmem_shared>> -> memref<10240x128xf32, #tpu.memory_space<vmem_shared>>
      tpu.enqueue_indirect_dma source(%arg8 : memref<64x128xf32, #tpu.memory_space<vmem>>) target(%dma_start3A_226 : memref<10240x128xf32, #tpu.memory_space<vmem_shared>>) offsets(%arg23 : memref<64xi32, #tpu.memory_space<vmem>>) semaphore(%arg38 : memref<!tpu.dma_semaphore, #tpu.memory_space<semaphore_mem>>) {add = true}
      %dma_wait3A_227 = arith.constant 0 : i32
      %dma_wait3A_228 = arith.constant 0 : i32
      %dma_wait3A_229 = tpu.memref_slice %arg2[%dma_wait3A_227, %dma_wait3A_228] : memref<10240x128xf32, #tpu.memory_space<hbm>> -> memref<10240x128xf32, #tpu.memory_space<hbm>>
      tpu.wait_indirect_dma semaphore(%arg34 : memref<!tpu.dma_semaphore, #tpu.memory_space<semaphore_mem>>) src(%dma_wait3A_229 : memref<10240x128xf32, #tpu.memory_space<hbm>>) dst(%arg9 : memref<64x128xf32, #tpu.memory_space<vmem>>)
      %dma_start3A_230 = arith.constant 0 : i32
      %dma_start3A_231 = arith.constant 0 : i32
      %dma_start3A_232 = tpu.memref_slice %arg7[%dma_start3A_230, %dma_start3A_231] : memref<10240x128xf32, #tpu.memory_space<vmem_shared>> -> memref<10240x128xf32, #tpu.memory_space<vmem_shared>>
      tpu.enqueue_indirect_dma source(%arg9 : memref<64x128xf32, #tpu.memory_space<vmem>>) target(%dma_start3A_232 : memref<10240x128xf32, #tpu.memory_space<vmem_shared>>) offsets(%arg24 : memref<64xi32, #tpu.memory_space<vmem>>) semaphore(%arg39 : memref<!tpu.dma_semaphore, #tpu.memory_space<semaphore_mem>>) {add = true}
      %dma_wait3A_233 = arith.constant 0 : i32
      %dma_wait3A_234 = arith.constant 0 : i32
      %dma_wait3A_235 = tpu.memref_slice %arg2[%dma_wait3A_233, %dma_wait3A_234] : memref<10240x128xf32, #tpu.memory_space<hbm>> -> memref<10240x128xf32, #tpu.memory_space<hbm>>
      tpu.wait_indirect_dma semaphore(%arg35 : memref<!tpu.dma_semaphore, #tpu.memory_space<semaphore_mem>>) src(%dma_wait3A_235 : memref<10240x128xf32, #tpu.memory_space<hbm>>) dst(%arg10 : memref<64x128xf32, #tpu.memory_space<vmem>>)
      %dma_start3A_236 = arith.constant 0 : i32
      %dma_start3A_237 = arith.constant 0 : i32
      %dma_start3A_238 = tpu.memref_slice %arg7[%dma_start3A_236, %dma_start3A_237] : memref<10240x128xf32, #tpu.memory_space<vmem_shared>> -> memref<10240x128xf32, #tpu.memory_space<vmem_shared>>
      tpu.enqueue_indirect_dma source(%arg10 : memref<64x128xf32, #tpu.memory_space<vmem>>) target(%dma_start3A_238 : memref<10240x128xf32, #tpu.memory_space<vmem_shared>>) offsets(%arg25 : memref<64xi32, #tpu.memory_space<vmem>>) semaphore(%arg40 : memref<!tpu.dma_semaphore, #tpu.memory_space<semaphore_mem>>) {add = true}
      %dma_wait3A_239 = arith.constant 0 : i32
      %dma_wait3A_240 = arith.constant 0 : i32
      %dma_wait3A_241 = tpu.memref_slice %arg2[%dma_wait3A_239, %dma_wait3A_240] : memref<10240x128xf32, #tpu.memory_space<hbm>> -> memref<10240x128xf32, #tpu.memory_space<hbm>>
      tpu.wait_indirect_dma semaphore(%arg36 : memref<!tpu.dma_semaphore, #tpu.memory_space<semaphore_mem>>) src(%dma_wait3A_241 : memref<10240x128xf32, #tpu.memory_space<hbm>>) dst(%arg11 : memref<64x128xf32, #tpu.memory_space<vmem>>)
      %dma_start3A_242 = arith.constant 0 : i32
      %dma_start3A_243 = arith.constant 0 : i32
      %dma_start3A_244 = tpu.memref_slice %arg7[%dma_start3A_242, %dma_start3A_243] : memref<10240x128xf32, #tpu.memory_space<vmem_shared>> -> memref<10240x128xf32, #tpu.memory_space<vmem_shared>>
      tpu.enqueue_indirect_dma source(%arg11 : memref<64x128xf32, #tpu.memory_space<vmem>>) target(%dma_start3A_244 : memref<10240x128xf32, #tpu.memory_space<vmem_shared>>) offsets(%arg26 : memref<64xi32, #tpu.memory_space<vmem>>) semaphore(%arg41 : memref<!tpu.dma_semaphore, #tpu.memory_space<semaphore_mem>>) {add = true}
      %dma_wait3A_245 = arith.constant 0 : i32
      %dma_wait3A_246 = arith.constant 0 : i32
      %dma_wait3A_247 = tpu.memref_slice %arg2[%dma_wait3A_245, %dma_wait3A_246] : memref<10240x128xf32, #tpu.memory_space<hbm>> -> memref<10240x128xf32, #tpu.memory_space<hbm>>
      tpu.wait_indirect_dma semaphore(%arg37 : memref<!tpu.dma_semaphore, #tpu.memory_space<semaphore_mem>>) src(%dma_wait3A_247 : memref<10240x128xf32, #tpu.memory_space<hbm>>) dst(%arg12 : memref<64x128xf32, #tpu.memory_space<vmem>>)
      %dma_start3A_248 = arith.constant 0 : i32
      %dma_start3A_249 = arith.constant 0 : i32
      %dma_start3A_250 = tpu.memref_slice %arg7[%dma_start3A_248, %dma_start3A_249] : memref<10240x128xf32, #tpu.memory_space<vmem_shared>> -> memref<10240x128xf32, #tpu.memory_space<vmem_shared>>
      tpu.enqueue_indirect_dma source(%arg12 : memref<64x128xf32, #tpu.memory_space<vmem>>) target(%dma_start3A_250 : memref<10240x128xf32, #tpu.memory_space<vmem_shared>>) offsets(%arg27 : memref<64xi32, #tpu.memory_space<vmem>>) semaphore(%arg42 : memref<!tpu.dma_semaphore, #tpu.memory_space<semaphore_mem>>) {add = true}
      %dma_wait3A_251 = arith.constant 0 : i32
      %dma_wait3A_252 = arith.constant 0 : i32
      %dma_wait3A_253 = tpu.memref_slice %arg7[%dma_wait3A_251, %dma_wait3A_252] : memref<10240x128xf32, #tpu.memory_space<vmem_shared>> -> memref<10240x128xf32, #tpu.memory_space<vmem_shared>>
      tpu.wait_indirect_dma semaphore(%arg38 : memref<!tpu.dma_semaphore, #tpu.memory_space<semaphore_mem>>) src(%arg8 : memref<64x128xf32, #tpu.memory_space<vmem>>) dst(%dma_wait3A_253 : memref<10240x128xf32, #tpu.memory_space<vmem_shared>>)
      %add3A_254 = arith.constant 5 : i32
      %add3A_255 = arith.addi %mul3A_220, %add3A_254 : i32
      %add3A_256 = arith.constant 0 : i32
      %add3A_257 = arith.addi %add3A_255, %add3A_256 : i32
      %mul3A_258 = arith.constant 64 : i32
      %mul3A_259 = arith.muli %add3A_257, %mul3A_258 : i32
      %dma_wait3A_260 = tpu.memref_slice %arg3[%add3A, %mul3A_259] : memref<32x10240xi32, #tpu.memory_space<hbm>> -> memref<1x64xi32, #tpu.memory_space<hbm>>
      %dma_wait3A_261 = tpu.memref_squeeze %dma_wait3A_260 : memref<1x64xi32, #tpu.memory_space<hbm>> -> memref<64xi32, #tpu.memory_space<hbm>>
      %dma_wait3A_262 = tpu.memref_slice %arg3[%add3A, %mul3A_259] : memref<32x10240xi32, #tpu.memory_space<hbm>> -> memref<1x64xi32, #tpu.memory_space<hbm>>
      %dma_wait3A_263 = tpu.memref_squeeze %dma_wait3A_262 : memref<1x64xi32, #tpu.memory_space<hbm>> -> memref<64xi32, #tpu.memory_space<hbm>>
      tpu.wait_dma2 semaphore(%arg28 : memref<!tpu.dma_semaphore, #tpu.memory_space<semaphore_mem>>) src(%dma_wait3A_263 : memref<64xi32, #tpu.memory_space<hbm>>) dst(%arg13 : memref<64xi32, #tpu.memory_space<vmem>>)
      %scan3A_264 = arith.constant 0 : i32
      %scan3A_265 = arith.constant 4 : i32
      %scan3A_266 = arith.addi %scan3A_264, %scan3A_265 : i32
      %scan3A_267 = arith.constant 1 : i32
      scf.for %scan3A_415 = %scan3A_264 to %scan3A_266 step %scan3A_267  : i32 {
        %mul3A_416 = arith.constant 16 : i32
        %mul3A_417 = arith.muli %scan3A_415, %mul3A_416 : i32
        %get3A = arith.index_cast %mul3A_417 : i32 to index
        %get3A_418 = tpu.vector_load %arg13[%get3A] {strides = array<i32>} : memref<64xi32, #tpu.memory_space<vmem>>, vector<16xi32>,
        %shift_right_logical3A = arith.constant 14 : i32
        %shift_right_logical3A_419 = vector.broadcast %shift_right_logical3A : i32 to vector<16xi32>
        %shift_right_logical3A_420 = arith.shrui %get3A_418, %shift_right_logical3A_419 : vector<16xi32>
        %mul3A_421 = arith.constant 16 : i32
        %mul3A_422 = arith.muli %scan3A_415, %mul3A_421 : i32
        %swap3A = arith.index_cast %mul3A_422 : i32 to index
        %swap3A_423 = tpu.vector_load %arg18[%swap3A] {strides = array<i32>} : memref<64xi32, #tpu.memory_space<vmem>>, vector<16xi32>,
        tpu.vector_store %arg18[%swap3A], %shift_right_logical3A_420 {strides = array<i32>} : memref<64xi32, #tpu.memory_space<vmem>>, vector<16xi32>,
        %and3A = arith.constant 16383 : i32
        %and3A_424 = vector.broadcast %and3A : i32 to vector<16xi32>
        %and3A_425 = arith.andi %get3A_418, %and3A_424 : vector<16xi32>
        %mul3A_426 = arith.constant 16 : i32
        %mul3A_427 = arith.muli %scan3A_415, %mul3A_426 : i32
        %swap3A_428 = arith.index_cast %mul3A_427 : i32 to index
        %swap3A_429 = tpu.vector_load %arg23[%swap3A_428] {strides = array<i32>} : memref<64xi32, #tpu.memory_space<vmem>>, vector<16xi32>,
        tpu.vector_store %arg23[%swap3A_428], %and3A_425 {strides = array<i32>} : memref<64xi32, #tpu.memory_space<vmem>>, vector<16xi32>,
      }
      %scan3A_268 = arith.constant 4 : i32
      %add3A_269 = arith.constant 10 : i32
      %add3A_270 = arith.addi %mul3A_220, %add3A_269 : i32
      %add3A_271 = arith.constant 0 : i32
      %add3A_272 = arith.addi %add3A_270, %add3A_271 : i32
      %min3A = arith.constant 159 : i32
      %min3A_273 = arith.minsi %add3A_272, %min3A : i32
      %mul3A_274 = arith.constant 64 : i32
      %mul3A_275 = arith.muli %min3A_273, %mul3A_274 : i32
      %dma_start3A_276 = tpu.memref_slice %arg3[%add3A, %mul3A_275] : memref<32x10240xi32, #tpu.memory_space<hbm>> -> memref<1x64xi32, #tpu.memory_space<hbm>>
      %dma_start3A_277 = tpu.memref_squeeze %dma_start3A_276 : memref<1x64xi32, #tpu.memory_space<hbm>> -> memref<64xi32, #tpu.memory_space<hbm>>
      %dma_start3A_278 = tpu.memref_slice %arg3[%add3A, %mul3A_275] : memref<32x10240xi32, #tpu.memory_space<hbm>> -> memref<1x64xi32, #tpu.memory_space<hbm>>
      %dma_start3A_279 = tpu.memref_squeeze %dma_start3A_278 : memref<1x64xi32, #tpu.memory_space<hbm>> -> memref<64xi32, #tpu.memory_space<hbm>>
      tpu.enqueue_dma source(%dma_start3A_279 : memref<64xi32, #tpu.memory_space<hbm>>) target(%arg13 : memref<64xi32, #tpu.memory_space<vmem>>) target_semaphore(%arg28 : memref<!tpu.dma_semaphore, #tpu.memory_space<semaphore_mem>>)
      %dma_start3A_280 = arith.constant 0 : i32
      %dma_start3A_281 = arith.constant 0 : i32
      %dma_start3A_282 = tpu.memref_slice %arg2[%dma_start3A_280, %dma_start3A_281] : memref<10240x128xf32, #tpu.memory_space<hbm>> -> memref<10240x128xf32, #tpu.memory_space<hbm>>
      tpu.enqueue_indirect_dma source(%dma_start3A_282 : memref<10240x128xf32, #tpu.memory_space<hbm>>) target(%arg8 : memref<64x128xf32, #tpu.memory_space<vmem>>) offsets(%arg18 : memref<64xi32, #tpu.memory_space<vmem>>) semaphore(%arg33 : memref<!tpu.dma_semaphore, #tpu.memory_space<semaphore_mem>>)
      %dma_wait3A_283 = arith.constant 0 : i32
      %dma_wait3A_284 = arith.constant 0 : i32
      %dma_wait3A_285 = tpu.memref_slice %arg7[%dma_wait3A_283, %dma_wait3A_284] : memref<10240x128xf32, #tpu.memory_space<vmem_shared>> -> memref<10240x128xf32, #tpu.memory_space<vmem_shared>>
      tpu.wait_indirect_dma semaphore(%arg39 : memref<!tpu.dma_semaphore, #tpu.memory_space<semaphore_mem>>) src(%arg9 : memref<64x128xf32, #tpu.memory_space<vmem>>) dst(%dma_wait3A_285 : memref<10240x128xf32, #tpu.memory_space<vmem_shared>>)
      %add3A_286 = arith.constant 5 : i32
      %add3A_287 = arith.addi %mul3A_220, %add3A_286 : i32
      %add3A_288 = arith.constant 1 : i32
      %add3A_289 = arith.addi %add3A_287, %add3A_288 : i32
      %mul3A_290 = arith.constant 64 : i32
      %mul3A_291 = arith.muli %add3A_289, %mul3A_290 : i32
      %dma_wait3A_292 = tpu.memref_slice %arg3[%add3A, %mul3A_291] : memref<32x10240xi32, #tpu.memory_space<hbm>> -> memref<1x64xi32, #tpu.memory_space<hbm>>
      %dma_wait3A_293 = tpu.memref_squeeze %dma_wait3A_292 : memref<1x64xi32, #tpu.memory_space<hbm>> -> memref<64xi32, #tpu.memory_space<hbm>>
      %dma_wait3A_294 = tpu.memref_slice %arg3[%add3A, %mul3A_291] : memref<32x10240xi32, #tpu.memory_space<hbm>> -> memref<1x64xi32, #tpu.memory_space<hbm>>
      %dma_wait3A_295 = tpu.memref_squeeze %dma_wait3A_294 : memref<1x64xi32, #tpu.memory_space<hbm>> -> memref<64xi32, #tpu.memory_space<hbm>>
      tpu.wait_dma2 semaphore(%arg29 : memref<!tpu.dma_semaphore, #tpu.memory_space<semaphore_mem>>) src(%dma_wait3A_295 : memref<64xi32, #tpu.memory_space<hbm>>) dst(%arg14 : memref<64xi32, #tpu.memory_space<vmem>>)
      %scan3A_296 = arith.constant 0 : i32
      %scan3A_297 = arith.constant 4 : i32
      %scan3A_298 = arith.addi %scan3A_296, %scan3A_297 : i32
      %scan3A_299 = arith.constant 1 : i32
      scf.for %scan3A_415 = %scan3A_296 to %scan3A_298 step %scan3A_299  : i32 {
        %mul3A_416 = arith.constant 16 : i32
        %mul3A_417 = arith.muli %scan3A_415, %mul3A_416 : i32
        %get3A = arith.index_cast %mul3A_417 : i32 to index
        %get3A_418 = tpu.vector_load %arg14[%get3A] {strides = array<i32>} : memref<64xi32, #tpu.memory_space<vmem>>, vector<16xi32>,
        %shift_right_logical3A = arith.constant 14 : i32
        %shift_right_logical3A_419 = vector.broadcast %shift_right_logical3A : i32 to vector<16xi32>
        %shift_right_logical3A_420 = arith.shrui %get3A_418, %shift_right_logical3A_419 : vector<16xi32>
        %mul3A_421 = arith.constant 16 : i32
        %mul3A_422 = arith.muli %scan3A_415, %mul3A_421 : i32
        %swap3A = arith.index_cast %mul3A_422 : i32 to index
        %swap3A_423 = tpu.vector_load %arg19[%swap3A] {strides = array<i32>} : memref<64xi32, #tpu.memory_space<vmem>>, vector<16xi32>,
        tpu.vector_store %arg19[%swap3A], %shift_right_logical3A_420 {strides = array<i32>} : memref<64xi32, #tpu.memory_space<vmem>>, vector<16xi32>,
        %and3A = arith.constant 16383 : i32
        %and3A_424 = vector.broadcast %and3A : i32 to vector<16xi32>
        %and3A_425 = arith.andi %get3A_418, %and3A_424 : vector<16xi32>
        %mul3A_426 = arith.constant 16 : i32
        %mul3A_427 = arith.muli %scan3A_415, %mul3A_426 : i32
        %swap3A_428 = arith.index_cast %mul3A_427 : i32 to index
        %swap3A_429 = tpu.vector_load %arg24[%swap3A_428] {strides = array<i32>} : memref<64xi32, #tpu.memory_space<vmem>>, vector<16xi32>,
        tpu.vector_store %arg24[%swap3A_428], %and3A_425 {strides = array<i32>} : memref<64xi32, #tpu.memory_space<vmem>>, vector<16xi32>,
      }
      %scan3A_300 = arith.constant 4 : i32
      %add3A_301 = arith.constant 10 : i32
      %add3A_302 = arith.addi %mul3A_220, %add3A_301 : i32
      %add3A_303 = arith.constant 1 : i32
      %add3A_304 = arith.addi %add3A_302, %add3A_303 : i32
      %min3A_305 = arith.constant 159 : i32
      %min3A_306 = arith.minsi %add3A_304, %min3A_305 : i32
      %mul3A_307 = arith.constant 64 : i32
      %mul3A_308 = arith.muli %min3A_306, %mul3A_307 : i32
      %dma_start3A_309 = tpu.memref_slice %arg3[%add3A, %mul3A_308] : memref<32x10240xi32, #tpu.memory_space<hbm>> -> memref<1x64xi32, #tpu.memory_space<hbm>>
      %dma_start3A_310 = tpu.memref_squeeze %dma_start3A_309 : memref<1x64xi32, #tpu.memory_space<hbm>> -> memref<64xi32, #tpu.memory_space<hbm>>
      %dma_start3A_311 = tpu.memref_slice %arg3[%add3A, %mul3A_308] : memref<32x10240xi32, #tpu.memory_space<hbm>> -> memref<1x64xi32, #tpu.memory_space<hbm>>
      %dma_start3A_312 = tpu.memref_squeeze %dma_start3A_311 : memref<1x64xi32, #tpu.memory_space<hbm>> -> memref<64xi32, #tpu.memory_space<hbm>>
      tpu.enqueue_dma source(%dma_start3A_312 : memref<64xi32, #tpu.memory_space<hbm>>) target(%arg14 : memref<64xi32, #tpu.memory_space<vmem>>) target_semaphore(%arg29 : memref<!tpu.dma_semaphore, #tpu.memory_space<semaphore_mem>>)
      %dma_start3A_313 = arith.constant 0 : i32
      %dma_start3A_314 = arith.constant 0 : i32
      %dma_start3A_315 = tpu.memref_slice %arg2[%dma_start3A_313, %dma_start3A_314] : memref<10240x128xf32, #tpu.memory_space<hbm>> -> memref<10240x128xf32, #tpu.memory_space<hbm>>
      tpu.enqueue_indirect_dma source(%dma_start3A_315 : memref<10240x128xf32, #tpu.memory_space<hbm>>) target(%arg9 : memref<64x128xf32, #tpu.memory_space<vmem>>) offsets(%arg19 : memref<64xi32, #tpu.memory_space<vmem>>) semaphore(%arg34 : memref<!tpu.dma_semaphore, #tpu.memory_space<semaphore_mem>>)
      %dma_wait3A_316 = arith.constant 0 : i32
      %dma_wait3A_317 = arith.constant 0 : i32
      %dma_wait3A_318 = tpu.memref_slice %arg7[%dma_wait3A_316, %dma_wait3A_317] : memref<10240x128xf32, #tpu.memory_space<vmem_shared>> -> memref<10240x128xf32, #tpu.memory_space<vmem_shared>>
      tpu.wait_indirect_dma semaphore(%arg40 : memref<!tpu.dma_semaphore, #tpu.memory_space<semaphore_mem>>) src(%arg10 : memref<64x128xf32, #tpu.memory_space<vmem>>) dst(%dma_wait3A_318 : memref<10240x128xf32, #tpu.memory_space<vmem_shared>>)
      %add3A_319 = arith.constant 5 : i32
      %add3A_320 = arith.addi %mul3A_220, %add3A_319 : i32
      %add3A_321 = arith.constant 2 : i32
      %add3A_322 = arith.addi %add3A_320, %add3A_321 : i32
      %mul3A_323 = arith.constant 64 : i32
      %mul3A_324 = arith.muli %add3A_322, %mul3A_323 : i32
      %dma_wait3A_325 = tpu.memref_slice %arg3[%add3A, %mul3A_324] : memref<32x10240xi32, #tpu.memory_space<hbm>> -> memref<1x64xi32, #tpu.memory_space<hbm>>
      %dma_wait3A_326 = tpu.memref_squeeze %dma_wait3A_325 : memref<1x64xi32, #tpu.memory_space<hbm>> -> memref<64xi32, #tpu.memory_space<hbm>>
      %dma_wait3A_327 = tpu.memref_slice %arg3[%add3A, %mul3A_324] : memref<32x10240xi32, #tpu.memory_space<hbm>> -> memref<1x64xi32, #tpu.memory_space<hbm>>
      %dma_wait3A_328 = tpu.memref_squeeze %dma_wait3A_327 : memref<1x64xi32, #tpu.memory_space<hbm>> -> memref<64xi32, #tpu.memory_space<hbm>>
      tpu.wait_dma2 semaphore(%arg30 : memref<!tpu.dma_semaphore, #tpu.memory_space<semaphore_mem>>) src(%dma_wait3A_328 : memref<64xi32, #tpu.memory_space<hbm>>) dst(%arg15 : memref<64xi32, #tpu.memory_space<vmem>>)
      %scan3A_329 = arith.constant 0 : i32
      %scan3A_330 = arith.constant 4 : i32
      %scan3A_331 = arith.addi %scan3A_329, %scan3A_330 : i32
      %scan3A_332 = arith.constant 1 : i32
      scf.for %scan3A_415 = %scan3A_329 to %scan3A_331 step %scan3A_332  : i32 {
        %mul3A_416 = arith.constant 16 : i32
        %mul3A_417 = arith.muli %scan3A_415, %mul3A_416 : i32
        %get3A = arith.index_cast %mul3A_417 : i32 to index
        %get3A_418 = tpu.vector_load %arg15[%get3A] {strides = array<i32>} : memref<64xi32, #tpu.memory_space<vmem>>, vector<16xi32>,
        %shift_right_logical3A = arith.constant 14 : i32
        %shift_right_logical3A_419 = vector.broadcast %shift_right_logical3A : i32 to vector<16xi32>
        %shift_right_logical3A_420 = arith.shrui %get3A_418, %shift_right_logical3A_419 : vector<16xi32>
        %mul3A_421 = arith.constant 16 : i32
        %mul3A_422 = arith.muli %scan3A_415, %mul3A_421 : i32
        %swap3A = arith.index_cast %mul3A_422 : i32 to index
        %swap3A_423 = tpu.vector_load %arg20[%swap3A] {strides = array<i32>} : memref<64xi32, #tpu.memory_space<vmem>>, vector<16xi32>,
        tpu.vector_store %arg20[%swap3A], %shift_right_logical3A_420 {strides = array<i32>} : memref<64xi32, #tpu.memory_space<vmem>>, vector<16xi32>,
        %and3A = arith.constant 16383 : i32
        %and3A_424 = vector.broadcast %and3A : i32 to vector<16xi32>
        %and3A_425 = arith.andi %get3A_418, %and3A_424 : vector<16xi32>
        %mul3A_426 = arith.constant 16 : i32
        %mul3A_427 = arith.muli %scan3A_415, %mul3A_426 : i32
        %swap3A_428 = arith.index_cast %mul3A_427 : i32 to index
        %swap3A_429 = tpu.vector_load %arg25[%swap3A_428] {strides = array<i32>} : memref<64xi32, #tpu.memory_space<vmem>>, vector<16xi32>,
        tpu.vector_store %arg25[%swap3A_428], %and3A_425 {strides = array<i32>} : memref<64xi32, #tpu.memory_space<vmem>>, vector<16xi32>,
      }
      %scan3A_333 = arith.constant 4 : i32
      %add3A_334 = arith.constant 10 : i32
      %add3A_335 = arith.addi %mul3A_220, %add3A_334 : i32
      %add3A_336 = arith.constant 2 : i32
      %add3A_337 = arith.addi %add3A_335, %add3A_336 : i32
      %min3A_338 = arith.constant 159 : i32
      %min3A_339 = arith.minsi %add3A_337, %min3A_338 : i32
      %mul3A_340 = arith.constant 64 : i32
      %mul3A_341 = arith.muli %min3A_339, %mul3A_340 : i32
      %dma_start3A_342 = tpu.memref_slice %arg3[%add3A, %mul3A_341] : memref<32x10240xi32, #tpu.memory_space<hbm>> -> memref<1x64xi32, #tpu.memory_space<hbm>>
      %dma_start3A_343 = tpu.memref_squeeze %dma_start3A_342 : memref<1x64xi32, #tpu.memory_space<hbm>> -> memref<64xi32, #tpu.memory_space<hbm>>
      %dma_start3A_344 = tpu.memref_slice %arg3[%add3A, %mul3A_341] : memref<32x10240xi32, #tpu.memory_space<hbm>> -> memref<1x64xi32, #tpu.memory_space<hbm>>
      %dma_start3A_345 = tpu.memref_squeeze %dma_start3A_344 : memref<1x64xi32, #tpu.memory_space<hbm>> -> memref<64xi32, #tpu.memory_space<hbm>>
      tpu.enqueue_dma source(%dma_start3A_345 : memref<64xi32, #tpu.memory_space<hbm>>) target(%arg15 : memref<64xi32, #tpu.memory_space<vmem>>) target_semaphore(%arg30 : memref<!tpu.dma_semaphore, #tpu.memory_space<semaphore_mem>>)
      %dma_start3A_346 = arith.constant 0 : i32
      %dma_start3A_347 = arith.constant 0 : i32
      %dma_start3A_348 = tpu.memref_slice %arg2[%dma_start3A_346, %dma_start3A_347] : memref<10240x128xf32, #tpu.memory_space<hbm>> -> memref<10240x128xf32, #tpu.memory_space<hbm>>
      tpu.enqueue_indirect_dma source(%dma_start3A_348 : memref<10240x128xf32, #tpu.memory_space<hbm>>) target(%arg10 : memref<64x128xf32, #tpu.memory_space<vmem>>) offsets(%arg20 : memref<64xi32, #tpu.memory_space<vmem>>) semaphore(%arg35 : memref<!tpu.dma_semaphore, #tpu.memory_space<semaphore_mem>>)
      %dma_wait3A_349 = arith.constant 0 : i32
      %dma_wait3A_350 = arith.constant 0 : i32
      %dma_wait3A_351 = tpu.memref_slice %arg7[%dma_wait3A_349, %dma_wait3A_350] : memref<10240x128xf32, #tpu.memory_space<vmem_shared>> -> memref<10240x128xf32, #tpu.memory_space<vmem_shared>>
      tpu.wait_indirect_dma semaphore(%arg41 : memref<!tpu.dma_semaphore, #tpu.memory_space<semaphore_mem>>) src(%arg11 : memref<64x128xf32, #tpu.memory_space<vmem>>) dst(%dma_wait3A_351 : memref<10240x128xf32, #tpu.memory_space<vmem_shared>>)
      %add3A_352 = arith.constant 5 : i32
      %add3A_353 = arith.addi %mul3A_220, %add3A_352 : i32
      %add3A_354 = arith.constant 3 : i32
      %add3A_355 = arith.addi %add3A_353, %add3A_354 : i32
      %mul3A_356 = arith.constant 64 : i32
      %mul3A_357 = arith.muli %add3A_355, %mul3A_356 : i32
      %dma_wait3A_358 = tpu.memref_slice %arg3[%add3A, %mul3A_357] : memref<32x10240xi32, #tpu.memory_space<hbm>> -> memref<1x64xi32, #tpu.memory_space<hbm>>
      %dma_wait3A_359 = tpu.memref_squeeze %dma_wait3A_358 : memref<1x64xi32, #tpu.memory_space<hbm>> -> memref<64xi32, #tpu.memory_space<hbm>>
      %dma_wait3A_360 = tpu.memref_slice %arg3[%add3A, %mul3A_357] : memref<32x10240xi32, #tpu.memory_space<hbm>> -> memref<1x64xi32, #tpu.memory_space<hbm>>
      %dma_wait3A_361 = tpu.memref_squeeze %dma_wait3A_360 : memref<1x64xi32, #tpu.memory_space<hbm>> -> memref<64xi32, #tpu.memory_space<hbm>>
      tpu.wait_dma2 semaphore(%arg31 : memref<!tpu.dma_semaphore, #tpu.memory_space<semaphore_mem>>) src(%dma_wait3A_361 : memref<64xi32, #tpu.memory_space<hbm>>) dst(%arg16 : memref<64xi32, #tpu.memory_space<vmem>>)
      %scan3A_362 = arith.constant 0 : i32
      %scan3A_363 = arith.constant 4 : i32
      %scan3A_364 = arith.addi %scan3A_362, %scan3A_363 : i32
      %scan3A_365 = arith.constant 1 : i32
      scf.for %scan3A_415 = %scan3A_362 to %scan3A_364 step %scan3A_365  : i32 {
        %mul3A_416 = arith.constant 16 : i32
        %mul3A_417 = arith.muli %scan3A_415, %mul3A_416 : i32
        %get3A = arith.index_cast %mul3A_417 : i32 to index
        %get3A_418 = tpu.vector_load %arg16[%get3A] {strides = array<i32>} : memref<64xi32, #tpu.memory_space<vmem>>, vector<16xi32>,
        %shift_right_logical3A = arith.constant 14 : i32
        %shift_right_logical3A_419 = vector.broadcast %shift_right_logical3A : i32 to vector<16xi32>
        %shift_right_logical3A_420 = arith.shrui %get3A_418, %shift_right_logical3A_419 : vector<16xi32>
        %mul3A_421 = arith.constant 16 : i32
        %mul3A_422 = arith.muli %scan3A_415, %mul3A_421 : i32
        %swap3A = arith.index_cast %mul3A_422 : i32 to index
        %swap3A_423 = tpu.vector_load %arg21[%swap3A] {strides = array<i32>} : memref<64xi32, #tpu.memory_space<vmem>>, vector<16xi32>,
        tpu.vector_store %arg21[%swap3A], %shift_right_logical3A_420 {strides = array<i32>} : memref<64xi32, #tpu.memory_space<vmem>>, vector<16xi32>,
        %and3A = arith.constant 16383 : i32
        %and3A_424 = vector.broadcast %and3A : i32 to vector<16xi32>
        %and3A_425 = arith.andi %get3A_418, %and3A_424 : vector<16xi32>
        %mul3A_426 = arith.constant 16 : i32
        %mul3A_427 = arith.muli %scan3A_415, %mul3A_426 : i32
        %swap3A_428 = arith.index_cast %mul3A_427 : i32 to index
        %swap3A_429 = tpu.vector_load %arg26[%swap3A_428] {strides = array<i32>} : memref<64xi32, #tpu.memory_space<vmem>>, vector<16xi32>,
        tpu.vector_store %arg26[%swap3A_428], %and3A_425 {strides = array<i32>} : memref<64xi32, #tpu.memory_space<vmem>>, vector<16xi32>,
      }
      %scan3A_366 = arith.constant 4 : i32
      %add3A_367 = arith.constant 10 : i32
      %add3A_368 = arith.addi %mul3A_220, %add3A_367 : i32
      %add3A_369 = arith.constant 3 : i32
      %add3A_370 = arith.addi %add3A_368, %add3A_369 : i32
      %min3A_371 = arith.constant 159 : i32
      %min3A_372 = arith.minsi %add3A_370, %min3A_371 : i32
      %mul3A_373 = arith.constant 64 : i32
      %mul3A_374 = arith.muli %min3A_372, %mul3A_373 : i32
      %dma_start3A_375 = tpu.memref_slice %arg3[%add3A, %mul3A_374] : memref<32x10240xi32, #tpu.memory_space<hbm>> -> memref<1x64xi32, #tpu.memory_space<hbm>>
      %dma_start3A_376 = tpu.memref_squeeze %dma_start3A_375 : memref<1x64xi32, #tpu.memory_space<hbm>> -> memref<64xi32, #tpu.memory_space<hbm>>
      %dma_start3A_377 = tpu.memref_slice %arg3[%add3A, %mul3A_374] : memref<32x10240xi32, #tpu.memory_space<hbm>> -> memref<1x64xi32, #tpu.memory_space<hbm>>
      %dma_start3A_378 = tpu.memref_squeeze %dma_start3A_377 : memref<1x64xi32, #tpu.memory_space<hbm>> -> memref<64xi32, #tpu.memory_space<hbm>>
      tpu.enqueue_dma source(%dma_start3A_378 : memref<64xi32, #tpu.memory_space<hbm>>) target(%arg16 : memref<64xi32, #tpu.memory_space<vmem>>) target_semaphore(%arg31 : memref<!tpu.dma_semaphore, #tpu.memory_space<semaphore_mem>>)
      %dma_start3A_379 = arith.constant 0 : i32
      %dma_start3A_380 = arith.constant 0 : i32
      %dma_start3A_381 = tpu.memref_slice %arg2[%dma_start3A_379, %dma_start3A_380] : memref<10240x128xf32, #tpu.memory_space<hbm>> -> memref<10240x128xf32, #tpu.memory_space<hbm>>
      tpu.enqueue_indirect_dma source(%dma_start3A_381 : memref<10240x128xf32, #tpu.memory_space<hbm>>) target(%arg11 : memref<64x128xf32, #tpu.memory_space<vmem>>) offsets(%arg21 : memref<64xi32, #tpu.memory_space<vmem>>) semaphore(%arg36 : memref<!tpu.dma_semaphore, #tpu.memory_space<semaphore_mem>>)
      %dma_wait3A_382 = arith.constant 0 : i32
      %dma_wait3A_383 = arith.constant 0 : i32
      %dma_wait3A_384 = tpu.memref_slice %arg7[%dma_wait3A_382, %dma_wait3A_383] : memref<10240x128xf32, #tpu.memory_space<vmem_shared>> -> memref<10240x128xf32, #tpu.memory_space<vmem_shared>>
      tpu.wait_indirect_dma semaphore(%arg42 : memref<!tpu.dma_semaphore, #tpu.memory_space<semaphore_mem>>) src(%arg12 : memref<64x128xf32, #tpu.memory_space<vmem>>) dst(%dma_wait3A_384 : memref<10240x128xf32, #tpu.memory_space<vmem_shared>>)
      %add3A_385 = arith.constant 5 : i32
      %add3A_386 = arith.addi %mul3A_220, %add3A_385 : i32
      %add3A_387 = arith.constant 4 : i32
      %add3A_388 = arith.addi %add3A_386, %add3A_387 : i32
      %mul3A_389 = arith.constant 64 : i32
      %mul3A_390 = arith.muli %add3A_388, %mul3A_389 : i32
      %dma_wait3A_391 = tpu.memref_slice %arg3[%add3A, %mul3A_390] : memref<32x10240xi32, #tpu.memory_space<hbm>> -> memref<1x64xi32, #tpu.memory_space<hbm>>
      %dma_wait3A_392 = tpu.memref_squeeze %dma_wait3A_391 : memref<1x64xi32, #tpu.memory_space<hbm>> -> memref<64xi32, #tpu.memory_space<hbm>>
      %dma_wait3A_393 = tpu.memref_slice %arg3[%add3A, %mul3A_390] : memref<32x10240xi32, #tpu.memory_space<hbm>> -> memref<1x64xi32, #tpu.memory_space<hbm>>
      %dma_wait3A_394 = tpu.memref_squeeze %dma_wait3A_393 : memref<1x64xi32, #tpu.memory_space<hbm>> -> memref<64xi32, #tpu.memory_space<hbm>>
      tpu.wait_dma2 semaphore(%arg32 : memref<!tpu.dma_semaphore, #tpu.memory_space<semaphore_mem>>) src(%dma_wait3A_394 : memref<64xi32, #tpu.memory_space<hbm>>) dst(%arg17 : memref<64xi32, #tpu.memory_space<vmem>>)
      %scan3A_395 = arith.constant 0 : i32
      %scan3A_396 = arith.constant 4 : i32
      %scan3A_397 = arith.addi %scan3A_395, %scan3A_396 : i32
      %scan3A_398 = arith.constant 1 : i32
      scf.for %scan3A_415 = %scan3A_395 to %scan3A_397 step %scan3A_398  : i32 {
        %mul3A_416 = arith.constant 16 : i32
        %mul3A_417 = arith.muli %scan3A_415, %mul3A_416 : i32
        %get3A = arith.index_cast %mul3A_417 : i32 to index
        %get3A_418 = tpu.vector_load %arg17[%get3A] {strides = array<i32>} : memref<64xi32, #tpu.memory_space<vmem>>, vector<16xi32>,
        %shift_right_logical3A = arith.constant 14 : i32
        %shift_right_logical3A_419 = vector.broadcast %shift_right_logical3A : i32 to vector<16xi32>
        %shift_right_logical3A_420 = arith.shrui %get3A_418, %shift_right_logical3A_419 : vector<16xi32>
        %mul3A_421 = arith.constant 16 : i32
        %mul3A_422 = arith.muli %scan3A_415, %mul3A_421 : i32
        %swap3A = arith.index_cast %mul3A_422 : i32 to index
        %swap3A_423 = tpu.vector_load %arg22[%swap3A] {strides = array<i32>} : memref<64xi32, #tpu.memory_space<vmem>>, vector<16xi32>,
        tpu.vector_store %arg22[%swap3A], %shift_right_logical3A_420 {strides = array<i32>} : memref<64xi32, #tpu.memory_space<vmem>>, vector<16xi32>,
        %and3A = arith.constant 16383 : i32
        %and3A_424 = vector.broadcast %and3A : i32 to vector<16xi32>
        %and3A_425 = arith.andi %get3A_418, %and3A_424 : vector<16xi32>
        %mul3A_426 = arith.constant 16 : i32
        %mul3A_427 = arith.muli %scan3A_415, %mul3A_426 : i32
        %swap3A_428 = arith.index_cast %mul3A_427 : i32 to index
        %swap3A_429 = tpu.vector_load %arg27[%swap3A_428] {strides = array<i32>} : memref<64xi32, #tpu.memory_space<vmem>>, vector<16xi32>,
        tpu.vector_store %arg27[%swap3A_428], %and3A_425 {strides = array<i32>} : memref<64xi32, #tpu.memory_space<vmem>>, vector<16xi32>,
      }
      %scan3A_399 = arith.constant 4 : i32
      %add3A_400 = arith.constant 10 : i32
      %add3A_401 = arith.addi %mul3A_220, %add3A_400 : i32
      %add3A_402 = arith.constant 4 : i32
      %add3A_403 = arith.addi %add3A_401, %add3A_402 : i32
      %min3A_404 = arith.constant 159 : i32
      %min3A_405 = arith.minsi %add3A_403, %min3A_404 : i32
      %mul3A_406 = arith.constant 64 : i32
      %mul3A_407 = arith.muli %min3A_405, %mul3A_406 : i32
      %dma_start3A_408 = tpu.memref_slice %arg3[%add3A, %mul3A_407] : memref<32x10240xi32, #tpu.memory_space<hbm>> -> memref<1x64xi32, #tpu.memory_space<hbm>>
      %dma_start3A_409 = tpu.memref_squeeze %dma_start3A_408 : memref<1x64xi32, #tpu.memory_space<hbm>> -> memref<64xi32, #tpu.memory_space<hbm>>
      %dma_start3A_410 = tpu.memref_slice %arg3[%add3A, %mul3A_407] : memref<32x10240xi32, #tpu.memory_space<hbm>> -> memref<1x64xi32, #tpu.memory_space<hbm>>
      %dma_start3A_411 = tpu.memref_squeeze %dma_start3A_410 : memref<1x64xi32, #tpu.memory_space<hbm>> -> memref<64xi32, #tpu.memory_space<hbm>>
      tpu.enqueue_dma source(%dma_start3A_411 : memref<64xi32, #tpu.memory_space<hbm>>) target(%arg17 : memref<64xi32, #tpu.memory_space<vmem>>) target_semaphore(%arg32 : memref<!tpu.dma_semaphore, #tpu.memory_space<semaphore_mem>>)
      %dma_start3A_412 = arith.constant 0 : i32
      %dma_start3A_413 = arith.constant 0 : i32
      %dma_start3A_414 = tpu.memref_slice %arg2[%dma_start3A_412, %dma_start3A_413] : memref<10240x128xf32, #tpu.memory_space<hbm>> -> memref<10240x128xf32, #tpu.memory_space<hbm>>
      tpu.enqueue_indirect_dma source(%dma_start3A_414 : memref<10240x128xf32, #tpu.memory_space<hbm>>) target(%arg12 : memref<64x128xf32, #tpu.memory_space<vmem>>) offsets(%arg22 : memref<64xi32, #tpu.memory_space<vmem>>) semaphore(%arg37 : memref<!tpu.dma_semaphore, #tpu.memory_space<semaphore_mem>>)
    }
    %scan3A_134 = arith.constant 31 : i32
    %dma_wait3A_135 = arith.constant 0 : i32
    %dma_wait3A_136 = arith.constant 0 : i32
    %dma_wait3A_137 = tpu.memref_slice %arg2[%dma_wait3A_135, %dma_wait3A_136] : memref<10240x128xf32, #tpu.memory_space<hbm>> -> memref<10240x128xf32, #tpu.memory_space<hbm>>
    tpu.wait_indirect_dma semaphore(%arg33 : memref<!tpu.dma_semaphore, #tpu.memory_space<semaphore_mem>>) src(%dma_wait3A_137 : memref<10240x128xf32, #tpu.memory_space<hbm>>) dst(%arg8 : memref<64x128xf32, #tpu.memory_space<vmem>>)
    %dma_start3A_138 = arith.constant 0 : i32
    %dma_start3A_139 = arith.constant 0 : i32
    %dma_start3A_140 = tpu.memref_slice %arg7[%dma_start3A_138, %dma_start3A_139] : memref<10240x128xf32, #tpu.memory_space<vmem_shared>> -> memref<10240x128xf32, #tpu.memory_space<vmem_shared>>
    tpu.enqueue_indirect_dma source(%arg8 : memref<64x128xf32, #tpu.memory_space<vmem>>) target(%dma_start3A_140 : memref<10240x128xf32, #tpu.memory_space<vmem_shared>>) offsets(%arg23 : memref<64xi32, #tpu.memory_space<vmem>>) semaphore(%arg38 : memref<!tpu.dma_semaphore, #tpu.memory_space<semaphore_mem>>) {add = true}
    %dma_wait3A_141 = arith.constant 0 : i32
    %dma_wait3A_142 = arith.constant 0 : i32
    %dma_wait3A_143 = tpu.memref_slice %arg2[%dma_wait3A_141, %dma_wait3A_142] : memref<10240x128xf32, #tpu.memory_space<hbm>> -> memref<10240x128xf32, #tpu.memory_space<hbm>>
    tpu.wait_indirect_dma semaphore(%arg34 : memref<!tpu.dma_semaphore, #tpu.memory_space<semaphore_mem>>) src(%dma_wait3A_143 : memref<10240x128xf32, #tpu.memory_space<hbm>>) dst(%arg9 : memref<64x128xf32, #tpu.memory_space<vmem>>)
    %dma_start3A_144 = arith.constant 0 : i32
    %dma_start3A_145 = arith.constant 0 : i32
    %dma_start3A_146 = tpu.memref_slice %arg7[%dma_start3A_144, %dma_start3A_145] : memref<10240x128xf32, #tpu.memory_space<vmem_shared>> -> memref<10240x128xf32, #tpu.memory_space<vmem_shared>>
    tpu.enqueue_indirect_dma source(%arg9 : memref<64x128xf32, #tpu.memory_space<vmem>>) target(%dma_start3A_146 : memref<10240x128xf32, #tpu.memory_space<vmem_shared>>) offsets(%arg24 : memref<64xi32, #tpu.memory_space<vmem>>) semaphore(%arg39 : memref<!tpu.dma_semaphore, #tpu.memory_space<semaphore_mem>>) {add = true}
    %dma_wait3A_147 = arith.constant 0 : i32
    %dma_wait3A_148 = arith.constant 0 : i32
    %dma_wait3A_149 = tpu.memref_slice %arg2[%dma_wait3A_147, %dma_wait3A_148] : memref<10240x128xf32, #tpu.memory_space<hbm>> -> memref<10240x128xf32, #tpu.memory_space<hbm>>
    tpu.wait_indirect_dma semaphore(%arg35 : memref<!tpu.dma_semaphore, #tpu.memory_space<semaphore_mem>>) src(%dma_wait3A_149 : memref<10240x128xf32, #tpu.memory_space<hbm>>) dst(%arg10 : memref<64x128xf32, #tpu.memory_space<vmem>>)
    %dma_start3A_150 = arith.constant 0 : i32
    %dma_start3A_151 = arith.constant 0 : i32
    %dma_start3A_152 = tpu.memref_slice %arg7[%dma_start3A_150, %dma_start3A_151] : memref<10240x128xf32, #tpu.memory_space<vmem_shared>> -> memref<10240x128xf32, #tpu.memory_space<vmem_shared>>
    tpu.enqueue_indirect_dma source(%arg10 : memref<64x128xf32, #tpu.memory_space<vmem>>) target(%dma_start3A_152 : memref<10240x128xf32, #tpu.memory_space<vmem_shared>>) offsets(%arg25 : memref<64xi32, #tpu.memory_space<vmem>>) semaphore(%arg40 : memref<!tpu.dma_semaphore, #tpu.memory_space<semaphore_mem>>) {add = true}
    %dma_wait3A_153 = arith.constant 0 : i32
    %dma_wait3A_154 = arith.constant 0 : i32
    %dma_wait3A_155 = tpu.memref_slice %arg2[%dma_wait3A_153, %dma_wait3A_154] : memref<10240x128xf32, #tpu.memory_space<hbm>> -> memref<10240x128xf32, #tpu.memory_space<hbm>>
    tpu.wait_indirect_dma semaphore(%arg36 : memref<!tpu.dma_semaphore, #tpu.memory_space<semaphore_mem>>) src(%dma_wait3A_155 : memref<10240x128xf32, #tpu.memory_space<hbm>>) dst(%arg11 : memref<64x128xf32, #tpu.memory_space<vmem>>)
    %dma_start3A_156 = arith.constant 0 : i32
    %dma_start3A_157 = arith.constant 0 : i32
    %dma_start3A_158 = tpu.memref_slice %arg7[%dma_start3A_156, %dma_start3A_157] : memref<10240x128xf32, #tpu.memory_space<vmem_shared>> -> memref<10240x128xf32, #tpu.memory_space<vmem_shared>>
    tpu.enqueue_indirect_dma source(%arg11 : memref<64x128xf32, #tpu.memory_space<vmem>>) target(%dma_start3A_158 : memref<10240x128xf32, #tpu.memory_space<vmem_shared>>) offsets(%arg26 : memref<64xi32, #tpu.memory_space<vmem>>) semaphore(%arg41 : memref<!tpu.dma_semaphore, #tpu.memory_space<semaphore_mem>>) {add = true}
    %dma_wait3A_159 = arith.constant 0 : i32
    %dma_wait3A_160 = arith.constant 0 : i32
    %dma_wait3A_161 = tpu.memref_slice %arg2[%dma_wait3A_159, %dma_wait3A_160] : memref<10240x128xf32, #tpu.memory_space<hbm>> -> memref<10240x128xf32, #tpu.memory_space<hbm>>
    tpu.wait_indirect_dma semaphore(%arg37 : memref<!tpu.dma_semaphore, #tpu.memory_space<semaphore_mem>>) src(%dma_wait3A_161 : memref<10240x128xf32, #tpu.memory_space<hbm>>) dst(%arg12 : memref<64x128xf32, #tpu.memory_space<vmem>>)
    %dma_start3A_162 = arith.constant 0 : i32
    %dma_start3A_163 = arith.constant 0 : i32
    %dma_start3A_164 = tpu.memref_slice %arg7[%dma_start3A_162, %dma_start3A_163] : memref<10240x128xf32, #tpu.memory_space<vmem_shared>> -> memref<10240x128xf32, #tpu.memory_space<vmem_shared>>
    tpu.enqueue_indirect_dma source(%arg12 : memref<64x128xf32, #tpu.memory_space<vmem>>) target(%dma_start3A_164 : memref<10240x128xf32, #tpu.memory_space<vmem_shared>>) offsets(%arg27 : memref<64xi32, #tpu.memory_space<vmem>>) semaphore(%arg42 : memref<!tpu.dma_semaphore, #tpu.memory_space<semaphore_mem>>) {add = true}
    %dma_wait3A_165 = arith.constant 0 : i32
    %dma_wait3A_166 = arith.constant 0 : i32
    %dma_wait3A_167 = tpu.memref_slice %arg7[%dma_wait3A_165, %dma_wait3A_166] : memref<10240x128xf32, #tpu.memory_space<vmem_shared>> -> memref<10240x128xf32, #tpu.memory_space<vmem_shared>>
    tpu.wait_indirect_dma semaphore(%arg38 : memref<!tpu.dma_semaphore, #tpu.memory_space<semaphore_mem>>) src(%arg8 : memref<64x128xf32, #tpu.memory_space<vmem>>) dst(%dma_wait3A_167 : memref<10240x128xf32, #tpu.memory_space<vmem_shared>>)
    %dma_wait3A_168 = arith.constant 10176 : i32
    %dma_wait3A_169 = tpu.memref_slice %arg3[%add3A, %dma_wait3A_168] : memref<32x10240xi32, #tpu.memory_space<hbm>> -> memref<1x64xi32, #tpu.memory_space<hbm>>
    %dma_wait3A_170 = tpu.memref_squeeze %dma_wait3A_169 : memref<1x64xi32, #tpu.memory_space<hbm>> -> memref<64xi32, #tpu.memory_space<hbm>>
    %dma_wait3A_171 = arith.constant 10176 : i32
    %dma_wait3A_172 = tpu.memref_slice %arg3[%add3A, %dma_wait3A_171] : memref<32x10240xi32, #tpu.memory_space<hbm>> -> memref<1x64xi32, #tpu.memory_space<hbm>>
    %dma_wait3A_173 = tpu.memref_squeeze %dma_wait3A_172 : memref<1x64xi32, #tpu.memory_space<hbm>> -> memref<64xi32, #tpu.memory_space<hbm>>
    tpu.wait_dma2 semaphore(%arg28 : memref<!tpu.dma_semaphore, #tpu.memory_space<semaphore_mem>>) src(%dma_wait3A_173 : memref<64xi32, #tpu.memory_space<hbm>>) dst(%arg13 : memref<64xi32, #tpu.memory_space<vmem>>)
    %dma_wait3A_174 = arith.constant 0 : i32
    %dma_wait3A_175 = arith.constant 0 : i32
    %dma_wait3A_176 = tpu.memref_slice %arg7[%dma_wait3A_174, %dma_wait3A_175] : memref<10240x128xf32, #tpu.memory_space<vmem_shared>> -> memref<10240x128xf32, #tpu.memory_space<vmem_shared>>
    tpu.wait_indirect_dma semaphore(%arg39 : memref<!tpu.dma_semaphore, #tpu.memory_space<semaphore_mem>>) src(%arg9 : memref<64x128xf32, #tpu.memory_space<vmem>>) dst(%dma_wait3A_176 : memref<10240x128xf32, #tpu.memory_space<vmem_shared>>)
    %dma_wait3A_177 = arith.constant 10176 : i32
    %dma_wait3A_178 = tpu.memref_slice %arg3[%add3A, %dma_wait3A_177] : memref<32x10240xi32, #tpu.memory_space<hbm>> -> memref<1x64xi32, #tpu.memory_space<hbm>>
    %dma_wait3A_179 = tpu.memref_squeeze %dma_wait3A_178 : memref<1x64xi32, #tpu.memory_space<hbm>> -> memref<64xi32, #tpu.memory_space<hbm>>
    %dma_wait3A_180 = arith.constant 10176 : i32
    %dma_wait3A_181 = tpu.memref_slice %arg3[%add3A, %dma_wait3A_180] : memref<32x10240xi32, #tpu.memory_space<hbm>> -> memref<1x64xi32, #tpu.memory_space<hbm>>
    %dma_wait3A_182 = tpu.memref_squeeze %dma_wait3A_181 : memref<1x64xi32, #tpu.memory_space<hbm>> -> memref<64xi32, #tpu.memory_space<hbm>>
    tpu.wait_dma2 semaphore(%arg29 : memref<!tpu.dma_semaphore, #tpu.memory_space<semaphore_mem>>) src(%dma_wait3A_182 : memref<64xi32, #tpu.memory_space<hbm>>) dst(%arg14 : memref<64xi32, #tpu.memory_space<vmem>>)
    %dma_wait3A_183 = arith.constant 0 : i32
    %dma_wait3A_184 = arith.constant 0 : i32
    %dma_wait3A_185 = tpu.memref_slice %arg7[%dma_wait3A_183, %dma_wait3A_184] : memref<10240x128xf32, #tpu.memory_space<vmem_shared>> -> memref<10240x128xf32, #tpu.memory_space<vmem_shared>>
    tpu.wait_indirect_dma semaphore(%arg40 : memref<!tpu.dma_semaphore, #tpu.memory_space<semaphore_mem>>) src(%arg10 : memref<64x128xf32, #tpu.memory_space<vmem>>) dst(%dma_wait3A_185 : memref<10240x128xf32, #tpu.memory_space<vmem_shared>>)
    %dma_wait3A_186 = arith.constant 10176 : i32
    %dma_wait3A_187 = tpu.memref_slice %arg3[%add3A, %dma_wait3A_186] : memref<32x10240xi32, #tpu.memory_space<hbm>> -> memref<1x64xi32, #tpu.memory_space<hbm>>
    %dma_wait3A_188 = tpu.memref_squeeze %dma_wait3A_187 : memref<1x64xi32, #tpu.memory_space<hbm>> -> memref<64xi32, #tpu.memory_space<hbm>>
    %dma_wait3A_189 = arith.constant 10176 : i32
    %dma_wait3A_190 = tpu.memref_slice %arg3[%add3A, %dma_wait3A_189] : memref<32x10240xi32, #tpu.memory_space<hbm>> -> memref<1x64xi32, #tpu.memory_space<hbm>>
    %dma_wait3A_191 = tpu.memref_squeeze %dma_wait3A_190 : memref<1x64xi32, #tpu.memory_space<hbm>> -> memref<64xi32, #tpu.memory_space<hbm>>
    tpu.wait_dma2 semaphore(%arg30 : memref<!tpu.dma_semaphore, #tpu.memory_space<semaphore_mem>>) src(%dma_wait3A_191 : memref<64xi32, #tpu.memory_space<hbm>>) dst(%arg15 : memref<64xi32, #tpu.memory_space<vmem>>)
    %dma_wait3A_192 = arith.constant 0 : i32
    %dma_wait3A_193 = arith.constant 0 : i32
    %dma_wait3A_194 = tpu.memref_slice %arg7[%dma_wait3A_192, %dma_wait3A_193] : memref<10240x128xf32, #tpu.memory_space<vmem_shared>> -> memref<10240x128xf32, #tpu.memory_space<vmem_shared>>
    tpu.wait_indirect_dma semaphore(%arg41 : memref<!tpu.dma_semaphore, #tpu.memory_space<semaphore_mem>>) src(%arg11 : memref<64x128xf32, #tpu.memory_space<vmem>>) dst(%dma_wait3A_194 : memref<10240x128xf32, #tpu.memory_space<vmem_shared>>)
    %dma_wait3A_195 = arith.constant 10176 : i32
    %dma_wait3A_196 = tpu.memref_slice %arg3[%add3A, %dma_wait3A_195] : memref<32x10240xi32, #tpu.memory_space<hbm>> -> memref<1x64xi32, #tpu.memory_space<hbm>>
    %dma_wait3A_197 = tpu.memref_squeeze %dma_wait3A_196 : memref<1x64xi32, #tpu.memory_space<hbm>> -> memref<64xi32, #tpu.memory_space<hbm>>
    %dma_wait3A_198 = arith.constant 10176 : i32
    %dma_wait3A_199 = tpu.memref_slice %arg3[%add3A, %dma_wait3A_198] : memref<32x10240xi32, #tpu.memory_space<hbm>> -> memref<1x64xi32, #tpu.memory_space<hbm>>
    %dma_wait3A_200 = tpu.memref_squeeze %dma_wait3A_199 : memref<1x64xi32, #tpu.memory_space<hbm>> -> memref<64xi32, #tpu.memory_space<hbm>>
    tpu.wait_dma2 semaphore(%arg31 : memref<!tpu.dma_semaphore, #tpu.memory_space<semaphore_mem>>) src(%dma_wait3A_200 : memref<64xi32, #tpu.memory_space<hbm>>) dst(%arg16 : memref<64xi32, #tpu.memory_space<vmem>>)
    %dma_wait3A_201 = arith.constant 0 : i32
    %dma_wait3A_202 = arith.constant 0 : i32
    %dma_wait3A_203 = tpu.memref_slice %arg7[%dma_wait3A_201, %dma_wait3A_202] : memref<10240x128xf32, #tpu.memory_space<vmem_shared>> -> memref<10240x128xf32, #tpu.memory_space<vmem_shared>>
    tpu.wait_indirect_dma semaphore(%arg42 : memref<!tpu.dma_semaphore, #tpu.memory_space<semaphore_mem>>) src(%arg12 : memref<64x128xf32, #tpu.memory_space<vmem>>) dst(%dma_wait3A_203 : memref<10240x128xf32, #tpu.memory_space<vmem_shared>>)
    %dma_wait3A_204 = arith.constant 10176 : i32
    %dma_wait3A_205 = tpu.memref_slice %arg3[%add3A, %dma_wait3A_204] : memref<32x10240xi32, #tpu.memory_space<hbm>> -> memref<1x64xi32, #tpu.memory_space<hbm>>
    %dma_wait3A_206 = tpu.memref_squeeze %dma_wait3A_205 : memref<1x64xi32, #tpu.memory_space<hbm>> -> memref<64xi32, #tpu.memory_space<hbm>>
    %dma_wait3A_207 = arith.constant 10176 : i32
    %dma_wait3A_208 = tpu.memref_slice %arg3[%add3A, %dma_wait3A_207] : memref<32x10240xi32, #tpu.memory_space<hbm>> -> memref<1x64xi32, #tpu.memory_space<hbm>>
    %dma_wait3A_209 = tpu.memref_squeeze %dma_wait3A_208 : memref<1x64xi32, #tpu.memory_space<hbm>> -> memref<64xi32, #tpu.memory_space<hbm>>
    tpu.wait_dma2 semaphore(%arg32 : memref<!tpu.dma_semaphore, #tpu.memory_space<semaphore_mem>>) src(%dma_wait3A_209 : memref<64xi32, #tpu.memory_space<hbm>>) dst(%arg17 : memref<64xi32, #tpu.memory_space<vmem>>)
    %barrier3A_210 = arith.constant 0 : index
    tpu.barrier barrier_id(%barrier3A_210)
    %eq3A = arith.constant 0 : i32
    %eq3A_211 = arith.cmpi eq, %arg0, %eq3A : i32
    %convert_element_type3A = arith.extui %eq3A_211 : i1 to i32
    %cond3A = arith.constant 0 : i32
    %cond3A_212 = arith.cmpi ne, %convert_element_type3A, %cond3A : i32
    scf.if %cond3A_212 {
      "tpu.region"() ({
        %run_scoped3A = tpu.sem_alloc : memref<!tpu.dma_semaphore, #tpu.memory_space<semaphore_mem>>
        %dma_start3A_218 = arith.constant 0 : i32
        %dma_start3A_219 = tpu.memref_slice %arg5[%mul3A_2, %dma_start3A_218] : memref<10240x128xf32, #tpu.memory_space<hbm>> -> memref<640x128xf32, #tpu.memory_space<hbm>>
        %dma_start3A_220 = arith.constant 0 : i32
        %dma_start3A_221 = tpu.memref_slice %arg7[%mul3A_2, %dma_start3A_220] : memref<10240x128xf32, #tpu.memory_space<vmem_shared>> -> memref<640x128xf32, #tpu.memory_space<vmem_shared>>
        tpu.enqueue_dma source(%dma_start3A_221 : memref<640x128xf32, #tpu.memory_space<vmem_shared>>) target(%dma_start3A_219 : memref<640x128xf32, #tpu.memory_space<hbm>>) target_semaphore(%run_scoped3A : memref<!tpu.dma_semaphore, #tpu.memory_space<semaphore_mem>>)
        %dma_wait3A_222 = arith.constant 0 : i32
        %dma_wait3A_223 = tpu.memref_slice %arg5[%mul3A_2, %dma_wait3A_222] : memref<10240x128xf32, #tpu.memory_space<hbm>> -> memref<640x128xf32, #tpu.memory_space<hbm>>
        %dma_wait3A_224 = arith.constant 0 : i32
        %dma_wait3A_225 = tpu.memref_slice %arg7[%mul3A_2, %dma_wait3A_224] : memref<10240x128xf32, #tpu.memory_space<vmem_shared>> -> memref<640x128xf32, #tpu.memory_space<vmem_shared>>
        tpu.wait_dma2 semaphore(%run_scoped3A : memref<!tpu.dma_semaphore, #tpu.memory_space<semaphore_mem>>) src(%dma_wait3A_225 : memref<640x128xf32, #tpu.memory_space<vmem_shared>>) dst(%dma_wait3A_223 : memref<640x128xf32, #tpu.memory_space<hbm>>)
        tpu.yield
      }) : () -> ()
    } else {
    }
    %eq3A_213 = arith.constant 1 : i32
    %eq3A_214 = arith.cmpi eq, %arg0, %eq3A_213 : i32
    %convert_element_type3A_215 = arith.extui %eq3A_214 : i1 to i32
    %cond3A_216 = arith.constant 0 : i32
    %cond3A_217 = arith.cmpi ne, %convert_element_type3A_215, %cond3A_216 : i32
    scf.if %cond3A_217 {
      "tpu.region"() ({
        %run_scoped3A = tpu.sem_alloc : memref<!tpu.dma_semaphore, #tpu.memory_space<semaphore_mem>>
        %dma_start3A_218 = arith.constant 0 : i32
        %dma_start3A_219 = tpu.memref_slice %arg6[%mul3A_2, %dma_start3A_218] : memref<10240x128xf32, #tpu.memory_space<hbm>> -> memref<640x128xf32, #tpu.memory_space<hbm>>
        %dma_start3A_220 = arith.constant 0 : i32
        %dma_start3A_221 = tpu.memref_slice %arg7[%mul3A_2, %dma_start3A_220] : memref<10240x128xf32, #tpu.memory_space<vmem_shared>> -> memref<640x128xf32, #tpu.memory_space<vmem_shared>>
        tpu.enqueue_dma source(%dma_start3A_221 : memref<640x128xf32, #tpu.memory_space<vmem_shared>>) target(%dma_start3A_219 : memref<640x128xf32, #tpu.memory_space<hbm>>) target_semaphore(%run_scoped3A : memref<!tpu.dma_semaphore, #tpu.memory_space<semaphore_mem>>)
        %dma_wait3A_222 = arith.constant 0 : i32
        %dma_wait3A_223 = tpu.memref_slice %arg6[%mul3A_2, %dma_wait3A_222] : memref<10240x128xf32, #tpu.memory_space<hbm>> -> memref<640x128xf32, #tpu.memory_space<hbm>>
        %dma_wait3A_224 = arith.constant 0 : i32
        %dma_wait3A_225 = tpu.memref_slice %arg7[%mul3A_2, %dma_wait3A_224] : memref<10240x128xf32, #tpu.memory_space<vmem_shared>> -> memref<640x128xf32, #tpu.memory_space<vmem_shared>>
        tpu.wait_dma2 semaphore(%run_scoped3A : memref<!tpu.dma_semaphore, #tpu.memory_space<semaphore_mem>>) src(%dma_wait3A_225 : memref<640x128xf32, #tpu.memory_space<vmem_shared>>) dst(%dma_wait3A_223 : memref<640x128xf32, #tpu.memory_space<hbm>>)
        tpu.yield
      }) : () -> ()
    } else {
    }
    return
  }
}

module attributes {stable_mosaic.version = 14 : i64} {
  func.func @_scale1_body(%arg0: i32, %arg1: memref<32x256xf32, #tpu.memory_space<vmem>>, %arg2: memref<256x128xf32, #tpu.memory_space<vmem>>, %arg3: memref<256x1xf32, #tpu.memory_space<vmem>>, %arg4: memref<256x128xf32, #tpu.memory_space<vmem>>) attributes {dimension_semantics = [#tpu.dimension_semantics<arbitrary>], iteration_bounds = array<i64: 40>, scalar_prefetch = 0 : i64, scratch_operands = 0 : i64, tpu.core_type = #tpu.core_type<tc>, window_params = [{transform_indices = @transform_0, window_bounds = array<i64: 32, 256>}, {transform_indices = @transform_1, window_bounds = array<i64: 256, 128>}, {transform_indices = @transform_2, window_bounds = array<i64: 256, 1>}, {transform_indices = @transform_3, window_bounds = array<i64: 256, 128>}]} {
    %get3A = arith.constant 0 : index
    %get3A_0 = arith.constant 0 : index
    %get3A_1 = vector.load %arg1[%get3A, %get3A_0] : memref<32x256xf32, #tpu.memory_space<vmem>>, vector<32x256xf32>
    %reduce_sum3A = arith.constant dense<0.000000e+00> : vector<256xf32>
    %reduce_sum3A_2 = vector.multi_reduction <add>, %get3A_1, %reduce_sum3A [0] : vector<32x256xf32> to vector<256xf32>
    %broadcast_in_dim3A = vector.shape_cast %reduce_sum3A_2 : vector<256xf32> to vector<1x256xf32>
    %add3A = arith.constant 1.000000e+00 : f32
    %add3A_3 = vector.broadcast %add3A : f32 to vector<1x256xf32>
    %add3A_4 = arith.addf %broadcast_in_dim3A, %add3A_3 : vector<1x256xf32>
    %sqrt3A = math.sqrt %add3A_4 : vector<1x256xf32>
    %div3A = arith.constant 1.000000e+00 : f32
    %div3A_5 = vector.broadcast %div3A : f32 to vector<1x256xf32>
    %div3A_6 = arith.divf %div3A_5, %sqrt3A : vector<1x256xf32>
    %reshape3A = vector.shape_cast %div3A_6 : vector<1x256xf32> to vector<256x1xf32>
    %swap3A = arith.constant 0 : index
    %swap3A_7 = arith.constant 0 : index
    %swap3A_8 = vector.load %arg3[%swap3A, %swap3A_7] : memref<256x1xf32, #tpu.memory_space<vmem>>, vector<256x1xf32>
    tpu.vector_store %arg3[%swap3A, %swap3A_7], %reshape3A {strides = array<i32>} : memref<256x1xf32, #tpu.memory_space<vmem>>, vector<256x1xf32>,
    %mul3A = arith.constant 256 : i32
    %mul3A_9 = arith.muli %arg0, %mul3A : i32
    %iota3A = tpu.iota {dimensions = array<i32: 0>} : vector<256x1xi32>
    %add3A_10 = vector.broadcast %mul3A_9 : i32 to vector<256x1xi32>
    %add3A_11 = arith.addi %add3A_10, %iota3A : vector<256x1xi32>
    %lt3A = arith.constant 10000 : i32
    %lt3A_12 = vector.broadcast %lt3A : i32 to vector<256x1xi32>
    %lt3A_13 = arith.cmpi slt, %add3A_11, %lt3A_12 : vector<256x1xi32>
    %get3A_14 = arith.constant 0 : index
    %get3A_15 = arith.constant 0 : index
    %get3A_16 = vector.load %arg2[%get3A_14, %get3A_15] : memref<256x128xf32, #tpu.memory_space<vmem>>, vector<256x128xf32>
    %mul3A_17 = vector.broadcast %reshape3A : vector<256x1xf32> to vector<256x128xf32>
    %mul3A_18 = arith.mulf %mul3A_17, %get3A_16 : vector<256x128xf32>
    %jit3A = arith.constant 0.000000e+00 : f32
    %broadcast_in_dim3A_19 = vector.shape_cast %lt3A_13 : vector<256x1xi1> to vector<256x1xi1>
    %broadcast_in_dim3A_20 = vector.broadcast %broadcast_in_dim3A_19 : vector<256x1xi1> to vector<256x128xi1>
    %broadcast_in_dim3A_21 = vector.broadcast %jit3A : f32 to vector<256x128xf32>
    %select_n3A = arith.select %broadcast_in_dim3A_20, %mul3A_18, %broadcast_in_dim3A_21 : vector<256x128xi1>, vector<256x128xf32>
    %swap3A_22 = arith.constant 0 : index
    %swap3A_23 = arith.constant 0 : index
    %swap3A_24 = vector.load %arg4[%swap3A_22, %swap3A_23] : memref<256x128xf32, #tpu.memory_space<vmem>>, vector<256x128xf32>
    tpu.vector_store %arg4[%swap3A_22, %swap3A_23], %select_n3A {strides = array<i32>} : memref<256x128xf32, #tpu.memory_space<vmem>>, vector<256x128xf32>,
    return
  }
  func.func @transform_0(%arg0: i32) -> (i32, i32) {
    %c0_i32 = arith.constant 0 : i32
    %c0_i32_0 = arith.constant 0 : i32
    return %c0_i32, %arg0 : i32, i32
  }
  func.func @transform_1(%arg0: i32) -> (i32, i32) {
    %c0_i32 = arith.constant 0 : i32
    %c0_i32_0 = arith.constant 0 : i32
    return %arg0, %c0_i32 : i32, i32
  }
  func.func @transform_2(%arg0: i32) -> (i32, i32) {
    %c0_i32 = arith.constant 0 : i32
    %c0_i32_0 = arith.constant 0 : i32
    return %arg0, %c0_i32 : i32, i32
  }
  func.func @transform_3(%arg0: i32) -> (i32, i32) {
    %c0_i32 = arith.constant 0 : i32
    %c0_i32_0 = arith.constant 0 : i32
    return %arg0, %c0_i32 : i32, i32
  }
}

module attributes {stable_mosaic.version = 14 : i64} {
  func.func @_scale2_body(%arg0: i32, %arg1: memref<256x1xf32, #tpu.memory_space<vmem>>, %arg2: memref<256x128xf32, #tpu.memory_space<vmem>>, %arg3: memref<256x128xf32, #tpu.memory_space<vmem>>, %arg4: memref<256x128xf32, #tpu.memory_space<vmem>>, %arg5: memref<256x128xf32, #tpu.memory_space<vmem>>) attributes {dimension_semantics = [#tpu.dimension_semantics<arbitrary>], iteration_bounds = array<i64: 40>, scalar_prefetch = 0 : i64, scratch_operands = 0 : i64, tpu.core_type = #tpu.core_type<tc>, window_params = [{transform_indices = @transform_0, window_bounds = array<i64: 256, 1>}, {transform_indices = @transform_1, window_bounds = array<i64: 256, 128>}, {transform_indices = @transform_2, window_bounds = array<i64: 256, 128>}, {transform_indices = @transform_3, window_bounds = array<i64: 256, 128>}, {transform_indices = @transform_4, window_bounds = array<i64: 256, 128>}]} {
    %get3A = arith.constant 0 : index
    %get3A_0 = arith.constant 0 : index
    %get3A_1 = vector.load %arg1[%get3A, %get3A_0] : memref<256x1xf32, #tpu.memory_space<vmem>>, vector<256x1xf32>
    %mul3A = arith.mulf %get3A_1, %get3A_1 : vector<256x1xf32>
    %get3A_2 = arith.constant 0 : index
    %get3A_3 = arith.constant 0 : index
    %get3A_4 = vector.load %arg2[%get3A_2, %get3A_3] : memref<256x128xf32, #tpu.memory_space<vmem>>, vector<256x128xf32>
    %get3A_5 = arith.constant 0 : index
    %get3A_6 = arith.constant 0 : index
    %get3A_7 = vector.load %arg3[%get3A_5, %get3A_6] : memref<256x128xf32, #tpu.memory_space<vmem>>, vector<256x128xf32>
    %add3A = arith.addf %get3A_4, %get3A_7 : vector<256x128xf32>
    %get3A_8 = arith.constant 0 : index
    %get3A_9 = arith.constant 0 : index
    %get3A_10 = vector.load %arg4[%get3A_8, %get3A_9] : memref<256x128xf32, #tpu.memory_space<vmem>>, vector<256x128xf32>
    %add3A_11 = arith.addf %add3A, %get3A_10 : vector<256x128xf32>
    %mul3A_12 = vector.broadcast %mul3A : vector<256x1xf32> to vector<256x128xf32>
    %mul3A_13 = arith.mulf %mul3A_12, %add3A_11 : vector<256x128xf32>
    %swap3A = arith.constant 0 : index
    %swap3A_14 = arith.constant 0 : index
    %swap3A_15 = vector.load %arg5[%swap3A, %swap3A_14] : memref<256x128xf32, #tpu.memory_space<vmem>>, vector<256x128xf32>
    tpu.vector_store %arg5[%swap3A, %swap3A_14], %mul3A_13 {strides = array<i32>} : memref<256x128xf32, #tpu.memory_space<vmem>>, vector<256x128xf32>,
    return
  }
  func.func @transform_0(%arg0: i32) -> (i32, i32) {
    %c0_i32 = arith.constant 0 : i32
    %c0_i32_0 = arith.constant 0 : i32
    return %arg0, %c0_i32 : i32, i32
  }
  func.func @transform_1(%arg0: i32) -> (i32, i32) {
    %c0_i32 = arith.constant 0 : i32
    %c0_i32_0 = arith.constant 0 : i32
    return %arg0, %c0_i32 : i32, i32
  }
  func.func @transform_2(%arg0: i32) -> (i32, i32) {
    %c0_i32 = arith.constant 0 : i32
    %c0_i32_0 = arith.constant 0 : i32
    return %arg0, %c0_i32 : i32, i32
  }
  func.func @transform_3(%arg0: i32) -> (i32, i32) {
    %c0_i32 = arith.constant 0 : i32
    %c0_i32_0 = arith.constant 0 : i32
    return %arg0, %c0_i32 : i32, i32
  }
  func.func @transform_4(%arg0: i32) -> (i32, i32) {
    %c0_i32 = arith.constant 0 : i32
    %c0_i32_0 = arith.constant 0 : i32
    return %arg0, %c0_i32 : i32, i32
  }
}

module attributes {stable_mosaic.version = 14 : i64} {
  func.func @_final_body(%arg0: i32, %arg1: memref<256x1xf32, #tpu.memory_space<vmem>>, %arg2: memref<256x128xf32, #tpu.memory_space<vmem>>, %arg3: memref<256x128xf32, #tpu.memory_space<vmem>>, %arg4: memref<256x128xf32, #tpu.memory_space<vmem>>, %arg5: memref<1x1xf32, #tpu.memory_space<vmem>>) attributes {dimension_semantics = [#tpu.dimension_semantics<arbitrary>], iteration_bounds = array<i64: 40>, scalar_prefetch = 0 : i64, scratch_operands = 0 : i64, tpu.core_type = #tpu.core_type<tc>, window_params = [{transform_indices = @transform_0, window_bounds = array<i64: 256, 1>}, {transform_indices = @transform_1, window_bounds = array<i64: 256, 128>}, {transform_indices = @transform_2, window_bounds = array<i64: 256, 128>}, {transform_indices = @transform_3, window_bounds = array<i64: 256, 128>}, {pipeline_mode = #tpu.pipeline_mode<synchronous>, transform_indices = @transform_4, window_bounds = array<i64: 1, 1>}]} {
    %eq3A = arith.constant 0 : i32
    %eq3A_0 = arith.cmpi eq, %arg0, %eq3A : i32
    %convert_element_type3A = arith.extui %eq3A_0 : i1 to i32
    %cond3A = arith.constant 0 : i32
    %cond3A_1 = arith.cmpi ne, %convert_element_type3A, %cond3A : i32
    scf.if %cond3A_1 {
      %broadcast_in_dim3A = arith.constant 0.000000e+00 : f32
      %broadcast_in_dim3A_32 = vector.broadcast %broadcast_in_dim3A : f32 to vector<1x1xf32>
      %swap3A_33 = arith.constant 0 : index
      %swap3A_34 = arith.constant 0 : index
      %swap3A_35 = vector.load %arg5[%swap3A_33, %swap3A_34] : memref<1x1xf32, #tpu.memory_space<vmem>>, vector<1x1xf32>
      tpu.vector_store %arg5[%swap3A_33, %swap3A_34], %broadcast_in_dim3A_32 {strides = array<i32>} : memref<1x1xf32, #tpu.memory_space<vmem>>, vector<1x1xf32>,
    } else {
    }
    %get3A = arith.constant 0 : index
    %get3A_2 = arith.constant 0 : index
    %get3A_3 = vector.load %arg1[%get3A, %get3A_2] : memref<256x1xf32, #tpu.memory_space<vmem>>, vector<256x1xf32>
    %get3A_4 = arith.constant 0 : index
    %get3A_5 = arith.constant 0 : index
    %get3A_6 = vector.load %arg2[%get3A_4, %get3A_5] : memref<256x128xf32, #tpu.memory_space<vmem>>, vector<256x128xf32>
    %get3A_7 = arith.constant 0 : index
    %get3A_8 = arith.constant 0 : index
    %get3A_9 = vector.load %arg3[%get3A_7, %get3A_8] : memref<256x128xf32, #tpu.memory_space<vmem>>, vector<256x128xf32>
    %add3A = arith.addf %get3A_6, %get3A_9 : vector<256x128xf32>
    %get3A_10 = arith.constant 0 : index
    %get3A_11 = arith.constant 0 : index
    %get3A_12 = vector.load %arg4[%get3A_10, %get3A_11] : memref<256x128xf32, #tpu.memory_space<vmem>>, vector<256x128xf32>
    %add3A_13 = arith.addf %add3A, %get3A_12 : vector<256x128xf32>
    %mul3A = vector.broadcast %get3A_3 : vector<256x1xf32> to vector<256x128xf32>
    %mul3A_14 = arith.mulf %mul3A, %add3A_13 : vector<256x128xf32>
    %get3A_15 = arith.constant 0 : index
    %get3A_16 = arith.constant 0 : index
    %get3A_17 = vector.load %arg5[%get3A_15, %get3A_16] : memref<1x1xf32, #tpu.memory_space<vmem>>, vector<1x1xf32>
    %mul3A_18 = arith.mulf %mul3A_14, %mul3A_14 : vector<256x128xf32>
    %reduce_sum3A = vector.shape_cast %mul3A_18 : vector<256x128xf32> to vector<1x256x128xf32>
    %reduce_sum3A_19 = arith.constant dense<0.000000e+00> : vector<1xf32>
    %reduce_sum3A_20 = vector.multi_reduction <add>, %reduce_sum3A, %reduce_sum3A_19 [1, 2] : vector<1x256x128xf32> to vector<1xf32>
    %reduce_sum3A_21 = vector.shape_cast %reduce_sum3A_20 : vector<1xf32> to vector<1x1x1xf32>
    %reduce_sum3A_22 = vector.extract %reduce_sum3A_21[0, 0, 0] : f32 from vector<1x1x1xf32>
    %add3A_23 = vector.broadcast %reduce_sum3A_22 : f32 to vector<1x1xf32>
    %add3A_24 = arith.addf %get3A_17, %add3A_23 : vector<1x1xf32>
    %swap3A = arith.constant 0 : index
    %swap3A_25 = arith.constant 0 : index
    %swap3A_26 = vector.load %arg5[%swap3A, %swap3A_25] : memref<1x1xf32, #tpu.memory_space<vmem>>, vector<1x1xf32>
    tpu.vector_store %arg5[%swap3A, %swap3A_25], %add3A_24 {strides = array<i32>} : memref<1x1xf32, #tpu.memory_space<vmem>>, vector<1x1xf32>,
    %eq3A_27 = arith.constant 39 : i32
    %eq3A_28 = arith.cmpi eq, %arg0, %eq3A_27 : i32
    %convert_element_type3A_29 = arith.extui %eq3A_28 : i1 to i32
    %cond3A_30 = arith.constant 0 : i32
    %cond3A_31 = arith.cmpi ne, %convert_element_type3A_29, %cond3A_30 : i32
    scf.if %cond3A_31 {
      %get3A_32 = arith.constant 0 : index
      %get3A_33 = arith.constant 0 : index
      %get3A_34 = vector.load %arg5[%get3A_32, %get3A_33] : memref<1x1xf32, #tpu.memory_space<vmem>>, vector<1x1xf32>
      %sqrt3A = math.sqrt %get3A_34 : vector<1x1xf32>
      %swap3A_35 = arith.constant 0 : index
      %swap3A_36 = arith.constant 0 : index
      %swap3A_37 = vector.load %arg5[%swap3A_35, %swap3A_36] : memref<1x1xf32, #tpu.memory_space<vmem>>, vector<1x1xf32>
      tpu.vector_store %arg5[%swap3A_35, %swap3A_36], %sqrt3A {strides = array<i32>} : memref<1x1xf32, #tpu.memory_space<vmem>>, vector<1x1xf32>,
    } else {
    }
    return
  }
  func.func @transform_0(%arg0: i32) -> (i32, i32) {
    %c0_i32 = arith.constant 0 : i32
    %c0_i32_0 = arith.constant 0 : i32
    return %arg0, %c0_i32 : i32, i32
  }
  func.func @transform_1(%arg0: i32) -> (i32, i32) {
    %c0_i32 = arith.constant 0 : i32
    %c0_i32_0 = arith.constant 0 : i32
    return %arg0, %c0_i32 : i32, i32
  }
  func.func @transform_2(%arg0: i32) -> (i32, i32) {
    %c0_i32 = arith.constant 0 : i32
    %c0_i32_0 = arith.constant 0 : i32
    return %arg0, %c0_i32 : i32, i32
  }
  func.func @transform_3(%arg0: i32) -> (i32, i32) {
    %c0_i32 = arith.constant 0 : i32
    %c0_i32_0 = arith.constant 0 : i32
    return %arg0, %c0_i32 : i32, i32
  }
  func.func @transform_4(%arg0: i32) -> (i32, i32) {
    %c0_i32 = arith.constant 0 : i32
    %c0_i32_0 = arith.constant 0 : i32
    %c0_i32_1 = arith.constant 0 : i32
    return %c0_i32, %c0_i32_0 : i32, i32
  }
}

</mosaic_0001>

<sc_bundles>
// kernel: kernel.10.cloned.1.call-start
scs
__scs_entry_jumppad:
0x0: {  	(pc) =	sbr.rel $0x88, $3  }
0x1: {  	(tag) =	ssettag $0x0;
	lr =	simm.s32 $0x1  }
0x2: {  	[smem:$0x3F9F] =	sst lr;
	_ =	strace $0xD0000000  }
0x3: {  	_ = 	snop  }
0x4: {  	_ = 	snop  }
0x5: {  	_ = 	snop  }
0x6: {  	_ = 	snop  }
0x7: {  	_ = 	snop  }
__scs_overlays_trampoline_lowered:
0x8: {  	[smem:$0x3FAE] =	sst s0  }
0x9: {  	[smem:$0x3FAF] =	sst s1  }
0xa: {  	[smem:$0x3FB0] =	sst s2  }
0xb: {  	[smem:$0x3FB1] =	sst s3  }
0xc: {  	[smem:$0x3FB2] =	sst s4  }
0xd: {  	[smem:$0x3FB3] =	sst s5  }
0xe: {  	[smem:$0x3FB4] =	sst s6  }
0xf: {  	[smem:$0x3FB5] =	sst s7  }
0x10: {  	[smem:$0x3FB6] =	sst s8  }
0x11: {  	[smem:$0x3FB7] =	sst s9;
	s0 =	simm.s32 @!p0 $0x0  }
0x12: {  	s1 =	sld [smem:$0x3F9D];
	s0 =	simm.s32 @p0 $0x1  }
0x13: {  	[smem:$0x3FB8] =	sst s0;
	s0 =	simm.s32 @!p1 $0x0  }
0x14: {  	s2 =	sld [smem:$0x3F9C];
	s0 =	simm.s32 @p1 $0x1  }
0x15: {  	[smem:$0x3FB9] =	sst s0;
	s0 =	simm.s32 @!p2 $0x0  }
0x16: {  	s3 =	sld [smem:$0x3FDB];
	s0 =	simm.s32 @p2 $0x1  }
0x17: {  	s4 =	simm.s32 $0x1BF5;
	[smem:$0x3FBB] =	sst s0  }
0x18: {  	s0 =	sld [smem:$0x3F9E];
	_ =	swait.ge [sflag:s4], $0x0  }
0x19: {  	s7 =	sld [smem:$0x3F9F]  }
0x1a: {  	s8 =	sadd.s32 $0xFFFFE003, lr  }
0x1b: {  	s9 =	sadd.s32 $0xFFFFFEF7, lr;
	s5 =	simm.s32 $0xFFFFFFFF;
	p2 =	slt.u32 s8, $0xFFFFF086  }
0x1c: {  	p1 =	slt.u32 s9, $0xF7A;
	s5 =	simm.s32 @!p2 $0x0  }
0x1d: {  	s5 =	simm.s32 @p1 $0x1;
	p0 =	seq.s32 s7, s2  }
0x1e: {  	s7 =	smul.u32 @!p0 $0xF7A, s2;
	p2 =	seq.s32 @!p0 s5, $0x0  }
0x1f: {  	s9 =	smul.u32 $0xF7A, s1;
	s8 =	simm.s32 @!p0 $0x1BF5;
	p2 =	por !p2, p0  }
0x20: {  	[sflag:s8] =	ssyncset.s32 @!p0 $0xFFFFF086;
	s6 =	sadd.s32 @!p0 s3, s7;
	s7 =	simm.s32 @!p0 $0x108  }
0x21: {  	s3 =	sadd.s32 s3, s9;
	s6 =	sadd.s32 @!p0 $0x88, s6;
	s7 =	simm.s32 @p2 $0x1082  }
0x22: {  	[simem:s7], [sflag:s8] =	dma.local @!p0 [hbm:s6], $0xF7A  }
0x23: {  	s9 =	sor.u32 $0xD0000000, s2;
	s6 =	simm.s32 $0x108;
	_ =	swait.ge @!p0 [sflag:s8], $0x0  }
0x24: {  	s3 =	sadd.s32 $0x88, s3;
	s6 =	simm.s32 @!p1 $0x1082;
	[sflag:s4] =	ssyncset.s32 $0xFFFFF086  }
0x25: {  	[simem:s6], [sflag:s4] =	dma.local [hbm:s3], $0xF7A  }
0x26: {  	[smem:$0x3F9F] =	sst s1;
	(tag) =	ssettag s2;
	_ =	strace s9  }
0x27: {  	s1 =	sld [smem:$0x3FAF]  }
0x28: {  	s2 =	sld [smem:$0x3FB0]  }
0x29: {  	s4 =	sld [smem:$0x3FB2]  }
0x2a: {  	p0 =	seq.s32 s5, $0x0;
	s5 =	sld [smem:$0x3FB3]  }
0x2b: {  	s6 =	sld [smem:$0x3FB4]  }
0x2c: {  	s7 =	sld [smem:$0x3FB5]  }
0x2d: {  	s3 =	simm.s32 $0x108;
	s8 =	sld [smem:$0x3FB6]  }
0x2e: {  	s3 =	simm.s32 @!p0 $0x1082;
	s9 =	sld [smem:$0x3FB7]  }
0x2f: {  	lr =	sadd.s32 s0, s3;
	s0 =	sld [smem:$0x3FAE]  }
0x30: {  	s3 =	sld [smem:$0x3FB1]  }
0x31: {  	[smem:$0x3FBA] =	sst s10  }
0x32: {  	s10 =	sld [smem:$0x3FB8];
	_ =	sdelay $0x3  }
0x33: {  	p0 =	seq.s32 s10, $0x1;
	s10 =	sld [smem:$0x3FBA];
	_ =	sdelay $0x3  }
0x34: {  	[smem:$0x3FBA] =	sst s10  }
0x35: {  	s10 =	sld [smem:$0x3FB9];
	_ =	sdelay $0x3  }
0x36: {  	p1 =	seq.s32 s10, $0x1;
	s10 =	sld [smem:$0x3FBA];
	_ =	sdelay $0x3  }
0x37: {  	[smem:$0x3FBA] =	sst s10  }
0x38: {  	s10 =	sld [smem:$0x3FBB]  }
0x39: {  	_ = 	snop;
	(pc) =	sbr.ind lr, $3  }
0x3a: {  	_ = 	snop  }
0x3b: {  	_ = 	snop  }
0x3c: {  	p2 =	seq.s32 s10, $0x1;
	s10 =	sld [smem:$0x3FBA]  }
0x3d: {  	_ =	shalt  }
0x3e: {  	_ =	shalt  }
0x3f: {  	_ =	shalt  }
0x40: {  	_ =	shalt  }
0x41: {  	_ =	shalt  }
0x42: {  	_ =	shalt  }
0x43: {  	_ =	shalt  }
0x44: {  	_ =	shalt  }
0x45: {  	_ =	shalt  }
0x46: {  	_ =	shalt  }
0x47: {  	_ =	shalt  }
0x48: {  	_ =	shalt  }
0x49: {  	_ =	shalt  }
0x4a: {  	_ =	shalt  }
0x4b: {  	_ =	shalt  }
0x4c: {  	_ =	shalt  }
0x4d: {  	_ =	shalt  }
0x4e: {  	_ =	shalt  }
0x4f: {  	_ =	shalt  }
0x50: {  	_ =	shalt  }
0x51: {  	_ =	shalt  }
0x52: {  	_ =	shalt  }
0x53: {  	_ =	shalt  }
0x54: {  	_ =	shalt  }
0x55: {  	_ =	shalt  }
0x56: {  	_ =	shalt  }
0x57: {  	_ =	shalt  }
0x58: {  	_ =	shalt  }
0x59: {  	_ =	shalt  }
0x5a: {  	_ =	shalt  }
0x5b: {  	_ =	shalt  }
0x5c: {  	_ =	shalt  }
0x5d: {  	_ =	shalt  }
0x5e: {  	_ =	shalt  }
0x5f: {  	_ =	shalt  }
0x60: {  	_ =	shalt  }
0x61: {  	_ =	shalt  }
0x62: {  	_ =	shalt  }
0x63: {  	_ =	shalt  }
0x64: {  	_ =	shalt  }
0x65: {  	_ =	shalt  }
0x66: {  	_ =	shalt  }
0x67: {  	_ =	shalt  }
0x68: {  	_ =	shalt  }
0x69: {  	_ =	shalt  }
0x6a: {  	_ =	shalt  }
0x6b: {  	_ =	shalt  }
0x6c: {  	_ =	shalt  }
0x6d: {  	_ =	shalt  }
0x6e: {  	_ =	shalt  }
0x6f: {  	_ =	shalt  }
0x70: {  	_ =	shalt  }
0x71: {  	_ =	shalt  }
0x72: {  	_ =	shalt  }
0x73: {  	_ =	shalt  }
0x74: {  	_ =	shalt  }
0x75: {  	_ =	shalt  }
0x76: {  	_ =	shalt  }
0x77: {  	_ =	shalt  }
0x78: {  	_ =	shalt  }
0x79: {  	_ =	shalt  }
0x7a: {  	_ =	shalt  }
0x7b: {  	_ =	shalt  }
0x7c: {  	_ =	shalt  }
0x7d: {  	_ =	shalt  }
0x7e: {  	_ =	shalt  }
0x7f: {  	_ =	shalt  }
0x80: {  	_ =	shalt  }
0x81: {  	_ =	shalt  }
0x82: {  	_ =	shalt  }
0x83: {  	_ =	shalt  }
0x84: {  	_ =	shalt  }
0x85: {  	_ =	shalt  }
0x86: {  	_ =	shalt  }
0x87: {  	_ =	shalt  }
.Lfunc_end0:
.L_simem_size_0:
called_computation_lowered:
.L_overlay_start_0:
0x88: {  	s2 =	sld [smem:$0x3FD9]  }
0x89: {  	s3 =	sld [smem:$0x3FFE];
	_ =	sdelay $0x1  }
0x8a: {  	s1 =	srdreg.scid  }
0x8b: {  	s0 =	sand.u32 $0x1, s1  }
0x8c: {  	s16 =	sshll.u32 s0, $0xA;
	s2 =	sadd.s32 s3, s2  }
0x8d: {  	s2 =	sadd.s32 s2, s16  }
0x8e: {  	[smem:$0x3FC6] =	sst s2  }
0x8f: {  	_ = 	snop  }
0x90: {  	(tm) =	ssettm $0x1  }
0x91: {  	s17 =	sld [smem:$0x3FFB];
	_ =	sdelay $0x3  }
0x92: {  	_ =	strace s17  }
0x93: {  	s2 =	sld [smem:$0x3FFC];
	_ =	sdelay $0x3  }
0x94: {  	_ =	strace s2  }
0x95: {  	s2 =	sld [smem:$0x3FFD];
	_ =	sdelay $0x3  }
0x96: {  	_ =	strace s2  }
0x97: {  	_ =	strace $0x8FFFFFFF  }
0x98: {  	s18 =	sld [smem:$0x3FDB];
	_ =	sdelay $0x1  }
0x99: {  	s19 =	simm.s32 $_scs_section_size  }
0x9a: {  	s4 =	simm.s32 $_size__tile_overlayer_lowered;
	s5 =	simm.s32 $_tile_overlayer_lowered  }
0x9b: {  	s22 =	simm.s32 $0x1BFF;
	s21 =	sshll.u32 s5, $0x1;
	s2 =	sadd.s32 s19, s18  }
0x9c: {  	s6 =	simm.s32 $0x0;
	s20 =	sshll.u32 s4, $0x1;
	s4 =	sadd.s32 s21, s2  }
0x9d: {  	[timem:s6], [sflag:s22] =	dma.local [hbm:s4], s20  }
0x9e: {  	_ =	swait.ge [sflag:s22], s20  }
0x9f: {  	s3 =	ssub.s32 $0x0, s20;
	[sflag:s22] =	ssyncset.done $0x0  }
0xa0: {  	[sflag:s22] =	ssyncadd.s32 s3;
	_ =	sdelay $0x1  }
0xa1: {  	s23 =	simm.s32 $0x1B8B  }
0xa2: {  	_ =	swait.ge [sflag:s23], $0x1  }
0xa3: {  	[sflag:s23] =	ssyncset.done $0x0  }
0xa4: {  	s25 =	simm.s32 $0x1B8E;
	s24 =	sld [smem:$0x3FFE];
	[sflag:s23] =	ssyncadd.s32 $0xFFFFFFFF  }
0xa5: {  	s26 =	simm.s32 $execute0_lowered;
	[smem:$0x3FD2] =	sst s25  }
0xa6: {  	s4 =	sshll.u32 s26, $0x1;
	_ =	strace $0x80000046;
	[dreg:$0x1] =	wrdreg $0xFFFFFFFF  }
0xa7: {  	s28 =	simm.s32 $_size_execute0_lowered;
	s2 =	sadd.s32 s2, s4;
	[dreg:$0x0] =	wrdreg $0x0  }
0xa8: {  	s4 =	sshll.u32 s28, $0x1;
	[dreg:$0x2] =	wrdreg s2  }
0xa9: {  	[dreg:$0x3] =	wrdreg s4  }
0xaa: {  	[dreg:$0x4] =	wrdreg $0xC0  }
0xab: {  	_ =	task [dreg:s6], $0x5FFFF  }
0xac: {  	[dreg:$0x1] =	wrdreg $0xFFFFFFFF  }
0xad: {  	[dreg:$0x0] =	wrdreg $0x60  }
0xae: {  	[dreg:$0x2] =	wrdreg s24  }
0xaf: {  	[dreg:$0x3] =	wrdreg $0x9  }
0xb0: {  	_ =	task.clear_ibuf [dreg:s6], $0x4FFFF;
	_ =	strace $0x90000046  }
0xb1: {  	s29 =	simm.s32 $0x9;
	_ =	strace $0x80000048  }
0xb2: {  	_ =	swait.ge [sflag:s29], $0x1  }
0xb3: {  	[sflag:s29] =	ssyncadd.s32 $0xFFFFFFFF  }
0xb4: {  	_ =	strace $0x90000048  }
0xb5: {  	_ =	sfence  }
0xb6: {  	s30 =	sld [smem:$0x0];
	_ =	sdelay $0x2  }
0xb7: {  	s31 =	sshll.u32 s1, $0xD;
	s1 =	sshrl.u32 s1, $0x2  }
0xb8: {  	s3 =	sand.u32 $0x4000, s31;
	s1 =	sadd.s32 s1, s30  }
0xb9: {  	s0 =	sor.u32 s3, s0;
	s1 =	sshll.u32 s1, $0x11  }
0xba: {  	s0 =	sor.u32 s1, s0  }
0xbb: {  	s0 =	sadd.s32 $0x8F2B, s0  }
0xbc: {  	[sflag:s0] =	ssyncadd.remote.s32 $0x1  }
0xbd: {  	_ =	sfence.sel $0xFFFF  }
0xbe: {  	[dreg:$0x0] =	wrdreg $0xFFFFFFFF;
	(pc) =	sbr.abs _section_cstart, $3  }
0xbf: {  	[dreg:$0x1] =	wrdreg $0xFFFFFFFF  }
0xc0: {  	_ =	task.clear_ibuf [dreg:s6], $0x2FFFF;
	_ =	strace $0x9FFFFFFF  }
0xc1: {  	(tm) =	ssettm $0x7FFFFFFF  }
tec
execute0_lowered:
.L_overlay_start_1:
0x0: {  	(tag) =	ssettag $0x1  }
0x1: {  	s1 =	srdreg.scid;
	s0 =	stileid.u32  }
0x2: {  	s3 =	rddreg [dreg:$0x0];
	s10 =	simm.s32 $0x2800;
	s11 =	simm.s32 $0x1  }
0x3: {  	s12 =	simm.s32 $0x80;
	s13 =	simm.s32 $0x400;
	s14 =	simm.s32 $0x0  }
0x4: {  	s4 =	sand.u32 $0x1, s1;
	s2 =	sshll.u32 s0, $0x1;
	s1 =	rddreg [dreg:$0x1]  }
0x5: {  	s6 =	sshrl.u32 s0, $0x2;
	s5 =	sor.u32 s4, s2;
	s2 =	simm.s32 $0x0  }
0x6: {  	s6 =	smul.u32 $0x14000, s6;
	s4 =	ssub.s32 $0x2, s4;
	s7 =	sshll.u32 s5, $0x7  }
0x7: {  	[smem:$0x7FF] =	sst s2;
	s5 =	smul.u32 $0x2710, s5;
	s7 =	sand.u32 $0x380, s7  }
0x8: {  	s31 =	sshrl.u32 s4, $0x1;
	_ =	strace $0x80000047;
	s6 =	sor.u32 s6, s7  }
0x9: {  	s4 =	ssub.s32 s4, s31;
	s5 =	sshrl.u32 s5, $0x3;
	s6 =	sshrl.u32 s6, $0x3  }
0xa: {  	s4 =	smax.u32 s4, $0x1;
	s9 =	sadd.s32 s5, s3;
	s3 =	sadd.s32 s6, s3  }
0xb: {  	s5 =	sadd.s32 $0x3600, s9;
	s6 =	sadd.s32 $0x36FA, s9;
	s7 =	sadd.s32 $0x37F4, s9  }
0xc: {  	v0 =	vimm.f32 $0.0e+00;
	v1 =	vimm.f32 $1.000000000e+00;
	s8 =	sadd.s32 $0x38EE, s9;
	s9 =	sadd.s32 $0x39E8, s9;
	s3 =	sadd.s32 $0xD400, s3  }
.LBB2_1:
0xd: {  	s15 =	simm.s32 $0x40;
	s16 =	simm.s32 $0x0  }
.LBB2_2:
0xe: {  	p0 =	sne.s32 s15, $0x9FC0;
	[tilespmem:s16+$0x0] =	vst v0;
	s16 =	smov.u32 s15;
	s15 =	sadd.s32 $0x40, s15  }
.Ltmp0:
0xf: {  	(pc) =	sbr.rel @p0 .LBB2_2-.Ltmp0, $2  }
0x10: {  	_ =	sdelay $0x2  }
0x11: {  	s16 =	sshra.s32 s16, $0x2  }
0x12: {  	[tilespmem:s16+$0x0] =	vst v0;
	s15 =	simm.s32 $0x0  }
0x13: {  	[tilespmem:s10], [sflag:$0x1] =	stream.linear.gather [hbm4b:s5+s15], $0x7D0, $0x38;
	[tilespmem:$0x3000] =	vst v63  }
0x14: {  	_ =	swait.ge [sflag:s11], $0x7D0  }
0x15: {  	[sflag:s11] =	ssyncset.done $0x0  }
0x16: {  	s16 =	simm.s32 $0x0;
	s15 =	simm.s32 $0x40;
	[sflag:s11] =	ssyncadd.s32 $0xFFFFF830  }
.LBB2_4:
0x17: {  	p0 =	sne.s32 s15, $0x1F00;
	v2 =	vld [tilespmem:s16+$0x2800];
	_ =	sdelay $0x3  }
.Ltmp1:
0x18: {  	(pc) =	sbr.rel @p0 .LBB2_4-.Ltmp1, $2  }
0x19: {  	_ =	sdelay $0x2  }
0x1a: {  	s16 =	sshra.s32 s15, $0x2;
	s15 =	sadd.s32 $0x40, s15;
	[tilespmem:v2+s2+$0x0] =	vst.idx.add.f32.msk $0xffff, v1  }
0x1b: {  	v2 =	vld [tilespmem:s16+$0x2800];
	_ =	sdelay $0x7  }
0x1c: {  	s15 =	simm.s32 $0x0;
	[tilespmem:v2+s2+$0x0] =	vst.idx.add.f32.msk $0xffff, v1  }
0x1d: {  	[tilespmem:s10], [sflag:$0x1] =	stream.linear.gather [hbm4b:s6+s15], $0x7D0, $0x38;
	[tilespmem:$0x3000] =	vst v63  }
0x1e: {  	_ =	swait.ge [sflag:s11], $0x7D0  }
0x1f: {  	[sflag:s11] =	ssyncset.done $0x0  }
0x20: {  	s16 =	simm.s32 $0x0;
	s15 =	simm.s32 $0x40;
	[sflag:s11] =	ssyncadd.s32 $0xFFFFF830  }
.LBB2_6:
0x21: {  	p0 =	sne.s32 s15, $0x1F00;
	v2 =	vld [tilespmem:s16+$0x2800];
	_ =	sdelay $0x3  }
.Ltmp2:
0x22: {  	(pc) =	sbr.rel @p0 .LBB2_6-.Ltmp2, $2  }
0x23: {  	_ =	sdelay $0x2  }
0x24: {  	s16 =	sshra.s32 s15, $0x2;
	s15 =	sadd.s32 $0x40, s15;
	[tilespmem:v2+s2+$0x0] =	vst.idx.add.f32.msk $0xffff, v1  }
0x25: {  	v2 =	vld [tilespmem:s16+$0x2800];
	_ =	sdelay $0x7  }
0x26: {  	s15 =	simm.s32 $0x0;
	[tilespmem:v2+s2+$0x0] =	vst.idx.add.f32.msk $0xffff, v1  }
0x27: {  	[tilespmem:s10], [sflag:$0x1] =	stream.linear.gather [hbm4b:s7+s15], $0x7D0, $0x38;
	[tilespmem:$0x3000] =	vst v63  }
0x28: {  	_ =	swait.ge [sflag:s11], $0x7D0  }
0x29: {  	[sflag:s11] =	ssyncset.done $0x0  }
0x2a: {  	s16 =	simm.s32 $0x0;
	s15 =	simm.s32 $0x40;
	[sflag:s11] =	ssyncadd.s32 $0xFFFFF830  }
.LBB2_8:
0x2b: {  	p0 =	sne.s32 s15, $0x1F00;
	v2 =	vld [tilespmem:s16+$0x2800];
	_ =	sdelay $0x3  }
.Ltmp3:
0x2c: {  	(pc) =	sbr.rel @p0 .LBB2_8-.Ltmp3, $2  }
0x2d: {  	_ =	sdelay $0x2  }
0x2e: {  	s16 =	sshra.s32 s15, $0x2;
	s15 =	sadd.s32 $0x40, s15;
	[tilespmem:v2+s2+$0x0] =	vst.idx.add.f32.msk $0xffff, v1  }
0x2f: {  	v2 =	vld [tilespmem:s16+$0x2800];
	_ =	sdelay $0x7  }
0x30: {  	s15 =	simm.s32 $0x0;
	[tilespmem:v2+s2+$0x0] =	vst.idx.add.f32.msk $0xffff, v1  }
0x31: {  	[tilespmem:s10], [sflag:$0x1] =	stream.linear.gather [hbm4b:s8+s15], $0x7D0, $0x38;
	[tilespmem:$0x3000] =	vst v63  }
0x32: {  	_ =	swait.ge [sflag:s11], $0x7D0  }
0x33: {  	[sflag:s11] =	ssyncset.done $0x0  }
0x34: {  	s16 =	simm.s32 $0x0;
	s15 =	simm.s32 $0x40;
	[sflag:s11] =	ssyncadd.s32 $0xFFFFF830  }
.LBB2_10:
0x35: {  	p0 =	sne.s32 s15, $0x1F00;
	v2 =	vld [tilespmem:s16+$0x2800];
	_ =	sdelay $0x3  }
.Ltmp4:
0x36: {  	(pc) =	sbr.rel @p0 .LBB2_10-.Ltmp4, $2  }
0x37: {  	_ =	sdelay $0x2  }
0x38: {  	s16 =	sshra.s32 s15, $0x2;
	s15 =	sadd.s32 $0x40, s15;
	[tilespmem:v2+s2+$0x0] =	vst.idx.add.f32.msk $0xffff, v1  }
0x39: {  	v2 =	vld [tilespmem:s16+$0x2800];
	_ =	sdelay $0x7  }
0x3a: {  	s15 =	simm.s32 $0x0;
	[tilespmem:v2+s2+$0x0] =	vst.idx.add.f32.msk $0xffff, v1  }
0x3b: {  	[tilespmem:s10], [sflag:$0x1] =	stream.linear.gather [hbm4b:s9+s15], $0x7D0, $0x38;
	[tilespmem:$0x3000] =	vst v63  }
0x3c: {  	_ =	swait.ge [sflag:s11], $0x7D0  }
0x3d: {  	[sflag:s11] =	ssyncset.done $0x0  }
0x3e: {  	s16 =	simm.s32 $0x0;
	s15 =	simm.s32 $0x40;
	[sflag:s11] =	ssyncadd.s32 $0xFFFFF830  }
.LBB2_12:
0x3f: {  	p0 =	sne.s32 s15, $0x1F00;
	v2 =	vld [tilespmem:s16+$0x2800];
	_ =	sdelay $0x3  }
.Ltmp5:
0x40: {  	(pc) =	sbr.rel @p0 .LBB2_12-.Ltmp5, $2  }
0x41: {  	_ =	sdelay $0x2  }
0x42: {  	s16 =	sshra.s32 s15, $0x2;
	s15 =	sadd.s32 $0x40, s15;
	[tilespmem:v2+s2+$0x0] =	vst.idx.add.f32.msk $0xffff, v1  }
0x43: {  	v2 =	vld [tilespmem:s16+$0x2800];
	_ =	sdelay $0x5  }
0x44: {  	s14 =	sadd.s32 $0x1, s14  }
0x45: {  	p0 =	sne.s32 s14, s4  }
.Ltmp6:
0x46: {  	[tilespmem:v2+s2+$0x0] =	vst.idx.add.f32.msk $0xffff, v1;
	(pc) =	sbr.rel @p0 .LBB2_1-.Ltmp6, $4  }
0x47: {  	[hbm4b:s3+s12] =	stream.strided.scatter [tilespmem:s2], [sflag:$0x1], $0x2800, s13, s12, $0x38;
	[tilespmem:$0x3000] =	vst v63  }
0x48: {  	_ =	swait.ge [sflag:s11], $0x2800  }
0x49: {  	[sflag:s11] =	ssyncset.done $0x0  }
0x4a: {  	[sflag:s11] =	ssyncadd.s32 $0xFFFFD800  }
0x4b: {  	_ =	sfence.sel $0x180000  }
0x4c: {  	[bflag:$0x0] =	sbarrier.arrive $0xFFFF  }
0x4d: {  	p0 =	sne.s32 s0, $0x0;
	_ =	strace $0x90000047  }
0x4e: {  	s0 =	sadd.s32 @!p0 $0x100000, s1;
	[bflag:$0x2] =	sbarrier.arrive $0xFFFF  }
0x4f: {  	[sflag:s0] =	ssyncadd.tile.s32 @!p0 $0x1;
	_ =	shalt  }
.Lfunc_end2:
_tile_overlayer_lowered:
.L_overlay_start_2:
0x50: {  	(tag) =	ssettag $0x2  }
0x51: {  	s0 =	rddreg [dreg:$0x0];
	s2 =	stileid.u32  }
0x52: {  	s1 =	rddreg [dreg:$0x1];
	p0 =	sne.s32 s2, $0x0  }
0x53: {  	s3 =	rddreg [dreg:$0x2];
	[bflag:$0x3] =	sbarrier.arrive $0xFFFF;
	s2 =	simm.s32 @!p0 $0x1C01  }
0x54: {  	[timem:s3], [sflag:s2] =	dma.local @!p0 [hbm:s0], s1  }
0x55: {  	s0 =	simm.s32 @!p0 $0x1  }
0x56: {  	_ =	swait.ge @!p0 [sflag:s0], s1  }
0x57: {  	s1 =	ssub.s32 @!p0 $0x0, s1;
	[sflag:s0] =	ssyncset.done @!p0 $0x0  }
0x58: {  	[sflag:s0] =	ssyncadd.s32 @!p0 s1  }
0x59: {  	[bflag:$0x3] =	sbarrier.arrive $0xFFFF  }
0x5a: {  	_ =	shalt  }

// kernel: kernel.13.cloned.1.call-start
scs
__scs_entry_jumppad:
0x0: {  	(pc) =	sbr.rel $0x88, $3  }
0x1: {  	(tag) =	ssettag $0x0;
	lr =	simm.s32 $0x1  }
0x2: {  	[smem:$0x3F9F] =	sst lr;
	_ =	strace $0xD0000000  }
0x3: {  	_ = 	snop  }
0x4: {  	_ = 	snop  }
0x5: {  	_ = 	snop  }
0x6: {  	_ = 	snop  }
0x7: {  	_ = 	snop  }
__scs_overlays_trampoline_lowered:
0x8: {  	[smem:$0x3FAE] =	sst s0  }
0x9: {  	[smem:$0x3FAF] =	sst s1  }
0xa: {  	[smem:$0x3FB0] =	sst s2  }
0xb: {  	[smem:$0x3FB1] =	sst s3  }
0xc: {  	[smem:$0x3FB2] =	sst s4  }
0xd: {  	[smem:$0x3FB3] =	sst s5  }
0xe: {  	[smem:$0x3FB4] =	sst s6  }
0xf: {  	[smem:$0x3FB5] =	sst s7  }
0x10: {  	[smem:$0x3FB6] =	sst s8  }
0x11: {  	[smem:$0x3FB7] =	sst s9;
	s0 =	simm.s32 @!p0 $0x0  }
0x12: {  	s1 =	sld [smem:$0x3F9D];
	s0 =	simm.s32 @p0 $0x1  }
0x13: {  	[smem:$0x3FB8] =	sst s0;
	s0 =	simm.s32 @!p1 $0x0  }
0x14: {  	s2 =	sld [smem:$0x3F9C];
	s0 =	simm.s32 @p1 $0x1  }
0x15: {  	[smem:$0x3FB9] =	sst s0;
	s0 =	simm.s32 @!p2 $0x0  }
0x16: {  	s3 =	sld [smem:$0x3FDB];
	s0 =	simm.s32 @p2 $0x1  }
0x17: {  	s4 =	simm.s32 $0x1BF5;
	[smem:$0x3FBB] =	sst s0  }
0x18: {  	s0 =	sld [smem:$0x3F9E];
	_ =	swait.ge [sflag:s4], $0x0  }
0x19: {  	s7 =	sld [smem:$0x3F9F]  }
0x1a: {  	s8 =	sadd.s32 $0xFFFFE003, lr  }
0x1b: {  	s9 =	sadd.s32 $0xFFFFFEF7, lr;
	s5 =	simm.s32 $0xFFFFFFFF;
	p2 =	slt.u32 s8, $0xFFFFF086  }
0x1c: {  	p1 =	slt.u32 s9, $0xF7A;
	s5 =	simm.s32 @!p2 $0x0  }
0x1d: {  	s5 =	simm.s32 @p1 $0x1;
	p0 =	seq.s32 s7, s2  }
0x1e: {  	s7 =	smul.u32 @!p0 $0xF7A, s2;
	p2 =	seq.s32 @!p0 s5, $0x0  }
0x1f: {  	s9 =	smul.u32 $0xF7A, s1;
	s8 =	simm.s32 @!p0 $0x1BF5;
	p2 =	por !p2, p0  }
0x20: {  	[sflag:s8] =	ssyncset.s32 @!p0 $0xFFFFF086;
	s6 =	sadd.s32 @!p0 s3, s7;
	s7 =	simm.s32 @!p0 $0x108  }
0x21: {  	s3 =	sadd.s32 s3, s9;
	s6 =	sadd.s32 @!p0 $0x88, s6;
	s7 =	simm.s32 @p2 $0x1082  }
0x22: {  	[simem:s7], [sflag:s8] =	dma.local @!p0 [hbm:s6], $0xF7A  }
0x23: {  	s9 =	sor.u32 $0xD0000000, s2;
	s6 =	simm.s32 $0x108;
	_ =	swait.ge @!p0 [sflag:s8], $0x0  }
0x24: {  	s3 =	sadd.s32 $0x88, s3;
	s6 =	simm.s32 @!p1 $0x1082;
	[sflag:s4] =	ssyncset.s32 $0xFFFFF086  }
0x25: {  	[simem:s6], [sflag:s4] =	dma.local [hbm:s3], $0xF7A  }
0x26: {  	[smem:$0x3F9F] =	sst s1;
	(tag) =	ssettag s2;
	_ =	strace s9  }
0x27: {  	s1 =	sld [smem:$0x3FAF]  }
0x28: {  	s2 =	sld [smem:$0x3FB0]  }
0x29: {  	s4 =	sld [smem:$0x3FB2]  }
0x2a: {  	p0 =	seq.s32 s5, $0x0;
	s5 =	sld [smem:$0x3FB3]  }
0x2b: {  	s6 =	sld [smem:$0x3FB4]  }
0x2c: {  	s7 =	sld [smem:$0x3FB5]  }
0x2d: {  	s3 =	simm.s32 $0x108;
	s8 =	sld [smem:$0x3FB6]  }
0x2e: {  	s3 =	simm.s32 @!p0 $0x1082;
	s9 =	sld [smem:$0x3FB7]  }
0x2f: {  	lr =	sadd.s32 s0, s3;
	s0 =	sld [smem:$0x3FAE]  }
0x30: {  	s3 =	sld [smem:$0x3FB1]  }
0x31: {  	[smem:$0x3FBA] =	sst s10  }
0x32: {  	s10 =	sld [smem:$0x3FB8];
	_ =	sdelay $0x3  }
0x33: {  	p0 =	seq.s32 s10, $0x1;
	s10 =	sld [smem:$0x3FBA];
	_ =	sdelay $0x3  }
0x34: {  	[smem:$0x3FBA] =	sst s10  }
0x35: {  	s10 =	sld [smem:$0x3FB9];
	_ =	sdelay $0x3  }
0x36: {  	p1 =	seq.s32 s10, $0x1;
	s10 =	sld [smem:$0x3FBA];
	_ =	sdelay $0x3  }
0x37: {  	[smem:$0x3FBA] =	sst s10  }
0x38: {  	s10 =	sld [smem:$0x3FBB]  }
0x39: {  	_ = 	snop;
	(pc) =	sbr.ind lr, $3  }
0x3a: {  	_ = 	snop  }
0x3b: {  	_ = 	snop  }
0x3c: {  	p2 =	seq.s32 s10, $0x1;
	s10 =	sld [smem:$0x3FBA]  }
0x3d: {  	_ =	shalt  }
0x3e: {  	_ =	shalt  }
0x3f: {  	_ =	shalt  }
0x40: {  	_ =	shalt  }
0x41: {  	_ =	shalt  }
0x42: {  	_ =	shalt  }
0x43: {  	_ =	shalt  }
0x44: {  	_ =	shalt  }
0x45: {  	_ =	shalt  }
0x46: {  	_ =	shalt  }
0x47: {  	_ =	shalt  }
0x48: {  	_ =	shalt  }
0x49: {  	_ =	shalt  }
0x4a: {  	_ =	shalt  }
0x4b: {  	_ =	shalt  }
0x4c: {  	_ =	shalt  }
0x4d: {  	_ =	shalt  }
0x4e: {  	_ =	shalt  }
0x4f: {  	_ =	shalt  }
0x50: {  	_ =	shalt  }
0x51: {  	_ =	shalt  }
0x52: {  	_ =	shalt  }
0x53: {  	_ =	shalt  }
0x54: {  	_ =	shalt  }
0x55: {  	_ =	shalt  }
0x56: {  	_ =	shalt  }
0x57: {  	_ =	shalt  }
0x58: {  	_ =	shalt  }
0x59: {  	_ =	shalt  }
0x5a: {  	_ =	shalt  }
0x5b: {  	_ =	shalt  }
0x5c: {  	_ =	shalt  }
0x5d: {  	_ =	shalt  }
0x5e: {  	_ =	shalt  }
0x5f: {  	_ =	shalt  }
0x60: {  	_ =	shalt  }
0x61: {  	_ =	shalt  }
0x62: {  	_ =	shalt  }
0x63: {  	_ =	shalt  }
0x64: {  	_ =	shalt  }
0x65: {  	_ =	shalt  }
0x66: {  	_ =	shalt  }
0x67: {  	_ =	shalt  }
0x68: {  	_ =	shalt  }
0x69: {  	_ =	shalt  }
0x6a: {  	_ =	shalt  }
0x6b: {  	_ =	shalt  }
0x6c: {  	_ =	shalt  }
0x6d: {  	_ =	shalt  }
0x6e: {  	_ =	shalt  }
0x6f: {  	_ =	shalt  }
0x70: {  	_ =	shalt  }
0x71: {  	_ =	shalt  }
0x72: {  	_ =	shalt  }
0x73: {  	_ =	shalt  }
0x74: {  	_ =	shalt  }
0x75: {  	_ =	shalt  }
0x76: {  	_ =	shalt  }
0x77: {  	_ =	shalt  }
0x78: {  	_ =	shalt  }
0x79: {  	_ =	shalt  }
0x7a: {  	_ =	shalt  }
0x7b: {  	_ =	shalt  }
0x7c: {  	_ =	shalt  }
0x7d: {  	_ =	shalt  }
0x7e: {  	_ =	shalt  }
0x7f: {  	_ =	shalt  }
0x80: {  	_ =	shalt  }
0x81: {  	_ =	shalt  }
0x82: {  	_ =	shalt  }
0x83: {  	_ =	shalt  }
0x84: {  	_ =	shalt  }
0x85: {  	_ =	shalt  }
0x86: {  	_ =	shalt  }
0x87: {  	_ =	shalt  }
.Lfunc_end0:
.L_simem_size_0:
called_computation.1_lowered:
.L_overlay_start_0:
0x88: {  	s2 =	sld [smem:$0x3FD9]  }
0x89: {  	s3 =	sld [smem:$0x3FFE];
	_ =	sdelay $0x1  }
0x8a: {  	s1 =	srdreg.scid  }
0x8b: {  	s0 =	sand.u32 $0x1, s1  }
0x8c: {  	s16 =	sshll.u32 s0, $0xA;
	s2 =	sadd.s32 s3, s2  }
0x8d: {  	s2 =	sadd.s32 s2, s16  }
0x8e: {  	[smem:$0x3FC6] =	sst s2  }
0x8f: {  	_ = 	snop  }
0x90: {  	(tm) =	ssettm $0x1  }
0x91: {  	s17 =	sld [smem:$0x3FFB];
	_ =	sdelay $0x3  }
0x92: {  	_ =	strace s17  }
0x93: {  	s2 =	sld [smem:$0x3FFC];
	_ =	sdelay $0x3  }
0x94: {  	_ =	strace s2  }
0x95: {  	s2 =	sld [smem:$0x3FFD];
	_ =	sdelay $0x3  }
0x96: {  	_ =	strace s2  }
0x97: {  	_ =	strace $0x8FFFFFFF  }
0x98: {  	s18 =	sld [smem:$0x3FDB];
	_ =	sdelay $0x1  }
0x99: {  	s19 =	simm.s32 $_scs_section_size  }
0x9a: {  	s4 =	simm.s32 $_size__tile_overlayer_lowered;
	s5 =	simm.s32 $_tile_overlayer_lowered  }
0x9b: {  	s22 =	simm.s32 $0x1BFF;
	s21 =	sshll.u32 s5, $0x1;
	s2 =	sadd.s32 s19, s18  }
0x9c: {  	s6 =	simm.s32 $0x0;
	s20 =	sshll.u32 s4, $0x1;
	s4 =	sadd.s32 s21, s2  }
0x9d: {  	[timem:s6], [sflag:s22] =	dma.local [hbm:s4], s20  }
0x9e: {  	_ =	swait.ge [sflag:s22], s20  }
0x9f: {  	s3 =	ssub.s32 $0x0, s20;
	[sflag:s22] =	ssyncset.done $0x0  }
0xa0: {  	[sflag:s22] =	ssyncadd.s32 s3;
	_ =	sdelay $0x1  }
0xa1: {  	s23 =	simm.s32 $0x1B8B  }
0xa2: {  	_ =	swait.ge [sflag:s23], $0x1  }
0xa3: {  	[sflag:s23] =	ssyncset.done $0x0  }
0xa4: {  	s25 =	simm.s32 $0x1B8E;
	s24 =	sld [smem:$0x3FFE];
	[sflag:s23] =	ssyncadd.s32 $0xFFFFFFFF  }
0xa5: {  	s26 =	simm.s32 $execute0_lowered;
	[smem:$0x3FD2] =	sst s25  }
0xa6: {  	s4 =	sshll.u32 s26, $0x1;
	_ =	strace $0x80000049;
	[dreg:$0x1] =	wrdreg $0xFFFFFFFF  }
0xa7: {  	s28 =	simm.s32 $_size_execute0_lowered;
	s2 =	sadd.s32 s2, s4;
	[dreg:$0x0] =	wrdreg $0x0  }
0xa8: {  	s4 =	sshll.u32 s28, $0x1;
	[dreg:$0x2] =	wrdreg s2  }
0xa9: {  	[dreg:$0x3] =	wrdreg s4  }
0xaa: {  	[dreg:$0x4] =	wrdreg $0xC0  }
0xab: {  	_ =	task [dreg:s6], $0x5FFFF  }
0xac: {  	[dreg:$0x1] =	wrdreg $0xFFFFFFFF  }
0xad: {  	[dreg:$0x0] =	wrdreg $0x60  }
0xae: {  	[dreg:$0x2] =	wrdreg s24  }
0xaf: {  	[dreg:$0x3] =	wrdreg $0x0  }
0xb0: {  	[dreg:$0x4] =	wrdreg $0x9  }
0xb1: {  	_ =	task.clear_ibuf [dreg:s6], $0x5FFFF;
	_ =	strace $0x90000049  }
0xb2: {  	s29 =	simm.s32 $0x9;
	_ =	strace $0x8000004B  }
0xb3: {  	_ =	swait.ge [sflag:s29], $0x1  }
0xb4: {  	[sflag:s29] =	ssyncadd.s32 $0xFFFFFFFF  }
0xb5: {  	_ =	strace $0x9000004B  }
0xb6: {  	_ =	sfence  }
0xb7: {  	s30 =	sld [smem:$0x0];
	_ =	sdelay $0x2  }
0xb8: {  	s31 =	sshll.u32 s1, $0xD;
	s1 =	sshrl.u32 s1, $0x2  }
0xb9: {  	s3 =	sand.u32 $0x4000, s31;
	s1 =	sadd.s32 s1, s30  }
0xba: {  	s0 =	sor.u32 s3, s0;
	s1 =	sshll.u32 s1, $0x11  }
0xbb: {  	s0 =	sor.u32 s1, s0  }
0xbc: {  	s0 =	sadd.s32 $0x8F2B, s0  }
0xbd: {  	[sflag:s0] =	ssyncadd.remote.s32 $0x1  }
0xbe: {  	_ =	sfence.sel $0xFFFF  }
0xbf: {  	[dreg:$0x0] =	wrdreg $0xFFFFFFFF;
	(pc) =	sbr.abs _section_cstart, $3  }
0xc0: {  	[dreg:$0x1] =	wrdreg $0xFFFFFFFF  }
0xc1: {  	_ =	task.clear_ibuf [dreg:s6], $0x2FFFF;
	_ =	strace $0x9FFFFFFF  }
0xc2: {  	(tm) =	ssettm $0x7FFFFFFF  }
0xc3: {  	_ =	shalt  }
tec
execute0_lowered:
.L_overlay_start_1:
0x0: {  	(tag) =	ssettag $0x1  }
0x1: {  	s0 =	rddreg [dreg:$0x0]  }
0x2: {  	s1 =	rddreg [dreg:$0x1];
	s2 =	simm.s32 $0x0;
	s3 =	srdreg.scid  }
0x3: {  	s12 =	stileid.u32;
	s28 =	simm.s32 $0x1E000;
	[smem:$0x7FF] =	sst s2  }
0x4: {  	s4 =	sadd.s32 $0x21400, s0;
	s3 =	sand.u32 $0x1, s3;
	s10 =	smul.u32 $0x50000, s12  }
0x5: {  	s5 =	sshrl.u32 s12, $0x2;
	s6 =	sshll.u32 s12, $0x8;
	s22 =	smul.u32 $0x2800, s12  }
0x6: {  	s13 =	sadd.s32 $0x3600, s0;
	_ =	strace $0x8000004A;
	s5 =	smul.u32 $0x14000, s5  }
0x7: {  	s7 =	sshll.u32 s3, $0x7;
	s8 =	sand.u32 $0x300, s6;
	s6 =	sadd.s32 $0x17400, s0  }
0x8: {  	s9 =	ssub.s32 $0x2, s3;
	[dreg:$0x3] =	wrdreg s13;
	s13 =	sshll.u32 s12, $0x6  }
0x9: {  	p0 =	seq.s32 s3, $0x1;
	s3 =	simm.s32 $0x71400;
	s7 =	sor.u32 s7, s8  }
0xa: {  	s30 =	sshrl.u32 s9, $0x1;
	s10 =	sshrl.u32 s10, $0x2;
	s23 =	sor.u32 $0x1C10, s13  }
0xb: {  	s3 =	simm.s32 @!p0 $0x49400;
	s11 =	sor.u32 s5, s7;
	s8 =	ssub.s32 s9, s30  }
0xc: {  	s0 =	sadd.s32 s3, s0;
	[dreg:$0x5] =	wrdreg s23;
	s30 =	smax.u32 s8, $0x1  }
0xd: {  	s15 =	sadd.s32 s10, s1;
	s0 =	sadd.s32 s0, s22;
	[dreg:$0xf] =	wrdreg s30  }
0xe: {  	s11 =	sshrl.u32 s11, $0x3;
	s3 =	sshrl.u32 s15, $0x3;
	[dreg:$0x10] =	wrdreg s0  }
0xf: {  	s31 =	simm.s32 $0x40;
	s14 =	sadd.s32 s6, s11;
	[dreg:$0x11] =	wrdreg s3  }
0x10: {  	s29 =	simm.s32 $0xA;
	s16 =	sadd.s32 $0x8, s14;
	[dreg:$0x4] =	wrdreg s14  }
0x11: {  	s13 =	simm.s32 $0x3;
	s17 =	sadd.s32 $0x80, s14;
	[dreg:$0x6] =	wrdreg s16  }
0x12: {  	s9 =	simm.s32 $0x6;
	s18 =	sadd.s32 $0x88, s14;
	[dreg:$0x7] =	wrdreg s17  }
0x13: {  	s10 =	simm.s32 $0xF;
	s19 =	sadd.s32 $0x100, s14;
	[dreg:$0x8] =	wrdreg s18  }
0x14: {  	s15 =	simm.s32 $0x1E300;
	s20 =	sadd.s32 $0x108, s14;
	[dreg:$0x9] =	wrdreg s19  }
0x15: {  	s22 =	simm.s32 $0x7;
	s21 =	sadd.s32 $0x180, s14;
	[dreg:$0xa] =	wrdreg s20  }
0x16: {  	s8 =	simm.s32 $0x0;
	s24 =	sadd.s32 $0x188, s14;
	[dreg:$0xb] =	wrdreg s21  }
0x17: {  	s11 =	simm.s32 $0xB;
	s25 =	sadd.s32 $0x200, s14;
	[dreg:$0xc] =	wrdreg s24  }
0x18: {  	s26 =	sadd.s32 $0x208, s14;
	s14 =	simm.s32 $0xC;
	[dreg:$0xd] =	wrdreg s25  }
0x19: {  	[dreg:$0xe] =	wrdreg s26;
	s25 =	simm.s32 $0x10;
	s21 =	simm.s32 $0x1E380  }
0x1a: {  	s16 =	simm.s32 $0x4;
	s19 =	simm.s32 $0x5;
	s24 =	simm.s32 $0x8  }
0x1b: {  	s26 =	simm.s32 $0x9;
	s17 =	simm.s32 $0xD;
	s20 =	simm.s32 $0xE  }
.LBB2_1:
0x1c: {  	[dreg:$0x12] =	wrdreg s8  }
0x1d: {  	s0 =	rddreg [dreg:$0x3]  }
0x1e: {  	[spmem:s3], [sflag:s23] =	dma.local [hbm:s0], $0x2800  }
0x1f: {  	_ =	swait.ge [sflag:s25], $0x2800  }
0x20: {  	[sflag:s25] =	ssyncset.done $0x0  }
0x21: {  	[sflag:s25] =	ssyncadd.s32 $0xFFFFD800  }
0x22: {  	[bflag:$0x0] =	sbarrier.arrive $0xFFFF  }
0x23: {  	s3 =	rddreg [dreg:$0x4]  }
0x24: {  	[tilespmem:s28], [sflag:$0x1] =	stream.linear.gather [hbm4b:s3+s2], $0x40, $0x38;
	[tilespmem:$0x1E780] =	vst v63  }
0x25: {  	s12 =	simm.s32 $0x1E080;
	s8 =	rddreg [dreg:$0x6]  }
0x26: {  	[tilespmem:s12], [sflag:$0x2] =	stream.linear.gather [hbm4b:s8+s2], $0x40, $0x38;
	[tilespmem:$0x1E780] =	vst v63  }
0x27: {  	s23 =	simm.s32 $0x1E100;
	s18 =	rddreg [dreg:$0x7]  }
0x28: {  	[tilespmem:s23], [sflag:$0x3] =	stream.linear.gather [hbm4b:s18+s2], $0x40, $0x38;
	[tilespmem:$0x1E780] =	vst v63  }
0x29: {  	s30 =	rddreg [dreg:$0x8];
	s3 =	simm.s32 $0x1E180  }
0x2a: {  	[tilespmem:s3], [sflag:$0x4] =	stream.linear.gather [hbm4b:s30+s2], $0x40, $0x38;
	[tilespmem:$0x1E780] =	vst v63  }
0x2b: {  	s8 =	rddreg [dreg:$0x9];
	s23 =	simm.s32 $0x1E200  }
0x2c: {  	[tilespmem:s23], [sflag:$0x5] =	stream.linear.gather [hbm4b:s8+s2], $0x40, $0x38;
	[tilespmem:$0x1E780] =	vst v63  }
0x2d: {  	s8 =	simm.s32 $0x1  }
0x2e: {  	_ =	swait.ge [sflag:s8], $0x40  }
0x2f: {  	[sflag:s8] =	ssyncset.done $0x0  }
0x30: {  	[sflag:s8] =	ssyncadd.s32 $0xFFFFFFC0  }
0x31: {  	v0 =	vld [tilespmem:$0x1E000];
	_ =	sdelay $0x1  }
0x32: {  	v1 =	vld [tilespmem:$0x1E010];
	_ =	sdelay $0x1  }
0x33: {  	v2 =	vld [tilespmem:$0x1E020]  }
0x34: {  	v3 =	vshrl.u32 v0, $0xE  }
0x35: {  	v0 =	vand.u32 $0x3FFF, v0;
	[tilespmem:$0x1E280] =	vst v3;
	v3 =	vld [tilespmem:$0x1E030]  }
0x36: {  	[tilespmem:$0x1E500] =	vst v0;
	v0 =	vshrl.u32 v1, $0xE  }
0x37: {  	[tilespmem:$0x1E290] =	vst v0;
	v0 =	vand.u32 $0x3FFF, v1  }
0x38: {  	[tilespmem:$0x1E510] =	vst v0;
	v0 =	vshrl.u32 v2, $0xE  }
0x39: {  	[tilespmem:$0x1E2A0] =	vst v0;
	v0 =	vand.u32 $0x3FFF, v2  }
0x3a: {  	[tilespmem:$0x1E520] =	vst v0;
	v0 =	vshrl.u32 v3, $0xE  }
0x3b: {  	[tilespmem:$0x1E2B0] =	vst v0;
	v0 =	vand.u32 $0x3FFF, v3  }
0x3c: {  	s12 =	rddreg [dreg:$0xa];
	[tilespmem:$0x1E530] =	vst v0  }
0x3d: {  	[tilespmem:s28], [sflag:$0x1] =	stream.linear.gather [hbm4b:s12+s2], $0x40, $0x38;
	[tilespmem:$0x1E780] =	vst v63  }
0x3e: {  	s30 =	simm.s32 $0x1E280;
	s12 =	simm.s32 $0x14000  }
0x3f: {  	[tilespmem:s12], [sflag:$0x6] =	stream.indirect.gather [hbm4b:s4+s31], $0x80, s30, s31, $0xb8;
	[tilespmem:$0x1E780] =	vst v63  }
0x40: {  	s30 =	simm.s32 $0x2  }
0x41: {  	_ =	swait.ge [sflag:s30], $0x40  }
0x42: {  	[sflag:s30] =	ssyncset.done $0x0  }
0x43: {  	[sflag:s30] =	ssyncadd.s32 $0xFFFFFFC0  }
0x44: {  	v0 =	vld [tilespmem:$0x1E080];
	_ =	sdelay $0x1  }
0x45: {  	v1 =	vld [tilespmem:$0x1E090];
	_ =	sdelay $0x1  }
0x46: {  	v2 =	vld [tilespmem:$0x1E0A0]  }
0x47: {  	v3 =	vshrl.u32 v0, $0xE  }
0x48: {  	v0 =	vand.u32 $0x3FFF, v0;
	[tilespmem:$0x1E300] =	vst v3;
	v3 =	vld [tilespmem:$0x1E0B0]  }
0x49: {  	[tilespmem:$0x1E580] =	vst v0;
	v0 =	vshrl.u32 v1, $0xE  }
0x4a: {  	[tilespmem:$0x1E310] =	vst v0;
	v0 =	vand.u32 $0x3FFF, v1  }
0x4b: {  	[tilespmem:$0x1E590] =	vst v0;
	v0 =	vshrl.u32 v2, $0xE  }
0x4c: {  	[tilespmem:$0x1E320] =	vst v0;
	v0 =	vand.u32 $0x3FFF, v2  }
0x4d: {  	[tilespmem:$0x1E5A0] =	vst v0;
	v0 =	vshrl.u32 v3, $0xE  }
0x4e: {  	[tilespmem:$0x1E330] =	vst v0;
	v0 =	vand.u32 $0x3FFF, v3  }
0x4f: {  	s25 =	simm.s32 $0x1E080;
	s0 =	rddreg [dreg:$0xb];
	[tilespmem:$0x1E5B0] =	vst v0  }
0x50: {  	[tilespmem:s25], [sflag:$0x2] =	stream.linear.gather [hbm4b:s0+s2], $0x40, $0x38;
	[tilespmem:$0x1E780] =	vst v63  }
0x51: {  	s25 =	simm.s32 $0x16000  }
0x52: {  	[tilespmem:s25], [sflag:$0x7] =	stream.indirect.gather [hbm4b:s4+s31], $0x80, s15, s31, $0xb8;
	[tilespmem:$0x1E780] =	vst v63  }
0x53: {  	_ =	swait.ge [sflag:s13], $0x40  }
0x54: {  	[sflag:s13] =	ssyncset.done $0x0  }
0x55: {  	[sflag:s13] =	ssyncadd.s32 $0xFFFFFFC0  }
0x56: {  	v0 =	vld [tilespmem:$0x1E100];
	_ =	sdelay $0x1  }
0x57: {  	v1 =	vld [tilespmem:$0x1E110];
	_ =	sdelay $0x1  }
0x58: {  	v2 =	vld [tilespmem:$0x1E120]  }
0x59: {  	v3 =	vshrl.u32 v0, $0xE  }
0x5a: {  	v0 =	vand.u32 $0x3FFF, v0;
	[tilespmem:$0x1E380] =	vst v3;
	v3 =	vld [tilespmem:$0x1E130]  }
0x5b: {  	[tilespmem:$0x1E600] =	vst v0;
	v0 =	vshrl.u32 v1, $0xE  }
0x5c: {  	[tilespmem:$0x1E390] =	vst v0;
	v0 =	vand.u32 $0x3FFF, v1  }
0x5d: {  	[tilespmem:$0x1E610] =	vst v0;
	v0 =	vshrl.u32 v2, $0xE  }
0x5e: {  	[tilespmem:$0x1E3A0] =	vst v0;
	v0 =	vand.u32 $0x3FFF, v2  }
0x5f: {  	[tilespmem:$0x1E620] =	vst v0;
	v0 =	vshrl.u32 v3, $0xE  }
0x60: {  	[tilespmem:$0x1E3B0] =	vst v0;
	v0 =	vand.u32 $0x3FFF, v3  }
0x61: {  	s18 =	simm.s32 $0x1E100;
	s0 =	rddreg [dreg:$0xc];
	[tilespmem:$0x1E630] =	vst v0  }
0x62: {  	[tilespmem:s18], [sflag:$0x3] =	stream.linear.gather [hbm4b:s0+s2], $0x40, $0x38;
	[tilespmem:$0x1E780] =	vst v63  }
0x63: {  	s18 =	simm.s32 $0x18000  }
0x64: {  	[tilespmem:s18], [sflag:$0x8] =	stream.indirect.gather [hbm4b:s4+s31], $0x80, s21, s31, $0xb8;
	[tilespmem:$0x1E780] =	vst v63  }
0x65: {  	_ =	swait.ge [sflag:s16], $0x40  }
0x66: {  	[sflag:s16] =	ssyncset.done $0x0  }
0x67: {  	[sflag:s16] =	ssyncadd.s32 $0xFFFFFFC0  }
0x68: {  	v0 =	vld [tilespmem:$0x1E180];
	_ =	sdelay $0x1  }
0x69: {  	v1 =	vld [tilespmem:$0x1E190];
	_ =	sdelay $0x1  }
0x6a: {  	v2 =	vld [tilespmem:$0x1E1A0]  }
0x6b: {  	v3 =	vshrl.u32 v0, $0xE  }
0x6c: {  	v0 =	vand.u32 $0x3FFF, v0;
	[tilespmem:$0x1E400] =	vst v3;
	v3 =	vld [tilespmem:$0x1E1B0]  }
0x6d: {  	[tilespmem:$0x1E680] =	vst v0;
	v0 =	vshrl.u32 v1, $0xE  }
0x6e: {  	[tilespmem:$0x1E410] =	vst v0;
	v0 =	vand.u32 $0x3FFF, v1  }
0x6f: {  	[tilespmem:$0x1E690] =	vst v0;
	v0 =	vshrl.u32 v2, $0xE  }
0x70: {  	[tilespmem:$0x1E420] =	vst v0;
	v0 =	vand.u32 $0x3FFF, v2  }
0x71: {  	[tilespmem:$0x1E6A0] =	vst v0;
	v0 =	vshrl.u32 v3, $0xE  }
0x72: {  	[tilespmem:$0x1E430] =	vst v0;
	v0 =	vand.u32 $0x3FFF, v3  }
0x73: {  	s0 =	rddreg [dreg:$0xd];
	[tilespmem:$0x1E6B0] =	vst v0  }
0x74: {  	[tilespmem:s3], [sflag:$0x4] =	stream.linear.gather [hbm4b:s0+s2], $0x40, $0x38;
	[tilespmem:$0x1E780] =	vst v63  }
0x75: {  	s0 =	simm.s32 $0x1E400;
	s3 =	simm.s32 $0x1A000  }
0x76: {  	[tilespmem:s3], [sflag:$0x9] =	stream.indirect.gather [hbm4b:s4+s31], $0x80, s0, s31, $0xb8;
	[tilespmem:$0x1E780] =	vst v63  }
0x77: {  	_ =	swait.ge [sflag:s19], $0x40  }
0x78: {  	[sflag:s19] =	ssyncset.done $0x0  }
0x79: {  	[sflag:s19] =	ssyncadd.s32 $0xFFFFFFC0  }
0x7a: {  	v0 =	vld [tilespmem:$0x1E200];
	_ =	sdelay $0x1  }
0x7b: {  	v1 =	vld [tilespmem:$0x1E210];
	_ =	sdelay $0x1  }
0x7c: {  	v2 =	vld [tilespmem:$0x1E220]  }
0x7d: {  	v3 =	vshrl.u32 v0, $0xE  }
0x7e: {  	v0 =	vand.u32 $0x3FFF, v0;
	[tilespmem:$0x1E480] =	vst v3;
	v3 =	vld [tilespmem:$0x1E230]  }
0x7f: {  	[tilespmem:$0x1E700] =	vst v0;
	v0 =	vshrl.u32 v1, $0xE  }
0x80: {  	[tilespmem:$0x1E490] =	vst v0;
	v0 =	vand.u32 $0x3FFF, v1  }
0x81: {  	[tilespmem:$0x1E710] =	vst v0;
	v0 =	vshrl.u32 v2, $0xE  }
0x82: {  	[tilespmem:$0x1E4A0] =	vst v0;
	v0 =	vand.u32 $0x3FFF, v2  }
0x83: {  	[tilespmem:$0x1E720] =	vst v0;
	v0 =	vshrl.u32 v3, $0xE  }
0x84: {  	[tilespmem:$0x1E4B0] =	vst v0;
	v0 =	vand.u32 $0x3FFF, v3  }
0x85: {  	s0 =	rddreg [dreg:$0xe];
	[tilespmem:$0x1E730] =	vst v0  }
0x86: {  	[tilespmem:s23], [sflag:$0x5] =	stream.linear.gather [hbm4b:s0+s2], $0x40, $0x38;
	[tilespmem:$0x1E780] =	vst v63  }
0x87: {  	s0 =	simm.s32 $0x1E480;
	s23 =	simm.s32 $0x1C000  }
0x88: {  	[tilespmem:s23], [sflag:$0xA] =	stream.indirect.gather [hbm4b:s4+s31], $0x80, s0, s31, $0xb8;
	[tilespmem:$0x1E780] =	vst v63  }
0x89: {  	_ =	swait.ge [sflag:s9], $0x2000  }
0x8a: {  	[sflag:s9] =	ssyncset.done $0x0  }
0x8b: {  	s0 =	simm.s32 $0x1E500;
	[sflag:s9] =	ssyncadd.s32 $0xFFFFE000  }
0x8c: {  	[spmem:s1] =	stream.indirect.scatter.add.f32 [tilespmem:s12], [sflag:$0xB], $0x80, s0, s31, $0xb8;
	[tilespmem:$0x1E780] =	vst v63  }
0x8d: {  	_ =	swait.ge [sflag:s22], $0x2000  }
0x8e: {  	[sflag:s22] =	ssyncset.done $0x0  }
0x8f: {  	s25 =	simm.s32 $0x16000;
	s0 =	simm.s32 $0x1E580;
	[sflag:s22] =	ssyncadd.s32 $0xFFFFE000  }
0x90: {  	[spmem:s1] =	stream.indirect.scatter.add.f32 [tilespmem:s25], [sflag:$0xC], $0x80, s0, s31, $0xb8;
	[tilespmem:$0x1E780] =	vst v63  }
0x91: {  	_ =	swait.ge [sflag:s24], $0x2000  }
0x92: {  	[sflag:s24] =	ssyncset.done $0x0  }
0x93: {  	s25 =	simm.s32 $0x1E600;
	[sflag:s24] =	ssyncadd.s32 $0xFFFFE000  }
0x94: {  	[spmem:s1] =	stream.indirect.scatter.add.f32 [tilespmem:s18], [sflag:$0xD], $0x80, s25, s31, $0xb8;
	[tilespmem:$0x1E780] =	vst v63  }
0x95: {  	_ =	swait.ge [sflag:s26], $0x2000  }
0x96: {  	[sflag:s26] =	ssyncset.done $0x0  }
0x97: {  	s25 =	simm.s32 $0x1E680;
	[sflag:s26] =	ssyncadd.s32 $0xFFFFE000  }
0x98: {  	[spmem:s1] =	stream.indirect.scatter.add.f32 [tilespmem:s3], [sflag:$0xE], $0x80, s25, s31, $0xb8;
	[tilespmem:$0x1E780] =	vst v63  }
0x99: {  	_ =	swait.ge [sflag:s29], $0x2000  }
0x9a: {  	[sflag:s29] =	ssyncset.done $0x0  }
0x9b: {  	s25 =	simm.s32 $0x1E700;
	[sflag:s29] =	ssyncadd.s32 $0xFFFFE000  }
0x9c: {  	[spmem:s1] =	stream.indirect.scatter.add.f32 [tilespmem:s23], [sflag:$0xF], $0x80, s25, s31, $0xb8;
	[tilespmem:$0x1E780] =	vst v63  }
0x9d: {  	_ =	swait.ge [sflag:s11], $0x2000  }
0x9e: {  	[sflag:s11] =	ssyncset.done $0x0  }
0x9f: {  	[sflag:s11] =	ssyncadd.s32 $0xFFFFE000  }
0xa0: {  	_ =	swait.ge [sflag:s8], $0x40  }
0xa1: {  	[sflag:s8] =	ssyncset.done $0x0  }
0xa2: {  	[sflag:s8] =	ssyncadd.s32 $0xFFFFFFC0  }
0xa3: {  	v0 =	vld [tilespmem:$0x1E030];
	_ =	sdelay $0x1  }
0xa4: {  	v1 =	vld [tilespmem:$0x1E020];
	_ =	sdelay $0x1  }
0xa5: {  	v2 =	vld [tilespmem:$0x1E000]  }
0xa6: {  	s3 =	smin.u32 s2, $0x95;
	v4 =	vshrl.u32 v0, $0xE  }
0xa7: {  	s23 =	sadd.s32 $0xA, s3;
	v3 =	vld [tilespmem:$0x1E010];
	v0 =	vand.u32 $0x3FFF, v0;
	[tilespmem:$0x1E2B0] =	vst v4  }
0xa8: {  	s8 =	sshll.u32 s23, $0x9;
	v59 =	vshrl.u32 v1, $0xE;
	[tilespmem:$0x1E530] =	vst v0  }
0xa9: {  	s23 =	sshll.u32 s23, $0x6;
	s25 =	sand.u32 $0x3FC00, s8;
	v1 =	vand.u32 $0x3FFF, v1;
	[tilespmem:$0x1E2A0] =	vst v59  }
0xaa: {  	s23 =	sand.u32 $0x40, s23;
	s25 =	sadd.s32 s5, s25;
	v0 =	vshrl.u32 v2, $0xE;
	[tilespmem:$0x1E520] =	vst v1  }
0xab: {  	s23 =	sor.u32 s23, s25;
	v2 =	vand.u32 $0x3FFF, v2;
	[tilespmem:$0x1E280] =	vst v0  }
0xac: {  	s23 =	sor.u32 s7, s23;
	v0 =	vand.u32 $0x3FFF, v3;
	[tilespmem:$0x1E500] =	vst v2  }
0xad: {  	s23 =	sshrl.u32 s23, $0x3;
	[tilespmem:$0x1E510] =	vst v0;
	v0 =	vshrl.u32 v3, $0xE  }
0xae: {  	s23 =	sadd.s32 s6, s23;
	[tilespmem:$0x1E290] =	vst v0  }
0xaf: {  	[tilespmem:s28], [sflag:$0x1] =	stream.linear.gather [hbm4b:s23+s2], $0x40, $0x38;
	[tilespmem:$0x1E780] =	vst v63  }
0xb0: {  	s28 =	simm.s32 $0x1E280  }
0xb1: {  	[tilespmem:s12], [sflag:$0x6] =	stream.indirect.gather [hbm4b:s4+s31], $0x80, s28, s31, $0xb8;
	[tilespmem:$0x1E780] =	vst v63  }
0xb2: {  	_ =	swait.ge [sflag:s14], $0x2000  }
0xb3: {  	[sflag:s14] =	ssyncset.done $0x0  }
0xb4: {  	[sflag:s14] =	ssyncadd.s32 $0xFFFFE000  }
0xb5: {  	_ =	swait.ge [sflag:s30], $0x40  }
0xb6: {  	[sflag:s30] =	ssyncset.done $0x0  }
0xb7: {  	[sflag:s30] =	ssyncadd.s32 $0xFFFFFFC0  }
0xb8: {  	v0 =	vld [tilespmem:$0x1E080];
	_ =	sdelay $0x1  }
0xb9: {  	v1 =	vld [tilespmem:$0x1E090];
	_ =	sdelay $0x1  }
0xba: {  	v2 =	vld [tilespmem:$0x1E0A0]  }
0xbb: {  	s3 =	smin.u32 s2, $0x94;
	v60 =	vand.u32 $0x3FFF, v0  }
0xbc: {  	s23 =	sadd.s32 $0xB, s3;
	v3 =	vld [tilespmem:$0x1E0B0];
	v0 =	vshrl.u32 v0, $0xE;
	[tilespmem:$0x1E580] =	vst v60  }
0xbd: {  	s8 =	sshll.u32 s23, $0x9;
	v61 =	vshrl.u32 v1, $0xE;
	[tilespmem:$0x1E300] =	vst v0  }
0xbe: {  	s23 =	sshll.u32 s23, $0x6;
	s25 =	sand.u32 $0x3FC00, s8;
	v1 =	vand.u32 $0x3FFF, v1;
	[tilespmem:$0x1E310] =	vst v61  }
0xbf: {  	s23 =	sand.u32 $0x40, s23;
	s25 =	sadd.s32 s5, s25;
	v0 =	vshrl.u32 v2, $0xE;
	[tilespmem:$0x1E590] =	vst v1  }
0xc0: {  	s23 =	sor.u32 s23, s25;
	v1 =	vand.u32 $0x3FFF, v2;
	[tilespmem:$0x1E320] =	vst v0  }
0xc1: {  	s23 =	sor.u32 s7, s23;
	v0 =	vand.u32 $0x3FFF, v3;
	[tilespmem:$0x1E5A0] =	vst v1  }
0xc2: {  	s23 =	sshrl.u32 s23, $0x3;
	[tilespmem:$0x1E5B0] =	vst v0;
	v0 =	vshrl.u32 v3, $0xE  }
0xc3: {  	s12 =	simm.s32 $0x1E080;
	s23 =	sadd.s32 s6, s23;
	[tilespmem:$0x1E330] =	vst v0  }
0xc4: {  	[tilespmem:s12], [sflag:$0x2] =	stream.linear.gather [hbm4b:s23+s2], $0x40, $0x38;
	[tilespmem:$0x1E780] =	vst v63  }
0xc5: {  	s23 =	simm.s32 $0x16000  }
0xc6: {  	[tilespmem:s23], [sflag:$0x7] =	stream.indirect.gather [hbm4b:s4+s31], $0x80, s15, s31, $0xb8;
	[tilespmem:$0x1E780] =	vst v63  }
0xc7: {  	_ =	swait.ge [sflag:s17], $0x2000  }
0xc8: {  	[sflag:s17] =	ssyncset.done $0x0  }
0xc9: {  	[sflag:s17] =	ssyncadd.s32 $0xFFFFE000  }
0xca: {  	_ =	swait.ge [sflag:s13], $0x40  }
0xcb: {  	[sflag:s13] =	ssyncset.done $0x0  }
0xcc: {  	[sflag:s13] =	ssyncadd.s32 $0xFFFFFFC0  }
0xcd: {  	v0 =	vld [tilespmem:$0x1E100];
	_ =	sdelay $0x1  }
0xce: {  	v1 =	vld [tilespmem:$0x1E110];
	_ =	sdelay $0x1  }
0xcf: {  	v2 =	vld [tilespmem:$0x1E120]  }
0xd0: {  	s25 =	smin.u32 s2, $0x93;
	v3 =	vld [tilespmem:$0x1E130];
	v62 =	vand.u32 $0x3FFF, v0  }
0xd1: {  	s23 =	sadd.s32 $0xC, s25;
	v0 =	vshrl.u32 v0, $0xE;
	[tilespmem:$0x1E600] =	vst v62  }
0xd2: {  	s28 =	sshll.u32 s23, $0x9;
	v63 =	vand.u32 $0x3FFF, v1;
	[tilespmem:$0x1E380] =	vst v0  }
0xd3: {  	s23 =	sshll.u32 s23, $0x6;
	s25 =	sand.u32 $0x3FC00, s28;
	v0 =	vshrl.u32 v1, $0xE;
	[tilespmem:$0x1E610] =	vst v63  }
0xd4: {  	s23 =	sand.u32 $0x40, s23;
	s25 =	sadd.s32 s5, s25;
	v1 =	vshrl.u32 v2, $0xE;
	[tilespmem:$0x1E390] =	vst v0  }
0xd5: {  	s23 =	sor.u32 s23, s25;
	v0 =	vand.u32 $0x3FFF, v3;
	[tilespmem:$0x1E3A0] =	vst v1  }
0xd6: {  	s23 =	sor.u32 s7, s23;
	v1 =	vshrl.u32 v3, $0xE;
	[tilespmem:$0x1E630] =	vst v0  }
0xd7: {  	s23 =	sshrl.u32 s23, $0x3;
	v0 =	vand.u32 $0x3FFF, v2;
	[tilespmem:$0x1E3B0] =	vst v1  }
0xd8: {  	s30 =	simm.s32 $0x1E100;
	s23 =	sadd.s32 s6, s23;
	[tilespmem:$0x1E620] =	vst v0  }
0xd9: {  	[tilespmem:s30], [sflag:$0x3] =	stream.linear.gather [hbm4b:s23+s2], $0x40, $0x38;
	[tilespmem:$0x1E780] =	vst v63  }
0xda: {  	_ = 	snop  }
0xdb: {  	[tilespmem:s18], [sflag:$0x8] =	stream.indirect.gather [hbm4b:s4+s31], $0x80, s21, s31, $0xb8;
	[tilespmem:$0x1E780] =	vst v63  }
0xdc: {  	_ =	swait.ge [sflag:s20], $0x2000  }
0xdd: {  	[sflag:s20] =	ssyncset.done $0x0  }
0xde: {  	[sflag:s20] =	ssyncadd.s32 $0xFFFFE000  }
0xdf: {  	_ =	swait.ge [sflag:s16], $0x40  }
0xe0: {  	[sflag:s16] =	ssyncset.done $0x0  }
0xe1: {  	[sflag:s16] =	ssyncadd.s32 $0xFFFFFFC0  }
0xe2: {  	v0 =	vld [tilespmem:$0x1E180]  }
0xe3: {  	v1 =	vld [tilespmem:$0x1E190]  }
0xe4: {  	s25 =	simm.s32 $0x5;
	s23 =	simm.s32 $0x0;
	v2 =	vld [tilespmem:$0x1E1A0]  }
.LBB2_2:
0xe5: {  	_ = 	snop  }
0xe6: {  	p0 =	sne.s32 s25, $0x96;
	s28 =	smov.u32 s25;
	s25 =	sadd.s32 $0x5, s25  }
0xe7: {  	s0 =	smin.u32 s23, $0x92;
	v4 =	vld [tilespmem:$0x1E1B0];
	v3 =	vshrl.u32 v0, $0xE;
	v0 =	vand.u32 $0x3FFF, v0  }
0xe8: {  	s0 =	sadd.s32 $0xD, s0;
	[tilespmem:$0x1E400] =	vst v3;
	v3 =	vshrl.u32 v1, $0xE;
	v1 =	vand.u32 $0x3FFF, v1  }
0xe9: {  	s3 =	sshll.u32 s0, $0x9;
	s0 =	sshll.u32 s0, $0x6;
	[tilespmem:$0x1E410] =	vst v3;
	v3 =	vshrl.u32 v2, $0xE;
	v2 =	vand.u32 $0x3FFF, v2  }
0xea: {  	s3 =	sand.u32 $0x3FC00, s3;
	[tilespmem:$0x1E420] =	vst v3  }
0xeb: {  	s0 =	sand.u32 $0x40, s0;
	s3 =	sadd.s32 s5, s3;
	[tilespmem:$0x1E6A0] =	vst v2  }
0xec: {  	s0 =	sor.u32 s0, s3;
	v2 =	vand.u32 $0x3FFF, v4;
	[tilespmem:$0x1E690] =	vst v1;
	v1 =	vshrl.u32 v4, $0xE  }
0xed: {  	s0 =	sor.u32 s7, s0;
	[tilespmem:$0x1E430] =	vst v1  }
0xee: {  	s0 =	sshrl.u32 s0, $0x3;
	[tilespmem:$0x1E680] =	vst v0  }
0xef: {  	s3 =	simm.s32 $0x1E180;
	s0 =	sadd.s32 s6, s0;
	[tilespmem:$0x1E6B0] =	vst v2  }
0xf0: {  	[tilespmem:s3], [sflag:$0x4] =	stream.linear.gather [hbm4b:s0+s2], $0x40, $0x38;
	[tilespmem:$0x1E780] =	vst v63  }
0xf1: {  	s8 =	simm.s32 $0x1A000;
	s0 =	simm.s32 $0x1E400  }
0xf2: {  	[tilespmem:s8], [sflag:$0x9] =	stream.indirect.gather [hbm4b:s4+s31], $0x80, s0, s31, $0xb8;
	[tilespmem:$0x1E780] =	vst v63  }
0xf3: {  	_ =	swait.ge [sflag:s10], $0x2000  }
0xf4: {  	[sflag:s10] =	ssyncset.done $0x0  }
0xf5: {  	[sflag:s10] =	ssyncadd.s32 $0xFFFFE000  }
0xf6: {  	_ =	swait.ge [sflag:s19], $0x40  }
0xf7: {  	[sflag:s19] =	ssyncset.done $0x0  }
0xf8: {  	[sflag:s19] =	ssyncadd.s32 $0xFFFFFFC0  }
0xf9: {  	v0 =	vld [tilespmem:$0x1E200]  }
0xfa: {  	v1 =	vld [tilespmem:$0x1E210]  }
0xfb: {  	v2 =	vld [tilespmem:$0x1E220]  }
0xfc: {  	v3 =	vld [tilespmem:$0x1E230]  }
0xfd: {  	s0 =	smin.u32 s23, $0x91;
	s23 =	smov.u32 s28;
	s28 =	simm.s32 $0x1E000  }
0xfe: {  	s0 =	sadd.s32 $0xE, s0;
	v4 =	vshrl.u32 v0, $0xE;
	v0 =	vand.u32 $0x3FFF, v0  }
0xff: {  	s3 =	sshll.u32 s0, $0x9;
	s0 =	sshll.u32 s0, $0x6;
	[tilespmem:$0x1E480] =	vst v4;
	v4 =	vshrl.u32 v1, $0xE;
	v1 =	vand.u32 $0x3FFF, v1  }
0x100: {  	s3 =	sand.u32 $0x3FC00, s3;
	[tilespmem:$0x1E490] =	vst v4;
	v4 =	vshrl.u32 v2, $0xE;
	v2 =	vand.u32 $0x3FFF, v2  }
0x101: {  	s0 =	sand.u32 $0x40, s0;
	s3 =	sadd.s32 s5, s3;
	[tilespmem:$0x1E700] =	vst v0;
	v0 =	vshrl.u32 v3, $0xE;
	v3 =	vand.u32 $0x3FFF, v3  }
0x102: {  	s0 =	sor.u32 s0, s3;
	[tilespmem:$0x1E4B0] =	vst v0  }
0x103: {  	s0 =	sor.u32 s7, s0;
	[tilespmem:$0x1E4A0] =	vst v4  }
0x104: {  	s0 =	sshrl.u32 s0, $0x3;
	[tilespmem:$0x1E720] =	vst v2  }
0x105: {  	s0 =	sadd.s32 s6, s0;
	[tilespmem:$0x1E710] =	vst v1  }
0x106: {  	s3 =	simm.s32 $0x1E200;
	[tilespmem:$0x1E730] =	vst v3  }
0x107: {  	[tilespmem:s3], [sflag:$0x5] =	stream.linear.gather [hbm4b:s0+s2], $0x40, $0x38;
	[tilespmem:$0x1E780] =	vst v63  }
0x108: {  	s0 =	simm.s32 $0x1E480;
	s3 =	simm.s32 $0x1C000  }
0x109: {  	[tilespmem:s3], [sflag:$0xA] =	stream.indirect.gather [hbm4b:s4+s31], $0x80, s0, s31, $0xb8;
	[tilespmem:$0x1E780] =	vst v63  }
0x10a: {  	_ =	swait.ge [sflag:s9], $0x2000  }
0x10b: {  	[sflag:s9] =	ssyncset.done $0x0  }
0x10c: {  	s15 =	simm.s32 $0x14000;
	s0 =	simm.s32 $0x1E500;
	[sflag:s9] =	ssyncadd.s32 $0xFFFFE000  }
0x10d: {  	[spmem:s1] =	stream.indirect.scatter.add.f32 [tilespmem:s15], [sflag:$0xB], $0x80, s0, s31, $0xb8;
	[tilespmem:$0x1E780] =	vst v63  }
0x10e: {  	_ =	swait.ge [sflag:s22], $0x2000  }
0x10f: {  	[sflag:s22] =	ssyncset.done $0x0  }
0x110: {  	s21 =	simm.s32 $0x16000;
	s0 =	simm.s32 $0x1E580;
	[sflag:s22] =	ssyncadd.s32 $0xFFFFE000  }
0x111: {  	[spmem:s1] =	stream.indirect.scatter.add.f32 [tilespmem:s21], [sflag:$0xC], $0x80, s0, s31, $0xb8;
	[tilespmem:$0x1E780] =	vst v63  }
0x112: {  	_ =	swait.ge [sflag:s24], $0x2000  }
0x113: {  	[sflag:s24] =	ssyncset.done $0x0  }
0x114: {  	s30 =	simm.s32 $0x18000;
	s0 =	simm.s32 $0x1E600;
	[sflag:s24] =	ssyncadd.s32 $0xFFFFE000  }
0x115: {  	[spmem:s1] =	stream.indirect.scatter.add.f32 [tilespmem:s30], [sflag:$0xD], $0x80, s0, s31, $0xb8;
	[tilespmem:$0x1E780] =	vst v63  }
0x116: {  	_ =	swait.ge [sflag:s26], $0x2000  }
0x117: {  	[sflag:s26] =	ssyncset.done $0x0  }
0x118: {  	s0 =	simm.s32 $0x1E680;
	[sflag:s26] =	ssyncadd.s32 $0xFFFFE000  }
0x119: {  	[spmem:s1] =	stream.indirect.scatter.add.f32 [tilespmem:s8], [sflag:$0xE], $0x80, s0, s31, $0xb8;
	[tilespmem:$0x1E780] =	vst v63  }
0x11a: {  	_ =	swait.ge [sflag:s29], $0x2000  }
0x11b: {  	[sflag:s29] =	ssyncset.done $0x0  }
0x11c: {  	s0 =	simm.s32 $0x1E700;
	[sflag:s29] =	ssyncadd.s32 $0xFFFFE000  }
0x11d: {  	[spmem:s1] =	stream.indirect.scatter.add.f32 [tilespmem:s3], [sflag:$0xF], $0x80, s0, s31, $0xb8;
	[tilespmem:$0x1E780] =	vst v63  }
0x11e: {  	_ =	swait.ge [sflag:s11], $0x2000  }
0x11f: {  	[sflag:s11] =	ssyncset.done $0x0  }
0x120: {  	s0 =	simm.s32 $0x1;
	[sflag:s11] =	ssyncadd.s32 $0xFFFFE000  }
0x121: {  	_ =	swait.ge [sflag:s0], $0x40  }
0x122: {  	[sflag:s0] =	ssyncset.done $0x0  }
0x123: {  	[sflag:s0] =	ssyncadd.s32 $0xFFFFFFC0  }
0x124: {  	v0 =	vld [tilespmem:$0x1E030]  }
0x125: {  	v1 =	vld [tilespmem:$0x1E020]  }
0x126: {  	v2 =	vld [tilespmem:$0x1E000];
	_ =	sdelay $0x1  }
0x127: {  	v3 =	vld [tilespmem:$0x1E010]  }
0x128: {  	s0 =	smin.u32 s23, $0x95;
	v4 =	vshrl.u32 v0, $0xE;
	v0 =	vand.u32 $0x3FFF, v0  }
0x129: {  	s0 =	sadd.s32 $0xA, s0;
	v5 =	vshrl.u32 v1, $0xE;
	v1 =	vand.u32 $0x3FFF, v1;
	[tilespmem:$0x1E2B0] =	vst v4  }
0x12a: {  	s3 =	sshll.u32 s0, $0x9;
	s0 =	sshll.u32 s0, $0x6;
	v4 =	vshrl.u32 v2, $0xE;
	v2 =	vand.u32 $0x3FFF, v2;
	[tilespmem:$0x1E530] =	vst v0  }
0x12b: {  	s3 =	sand.u32 $0x3FC00, s3;
	[tilespmem:$0x1E2A0] =	vst v5  }
0x12c: {  	s0 =	sand.u32 $0x40, s0;
	s3 =	sadd.s32 s5, s3;
	[tilespmem:$0x1E280] =	vst v4;
	v0 =	vshrl.u32 v3, $0xE;
	v3 =	vand.u32 $0x3FFF, v3  }
0x12d: {  	s0 =	sor.u32 s0, s3;
	[tilespmem:$0x1E500] =	vst v2  }
0x12e: {  	s0 =	sor.u32 s7, s0;
	[tilespmem:$0x1E510] =	vst v3  }
0x12f: {  	s0 =	sshrl.u32 s0, $0x3;
	[tilespmem:$0x1E520] =	vst v1  }
0x130: {  	s0 =	sadd.s32 s6, s0;
	[tilespmem:$0x1E290] =	vst v0  }
0x131: {  	[tilespmem:s28], [sflag:$0x1] =	stream.linear.gather [hbm4b:s0+s2], $0x40, $0x38;
	[tilespmem:$0x1E780] =	vst v63  }
0x132: {  	s0 =	simm.s32 $0x1E280  }
0x133: {  	[tilespmem:s15], [sflag:$0x6] =	stream.indirect.gather [hbm4b:s4+s31], $0x80, s0, s31, $0xb8;
	[tilespmem:$0x1E780] =	vst v63  }
0x134: {  	s12 =	simm.s32 $0x14000;
	s15 =	simm.s32 $0x1E300  }
0x135: {  	_ =	swait.ge [sflag:s14], $0x2000  }
0x136: {  	[sflag:s14] =	ssyncset.done $0x0  }
0x137: {  	s0 =	simm.s32 $0x2;
	[sflag:s14] =	ssyncadd.s32 $0xFFFFE000  }
0x138: {  	_ =	swait.ge [sflag:s0], $0x40  }
0x139: {  	[sflag:s0] =	ssyncset.done $0x0  }
0x13a: {  	[sflag:s0] =	ssyncadd.s32 $0xFFFFFFC0  }
0x13b: {  	v0 =	vld [tilespmem:$0x1E080]  }
0x13c: {  	v1 =	vld [tilespmem:$0x1E090]  }
0x13d: {  	v2 =	vld [tilespmem:$0x1E0A0];
	_ =	sdelay $0x1  }
0x13e: {  	v3 =	vld [tilespmem:$0x1E0B0]  }
0x13f: {  	s0 =	smin.u32 s23, $0x94;
	v4 =	vshrl.u32 v0, $0xE;
	v0 =	vand.u32 $0x3FFF, v0  }
0x140: {  	s0 =	sadd.s32 $0xB, s0;
	[tilespmem:$0x1E580] =	vst v0;
	v0 =	vshrl.u32 v1, $0xE;
	v1 =	vand.u32 $0x3FFF, v1  }
0x141: {  	s3 =	sshll.u32 s0, $0x9;
	s0 =	sshll.u32 s0, $0x6;
	[tilespmem:$0x1E300] =	vst v4;
	v4 =	vshrl.u32 v2, $0xE;
	v2 =	vand.u32 $0x3FFF, v2  }
0x142: {  	s3 =	sand.u32 $0x3FC00, s3;
	[tilespmem:$0x1E310] =	vst v0  }
0x143: {  	s0 =	sand.u32 $0x40, s0;
	s3 =	sadd.s32 s5, s3;
	[tilespmem:$0x1E320] =	vst v4;
	v0 =	vshrl.u32 v3, $0xE;
	v3 =	vand.u32 $0x3FFF, v3  }
0x144: {  	s0 =	sor.u32 s0, s3;
	[tilespmem:$0x1E590] =	vst v1  }
0x145: {  	s0 =	sor.u32 s7, s0;
	[tilespmem:$0x1E5B0] =	vst v3  }
0x146: {  	s0 =	sshrl.u32 s0, $0x3;
	[tilespmem:$0x1E5A0] =	vst v2  }
0x147: {  	s3 =	simm.s32 $0x1E080;
	s0 =	sadd.s32 s6, s0;
	[tilespmem:$0x1E330] =	vst v0  }
0x148: {  	[tilespmem:s3], [sflag:$0x2] =	stream.linear.gather [hbm4b:s0+s2], $0x40, $0x38;
	[tilespmem:$0x1E780] =	vst v63  }
0x149: {  	_ = 	snop  }
0x14a: {  	[tilespmem:s21], [sflag:$0x7] =	stream.indirect.gather [hbm4b:s4+s31], $0x80, s15, s31, $0xb8;
	[tilespmem:$0x1E780] =	vst v63  }
0x14b: {  	s18 =	simm.s32 $0x16000;
	s21 =	simm.s32 $0x1E380  }
0x14c: {  	_ =	swait.ge [sflag:s17], $0x2000  }
0x14d: {  	[sflag:s17] =	ssyncset.done $0x0  }
0x14e: {  	[sflag:s17] =	ssyncadd.s32 $0xFFFFE000  }
0x14f: {  	_ =	swait.ge [sflag:s13], $0x40  }
0x150: {  	[sflag:s13] =	ssyncset.done $0x0  }
0x151: {  	[sflag:s13] =	ssyncadd.s32 $0xFFFFFFC0  }
0x152: {  	v0 =	vld [tilespmem:$0x1E100]  }
0x153: {  	v1 =	vld [tilespmem:$0x1E110]  }
0x154: {  	v2 =	vld [tilespmem:$0x1E120]  }
0x155: {  	v3 =	vld [tilespmem:$0x1E130];
	_ =	sdelay $0x1  }
0x156: {  	s0 =	smin.u32 s23, $0x93;
	v4 =	vshrl.u32 v0, $0xE;
	v0 =	vand.u32 $0x3FFF, v0  }
0x157: {  	s0 =	sadd.s32 $0xC, s0;
	[tilespmem:$0x1E600] =	vst v0;
	v0 =	vshrl.u32 v1, $0xE;
	v1 =	vand.u32 $0x3FFF, v1  }
0x158: {  	s3 =	sshll.u32 s0, $0x9;
	s0 =	sshll.u32 s0, $0x6;
	[tilespmem:$0x1E380] =	vst v4;
	v4 =	vshrl.u32 v2, $0xE;
	v2 =	vand.u32 $0x3FFF, v2  }
0x159: {  	s3 =	sand.u32 $0x3FC00, s3;
	[tilespmem:$0x1E610] =	vst v1;
	v1 =	vshrl.u32 v3, $0xE;
	v3 =	vand.u32 $0x3FFF, v3  }
0x15a: {  	s0 =	sand.u32 $0x40, s0;
	s3 =	sadd.s32 s5, s3;
	[tilespmem:$0x1E390] =	vst v0  }
0x15b: {  	s0 =	sor.u32 s0, s3;
	[tilespmem:$0x1E3A0] =	vst v4  }
0x15c: {  	s0 =	sor.u32 s7, s0;
	[tilespmem:$0x1E630] =	vst v3  }
0x15d: {  	s0 =	sshrl.u32 s0, $0x3;
	[tilespmem:$0x1E3B0] =	vst v1  }
0x15e: {  	s3 =	simm.s32 $0x1E100;
	s0 =	sadd.s32 s6, s0;
	[tilespmem:$0x1E620] =	vst v2  }
0x15f: {  	[tilespmem:s3], [sflag:$0x3] =	stream.linear.gather [hbm4b:s0+s2], $0x40, $0x38;
	[tilespmem:$0x1E780] =	vst v63  }
0x160: {  	s8 =	simm.s32 $0x18000  }
0x161: {  	[tilespmem:s30], [sflag:$0x8] =	stream.indirect.gather [hbm4b:s4+s31], $0x80, s21, s31, $0xb8;
	[tilespmem:$0x1E780] =	vst v63  }
0x162: {  	_ =	swait.ge [sflag:s20], $0x2000  }
0x163: {  	[sflag:s20] =	ssyncset.done $0x0  }
0x164: {  	[sflag:s20] =	ssyncadd.s32 $0xFFFFE000  }
0x165: {  	_ =	swait.ge [sflag:s16], $0x40  }
.Ltmp0:
0x166: {  	[sflag:s16] =	ssyncset.done $0x0;
	(pc) =	sbr.rel @p0 .LBB2_2-.Ltmp0, $4  }
0x167: {  	[sflag:s16] =	ssyncadd.s32 $0xFFFFFFC0  }
0x168: {  	v0 =	vld [tilespmem:$0x1E180]  }
0x169: {  	v1 =	vld [tilespmem:$0x1E190]  }
0x16a: {  	v2 =	vld [tilespmem:$0x1E1A0]  }
0x16b: {  	_ =	sdelay $0x1  }
0x16c: {  	s0 =	smin.u32 s23, $0x92;
	v3 =	vshrl.u32 v0, $0xE  }
0x16d: {  	v4 =	vld [tilespmem:$0x1E1B0];
	s0 =	sadd.s32 $0xD, s0;
	v52 =	vand.u32 $0x3FFF, v0;
	[tilespmem:$0x1E400] =	vst v3  }
0x16e: {  	s3 =	sshll.u32 s0, $0x9;
	v47 =	vshrl.u32 v1, $0xE;
	[tilespmem:$0x1E680] =	vst v52  }
0x16f: {  	s0 =	sshll.u32 s0, $0x6;
	s3 =	sand.u32 $0x3FC00, s3;
	v50 =	vand.u32 $0x3FFF, v1;
	[tilespmem:$0x1E410] =	vst v47  }
0x170: {  	s0 =	sand.u32 $0x40, s0;
	v48 =	vshrl.u32 v2, $0xE;
	s3 =	sadd.s32 s5, s3;
	[tilespmem:$0x1E690] =	vst v50  }
0x171: {  	v49 =	vand.u32 $0x3FFF, v2;
	[tilespmem:$0x1E420] =	vst v48;
	s0 =	sor.u32 s0, s3  }
0x172: {  	[tilespmem:$0x1E6A0] =	vst v49;
	v51 =	vshrl.u32 v4, $0xE;
	s0 =	sor.u32 s7, s0  }
0x173: {  	v53 =	vand.u32 $0x3FFF, v4;
	[tilespmem:$0x1E430] =	vst v51;
	s0 =	sshrl.u32 s0, $0x3  }
0x174: {  	s25 =	simm.s32 $0x1E180;
	[tilespmem:$0x1E6B0] =	vst v53;
	s0 =	sadd.s32 s6, s0  }
0x175: {  	[tilespmem:s25], [sflag:$0x4] =	stream.linear.gather [hbm4b:s0+s2], $0x40, $0x38;
	[tilespmem:$0x1E780] =	vst v63  }
0x176: {  	s30 =	simm.s32 $0x1E400;
	s25 =	simm.s32 $0x1A000  }
0x177: {  	[tilespmem:s25], [sflag:$0x9] =	stream.indirect.gather [hbm4b:s4+s31], $0x80, s30, s31, $0xb8;
	[tilespmem:$0x1E780] =	vst v63  }
0x178: {  	_ =	swait.ge [sflag:s10], $0x2000  }
0x179: {  	[sflag:s10] =	ssyncset.done $0x0  }
0x17a: {  	[sflag:s10] =	ssyncadd.s32 $0xFFFFE000  }
0x17b: {  	_ =	swait.ge [sflag:s19], $0x40  }
0x17c: {  	[sflag:s19] =	ssyncset.done $0x0  }
0x17d: {  	[sflag:s19] =	ssyncadd.s32 $0xFFFFFFC0  }
0x17e: {  	v54 =	vld [tilespmem:$0x1E200]  }
0x17f: {  	v55 =	vld [tilespmem:$0x1E210];
	_ =	sdelay $0x1  }
0x180: {  	v56 =	vld [tilespmem:$0x1E230]  }
0x181: {  	v57 =	vld [tilespmem:$0x1E220]  }
0x182: {  	s3 =	smin.u32 s23, $0x91;
	v58 =	vshrl.u32 v54, $0xE  }
0x183: {  	s0 =	sadd.s32 $0xE, s3;
	v59 =	vshrl.u32 v55, $0xE;
	[tilespmem:$0x1E480] =	vst v58  }
0x184: {  	s23 =	sshll.u32 s0, $0x9;
	v0 =	vand.u32 $0x3FFF, v54;
	[tilespmem:$0x1E490] =	vst v59  }
0x185: {  	s0 =	sshll.u32 s0, $0x6;
	s3 =	sand.u32 $0x3FC00, s23;
	v60 =	vshrl.u32 v56, $0xE;
	[tilespmem:$0x1E700] =	vst v0  }
0x186: {  	s0 =	sand.u32 $0x40, s0;
	s3 =	sadd.s32 s5, s3;
	v61 =	vshrl.u32 v57, $0xE;
	[tilespmem:$0x1E4B0] =	vst v60  }
0x187: {  	s0 =	sor.u32 s0, s3;
	v62 =	vand.u32 $0x3FFF, v57;
	[tilespmem:$0x1E4A0] =	vst v61  }
0x188: {  	s0 =	sor.u32 s7, s0;
	v1 =	vand.u32 $0x3FFF, v55;
	[tilespmem:$0x1E720] =	vst v62  }
0x189: {  	s0 =	sshrl.u32 s0, $0x3;
	v63 =	vand.u32 $0x3FFF, v56;
	[tilespmem:$0x1E710] =	vst v1  }
0x18a: {  	s30 =	simm.s32 $0x1E200;
	s0 =	sadd.s32 s6, s0;
	[tilespmem:$0x1E730] =	vst v63  }
0x18b: {  	[tilespmem:s30], [sflag:$0x5] =	stream.linear.gather [hbm4b:s0+s2], $0x40, $0x38;
	[tilespmem:$0x1E780] =	vst v63  }
0x18c: {  	s23 =	simm.s32 $0x1E480;
	s3 =	simm.s32 $0x1C000  }
0x18d: {  	[tilespmem:s3], [sflag:$0xA] =	stream.indirect.gather [hbm4b:s4+s31], $0x80, s23, s31, $0xb8;
	[tilespmem:$0x1E780] =	vst v63  }
0x18e: {  	_ =	swait.ge [sflag:s9], $0x2000  }
0x18f: {  	[sflag:s9] =	ssyncset.done $0x0  }
0x190: {  	s30 =	simm.s32 $0x1E500;
	[sflag:s9] =	ssyncadd.s32 $0xFFFFE000  }
0x191: {  	[spmem:s1] =	stream.indirect.scatter.add.f32 [tilespmem:s12], [sflag:$0xB], $0x80, s30, s31, $0xb8;
	[tilespmem:$0x1E780] =	vst v63  }
0x192: {  	_ =	swait.ge [sflag:s22], $0x2000  }
0x193: {  	[sflag:s22] =	ssyncset.done $0x0  }
0x194: {  	s12 =	simm.s32 $0x1E580;
	[sflag:s22] =	ssyncadd.s32 $0xFFFFE000  }
0x195: {  	[spmem:s1] =	stream.indirect.scatter.add.f32 [tilespmem:s18], [sflag:$0xC], $0x80, s12, s31, $0xb8;
	[tilespmem:$0x1E780] =	vst v63  }
0x196: {  	_ =	swait.ge [sflag:s24], $0x2000  }
0x197: {  	[sflag:s24] =	ssyncset.done $0x0  }
0x198: {  	s18 =	simm.s32 $0x1E600;
	[sflag:s24] =	ssyncadd.s32 $0xFFFFE000  }
0x199: {  	[spmem:s1] =	stream.indirect.scatter.add.f32 [tilespmem:s8], [sflag:$0xD], $0x80, s18, s31, $0xb8;
	[tilespmem:$0x1E780] =	vst v63  }
0x19a: {  	_ =	swait.ge [sflag:s26], $0x2000  }
0x19b: {  	[sflag:s26] =	ssyncset.done $0x0  }
0x19c: {  	s23 =	simm.s32 $0x1E680;
	[sflag:s26] =	ssyncadd.s32 $0xFFFFE000  }
0x19d: {  	[spmem:s1] =	stream.indirect.scatter.add.f32 [tilespmem:s25], [sflag:$0xE], $0x80, s23, s31, $0xb8;
	[tilespmem:$0x1E780] =	vst v63  }
0x19e: {  	_ =	swait.ge [sflag:s29], $0x2000  }
0x19f: {  	[sflag:s29] =	ssyncset.done $0x0  }
0x1a0: {  	s30 =	simm.s32 $0x1E700;
	[sflag:s29] =	ssyncadd.s32 $0xFFFFE000  }
0x1a1: {  	[spmem:s1] =	stream.indirect.scatter.add.f32 [tilespmem:s3], [sflag:$0xF], $0x80, s30, s31, $0xb8;
	[tilespmem:$0x1E780] =	vst v63  }
0x1a2: {  	_ =	swait.ge [sflag:s11], $0x2000  }
0x1a3: {  	[sflag:s11] =	ssyncset.done $0x0  }
0x1a4: {  	s3 =	simm.s32 $0x1;
	[sflag:s11] =	ssyncadd.s32 $0xFFFFE000  }
0x1a5: {  	_ =	swait.ge [sflag:s3], $0x40  }
0x1a6: {  	[sflag:s3] =	ssyncset.done $0x0  }
0x1a7: {  	[sflag:s3] =	ssyncadd.s32 $0xFFFFFFC0  }
0x1a8: {  	_ =	swait.ge [sflag:s14], $0x2000  }
0x1a9: {  	[sflag:s14] =	ssyncset.done $0x0  }
0x1aa: {  	s8 =	simm.s32 $0x2;
	[sflag:s14] =	ssyncadd.s32 $0xFFFFE000  }
0x1ab: {  	_ =	swait.ge [sflag:s8], $0x40  }
0x1ac: {  	[sflag:s8] =	ssyncset.done $0x0  }
0x1ad: {  	[sflag:s8] =	ssyncadd.s32 $0xFFFFFFC0  }
0x1ae: {  	_ =	swait.ge [sflag:s17], $0x2000  }
0x1af: {  	[sflag:s17] =	ssyncset.done $0x0  }
0x1b0: {  	[sflag:s17] =	ssyncadd.s32 $0xFFFFE000  }
0x1b1: {  	_ =	swait.ge [sflag:s13], $0x40  }
0x1b2: {  	[sflag:s13] =	ssyncset.done $0x0  }
0x1b3: {  	[sflag:s13] =	ssyncadd.s32 $0xFFFFFFC0  }
0x1b4: {  	_ =	swait.ge [sflag:s20], $0x2000  }
0x1b5: {  	[sflag:s20] =	ssyncset.done $0x0  }
0x1b6: {  	[sflag:s20] =	ssyncadd.s32 $0xFFFFE000  }
0x1b7: {  	_ =	swait.ge [sflag:s16], $0x40  }
0x1b8: {  	[sflag:s16] =	ssyncset.done $0x0  }
0x1b9: {  	[sflag:s16] =	ssyncadd.s32 $0xFFFFFFC0  }
0x1ba: {  	_ =	swait.ge [sflag:s10], $0x2000  }
0x1bb: {  	[sflag:s10] =	ssyncset.done $0x0  }
0x1bc: {  	[sflag:s10] =	ssyncadd.s32 $0xFFFFE000  }
0x1bd: {  	_ =	swait.ge [sflag:s19], $0x40  }
0x1be: {  	[sflag:s19] =	ssyncset.done $0x0  }
0x1bf: {  	[sflag:s19] =	ssyncadd.s32 $0xFFFFFFC0  }
0x1c0: {  	[bflag:$0x0] =	sbarrier.arrive $0xFFFF  }
0x1c1: {  	s23 =	rddreg [dreg:$0x5]  }
0x1c2: {  	s12 =	rddreg [dreg:$0x10]  }
0x1c3: {  	s25 =	simm.s32 $0x10;
	s3 =	rddreg [dreg:$0x11]  }
0x1c4: {  	[hbm:s12], [sflag:s23] =	dma.local [spmem:s3], $0x2800  }
0x1c5: {  	_ =	swait.ge [sflag:s25], $0x2800  }
0x1c6: {  	s18 =	rddreg [dreg:$0x12]  }
0x1c7: {  	s30 =	rddreg [dreg:$0xf];
	s8 =	sadd.s32 $0x1, s18  }
0x1c8: {  	p0 =	sne.s32 s8, s30  }
.Ltmp1:
0x1c9: {  	_ = 	snop;
	(pc) =	sbr.rel @p0 .LBB2_1-.Ltmp1, $3  }
0x1ca: {  	_ =	sdelay $0x1  }
0x1cb: {  	[sflag:s25] =	ssyncset.done $0x0  }
0x1cc: {  	[sflag:s25] =	ssyncadd.s32 $0xFFFFD800  }
0x1cd: {  	_ =	sfence.sel $0x180000  }
0x1ce: {  	[bflag:$0x0] =	sbarrier.arrive $0xFFFF  }
0x1cf: {  	_ =	strace $0x9000004A  }
0x1d0: {  	s0 =	stileid.u32;
	[bflag:$0x2] =	sbarrier.arrive $0xFFFF  }
0x1d1: {  	p0 =	sne.s32 s0, $0x0;
	s0 =	rddreg [dreg:$0x2]  }
0x1d2: {  	s0 =	sadd.s32 @!p0 $0x100000, s0  }
0x1d3: {  	[sflag:s0] =	ssyncadd.tile.s32 @!p0 $0x1;
	_ =	shalt  }
.Lfunc_end2:
_tile_overlayer_lowered:
.L_overlay_start_2:
0x1d4: {  	(tag) =	ssettag $0x2  }
0x1d5: {  	s0 =	rddreg [dreg:$0x0];
	s2 =	stileid.u32  }
0x1d6: {  	s1 =	rddreg [dreg:$0x1];
	p0 =	sne.s32 s2, $0x0  }
0x1d7: {  	s3 =	rddreg [dreg:$0x2];
	[bflag:$0x3] =	sbarrier.arrive $0xFFFF;
	s2 =	simm.s32 @!p0 $0x1C10  }
0x1d8: {  	[timem:s3], [sflag:s2] =	dma.local @!p0 [hbm:s0], s1  }
0x1d9: {  	s0 =	simm.s32 @!p0 $0x10  }
0x1da: {  	_ =	swait.ge @!p0 [sflag:s0], s1  }
0x1db: {  	s1 =	ssub.s32 @!p0 $0x0, s1;
	[sflag:s0] =	ssyncset.done @!p0 $0x0  }
0x1dc: {  	[sflag:s0] =	ssyncadd.s32 @!p0 s1  }
0x1dd: {  	[bflag:$0x3] =	sbarrier.arrive $0xFFFF  }
0x1de: {  	_ =	shalt  }

// kernel: kernel.16.cloned.1.call-start
scs
__scs_entry_jumppad:
0x0: {  	(pc) =	sbr.rel $0x88, $3  }
0x1: {  	(tag) =	ssettag $0x0;
	lr =	simm.s32 $0x1  }
0x2: {  	[smem:$0x3F9F] =	sst lr;
	_ =	strace $0xD0000000  }
0x3: {  	_ = 	snop  }
0x4: {  	_ = 	snop  }
0x5: {  	_ = 	snop  }
0x6: {  	_ = 	snop  }
0x7: {  	_ = 	snop  }
__scs_overlays_trampoline_lowered:
0x8: {  	[smem:$0x3FAE] =	sst s0  }
0x9: {  	[smem:$0x3FAF] =	sst s1  }
0xa: {  	[smem:$0x3FB0] =	sst s2  }
0xb: {  	[smem:$0x3FB1] =	sst s3  }
0xc: {  	[smem:$0x3FB2] =	sst s4  }
0xd: {  	[smem:$0x3FB3] =	sst s5  }
0xe: {  	[smem:$0x3FB4] =	sst s6  }
0xf: {  	[smem:$0x3FB5] =	sst s7  }
0x10: {  	[smem:$0x3FB6] =	sst s8  }
0x11: {  	[smem:$0x3FB7] =	sst s9;
	s0 =	simm.s32 @!p0 $0x0  }
0x12: {  	s1 =	sld [smem:$0x3F9D];
	s0 =	simm.s32 @p0 $0x1  }
0x13: {  	[smem:$0x3FB8] =	sst s0;
	s0 =	simm.s32 @!p1 $0x0  }
0x14: {  	s2 =	sld [smem:$0x3F9C];
	s0 =	simm.s32 @p1 $0x1  }
0x15: {  	[smem:$0x3FB9] =	sst s0;
	s0 =	simm.s32 @!p2 $0x0  }
0x16: {  	s3 =	sld [smem:$0x3FDB];
	s0 =	simm.s32 @p2 $0x1  }
0x17: {  	s4 =	simm.s32 $0x1BF5;
	[smem:$0x3FBB] =	sst s0  }
0x18: {  	s0 =	sld [smem:$0x3F9E];
	_ =	swait.ge [sflag:s4], $0x0  }
0x19: {  	s7 =	sld [smem:$0x3F9F]  }
0x1a: {  	s8 =	sadd.s32 $0xFFFFE003, lr  }
0x1b: {  	s9 =	sadd.s32 $0xFFFFFEF7, lr;
	s5 =	simm.s32 $0xFFFFFFFF;
	p2 =	slt.u32 s8, $0xFFFFF086  }
0x1c: {  	p1 =	slt.u32 s9, $0xF7A;
	s5 =	simm.s32 @!p2 $0x0  }
0x1d: {  	s5 =	simm.s32 @p1 $0x1;
	p0 =	seq.s32 s7, s2  }
0x1e: {  	s7 =	smul.u32 @!p0 $0xF7A, s2;
	p2 =	seq.s32 @!p0 s5, $0x0  }
0x1f: {  	s9 =	smul.u32 $0xF7A, s1;
	s8 =	simm.s32 @!p0 $0x1BF5;
	p2 =	por !p2, p0  }
0x20: {  	[sflag:s8] =	ssyncset.s32 @!p0 $0xFFFFF086;
	s6 =	sadd.s32 @!p0 s3, s7;
	s7 =	simm.s32 @!p0 $0x108  }
0x21: {  	s3 =	sadd.s32 s3, s9;
	s6 =	sadd.s32 @!p0 $0x88, s6;
	s7 =	simm.s32 @p2 $0x1082  }
0x22: {  	[simem:s7], [sflag:s8] =	dma.local @!p0 [hbm:s6], $0xF7A  }
0x23: {  	s9 =	sor.u32 $0xD0000000, s2;
	s6 =	simm.s32 $0x108;
	_ =	swait.ge @!p0 [sflag:s8], $0x0  }
0x24: {  	s3 =	sadd.s32 $0x88, s3;
	s6 =	simm.s32 @!p1 $0x1082;
	[sflag:s4] =	ssyncset.s32 $0xFFFFF086  }
0x25: {  	[simem:s6], [sflag:s4] =	dma.local [hbm:s3], $0xF7A  }
0x26: {  	[smem:$0x3F9F] =	sst s1;
	(tag) =	ssettag s2;
	_ =	strace s9  }
0x27: {  	s1 =	sld [smem:$0x3FAF]  }
0x28: {  	s2 =	sld [smem:$0x3FB0]  }
0x29: {  	s4 =	sld [smem:$0x3FB2]  }
0x2a: {  	p0 =	seq.s32 s5, $0x0;
	s5 =	sld [smem:$0x3FB3]  }
0x2b: {  	s6 =	sld [smem:$0x3FB4]  }
0x2c: {  	s7 =	sld [smem:$0x3FB5]  }
0x2d: {  	s3 =	simm.s32 $0x108;
	s8 =	sld [smem:$0x3FB6]  }
0x2e: {  	s3 =	simm.s32 @!p0 $0x1082;
	s9 =	sld [smem:$0x3FB7]  }
0x2f: {  	lr =	sadd.s32 s0, s3;
	s0 =	sld [smem:$0x3FAE]  }
0x30: {  	s3 =	sld [smem:$0x3FB1]  }
0x31: {  	[smem:$0x3FBA] =	sst s10  }
0x32: {  	s10 =	sld [smem:$0x3FB8];
	_ =	sdelay $0x3  }
0x33: {  	p0 =	seq.s32 s10, $0x1;
	s10 =	sld [smem:$0x3FBA];
	_ =	sdelay $0x3  }
0x34: {  	[smem:$0x3FBA] =	sst s10  }
0x35: {  	s10 =	sld [smem:$0x3FB9];
	_ =	sdelay $0x3  }
0x36: {  	p1 =	seq.s32 s10, $0x1;
	s10 =	sld [smem:$0x3FBA];
	_ =	sdelay $0x3  }
0x37: {  	[smem:$0x3FBA] =	sst s10  }
0x38: {  	s10 =	sld [smem:$0x3FBB]  }
0x39: {  	_ = 	snop;
	(pc) =	sbr.ind lr, $3  }
0x3a: {  	_ = 	snop  }
0x3b: {  	_ = 	snop  }
0x3c: {  	p2 =	seq.s32 s10, $0x1;
	s10 =	sld [smem:$0x3FBA]  }
0x3d: {  	_ =	shalt  }
0x3e: {  	_ =	shalt  }
0x3f: {  	_ =	shalt  }
0x40: {  	_ =	shalt  }
0x41: {  	_ =	shalt  }
0x42: {  	_ =	shalt  }
0x43: {  	_ =	shalt  }
0x44: {  	_ =	shalt  }
0x45: {  	_ =	shalt  }
0x46: {  	_ =	shalt  }
0x47: {  	_ =	shalt  }
0x48: {  	_ =	shalt  }
0x49: {  	_ =	shalt  }
0x4a: {  	_ =	shalt  }
0x4b: {  	_ =	shalt  }
0x4c: {  	_ =	shalt  }
0x4d: {  	_ =	shalt  }
0x4e: {  	_ =	shalt  }
0x4f: {  	_ =	shalt  }
0x50: {  	_ =	shalt  }
0x51: {  	_ =	shalt  }
0x52: {  	_ =	shalt  }
0x53: {  	_ =	shalt  }
0x54: {  	_ =	shalt  }
0x55: {  	_ =	shalt  }
0x56: {  	_ =	shalt  }
0x57: {  	_ =	shalt  }
0x58: {  	_ =	shalt  }
0x59: {  	_ =	shalt  }
0x5a: {  	_ =	shalt  }
0x5b: {  	_ =	shalt  }
0x5c: {  	_ =	shalt  }
0x5d: {  	_ =	shalt  }
0x5e: {  	_ =	shalt  }
0x5f: {  	_ =	shalt  }
0x60: {  	_ =	shalt  }
0x61: {  	_ =	shalt  }
0x62: {  	_ =	shalt  }
0x63: {  	_ =	shalt  }
0x64: {  	_ =	shalt  }
0x65: {  	_ =	shalt  }
0x66: {  	_ =	shalt  }
0x67: {  	_ =	shalt  }
0x68: {  	_ =	shalt  }
0x69: {  	_ =	shalt  }
0x6a: {  	_ =	shalt  }
0x6b: {  	_ =	shalt  }
0x6c: {  	_ =	shalt  }
0x6d: {  	_ =	shalt  }
0x6e: {  	_ =	shalt  }
0x6f: {  	_ =	shalt  }
0x70: {  	_ =	shalt  }
0x71: {  	_ =	shalt  }
0x72: {  	_ =	shalt  }
0x73: {  	_ =	shalt  }
0x74: {  	_ =	shalt  }
0x75: {  	_ =	shalt  }
0x76: {  	_ =	shalt  }
0x77: {  	_ =	shalt  }
0x78: {  	_ =	shalt  }
0x79: {  	_ =	shalt  }
0x7a: {  	_ =	shalt  }
0x7b: {  	_ =	shalt  }
0x7c: {  	_ =	shalt  }
0x7d: {  	_ =	shalt  }
0x7e: {  	_ =	shalt  }
0x7f: {  	_ =	shalt  }
0x80: {  	_ =	shalt  }
0x81: {  	_ =	shalt  }
0x82: {  	_ =	shalt  }
0x83: {  	_ =	shalt  }
0x84: {  	_ =	shalt  }
0x85: {  	_ =	shalt  }
0x86: {  	_ =	shalt  }
0x87: {  	_ =	shalt  }
.Lfunc_end0:
.L_simem_size_0:
called_computation.2_lowered:
.L_overlay_start_0:
0x88: {  	s2 =	sld [smem:$0x3FD9]  }
0x89: {  	s3 =	sld [smem:$0x3FFE];
	_ =	sdelay $0x1  }
0x8a: {  	s1 =	srdreg.scid  }
0x8b: {  	s0 =	sand.u32 $0x1, s1  }
0x8c: {  	s16 =	sshll.u32 s0, $0xA;
	s2 =	sadd.s32 s3, s2  }
0x8d: {  	s2 =	sadd.s32 s2, s16  }
0x8e: {  	[smem:$0x3FC6] =	sst s2  }
0x8f: {  	_ = 	snop  }
0x90: {  	(tm) =	ssettm $0x1  }
0x91: {  	s17 =	sld [smem:$0x3FFB];
	_ =	sdelay $0x3  }
0x92: {  	_ =	strace s17  }
0x93: {  	s2 =	sld [smem:$0x3FFC];
	_ =	sdelay $0x3  }
0x94: {  	_ =	strace s2  }
0x95: {  	s2 =	sld [smem:$0x3FFD];
	_ =	sdelay $0x3  }
0x96: {  	_ =	strace s2  }
0x97: {  	_ =	strace $0x8FFFFFFF  }
0x98: {  	s18 =	sld [smem:$0x3FDB];
	_ =	sdelay $0x1  }
0x99: {  	s19 =	simm.s32 $_scs_section_size  }
0x9a: {  	s4 =	simm.s32 $_size__tile_overlayer_lowered;
	s5 =	simm.s32 $_tile_overlayer_lowered  }
0x9b: {  	s22 =	simm.s32 $0x1BFF;
	s21 =	sshll.u32 s5, $0x1;
	s2 =	sadd.s32 s19, s18  }
0x9c: {  	s6 =	simm.s32 $0x0;
	s20 =	sshll.u32 s4, $0x1;
	s4 =	sadd.s32 s21, s2  }
0x9d: {  	[timem:s6], [sflag:s22] =	dma.local [hbm:s4], s20  }
0x9e: {  	_ =	swait.ge [sflag:s22], s20  }
0x9f: {  	s3 =	ssub.s32 $0x0, s20;
	[sflag:s22] =	ssyncset.done $0x0  }
0xa0: {  	[sflag:s22] =	ssyncadd.s32 s3;
	_ =	sdelay $0x1  }
0xa1: {  	s23 =	simm.s32 $0x1B8B  }
0xa2: {  	_ =	swait.ge [sflag:s23], $0x1  }
0xa3: {  	[sflag:s23] =	ssyncset.done $0x0  }
0xa4: {  	s25 =	simm.s32 $0x1B8E;
	s24 =	sld [smem:$0x3FFE];
	[sflag:s23] =	ssyncadd.s32 $0xFFFFFFFF  }
0xa5: {  	s26 =	simm.s32 $execute0_lowered;
	[smem:$0x3FD2] =	sst s25  }
0xa6: {  	s4 =	sshll.u32 s26, $0x1;
	_ =	strace $0x8000004C;
	[dreg:$0x1] =	wrdreg $0xFFFFFFFF  }
0xa7: {  	s28 =	simm.s32 $_size_execute0_lowered;
	s2 =	sadd.s32 s2, s4;
	[dreg:$0x0] =	wrdreg $0x0  }
0xa8: {  	s4 =	sshll.u32 s28, $0x1;
	[dreg:$0x2] =	wrdreg s2  }
0xa9: {  	[dreg:$0x3] =	wrdreg s4  }
0xaa: {  	[dreg:$0x4] =	wrdreg $0xC0  }
0xab: {  	_ =	task [dreg:s6], $0x5FFFF  }
0xac: {  	[dreg:$0x1] =	wrdreg $0xFFFFFFFF  }
0xad: {  	[dreg:$0x0] =	wrdreg $0x60  }
0xae: {  	[dreg:$0x2] =	wrdreg s24  }
0xaf: {  	[dreg:$0x3] =	wrdreg $0x0  }
0xb0: {  	[dreg:$0x4] =	wrdreg $0x9  }
0xb1: {  	_ =	task.clear_ibuf [dreg:s6], $0x5FFFF;
	_ =	strace $0x9000004C  }
0xb2: {  	s29 =	simm.s32 $0x9;
	_ =	strace $0x8000004E  }
0xb3: {  	_ =	swait.ge [sflag:s29], $0x1  }
0xb4: {  	[sflag:s29] =	ssyncadd.s32 $0xFFFFFFFF  }
0xb5: {  	_ =	strace $0x9000004E  }
0xb6: {  	_ =	sfence  }
0xb7: {  	s30 =	sld [smem:$0x0];
	_ =	sdelay $0x2  }
0xb8: {  	s31 =	sshll.u32 s1, $0xD;
	s1 =	sshrl.u32 s1, $0x2  }
0xb9: {  	s3 =	sand.u32 $0x4000, s31;
	s1 =	sadd.s32 s1, s30  }
0xba: {  	s0 =	sor.u32 s3, s0;
	s1 =	sshll.u32 s1, $0x11  }
0xbb: {  	s0 =	sor.u32 s1, s0  }
0xbc: {  	s0 =	sadd.s32 $0x8F2B, s0  }
0xbd: {  	[sflag:s0] =	ssyncadd.remote.s32 $0x1  }
0xbe: {  	_ =	sfence.sel $0xFFFF  }
0xbf: {  	[dreg:$0x0] =	wrdreg $0xFFFFFFFF;
	(pc) =	sbr.abs _section_cstart, $3  }
0xc0: {  	[dreg:$0x1] =	wrdreg $0xFFFFFFFF  }
0xc1: {  	_ =	task.clear_ibuf [dreg:s6], $0x2FFFF;
	_ =	strace $0x9FFFFFFF  }
0xc2: {  	(tm) =	ssettm $0x7FFFFFFF  }
0xc3: {  	_ =	shalt  }
tec
execute0_lowered:
.L_overlay_start_1:
0x0: {  	(tag) =	ssettag $0x1  }
0x1: {  	s0 =	rddreg [dreg:$0x0]  }
0x2: {  	s1 =	rddreg [dreg:$0x1];
	s2 =	simm.s32 $0x0;
	s3 =	srdreg.scid  }
0x3: {  	s12 =	stileid.u32;
	s28 =	simm.s32 $0x1E000;
	[smem:$0x7FF] =	sst s2  }
0x4: {  	s4 =	sadd.s32 $0x21400, s0;
	s3 =	sand.u32 $0x1, s3;
	s10 =	smul.u32 $0x50000, s12  }
0x5: {  	s5 =	sshrl.u32 s12, $0x2;
	s6 =	sshll.u32 s12, $0x8;
	s22 =	smul.u32 $0x2800, s12  }
0x6: {  	s13 =	sadd.s32 $0x3600, s0;
	_ =	strace $0x8000004D;
	s5 =	smul.u32 $0x14000, s5  }
0x7: {  	s7 =	sshll.u32 s3, $0x7;
	s8 =	sand.u32 $0x300, s6;
	s6 =	sadd.s32 $0x17400, s0  }
0x8: {  	s9 =	ssub.s32 $0x2, s3;
	[dreg:$0x3] =	wrdreg s13;
	s13 =	sshll.u32 s12, $0x6  }
0x9: {  	p0 =	seq.s32 s3, $0x1;
	s3 =	simm.s32 $0x71400;
	s7 =	sor.u32 s7, s8  }
0xa: {  	s30 =	sshrl.u32 s9, $0x1;
	s10 =	sshrl.u32 s10, $0x2;
	s23 =	sor.u32 $0x1C10, s13  }
0xb: {  	s3 =	simm.s32 @!p0 $0x49400;
	s11 =	sor.u32 s5, s7;
	s8 =	ssub.s32 s9, s30  }
0xc: {  	s0 =	sadd.s32 s3, s0;
	[dreg:$0x5] =	wrdreg s23;
	s30 =	smax.u32 s8, $0x1  }
0xd: {  	s15 =	sadd.s32 s10, s1;
	s0 =	sadd.s32 s0, s22;
	[dreg:$0xf] =	wrdreg s30  }
0xe: {  	s11 =	sshrl.u32 s11, $0x3;
	s3 =	sshrl.u32 s15, $0x3;
	[dreg:$0x10] =	wrdreg s0  }
0xf: {  	s31 =	simm.s32 $0x40;
	s14 =	sadd.s32 s6, s11;
	[dreg:$0x11] =	wrdreg s3  }
0x10: {  	s29 =	simm.s32 $0xA;
	s16 =	sadd.s32 $0x8, s14;
	[dreg:$0x4] =	wrdreg s14  }
0x11: {  	s13 =	simm.s32 $0x3;
	s17 =	sadd.s32 $0x80, s14;
	[dreg:$0x6] =	wrdreg s16  }
0x12: {  	s9 =	simm.s32 $0x6;
	s18 =	sadd.s32 $0x88, s14;
	[dreg:$0x7] =	wrdreg s17  }
0x13: {  	s10 =	simm.s32 $0xF;
	s19 =	sadd.s32 $0x100, s14;
	[dreg:$0x8] =	wrdreg s18  }
0x14: {  	s15 =	simm.s32 $0x1E300;
	s20 =	sadd.s32 $0x108, s14;
	[dreg:$0x9] =	wrdreg s19  }
0x15: {  	s22 =	simm.s32 $0x7;
	s21 =	sadd.s32 $0x180, s14;
	[dreg:$0xa] =	wrdreg s20  }
0x16: {  	s8 =	simm.s32 $0x0;
	s24 =	sadd.s32 $0x188, s14;
	[dreg:$0xb] =	wrdreg s21  }
0x17: {  	s11 =	simm.s32 $0xB;
	s25 =	sadd.s32 $0x200, s14;
	[dreg:$0xc] =	wrdreg s24  }
0x18: {  	s26 =	sadd.s32 $0x208, s14;
	s14 =	simm.s32 $0xC;
	[dreg:$0xd] =	wrdreg s25  }
0x19: {  	[dreg:$0xe] =	wrdreg s26;
	s25 =	simm.s32 $0x10;
	s21 =	simm.s32 $0x1E380  }
0x1a: {  	s16 =	simm.s32 $0x4;
	s19 =	simm.s32 $0x5;
	s24 =	simm.s32 $0x8  }
0x1b: {  	s26 =	simm.s32 $0x9;
	s17 =	simm.s32 $0xD;
	s20 =	simm.s32 $0xE  }
.LBB2_1:
0x1c: {  	[dreg:$0x12] =	wrdreg s8  }
0x1d: {  	s0 =	rddreg [dreg:$0x3]  }
0x1e: {  	[spmem:s3], [sflag:s23] =	dma.local [hbm:s0], $0x2800  }
0x1f: {  	_ =	swait.ge [sflag:s25], $0x2800  }
0x20: {  	[sflag:s25] =	ssyncset.done $0x0  }
0x21: {  	[sflag:s25] =	ssyncadd.s32 $0xFFFFD800  }
0x22: {  	[bflag:$0x0] =	sbarrier.arrive $0xFFFF  }
0x23: {  	s3 =	rddreg [dreg:$0x4]  }
0x24: {  	[tilespmem:s28], [sflag:$0x1] =	stream.linear.gather [hbm4b:s3+s2], $0x40, $0x38;
	[tilespmem:$0x1E780] =	vst v63  }
0x25: {  	s12 =	simm.s32 $0x1E080;
	s8 =	rddreg [dreg:$0x6]  }
0x26: {  	[tilespmem:s12], [sflag:$0x2] =	stream.linear.gather [hbm4b:s8+s2], $0x40, $0x38;
	[tilespmem:$0x1E780] =	vst v63  }
0x27: {  	s23 =	simm.s32 $0x1E100;
	s18 =	rddreg [dreg:$0x7]  }
0x28: {  	[tilespmem:s23], [sflag:$0x3] =	stream.linear.gather [hbm4b:s18+s2], $0x40, $0x38;
	[tilespmem:$0x1E780] =	vst v63  }
0x29: {  	s30 =	rddreg [dreg:$0x8];
	s3 =	simm.s32 $0x1E180  }
0x2a: {  	[tilespmem:s3], [sflag:$0x4] =	stream.linear.gather [hbm4b:s30+s2], $0x40, $0x38;
	[tilespmem:$0x1E780] =	vst v63  }
0x2b: {  	s8 =	rddreg [dreg:$0x9];
	s23 =	simm.s32 $0x1E200  }
0x2c: {  	[tilespmem:s23], [sflag:$0x5] =	stream.linear.gather [hbm4b:s8+s2], $0x40, $0x38;
	[tilespmem:$0x1E780] =	vst v63  }
0x2d: {  	s8 =	simm.s32 $0x1  }
0x2e: {  	_ =	swait.ge [sflag:s8], $0x40  }
0x2f: {  	[sflag:s8] =	ssyncset.done $0x0  }
0x30: {  	[sflag:s8] =	ssyncadd.s32 $0xFFFFFFC0  }
0x31: {  	v0 =	vld [tilespmem:$0x1E000];
	_ =	sdelay $0x1  }
0x32: {  	v1 =	vld [tilespmem:$0x1E010];
	_ =	sdelay $0x1  }
0x33: {  	v2 =	vld [tilespmem:$0x1E020]  }
0x34: {  	v3 =	vshrl.u32 v0, $0xE  }
0x35: {  	v0 =	vand.u32 $0x3FFF, v0;
	[tilespmem:$0x1E280] =	vst v3;
	v3 =	vld [tilespmem:$0x1E030]  }
0x36: {  	[tilespmem:$0x1E500] =	vst v0;
	v0 =	vshrl.u32 v1, $0xE  }
0x37: {  	[tilespmem:$0x1E290] =	vst v0;
	v0 =	vand.u32 $0x3FFF, v1  }
0x38: {  	[tilespmem:$0x1E510] =	vst v0;
	v0 =	vshrl.u32 v2, $0xE  }
0x39: {  	[tilespmem:$0x1E2A0] =	vst v0;
	v0 =	vand.u32 $0x3FFF, v2  }
0x3a: {  	[tilespmem:$0x1E520] =	vst v0;
	v0 =	vshrl.u32 v3, $0xE  }
0x3b: {  	[tilespmem:$0x1E2B0] =	vst v0;
	v0 =	vand.u32 $0x3FFF, v3  }
0x3c: {  	s12 =	rddreg [dreg:$0xa];
	[tilespmem:$0x1E530] =	vst v0  }
0x3d: {  	[tilespmem:s28], [sflag:$0x1] =	stream.linear.gather [hbm4b:s12+s2], $0x40, $0x38;
	[tilespmem:$0x1E780] =	vst v63  }
0x3e: {  	s30 =	simm.s32 $0x1E280;
	s12 =	simm.s32 $0x14000  }
0x3f: {  	[tilespmem:s12], [sflag:$0x6] =	stream.indirect.gather [hbm4b:s4+s31], $0x80, s30, s31, $0xb8;
	[tilespmem:$0x1E780] =	vst v63  }
0x40: {  	s30 =	simm.s32 $0x2  }
0x41: {  	_ =	swait.ge [sflag:s30], $0x40  }
0x42: {  	[sflag:s30] =	ssyncset.done $0x0  }
0x43: {  	[sflag:s30] =	ssyncadd.s32 $0xFFFFFFC0  }
0x44: {  	v0 =	vld [tilespmem:$0x1E080];
	_ =	sdelay $0x1  }
0x45: {  	v1 =	vld [tilespmem:$0x1E090];
	_ =	sdelay $0x1  }
0x46: {  	v2 =	vld [tilespmem:$0x1E0A0]  }
0x47: {  	v3 =	vshrl.u32 v0, $0xE  }
0x48: {  	v0 =	vand.u32 $0x3FFF, v0;
	[tilespmem:$0x1E300] =	vst v3;
	v3 =	vld [tilespmem:$0x1E0B0]  }
0x49: {  	[tilespmem:$0x1E580] =	vst v0;
	v0 =	vshrl.u32 v1, $0xE  }
0x4a: {  	[tilespmem:$0x1E310] =	vst v0;
	v0 =	vand.u32 $0x3FFF, v1  }
0x4b: {  	[tilespmem:$0x1E590] =	vst v0;
	v0 =	vshrl.u32 v2, $0xE  }
0x4c: {  	[tilespmem:$0x1E320] =	vst v0;
	v0 =	vand.u32 $0x3FFF, v2  }
0x4d: {  	[tilespmem:$0x1E5A0] =	vst v0;
	v0 =	vshrl.u32 v3, $0xE  }
0x4e: {  	[tilespmem:$0x1E330] =	vst v0;
	v0 =	vand.u32 $0x3FFF, v3  }
0x4f: {  	s25 =	simm.s32 $0x1E080;
	s0 =	rddreg [dreg:$0xb];
	[tilespmem:$0x1E5B0] =	vst v0  }
0x50: {  	[tilespmem:s25], [sflag:$0x2] =	stream.linear.gather [hbm4b:s0+s2], $0x40, $0x38;
	[tilespmem:$0x1E780] =	vst v63  }
0x51: {  	s25 =	simm.s32 $0x16000  }
0x52: {  	[tilespmem:s25], [sflag:$0x7] =	stream.indirect.gather [hbm4b:s4+s31], $0x80, s15, s31, $0xb8;
	[tilespmem:$0x1E780] =	vst v63  }
0x53: {  	_ =	swait.ge [sflag:s13], $0x40  }
0x54: {  	[sflag:s13] =	ssyncset.done $0x0  }
0x55: {  	[sflag:s13] =	ssyncadd.s32 $0xFFFFFFC0  }
0x56: {  	v0 =	vld [tilespmem:$0x1E100];
	_ =	sdelay $0x1  }
0x57: {  	v1 =	vld [tilespmem:$0x1E110];
	_ =	sdelay $0x1  }
0x58: {  	v2 =	vld [tilespmem:$0x1E120]  }
0x59: {  	v3 =	vshrl.u32 v0, $0xE  }
0x5a: {  	v0 =	vand.u32 $0x3FFF, v0;
	[tilespmem:$0x1E380] =	vst v3;
	v3 =	vld [tilespmem:$0x1E130]  }
0x5b: {  	[tilespmem:$0x1E600] =	vst v0;
	v0 =	vshrl.u32 v1, $0xE  }
0x5c: {  	[tilespmem:$0x1E390] =	vst v0;
	v0 =	vand.u32 $0x3FFF, v1  }
0x5d: {  	[tilespmem:$0x1E610] =	vst v0;
	v0 =	vshrl.u32 v2, $0xE  }
0x5e: {  	[tilespmem:$0x1E3A0] =	vst v0;
	v0 =	vand.u32 $0x3FFF, v2  }
0x5f: {  	[tilespmem:$0x1E620] =	vst v0;
	v0 =	vshrl.u32 v3, $0xE  }
0x60: {  	[tilespmem:$0x1E3B0] =	vst v0;
	v0 =	vand.u32 $0x3FFF, v3  }
0x61: {  	s18 =	simm.s32 $0x1E100;
	s0 =	rddreg [dreg:$0xc];
	[tilespmem:$0x1E630] =	vst v0  }
0x62: {  	[tilespmem:s18], [sflag:$0x3] =	stream.linear.gather [hbm4b:s0+s2], $0x40, $0x38;
	[tilespmem:$0x1E780] =	vst v63  }
0x63: {  	s18 =	simm.s32 $0x18000  }
0x64: {  	[tilespmem:s18], [sflag:$0x8] =	stream.indirect.gather [hbm4b:s4+s31], $0x80, s21, s31, $0xb8;
	[tilespmem:$0x1E780] =	vst v63  }
0x65: {  	_ =	swait.ge [sflag:s16], $0x40  }
0x66: {  	[sflag:s16] =	ssyncset.done $0x0  }
0x67: {  	[sflag:s16] =	ssyncadd.s32 $0xFFFFFFC0  }
0x68: {  	v0 =	vld [tilespmem:$0x1E180];
	_ =	sdelay $0x1  }
0x69: {  	v1 =	vld [tilespmem:$0x1E190];
	_ =	sdelay $0x1  }
0x6a: {  	v2 =	vld [tilespmem:$0x1E1A0]  }
0x6b: {  	v3 =	vshrl.u32 v0, $0xE  }
0x6c: {  	v0 =	vand.u32 $0x3FFF, v0;
	[tilespmem:$0x1E400] =	vst v3;
	v3 =	vld [tilespmem:$0x1E1B0]  }
0x6d: {  	[tilespmem:$0x1E680] =	vst v0;
	v0 =	vshrl.u32 v1, $0xE  }
0x6e: {  	[tilespmem:$0x1E410] =	vst v0;
	v0 =	vand.u32 $0x3FFF, v1  }
0x6f: {  	[tilespmem:$0x1E690] =	vst v0;
	v0 =	vshrl.u32 v2, $0xE  }
0x70: {  	[tilespmem:$0x1E420] =	vst v0;
	v0 =	vand.u32 $0x3FFF, v2  }
0x71: {  	[tilespmem:$0x1E6A0] =	vst v0;
	v0 =	vshrl.u32 v3, $0xE  }
0x72: {  	[tilespmem:$0x1E430] =	vst v0;
	v0 =	vand.u32 $0x3FFF, v3  }
0x73: {  	s0 =	rddreg [dreg:$0xd];
	[tilespmem:$0x1E6B0] =	vst v0  }
0x74: {  	[tilespmem:s3], [sflag:$0x4] =	stream.linear.gather [hbm4b:s0+s2], $0x40, $0x38;
	[tilespmem:$0x1E780] =	vst v63  }
0x75: {  	s0 =	simm.s32 $0x1E400;
	s3 =	simm.s32 $0x1A000  }
0x76: {  	[tilespmem:s3], [sflag:$0x9] =	stream.indirect.gather [hbm4b:s4+s31], $0x80, s0, s31, $0xb8;
	[tilespmem:$0x1E780] =	vst v63  }
0x77: {  	_ =	swait.ge [sflag:s19], $0x40  }
0x78: {  	[sflag:s19] =	ssyncset.done $0x0  }
0x79: {  	[sflag:s19] =	ssyncadd.s32 $0xFFFFFFC0  }
0x7a: {  	v0 =	vld [tilespmem:$0x1E200];
	_ =	sdelay $0x1  }
0x7b: {  	v1 =	vld [tilespmem:$0x1E210];
	_ =	sdelay $0x1  }
0x7c: {  	v2 =	vld [tilespmem:$0x1E220]  }
0x7d: {  	v3 =	vshrl.u32 v0, $0xE  }
0x7e: {  	v0 =	vand.u32 $0x3FFF, v0;
	[tilespmem:$0x1E480] =	vst v3;
	v3 =	vld [tilespmem:$0x1E230]  }
0x7f: {  	[tilespmem:$0x1E700] =	vst v0;
	v0 =	vshrl.u32 v1, $0xE  }
0x80: {  	[tilespmem:$0x1E490] =	vst v0;
	v0 =	vand.u32 $0x3FFF, v1  }
0x81: {  	[tilespmem:$0x1E710] =	vst v0;
	v0 =	vshrl.u32 v2, $0xE  }
0x82: {  	[tilespmem:$0x1E4A0] =	vst v0;
	v0 =	vand.u32 $0x3FFF, v2  }
0x83: {  	[tilespmem:$0x1E720] =	vst v0;
	v0 =	vshrl.u32 v3, $0xE  }
0x84: {  	[tilespmem:$0x1E4B0] =	vst v0;
	v0 =	vand.u32 $0x3FFF, v3  }
0x85: {  	s0 =	rddreg [dreg:$0xe];
	[tilespmem:$0x1E730] =	vst v0  }
0x86: {  	[tilespmem:s23], [sflag:$0x5] =	stream.linear.gather [hbm4b:s0+s2], $0x40, $0x38;
	[tilespmem:$0x1E780] =	vst v63  }
0x87: {  	s0 =	simm.s32 $0x1E480;
	s23 =	simm.s32 $0x1C000  }
0x88: {  	[tilespmem:s23], [sflag:$0xA] =	stream.indirect.gather [hbm4b:s4+s31], $0x80, s0, s31, $0xb8;
	[tilespmem:$0x1E780] =	vst v63  }
0x89: {  	_ =	swait.ge [sflag:s9], $0x2000  }
0x8a: {  	[sflag:s9] =	ssyncset.done $0x0  }
0x8b: {  	s0 =	simm.s32 $0x1E500;
	[sflag:s9] =	ssyncadd.s32 $0xFFFFE000  }
0x8c: {  	[spmem:s1] =	stream.indirect.scatter.add.f32 [tilespmem:s12], [sflag:$0xB], $0x80, s0, s31, $0xb8;
	[tilespmem:$0x1E780] =	vst v63  }
0x8d: {  	_ =	swait.ge [sflag:s22], $0x2000  }
0x8e: {  	[sflag:s22] =	ssyncset.done $0x0  }
0x8f: {  	s25 =	simm.s32 $0x16000;
	s0 =	simm.s32 $0x1E580;
	[sflag:s22] =	ssyncadd.s32 $0xFFFFE000  }
0x90: {  	[spmem:s1] =	stream.indirect.scatter.add.f32 [tilespmem:s25], [sflag:$0xC], $0x80, s0, s31, $0xb8;
	[tilespmem:$0x1E780] =	vst v63  }
0x91: {  	_ =	swait.ge [sflag:s24], $0x2000  }
0x92: {  	[sflag:s24] =	ssyncset.done $0x0  }
0x93: {  	s25 =	simm.s32 $0x1E600;
	[sflag:s24] =	ssyncadd.s32 $0xFFFFE000  }
0x94: {  	[spmem:s1] =	stream.indirect.scatter.add.f32 [tilespmem:s18], [sflag:$0xD], $0x80, s25, s31, $0xb8;
	[tilespmem:$0x1E780] =	vst v63  }
0x95: {  	_ =	swait.ge [sflag:s26], $0x2000  }
0x96: {  	[sflag:s26] =	ssyncset.done $0x0  }
0x97: {  	s25 =	simm.s32 $0x1E680;
	[sflag:s26] =	ssyncadd.s32 $0xFFFFE000  }
0x98: {  	[spmem:s1] =	stream.indirect.scatter.add.f32 [tilespmem:s3], [sflag:$0xE], $0x80, s25, s31, $0xb8;
	[tilespmem:$0x1E780] =	vst v63  }
0x99: {  	_ =	swait.ge [sflag:s29], $0x2000  }
0x9a: {  	[sflag:s29] =	ssyncset.done $0x0  }
0x9b: {  	s25 =	simm.s32 $0x1E700;
	[sflag:s29] =	ssyncadd.s32 $0xFFFFE000  }
0x9c: {  	[spmem:s1] =	stream.indirect.scatter.add.f32 [tilespmem:s23], [sflag:$0xF], $0x80, s25, s31, $0xb8;
	[tilespmem:$0x1E780] =	vst v63  }
0x9d: {  	_ =	swait.ge [sflag:s11], $0x2000  }
0x9e: {  	[sflag:s11] =	ssyncset.done $0x0  }
0x9f: {  	[sflag:s11] =	ssyncadd.s32 $0xFFFFE000  }
0xa0: {  	_ =	swait.ge [sflag:s8], $0x40  }
0xa1: {  	[sflag:s8] =	ssyncset.done $0x0  }
0xa2: {  	[sflag:s8] =	ssyncadd.s32 $0xFFFFFFC0  }
0xa3: {  	v0 =	vld [tilespmem:$0x1E030];
	_ =	sdelay $0x1  }
0xa4: {  	v1 =	vld [tilespmem:$0x1E020];
	_ =	sdelay $0x1  }
0xa5: {  	v2 =	vld [tilespmem:$0x1E000]  }
0xa6: {  	s3 =	smin.u32 s2, $0x95;
	v4 =	vshrl.u32 v0, $0xE  }
0xa7: {  	s23 =	sadd.s32 $0xA, s3;
	v3 =	vld [tilespmem:$0x1E010];
	v0 =	vand.u32 $0x3FFF, v0;
	[tilespmem:$0x1E2B0] =	vst v4  }
0xa8: {  	s8 =	sshll.u32 s23, $0x9;
	v59 =	vshrl.u32 v1, $0xE;
	[tilespmem:$0x1E530] =	vst v0  }
0xa9: {  	s23 =	sshll.u32 s23, $0x6;
	s25 =	sand.u32 $0x3FC00, s8;
	v1 =	vand.u32 $0x3FFF, v1;
	[tilespmem:$0x1E2A0] =	vst v59  }
0xaa: {  	s23 =	sand.u32 $0x40, s23;
	s25 =	sadd.s32 s5, s25;
	v0 =	vshrl.u32 v2, $0xE;
	[tilespmem:$0x1E520] =	vst v1  }
0xab: {  	s23 =	sor.u32 s23, s25;
	v2 =	vand.u32 $0x3FFF, v2;
	[tilespmem:$0x1E280] =	vst v0  }
0xac: {  	s23 =	sor.u32 s7, s23;
	v0 =	vand.u32 $0x3FFF, v3;
	[tilespmem:$0x1E500] =	vst v2  }
0xad: {  	s23 =	sshrl.u32 s23, $0x3;
	[tilespmem:$0x1E510] =	vst v0;
	v0 =	vshrl.u32 v3, $0xE  }
0xae: {  	s23 =	sadd.s32 s6, s23;
	[tilespmem:$0x1E290] =	vst v0  }
0xaf: {  	[tilespmem:s28], [sflag:$0x1] =	stream.linear.gather [hbm4b:s23+s2], $0x40, $0x38;
	[tilespmem:$0x1E780] =	vst v63  }
0xb0: {  	s28 =	simm.s32 $0x1E280  }
0xb1: {  	[tilespmem:s12], [sflag:$0x6] =	stream.indirect.gather [hbm4b:s4+s31], $0x80, s28, s31, $0xb8;
	[tilespmem:$0x1E780] =	vst v63  }
0xb2: {  	_ =	swait.ge [sflag:s14], $0x2000  }
0xb3: {  	[sflag:s14] =	ssyncset.done $0x0  }
0xb4: {  	[sflag:s14] =	ssyncadd.s32 $0xFFFFE000  }
0xb5: {  	_ =	swait.ge [sflag:s30], $0x40  }
0xb6: {  	[sflag:s30] =	ssyncset.done $0x0  }
0xb7: {  	[sflag:s30] =	ssyncadd.s32 $0xFFFFFFC0  }
0xb8: {  	v0 =	vld [tilespmem:$0x1E080];
	_ =	sdelay $0x1  }
0xb9: {  	v1 =	vld [tilespmem:$0x1E090];
	_ =	sdelay $0x1  }
0xba: {  	v2 =	vld [tilespmem:$0x1E0A0]  }
0xbb: {  	s3 =	smin.u32 s2, $0x94;
	v60 =	vand.u32 $0x3FFF, v0  }
0xbc: {  	s23 =	sadd.s32 $0xB, s3;
	v3 =	vld [tilespmem:$0x1E0B0];
	v0 =	vshrl.u32 v0, $0xE;
	[tilespmem:$0x1E580] =	vst v60  }
0xbd: {  	s8 =	sshll.u32 s23, $0x9;
	v61 =	vshrl.u32 v1, $0xE;
	[tilespmem:$0x1E300] =	vst v0  }
0xbe: {  	s23 =	sshll.u32 s23, $0x6;
	s25 =	sand.u32 $0x3FC00, s8;
	v1 =	vand.u32 $0x3FFF, v1;
	[tilespmem:$0x1E310] =	vst v61  }
0xbf: {  	s23 =	sand.u32 $0x40, s23;
	s25 =	sadd.s32 s5, s25;
	v0 =	vshrl.u32 v2, $0xE;
	[tilespmem:$0x1E590] =	vst v1  }
0xc0: {  	s23 =	sor.u32 s23, s25;
	v1 =	vand.u32 $0x3FFF, v2;
	[tilespmem:$0x1E320] =	vst v0  }
0xc1: {  	s23 =	sor.u32 s7, s23;
	v0 =	vand.u32 $0x3FFF, v3;
	[tilespmem:$0x1E5A0] =	vst v1  }
0xc2: {  	s23 =	sshrl.u32 s23, $0x3;
	[tilespmem:$0x1E5B0] =	vst v0;
	v0 =	vshrl.u32 v3, $0xE  }
0xc3: {  	s12 =	simm.s32 $0x1E080;
	s23 =	sadd.s32 s6, s23;
	[tilespmem:$0x1E330] =	vst v0  }
0xc4: {  	[tilespmem:s12], [sflag:$0x2] =	stream.linear.gather [hbm4b:s23+s2], $0x40, $0x38;
	[tilespmem:$0x1E780] =	vst v63  }
0xc5: {  	s23 =	simm.s32 $0x16000  }
0xc6: {  	[tilespmem:s23], [sflag:$0x7] =	stream.indirect.gather [hbm4b:s4+s31], $0x80, s15, s31, $0xb8;
	[tilespmem:$0x1E780] =	vst v63  }
0xc7: {  	_ =	swait.ge [sflag:s17], $0x2000  }
0xc8: {  	[sflag:s17] =	ssyncset.done $0x0  }
0xc9: {  	[sflag:s17] =	ssyncadd.s32 $0xFFFFE000  }
0xca: {  	_ =	swait.ge [sflag:s13], $0x40  }
0xcb: {  	[sflag:s13] =	ssyncset.done $0x0  }
0xcc: {  	[sflag:s13] =	ssyncadd.s32 $0xFFFFFFC0  }
0xcd: {  	v0 =	vld [tilespmem:$0x1E100];
	_ =	sdelay $0x1  }
0xce: {  	v1 =	vld [tilespmem:$0x1E110];
	_ =	sdelay $0x1  }
0xcf: {  	v2 =	vld [tilespmem:$0x1E120]  }
0xd0: {  	s25 =	smin.u32 s2, $0x93;
	v3 =	vld [tilespmem:$0x1E130];
	v62 =	vand.u32 $0x3FFF, v0  }
0xd1: {  	s23 =	sadd.s32 $0xC, s25;
	v0 =	vshrl.u32 v0, $0xE;
	[tilespmem:$0x1E600] =	vst v62  }
0xd2: {  	s28 =	sshll.u32 s23, $0x9;
	v63 =	vand.u32 $0x3FFF, v1;
	[tilespmem:$0x1E380] =	vst v0  }
0xd3: {  	s23 =	sshll.u32 s23, $0x6;
	s25 =	sand.u32 $0x3FC00, s28;
	v0 =	vshrl.u32 v1, $0xE;
	[tilespmem:$0x1E610] =	vst v63  }
0xd4: {  	s23 =	sand.u32 $0x40, s23;
	s25 =	sadd.s32 s5, s25;
	v1 =	vshrl.u32 v2, $0xE;
	[tilespmem:$0x1E390] =	vst v0  }
0xd5: {  	s23 =	sor.u32 s23, s25;
	v0 =	vand.u32 $0x3FFF, v3;
	[tilespmem:$0x1E3A0] =	vst v1  }
0xd6: {  	s23 =	sor.u32 s7, s23;
	v1 =	vshrl.u32 v3, $0xE;
	[tilespmem:$0x1E630] =	vst v0  }
0xd7: {  	s23 =	sshrl.u32 s23, $0x3;
	v0 =	vand.u32 $0x3FFF, v2;
	[tilespmem:$0x1E3B0] =	vst v1  }
0xd8: {  	s30 =	simm.s32 $0x1E100;
	s23 =	sadd.s32 s6, s23;
	[tilespmem:$0x1E620] =	vst v0  }
0xd9: {  	[tilespmem:s30], [sflag:$0x3] =	stream.linear.gather [hbm4b:s23+s2], $0x40, $0x38;
	[tilespmem:$0x1E780] =	vst v63  }
0xda: {  	_ = 	snop  }
0xdb: {  	[tilespmem:s18], [sflag:$0x8] =	stream.indirect.gather [hbm4b:s4+s31], $0x80, s21, s31, $0xb8;
	[tilespmem:$0x1E780] =	vst v63  }
0xdc: {  	_ =	swait.ge [sflag:s20], $0x2000  }
0xdd: {  	[sflag:s20] =	ssyncset.done $0x0  }
0xde: {  	[sflag:s20] =	ssyncadd.s32 $0xFFFFE000  }
0xdf: {  	_ =	swait.ge [sflag:s16], $0x40  }
0xe0: {  	[sflag:s16] =	ssyncset.done $0x0  }
0xe1: {  	[sflag:s16] =	ssyncadd.s32 $0xFFFFFFC0  }
0xe2: {  	v0 =	vld [tilespmem:$0x1E180]  }
0xe3: {  	v1 =	vld [tilespmem:$0x1E190]  }
0xe4: {  	s25 =	simm.s32 $0x5;
	s23 =	simm.s32 $0x0;
	v2 =	vld [tilespmem:$0x1E1A0]  }
.LBB2_2:
0xe5: {  	_ = 	snop  }
0xe6: {  	p0 =	sne.s32 s25, $0x96;
	s28 =	smov.u32 s25;
	s25 =	sadd.s32 $0x5, s25  }
0xe7: {  	s0 =	smin.u32 s23, $0x92;
	v4 =	vld [tilespmem:$0x1E1B0];
	v3 =	vshrl.u32 v0, $0xE;
	v0 =	vand.u32 $0x3FFF, v0  }
0xe8: {  	s0 =	sadd.s32 $0xD, s0;
	[tilespmem:$0x1E400] =	vst v3;
	v3 =	vshrl.u32 v1, $0xE;
	v1 =	vand.u32 $0x3FFF, v1  }
0xe9: {  	s3 =	sshll.u32 s0, $0x9;
	s0 =	sshll.u32 s0, $0x6;
	[tilespmem:$0x1E410] =	vst v3;
	v3 =	vshrl.u32 v2, $0xE;
	v2 =	vand.u32 $0x3FFF, v2  }
0xea: {  	s3 =	sand.u32 $0x3FC00, s3;
	[tilespmem:$0x1E420] =	vst v3  }
0xeb: {  	s0 =	sand.u32 $0x40, s0;
	s3 =	sadd.s32 s5, s3;
	[tilespmem:$0x1E6A0] =	vst v2  }
0xec: {  	s0 =	sor.u32 s0, s3;
	v2 =	vand.u32 $0x3FFF, v4;
	[tilespmem:$0x1E690] =	vst v1;
	v1 =	vshrl.u32 v4, $0xE  }
0xed: {  	s0 =	sor.u32 s7, s0;
	[tilespmem:$0x1E430] =	vst v1  }
0xee: {  	s0 =	sshrl.u32 s0, $0x3;
	[tilespmem:$0x1E680] =	vst v0  }
0xef: {  	s3 =	simm.s32 $0x1E180;
	s0 =	sadd.s32 s6, s0;
	[tilespmem:$0x1E6B0] =	vst v2  }
0xf0: {  	[tilespmem:s3], [sflag:$0x4] =	stream.linear.gather [hbm4b:s0+s2], $0x40, $0x38;
	[tilespmem:$0x1E780] =	vst v63  }
0xf1: {  	s8 =	simm.s32 $0x1A000;
	s0 =	simm.s32 $0x1E400  }
0xf2: {  	[tilespmem:s8], [sflag:$0x9] =	stream.indirect.gather [hbm4b:s4+s31], $0x80, s0, s31, $0xb8;
	[tilespmem:$0x1E780] =	vst v63  }
0xf3: {  	_ =	swait.ge [sflag:s10], $0x2000  }
0xf4: {  	[sflag:s10] =	ssyncset.done $0x0  }
0xf5: {  	[sflag:s10] =	ssyncadd.s32 $0xFFFFE000  }
0xf6: {  	_ =	swait.ge [sflag:s19], $0x40  }
0xf7: {  	[sflag:s19] =	ssyncset.done $0x0  }
0xf8: {  	[sflag:s19] =	ssyncadd.s32 $0xFFFFFFC0  }
0xf9: {  	v0 =	vld [tilespmem:$0x1E200]  }
0xfa: {  	v1 =	vld [tilespmem:$0x1E210]  }
0xfb: {  	v2 =	vld [tilespmem:$0x1E220]  }
0xfc: {  	v3 =	vld [tilespmem:$0x1E230]  }
0xfd: {  	s0 =	smin.u32 s23, $0x91;
	s23 =	smov.u32 s28;
	s28 =	simm.s32 $0x1E000  }
0xfe: {  	s0 =	sadd.s32 $0xE, s0;
	v4 =	vshrl.u32 v0, $0xE;
	v0 =	vand.u32 $0x3FFF, v0  }
0xff: {  	s3 =	sshll.u32 s0, $0x9;
	s0 =	sshll.u32 s0, $0x6;
	[tilespmem:$0x1E480] =	vst v4;
	v4 =	vshrl.u32 v1, $0xE;
	v1 =	vand.u32 $0x3FFF, v1  }
0x100: {  	s3 =	sand.u32 $0x3FC00, s3;
	[tilespmem:$0x1E490] =	vst v4;
	v4 =	vshrl.u32 v2, $0xE;
	v2 =	vand.u32 $0x3FFF, v2  }
0x101: {  	s0 =	sand.u32 $0x40, s0;
	s3 =	sadd.s32 s5, s3;
	[tilespmem:$0x1E700] =	vst v0;
	v0 =	vshrl.u32 v3, $0xE;
	v3 =	vand.u32 $0x3FFF, v3  }
0x102: {  	s0 =	sor.u32 s0, s3;
	[tilespmem:$0x1E4B0] =	vst v0  }
0x103: {  	s0 =	sor.u32 s7, s0;
	[tilespmem:$0x1E4A0] =	vst v4  }
0x104: {  	s0 =	sshrl.u32 s0, $0x3;
	[tilespmem:$0x1E720] =	vst v2  }
0x105: {  	s0 =	sadd.s32 s6, s0;
	[tilespmem:$0x1E710] =	vst v1  }
0x106: {  	s3 =	simm.s32 $0x1E200;
	[tilespmem:$0x1E730] =	vst v3  }
0x107: {  	[tilespmem:s3], [sflag:$0x5] =	stream.linear.gather [hbm4b:s0+s2], $0x40, $0x38;
	[tilespmem:$0x1E780] =	vst v63  }
0x108: {  	s0 =	simm.s32 $0x1E480;
	s3 =	simm.s32 $0x1C000  }
0x109: {  	[tilespmem:s3], [sflag:$0xA] =	stream.indirect.gather [hbm4b:s4+s31], $0x80, s0, s31, $0xb8;
	[tilespmem:$0x1E780] =	vst v63  }
0x10a: {  	_ =	swait.ge [sflag:s9], $0x2000  }
0x10b: {  	[sflag:s9] =	ssyncset.done $0x0  }
0x10c: {  	s15 =	simm.s32 $0x14000;
	s0 =	simm.s32 $0x1E500;
	[sflag:s9] =	ssyncadd.s32 $0xFFFFE000  }
0x10d: {  	[spmem:s1] =	stream.indirect.scatter.add.f32 [tilespmem:s15], [sflag:$0xB], $0x80, s0, s31, $0xb8;
	[tilespmem:$0x1E780] =	vst v63  }
0x10e: {  	_ =	swait.ge [sflag:s22], $0x2000  }
0x10f: {  	[sflag:s22] =	ssyncset.done $0x0  }
0x110: {  	s21 =	simm.s32 $0x16000;
	s0 =	simm.s32 $0x1E580;
	[sflag:s22] =	ssyncadd.s32 $0xFFFFE000  }
0x111: {  	[spmem:s1] =	stream.indirect.scatter.add.f32 [tilespmem:s21], [sflag:$0xC], $0x80, s0, s31, $0xb8;
	[tilespmem:$0x1E780] =	vst v63  }
0x112: {  	_ =	swait.ge [sflag:s24], $0x2000  }
0x113: {  	[sflag:s24] =	ssyncset.done $0x0  }
0x114: {  	s30 =	simm.s32 $0x18000;
	s0 =	simm.s32 $0x1E600;
	[sflag:s24] =	ssyncadd.s32 $0xFFFFE000  }
0x115: {  	[spmem:s1] =	stream.indirect.scatter.add.f32 [tilespmem:s30], [sflag:$0xD], $0x80, s0, s31, $0xb8;
	[tilespmem:$0x1E780] =	vst v63  }
0x116: {  	_ =	swait.ge [sflag:s26], $0x2000  }
0x117: {  	[sflag:s26] =	ssyncset.done $0x0  }
0x118: {  	s0 =	simm.s32 $0x1E680;
	[sflag:s26] =	ssyncadd.s32 $0xFFFFE000  }
0x119: {  	[spmem:s1] =	stream.indirect.scatter.add.f32 [tilespmem:s8], [sflag:$0xE], $0x80, s0, s31, $0xb8;
	[tilespmem:$0x1E780] =	vst v63  }
0x11a: {  	_ =	swait.ge [sflag:s29], $0x2000  }
0x11b: {  	[sflag:s29] =	ssyncset.done $0x0  }
0x11c: {  	s0 =	simm.s32 $0x1E700;
	[sflag:s29] =	ssyncadd.s32 $0xFFFFE000  }
0x11d: {  	[spmem:s1] =	stream.indirect.scatter.add.f32 [tilespmem:s3], [sflag:$0xF], $0x80, s0, s31, $0xb8;
	[tilespmem:$0x1E780] =	vst v63  }
0x11e: {  	_ =	swait.ge [sflag:s11], $0x2000  }
0x11f: {  	[sflag:s11] =	ssyncset.done $0x0  }
0x120: {  	s0 =	simm.s32 $0x1;
	[sflag:s11] =	ssyncadd.s32 $0xFFFFE000  }
0x121: {  	_ =	swait.ge [sflag:s0], $0x40  }
0x122: {  	[sflag:s0] =	ssyncset.done $0x0  }
0x123: {  	[sflag:s0] =	ssyncadd.s32 $0xFFFFFFC0  }
0x124: {  	v0 =	vld [tilespmem:$0x1E030]  }
0x125: {  	v1 =	vld [tilespmem:$0x1E020]  }
0x126: {  	v2 =	vld [tilespmem:$0x1E000];
	_ =	sdelay $0x1  }
0x127: {  	v3 =	vld [tilespmem:$0x1E010]  }
0x128: {  	s0 =	smin.u32 s23, $0x95;
	v4 =	vshrl.u32 v0, $0xE;
	v0 =	vand.u32 $0x3FFF, v0  }
0x129: {  	s0 =	sadd.s32 $0xA, s0;
	v5 =	vshrl.u32 v1, $0xE;
	v1 =	vand.u32 $0x3FFF, v1;
	[tilespmem:$0x1E2B0] =	vst v4  }
0x12a: {  	s3 =	sshll.u32 s0, $0x9;
	s0 =	sshll.u32 s0, $0x6;
	v4 =	vshrl.u32 v2, $0xE;
	v2 =	vand.u32 $0x3FFF, v2;
	[tilespmem:$0x1E530] =	vst v0  }
0x12b: {  	s3 =	sand.u32 $0x3FC00, s3;
	[tilespmem:$0x1E2A0] =	vst v5  }
0x12c: {  	s0 =	sand.u32 $0x40, s0;
	s3 =	sadd.s32 s5, s3;
	[tilespmem:$0x1E280] =	vst v4;
	v0 =	vshrl.u32 v3, $0xE;
	v3 =	vand.u32 $0x3FFF, v3  }
0x12d: {  	s0 =	sor.u32 s0, s3;
	[tilespmem:$0x1E500] =	vst v2  }
0x12e: {  	s0 =	sor.u32 s7, s0;
	[tilespmem:$0x1E510] =	vst v3  }
0x12f: {  	s0 =	sshrl.u32 s0, $0x3;
	[tilespmem:$0x1E520] =	vst v1  }
0x130: {  	s0 =	sadd.s32 s6, s0;
	[tilespmem:$0x1E290] =	vst v0  }
0x131: {  	[tilespmem:s28], [sflag:$0x1] =	stream.linear.gather [hbm4b:s0+s2], $0x40, $0x38;
	[tilespmem:$0x1E780] =	vst v63  }
0x132: {  	s0 =	simm.s32 $0x1E280  }
0x133: {  	[tilespmem:s15], [sflag:$0x6] =	stream.indirect.gather [hbm4b:s4+s31], $0x80, s0, s31, $0xb8;
	[tilespmem:$0x1E780] =	vst v63  }
0x134: {  	s12 =	simm.s32 $0x14000;
	s15 =	simm.s32 $0x1E300  }
0x135: {  	_ =	swait.ge [sflag:s14], $0x2000  }
0x136: {  	[sflag:s14] =	ssyncset.done $0x0  }
0x137: {  	s0 =	simm.s32 $0x2;
	[sflag:s14] =	ssyncadd.s32 $0xFFFFE000  }
0x138: {  	_ =	swait.ge [sflag:s0], $0x40  }
0x139: {  	[sflag:s0] =	ssyncset.done $0x0  }
0x13a: {  	[sflag:s0] =	ssyncadd.s32 $0xFFFFFFC0  }
0x13b: {  	v0 =	vld [tilespmem:$0x1E080]  }
0x13c: {  	v1 =	vld [tilespmem:$0x1E090]  }
0x13d: {  	v2 =	vld [tilespmem:$0x1E0A0];
	_ =	sdelay $0x1  }
0x13e: {  	v3 =	vld [tilespmem:$0x1E0B0]  }
0x13f: {  	s0 =	smin.u32 s23, $0x94;
	v4 =	vshrl.u32 v0, $0xE;
	v0 =	vand.u32 $0x3FFF, v0  }
0x140: {  	s0 =	sadd.s32 $0xB, s0;
	[tilespmem:$0x1E580] =	vst v0;
	v0 =	vshrl.u32 v1, $0xE;
	v1 =	vand.u32 $0x3FFF, v1  }
0x141: {  	s3 =	sshll.u32 s0, $0x9;
	s0 =	sshll.u32 s0, $0x6;
	[tilespmem:$0x1E300] =	vst v4;
	v4 =	vshrl.u32 v2, $0xE;
	v2 =	vand.u32 $0x3FFF, v2  }
0x142: {  	s3 =	sand.u32 $0x3FC00, s3;
	[tilespmem:$0x1E310] =	vst v0  }
0x143: {  	s0 =	sand.u32 $0x40, s0;
	s3 =	sadd.s32 s5, s3;
	[tilespmem:$0x1E320] =	vst v4;
	v0 =	vshrl.u32 v3, $0xE;
	v3 =	vand.u32 $0x3FFF, v3  }
0x144: {  	s0 =	sor.u32 s0, s3;
	[tilespmem:$0x1E590] =	vst v1  }
0x145: {  	s0 =	sor.u32 s7, s0;
	[tilespmem:$0x1E5B0] =	vst v3  }
0x146: {  	s0 =	sshrl.u32 s0, $0x3;
	[tilespmem:$0x1E5A0] =	vst v2  }
0x147: {  	s3 =	simm.s32 $0x1E080;
	s0 =	sadd.s32 s6, s0;
	[tilespmem:$0x1E330] =	vst v0  }
0x148: {  	[tilespmem:s3], [sflag:$0x2] =	stream.linear.gather [hbm4b:s0+s2], $0x40, $0x38;
	[tilespmem:$0x1E780] =	vst v63  }
0x149: {  	_ = 	snop  }
0x14a: {  	[tilespmem:s21], [sflag:$0x7] =	stream.indirect.gather [hbm4b:s4+s31], $0x80, s15, s31, $0xb8;
	[tilespmem:$0x1E780] =	vst v63  }
0x14b: {  	s18 =	simm.s32 $0x16000;
	s21 =	simm.s32 $0x1E380  }
0x14c: {  	_ =	swait.ge [sflag:s17], $0x2000  }
0x14d: {  	[sflag:s17] =	ssyncset.done $0x0  }
0x14e: {  	[sflag:s17] =	ssyncadd.s32 $0xFFFFE000  }
0x14f: {  	_ =	swait.ge [sflag:s13], $0x40  }
0x150: {  	[sflag:s13] =	ssyncset.done $0x0  }
0x151: {  	[sflag:s13] =	ssyncadd.s32 $0xFFFFFFC0  }
0x152: {  	v0 =	vld [tilespmem:$0x1E100]  }
0x153: {  	v1 =	vld [tilespmem:$0x1E110]  }
0x154: {  	v2 =	vld [tilespmem:$0x1E120]  }
0x155: {  	v3 =	vld [tilespmem:$0x1E130];
	_ =	sdelay $0x1  }
0x156: {  	s0 =	smin.u32 s23, $0x93;
	v4 =	vshrl.u32 v0, $0xE;
	v0 =	vand.u32 $0x3FFF, v0  }
0x157: {  	s0 =	sadd.s32 $0xC, s0;
	[tilespmem:$0x1E600] =	vst v0;
	v0 =	vshrl.u32 v1, $0xE;
	v1 =	vand.u32 $0x3FFF, v1  }
0x158: {  	s3 =	sshll.u32 s0, $0x9;
	s0 =	sshll.u32 s0, $0x6;
	[tilespmem:$0x1E380] =	vst v4;
	v4 =	vshrl.u32 v2, $0xE;
	v2 =	vand.u32 $0x3FFF, v2  }
0x159: {  	s3 =	sand.u32 $0x3FC00, s3;
	[tilespmem:$0x1E610] =	vst v1;
	v1 =	vshrl.u32 v3, $0xE;
	v3 =	vand.u32 $0x3FFF, v3  }
0x15a: {  	s0 =	sand.u32 $0x40, s0;
	s3 =	sadd.s32 s5, s3;
	[tilespmem:$0x1E390] =	vst v0  }
0x15b: {  	s0 =	sor.u32 s0, s3;
	[tilespmem:$0x1E3A0] =	vst v4  }
0x15c: {  	s0 =	sor.u32 s7, s0;
	[tilespmem:$0x1E630] =	vst v3  }
0x15d: {  	s0 =	sshrl.u32 s0, $0x3;
	[tilespmem:$0x1E3B0] =	vst v1  }
0x15e: {  	s3 =	simm.s32 $0x1E100;
	s0 =	sadd.s32 s6, s0;
	[tilespmem:$0x1E620] =	vst v2  }
0x15f: {  	[tilespmem:s3], [sflag:$0x3] =	stream.linear.gather [hbm4b:s0+s2], $0x40, $0x38;
	[tilespmem:$0x1E780] =	vst v63  }
0x160: {  	s8 =	simm.s32 $0x18000  }
0x161: {  	[tilespmem:s30], [sflag:$0x8] =	stream.indirect.gather [hbm4b:s4+s31], $0x80, s21, s31, $0xb8;
	[tilespmem:$0x1E780] =	vst v63  }
0x162: {  	_ =	swait.ge [sflag:s20], $0x2000  }
0x163: {  	[sflag:s20] =	ssyncset.done $0x0  }
0x164: {  	[sflag:s20] =	ssyncadd.s32 $0xFFFFE000  }
0x165: {  	_ =	swait.ge [sflag:s16], $0x40  }
.Ltmp0:
0x166: {  	[sflag:s16] =	ssyncset.done $0x0;
	(pc) =	sbr.rel @p0 .LBB2_2-.Ltmp0, $4  }
0x167: {  	[sflag:s16] =	ssyncadd.s32 $0xFFFFFFC0  }
0x168: {  	v0 =	vld [tilespmem:$0x1E180]  }
0x169: {  	v1 =	vld [tilespmem:$0x1E190]  }
0x16a: {  	v2 =	vld [tilespmem:$0x1E1A0]  }
0x16b: {  	_ =	sdelay $0x1  }
0x16c: {  	s0 =	smin.u32 s23, $0x92;
	v3 =	vshrl.u32 v0, $0xE  }
0x16d: {  	v4 =	vld [tilespmem:$0x1E1B0];
	s0 =	sadd.s32 $0xD, s0;
	v52 =	vand.u32 $0x3FFF, v0;
	[tilespmem:$0x1E400] =	vst v3  }
0x16e: {  	s3 =	sshll.u32 s0, $0x9;
	v47 =	vshrl.u32 v1, $0xE;
	[tilespmem:$0x1E680] =	vst v52  }
0x16f: {  	s0 =	sshll.u32 s0, $0x6;
	s3 =	sand.u32 $0x3FC00, s3;
	v50 =	vand.u32 $0x3FFF, v1;
	[tilespmem:$0x1E410] =	vst v47  }
0x170: {  	s0 =	sand.u32 $0x40, s0;
	v48 =	vshrl.u32 v2, $0xE;
	s3 =	sadd.s32 s5, s3;
	[tilespmem:$0x1E690] =	vst v50  }
0x171: {  	v49 =	vand.u32 $0x3FFF, v2;
	[tilespmem:$0x1E420] =	vst v48;
	s0 =	sor.u32 s0, s3  }
0x172: {  	[tilespmem:$0x1E6A0] =	vst v49;
	v51 =	vshrl.u32 v4, $0xE;
	s0 =	sor.u32 s7, s0  }
0x173: {  	v53 =	vand.u32 $0x3FFF, v4;
	[tilespmem:$0x1E430] =	vst v51;
	s0 =	sshrl.u32 s0, $0x3  }
0x174: {  	s25 =	simm.s32 $0x1E180;
	[tilespmem:$0x1E6B0] =	vst v53;
	s0 =	sadd.s32 s6, s0  }
0x175: {  	[tilespmem:s25], [sflag:$0x4] =	stream.linear.gather [hbm4b:s0+s2], $0x40, $0x38;
	[tilespmem:$0x1E780] =	vst v63  }
0x176: {  	s30 =	simm.s32 $0x1E400;
	s25 =	simm.s32 $0x1A000  }
0x177: {  	[tilespmem:s25], [sflag:$0x9] =	stream.indirect.gather [hbm4b:s4+s31], $0x80, s30, s31, $0xb8;
	[tilespmem:$0x1E780] =	vst v63  }
0x178: {  	_ =	swait.ge [sflag:s10], $0x2000  }
0x179: {  	[sflag:s10] =	ssyncset.done $0x0  }
0x17a: {  	[sflag:s10] =	ssyncadd.s32 $0xFFFFE000  }
0x17b: {  	_ =	swait.ge [sflag:s19], $0x40  }
0x17c: {  	[sflag:s19] =	ssyncset.done $0x0  }
0x17d: {  	[sflag:s19] =	ssyncadd.s32 $0xFFFFFFC0  }
0x17e: {  	v54 =	vld [tilespmem:$0x1E200]  }
0x17f: {  	v55 =	vld [tilespmem:$0x1E210];
	_ =	sdelay $0x1  }
0x180: {  	v56 =	vld [tilespmem:$0x1E230]  }
0x181: {  	v57 =	vld [tilespmem:$0x1E220]  }
0x182: {  	s3 =	smin.u32 s23, $0x91;
	v58 =	vshrl.u32 v54, $0xE  }
0x183: {  	s0 =	sadd.s32 $0xE, s3;
	v59 =	vshrl.u32 v55, $0xE;
	[tilespmem:$0x1E480] =	vst v58  }
0x184: {  	s23 =	sshll.u32 s0, $0x9;
	v0 =	vand.u32 $0x3FFF, v54;
	[tilespmem:$0x1E490] =	vst v59  }
0x185: {  	s0 =	sshll.u32 s0, $0x6;
	s3 =	sand.u32 $0x3FC00, s23;
	v60 =	vshrl.u32 v56, $0xE;
	[tilespmem:$0x1E700] =	vst v0  }
0x186: {  	s0 =	sand.u32 $0x40, s0;
	s3 =	sadd.s32 s5, s3;
	v61 =	vshrl.u32 v57, $0xE;
	[tilespmem:$0x1E4B0] =	vst v60  }
0x187: {  	s0 =	sor.u32 s0, s3;
	v62 =	vand.u32 $0x3FFF, v57;
	[tilespmem:$0x1E4A0] =	vst v61  }
0x188: {  	s0 =	sor.u32 s7, s0;
	v1 =	vand.u32 $0x3FFF, v55;
	[tilespmem:$0x1E720] =	vst v62  }
0x189: {  	s0 =	sshrl.u32 s0, $0x3;
	v63 =	vand.u32 $0x3FFF, v56;
	[tilespmem:$0x1E710] =	vst v1  }
0x18a: {  	s30 =	simm.s32 $0x1E200;
	s0 =	sadd.s32 s6, s0;
	[tilespmem:$0x1E730] =	vst v63  }
0x18b: {  	[tilespmem:s30], [sflag:$0x5] =	stream.linear.gather [hbm4b:s0+s2], $0x40, $0x38;
	[tilespmem:$0x1E780] =	vst v63  }
0x18c: {  	s23 =	simm.s32 $0x1E480;
	s3 =	simm.s32 $0x1C000  }
0x18d: {  	[tilespmem:s3], [sflag:$0xA] =	stream.indirect.gather [hbm4b:s4+s31], $0x80, s23, s31, $0xb8;
	[tilespmem:$0x1E780] =	vst v63  }
0x18e: {  	_ =	swait.ge [sflag:s9], $0x2000  }
0x18f: {  	[sflag:s9] =	ssyncset.done $0x0  }
0x190: {  	s30 =	simm.s32 $0x1E500;
	[sflag:s9] =	ssyncadd.s32 $0xFFFFE000  }
0x191: {  	[spmem:s1] =	stream.indirect.scatter.add.f32 [tilespmem:s12], [sflag:$0xB], $0x80, s30, s31, $0xb8;
	[tilespmem:$0x1E780] =	vst v63  }
0x192: {  	_ =	swait.ge [sflag:s22], $0x2000  }
0x193: {  	[sflag:s22] =	ssyncset.done $0x0  }
0x194: {  	s12 =	simm.s32 $0x1E580;
	[sflag:s22] =	ssyncadd.s32 $0xFFFFE000  }
0x195: {  	[spmem:s1] =	stream.indirect.scatter.add.f32 [tilespmem:s18], [sflag:$0xC], $0x80, s12, s31, $0xb8;
	[tilespmem:$0x1E780] =	vst v63  }
0x196: {  	_ =	swait.ge [sflag:s24], $0x2000  }
0x197: {  	[sflag:s24] =	ssyncset.done $0x0  }
0x198: {  	s18 =	simm.s32 $0x1E600;
	[sflag:s24] =	ssyncadd.s32 $0xFFFFE000  }
0x199: {  	[spmem:s1] =	stream.indirect.scatter.add.f32 [tilespmem:s8], [sflag:$0xD], $0x80, s18, s31, $0xb8;
	[tilespmem:$0x1E780] =	vst v63  }
0x19a: {  	_ =	swait.ge [sflag:s26], $0x2000  }
0x19b: {  	[sflag:s26] =	ssyncset.done $0x0  }
0x19c: {  	s23 =	simm.s32 $0x1E680;
	[sflag:s26] =	ssyncadd.s32 $0xFFFFE000  }
0x19d: {  	[spmem:s1] =	stream.indirect.scatter.add.f32 [tilespmem:s25], [sflag:$0xE], $0x80, s23, s31, $0xb8;
	[tilespmem:$0x1E780] =	vst v63  }
0x19e: {  	_ =	swait.ge [sflag:s29], $0x2000  }
0x19f: {  	[sflag:s29] =	ssyncset.done $0x0  }
0x1a0: {  	s30 =	simm.s32 $0x1E700;
	[sflag:s29] =	ssyncadd.s32 $0xFFFFE000  }
0x1a1: {  	[spmem:s1] =	stream.indirect.scatter.add.f32 [tilespmem:s3], [sflag:$0xF], $0x80, s30, s31, $0xb8;
	[tilespmem:$0x1E780] =	vst v63  }
0x1a2: {  	_ =	swait.ge [sflag:s11], $0x2000  }
0x1a3: {  	[sflag:s11] =	ssyncset.done $0x0  }
0x1a4: {  	s3 =	simm.s32 $0x1;
	[sflag:s11] =	ssyncadd.s32 $0xFFFFE000  }
0x1a5: {  	_ =	swait.ge [sflag:s3], $0x40  }
0x1a6: {  	[sflag:s3] =	ssyncset.done $0x0  }
0x1a7: {  	[sflag:s3] =	ssyncadd.s32 $0xFFFFFFC0  }
0x1a8: {  	_ =	swait.ge [sflag:s14], $0x2000  }
0x1a9: {  	[sflag:s14] =	ssyncset.done $0x0  }
0x1aa: {  	s8 =	simm.s32 $0x2;
	[sflag:s14] =	ssyncadd.s32 $0xFFFFE000  }
0x1ab: {  	_ =	swait.ge [sflag:s8], $0x40  }
0x1ac: {  	[sflag:s8] =	ssyncset.done $0x0  }
0x1ad: {  	[sflag:s8] =	ssyncadd.s32 $0xFFFFFFC0  }
0x1ae: {  	_ =	swait.ge [sflag:s17], $0x2000  }
0x1af: {  	[sflag:s17] =	ssyncset.done $0x0  }
0x1b0: {  	[sflag:s17] =	ssyncadd.s32 $0xFFFFE000  }
0x1b1: {  	_ =	swait.ge [sflag:s13], $0x40  }
0x1b2: {  	[sflag:s13] =	ssyncset.done $0x0  }
0x1b3: {  	[sflag:s13] =	ssyncadd.s32 $0xFFFFFFC0  }
0x1b4: {  	_ =	swait.ge [sflag:s20], $0x2000  }
0x1b5: {  	[sflag:s20] =	ssyncset.done $0x0  }
0x1b6: {  	[sflag:s20] =	ssyncadd.s32 $0xFFFFE000  }
0x1b7: {  	_ =	swait.ge [sflag:s16], $0x40  }
0x1b8: {  	[sflag:s16] =	ssyncset.done $0x0  }
0x1b9: {  	[sflag:s16] =	ssyncadd.s32 $0xFFFFFFC0  }
0x1ba: {  	_ =	swait.ge [sflag:s10], $0x2000  }
0x1bb: {  	[sflag:s10] =	ssyncset.done $0x0  }
0x1bc: {  	[sflag:s10] =	ssyncadd.s32 $0xFFFFE000  }
0x1bd: {  	_ =	swait.ge [sflag:s19], $0x40  }
0x1be: {  	[sflag:s19] =	ssyncset.done $0x0  }
0x1bf: {  	[sflag:s19] =	ssyncadd.s32 $0xFFFFFFC0  }
0x1c0: {  	[bflag:$0x0] =	sbarrier.arrive $0xFFFF  }
0x1c1: {  	s23 =	rddreg [dreg:$0x5]  }
0x1c2: {  	s12 =	rddreg [dreg:$0x10]  }
0x1c3: {  	s25 =	simm.s32 $0x10;
	s3 =	rddreg [dreg:$0x11]  }
0x1c4: {  	[hbm:s12], [sflag:s23] =	dma.local [spmem:s3], $0x2800  }
0x1c5: {  	_ =	swait.ge [sflag:s25], $0x2800  }
0x1c6: {  	s18 =	rddreg [dreg:$0x12]  }
0x1c7: {  	s30 =	rddreg [dreg:$0xf];
	s8 =	sadd.s32 $0x1, s18  }
0x1c8: {  	p0 =	sne.s32 s8, s30  }
.Ltmp1:
0x1c9: {  	_ = 	snop;
	(pc) =	sbr.rel @p0 .LBB2_1-.Ltmp1, $3  }
0x1ca: {  	_ =	sdelay $0x1  }
0x1cb: {  	[sflag:s25] =	ssyncset.done $0x0  }
0x1cc: {  	[sflag:s25] =	ssyncadd.s32 $0xFFFFD800  }
0x1cd: {  	_ =	sfence.sel $0x180000  }
0x1ce: {  	[bflag:$0x0] =	sbarrier.arrive $0xFFFF  }
0x1cf: {  	_ =	strace $0x9000004D  }
0x1d0: {  	s0 =	stileid.u32;
	[bflag:$0x2] =	sbarrier.arrive $0xFFFF  }
0x1d1: {  	p0 =	sne.s32 s0, $0x0;
	s0 =	rddreg [dreg:$0x2]  }
0x1d2: {  	s0 =	sadd.s32 @!p0 $0x100000, s0  }
0x1d3: {  	[sflag:s0] =	ssyncadd.tile.s32 @!p0 $0x1;
	_ =	shalt  }
.Lfunc_end2:
_tile_overlayer_lowered:
.L_overlay_start_2:
0x1d4: {  	(tag) =	ssettag $0x2  }
0x1d5: {  	s0 =	rddreg [dreg:$0x0];
	s2 =	stileid.u32  }
0x1d6: {  	s1 =	rddreg [dreg:$0x1];
	p0 =	sne.s32 s2, $0x0  }
0x1d7: {  	s3 =	rddreg [dreg:$0x2];
	[bflag:$0x3] =	sbarrier.arrive $0xFFFF;
	s2 =	simm.s32 @!p0 $0x1C10  }
0x1d8: {  	[timem:s3], [sflag:s2] =	dma.local @!p0 [hbm:s0], s1  }
0x1d9: {  	s0 =	simm.s32 @!p0 $0x10  }
0x1da: {  	_ =	swait.ge @!p0 [sflag:s0], s1  }
0x1db: {  	s1 =	ssub.s32 @!p0 $0x0, s1;
	[sflag:s0] =	ssyncset.done @!p0 $0x0  }
0x1dc: {  	[sflag:s0] =	ssyncadd.s32 @!p0 s1  }
0x1dd: {  	[bflag:$0x3] =	sbarrier.arrive $0xFFFF  }
0x1de: {  	_ =	shalt  }

// kernel: kernel.19.cloned.1.call-start
scs
__scs_entry_jumppad:
0x0: {  	(pc) =	sbr.rel $0x88, $3  }
0x1: {  	(tag) =	ssettag $0x0;
	lr =	simm.s32 $0x1  }
0x2: {  	[smem:$0x3F9F] =	sst lr;
	_ =	strace $0xD0000000  }
0x3: {  	_ = 	snop  }
0x4: {  	_ = 	snop  }
0x5: {  	_ = 	snop  }
0x6: {  	_ = 	snop  }
0x7: {  	_ = 	snop  }
__scs_overlays_trampoline_lowered:
0x8: {  	[smem:$0x3FAE] =	sst s0  }
0x9: {  	[smem:$0x3FAF] =	sst s1  }
0xa: {  	[smem:$0x3FB0] =	sst s2  }
0xb: {  	[smem:$0x3FB1] =	sst s3  }
0xc: {  	[smem:$0x3FB2] =	sst s4  }
0xd: {  	[smem:$0x3FB3] =	sst s5  }
0xe: {  	[smem:$0x3FB4] =	sst s6  }
0xf: {  	[smem:$0x3FB5] =	sst s7  }
0x10: {  	[smem:$0x3FB6] =	sst s8  }
0x11: {  	[smem:$0x3FB7] =	sst s9;
	s0 =	simm.s32 @!p0 $0x0  }
0x12: {  	s1 =	sld [smem:$0x3F9D];
	s0 =	simm.s32 @p0 $0x1  }
0x13: {  	[smem:$0x3FB8] =	sst s0;
	s0 =	simm.s32 @!p1 $0x0  }
0x14: {  	s2 =	sld [smem:$0x3F9C];
	s0 =	simm.s32 @p1 $0x1  }
0x15: {  	[smem:$0x3FB9] =	sst s0;
	s0 =	simm.s32 @!p2 $0x0  }
0x16: {  	s3 =	sld [smem:$0x3FDB];
	s0 =	simm.s32 @p2 $0x1  }
0x17: {  	s4 =	simm.s32 $0x1BF5;
	[smem:$0x3FBB] =	sst s0  }
0x18: {  	s0 =	sld [smem:$0x3F9E];
	_ =	swait.ge [sflag:s4], $0x0  }
0x19: {  	s7 =	sld [smem:$0x3F9F]  }
0x1a: {  	s8 =	sadd.s32 $0xFFFFE003, lr  }
0x1b: {  	s9 =	sadd.s32 $0xFFFFFEF7, lr;
	s5 =	simm.s32 $0xFFFFFFFF;
	p2 =	slt.u32 s8, $0xFFFFF086  }
0x1c: {  	p1 =	slt.u32 s9, $0xF7A;
	s5 =	simm.s32 @!p2 $0x0  }
0x1d: {  	s5 =	simm.s32 @p1 $0x1;
	p0 =	seq.s32 s7, s2  }
0x1e: {  	s7 =	smul.u32 @!p0 $0xF7A, s2;
	p2 =	seq.s32 @!p0 s5, $0x0  }
0x1f: {  	s9 =	smul.u32 $0xF7A, s1;
	s8 =	simm.s32 @!p0 $0x1BF5;
	p2 =	por !p2, p0  }
0x20: {  	[sflag:s8] =	ssyncset.s32 @!p0 $0xFFFFF086;
	s6 =	sadd.s32 @!p0 s3, s7;
	s7 =	simm.s32 @!p0 $0x108  }
0x21: {  	s3 =	sadd.s32 s3, s9;
	s6 =	sadd.s32 @!p0 $0x88, s6;
	s7 =	simm.s32 @p2 $0x1082  }
0x22: {  	[simem:s7], [sflag:s8] =	dma.local @!p0 [hbm:s6], $0xF7A  }
0x23: {  	s9 =	sor.u32 $0xD0000000, s2;
	s6 =	simm.s32 $0x108;
	_ =	swait.ge @!p0 [sflag:s8], $0x0  }
0x24: {  	s3 =	sadd.s32 $0x88, s3;
	s6 =	simm.s32 @!p1 $0x1082;
	[sflag:s4] =	ssyncset.s32 $0xFFFFF086  }
0x25: {  	[simem:s6], [sflag:s4] =	dma.local [hbm:s3], $0xF7A  }
0x26: {  	[smem:$0x3F9F] =	sst s1;
	(tag) =	ssettag s2;
	_ =	strace s9  }
0x27: {  	s1 =	sld [smem:$0x3FAF]  }
0x28: {  	s2 =	sld [smem:$0x3FB0]  }
0x29: {  	s4 =	sld [smem:$0x3FB2]  }
0x2a: {  	p0 =	seq.s32 s5, $0x0;
	s5 =	sld [smem:$0x3FB3]  }
0x2b: {  	s6 =	sld [smem:$0x3FB4]  }
0x2c: {  	s7 =	sld [smem:$0x3FB5]  }
0x2d: {  	s3 =	simm.s32 $0x108;
	s8 =	sld [smem:$0x3FB6]  }
0x2e: {  	s3 =	simm.s32 @!p0 $0x1082;
	s9 =	sld [smem:$0x3FB7]  }
0x2f: {  	lr =	sadd.s32 s0, s3;
	s0 =	sld [smem:$0x3FAE]  }
0x30: {  	s3 =	sld [smem:$0x3FB1]  }
0x31: {  	[smem:$0x3FBA] =	sst s10  }
0x32: {  	s10 =	sld [smem:$0x3FB8];
	_ =	sdelay $0x3  }
0x33: {  	p0 =	seq.s32 s10, $0x1;
	s10 =	sld [smem:$0x3FBA];
	_ =	sdelay $0x3  }
0x34: {  	[smem:$0x3FBA] =	sst s10  }
0x35: {  	s10 =	sld [smem:$0x3FB9];
	_ =	sdelay $0x3  }
0x36: {  	p1 =	seq.s32 s10, $0x1;
	s10 =	sld [smem:$0x3FBA];
	_ =	sdelay $0x3  }
0x37: {  	[smem:$0x3FBA] =	sst s10  }
0x38: {  	s10 =	sld [smem:$0x3FBB]  }
0x39: {  	_ = 	snop;
	(pc) =	sbr.ind lr, $3  }
0x3a: {  	_ = 	snop  }
0x3b: {  	_ = 	snop  }
0x3c: {  	p2 =	seq.s32 s10, $0x1;
	s10 =	sld [smem:$0x3FBA]  }
0x3d: {  	_ =	shalt  }
0x3e: {  	_ =	shalt  }
0x3f: {  	_ =	shalt  }
0x40: {  	_ =	shalt  }
0x41: {  	_ =	shalt  }
0x42: {  	_ =	shalt  }
0x43: {  	_ =	shalt  }
0x44: {  	_ =	shalt  }
0x45: {  	_ =	shalt  }
0x46: {  	_ =	shalt  }
0x47: {  	_ =	shalt  }
0x48: {  	_ =	shalt  }
0x49: {  	_ =	shalt  }
0x4a: {  	_ =	shalt  }
0x4b: {  	_ =	shalt  }
0x4c: {  	_ =	shalt  }
0x4d: {  	_ =	shalt  }
0x4e: {  	_ =	shalt  }
0x4f: {  	_ =	shalt  }
0x50: {  	_ =	shalt  }
0x51: {  	_ =	shalt  }
0x52: {  	_ =	shalt  }
0x53: {  	_ =	shalt  }
0x54: {  	_ =	shalt  }
0x55: {  	_ =	shalt  }
0x56: {  	_ =	shalt  }
0x57: {  	_ =	shalt  }
0x58: {  	_ =	shalt  }
0x59: {  	_ =	shalt  }
0x5a: {  	_ =	shalt  }
0x5b: {  	_ =	shalt  }
0x5c: {  	_ =	shalt  }
0x5d: {  	_ =	shalt  }
0x5e: {  	_ =	shalt  }
0x5f: {  	_ =	shalt  }
0x60: {  	_ =	shalt  }
0x61: {  	_ =	shalt  }
0x62: {  	_ =	shalt  }
0x63: {  	_ =	shalt  }
0x64: {  	_ =	shalt  }
0x65: {  	_ =	shalt  }
0x66: {  	_ =	shalt  }
0x67: {  	_ =	shalt  }
0x68: {  	_ =	shalt  }
0x69: {  	_ =	shalt  }
0x6a: {  	_ =	shalt  }
0x6b: {  	_ =	shalt  }
0x6c: {  	_ =	shalt  }
0x6d: {  	_ =	shalt  }
0x6e: {  	_ =	shalt  }
0x6f: {  	_ =	shalt  }
0x70: {  	_ =	shalt  }
0x71: {  	_ =	shalt  }
0x72: {  	_ =	shalt  }
0x73: {  	_ =	shalt  }
0x74: {  	_ =	shalt  }
0x75: {  	_ =	shalt  }
0x76: {  	_ =	shalt  }
0x77: {  	_ =	shalt  }
0x78: {  	_ =	shalt  }
0x79: {  	_ =	shalt  }
0x7a: {  	_ =	shalt  }
0x7b: {  	_ =	shalt  }
0x7c: {  	_ =	shalt  }
0x7d: {  	_ =	shalt  }
0x7e: {  	_ =	shalt  }
0x7f: {  	_ =	shalt  }
0x80: {  	_ =	shalt  }
0x81: {  	_ =	shalt  }
0x82: {  	_ =	shalt  }
0x83: {  	_ =	shalt  }
0x84: {  	_ =	shalt  }
0x85: {  	_ =	shalt  }
0x86: {  	_ =	shalt  }
0x87: {  	_ =	shalt  }
.Lfunc_end0:
.L_simem_size_0:
called_computation.3_lowered:
.L_overlay_start_0:
0x88: {  	s2 =	sld [smem:$0x3FD9]  }
0x89: {  	s3 =	sld [smem:$0x3FFE];
	_ =	sdelay $0x1  }
0x8a: {  	s1 =	srdreg.scid  }
0x8b: {  	s0 =	sand.u32 $0x1, s1  }
0x8c: {  	s16 =	sshll.u32 s0, $0xA;
	s2 =	sadd.s32 s3, s2  }
0x8d: {  	s2 =	sadd.s32 s2, s16  }
0x8e: {  	[smem:$0x3FC6] =	sst s2  }
0x8f: {  	_ = 	snop  }
0x90: {  	(tm) =	ssettm $0x1  }
0x91: {  	s17 =	sld [smem:$0x3FFB];
	_ =	sdelay $0x3  }
0x92: {  	_ =	strace s17  }
0x93: {  	s2 =	sld [smem:$0x3FFC];
	_ =	sdelay $0x3  }
0x94: {  	_ =	strace s2  }
0x95: {  	s2 =	sld [smem:$0x3FFD];
	_ =	sdelay $0x3  }
0x96: {  	_ =	strace s2  }
0x97: {  	_ =	strace $0x8FFFFFFF  }
0x98: {  	s18 =	sld [smem:$0x3FDB];
	_ =	sdelay $0x1  }
0x99: {  	s19 =	simm.s32 $_scs_section_size  }
0x9a: {  	s4 =	simm.s32 $_size__tile_overlayer_lowered;
	s5 =	simm.s32 $_tile_overlayer_lowered  }
0x9b: {  	s22 =	simm.s32 $0x1BFF;
	s21 =	sshll.u32 s5, $0x1;
	s2 =	sadd.s32 s19, s18  }
0x9c: {  	s6 =	simm.s32 $0x0;
	s20 =	sshll.u32 s4, $0x1;
	s4 =	sadd.s32 s21, s2  }
0x9d: {  	[timem:s6], [sflag:s22] =	dma.local [hbm:s4], s20  }
0x9e: {  	_ =	swait.ge [sflag:s22], s20  }
0x9f: {  	s3 =	ssub.s32 $0x0, s20;
	[sflag:s22] =	ssyncset.done $0x0  }
0xa0: {  	[sflag:s22] =	ssyncadd.s32 s3;
	_ =	sdelay $0x1  }
0xa1: {  	s23 =	simm.s32 $0x1B8B  }
0xa2: {  	_ =	swait.ge [sflag:s23], $0x1  }
0xa3: {  	[sflag:s23] =	ssyncset.done $0x0  }
0xa4: {  	s25 =	simm.s32 $0x1B8E;
	s24 =	sld [smem:$0x3FFE];
	[sflag:s23] =	ssyncadd.s32 $0xFFFFFFFF  }
0xa5: {  	s26 =	simm.s32 $execute0_lowered;
	[smem:$0x3FD2] =	sst s25  }
0xa6: {  	s4 =	sshll.u32 s26, $0x1;
	_ =	strace $0x8000004F;
	[dreg:$0x1] =	wrdreg $0xFFFFFFFF  }
0xa7: {  	s28 =	simm.s32 $_size_execute0_lowered;
	s2 =	sadd.s32 s2, s4;
	[dreg:$0x0] =	wrdreg $0x0  }
0xa8: {  	s4 =	sshll.u32 s28, $0x1;
	[dreg:$0x2] =	wrdreg s2  }
0xa9: {  	[dreg:$0x3] =	wrdreg s4  }
0xaa: {  	[dreg:$0x4] =	wrdreg $0xC0  }
0xab: {  	_ =	task [dreg:s6], $0x5FFFF  }
0xac: {  	[dreg:$0x1] =	wrdreg $0xFFFFFFFF  }
0xad: {  	[dreg:$0x0] =	wrdreg $0x60  }
0xae: {  	[dreg:$0x2] =	wrdreg s24  }
0xaf: {  	[dreg:$0x3] =	wrdreg $0x0  }
0xb0: {  	[dreg:$0x4] =	wrdreg $0x9  }
0xb1: {  	_ =	task.clear_ibuf [dreg:s6], $0x5FFFF;
	_ =	strace $0x9000004F  }
0xb2: {  	s29 =	simm.s32 $0x9;
	_ =	strace $0x80000051  }
0xb3: {  	_ =	swait.ge [sflag:s29], $0x1  }
0xb4: {  	[sflag:s29] =	ssyncadd.s32 $0xFFFFFFFF  }
0xb5: {  	_ =	strace $0x90000051  }
0xb6: {  	_ =	sfence  }
0xb7: {  	s30 =	sld [smem:$0x0];
	_ =	sdelay $0x2  }
0xb8: {  	s31 =	sshll.u32 s1, $0xD;
	s1 =	sshrl.u32 s1, $0x2  }
0xb9: {  	s3 =	sand.u32 $0x4000, s31;
	s1 =	sadd.s32 s1, s30  }
0xba: {  	s0 =	sor.u32 s3, s0;
	s1 =	sshll.u32 s1, $0x11  }
0xbb: {  	s0 =	sor.u32 s1, s0  }
0xbc: {  	s0 =	sadd.s32 $0x8F2B, s0  }
0xbd: {  	[sflag:s0] =	ssyncadd.remote.s32 $0x1  }
0xbe: {  	_ =	sfence.sel $0xFFFF  }
0xbf: {  	[dreg:$0x0] =	wrdreg $0xFFFFFFFF;
	(pc) =	sbr.abs _section_cstart, $3  }
0xc0: {  	[dreg:$0x1] =	wrdreg $0xFFFFFFFF  }
0xc1: {  	_ =	task.clear_ibuf [dreg:s6], $0x2FFFF;
	_ =	strace $0x9FFFFFFF  }
0xc2: {  	(tm) =	ssettm $0x7FFFFFFF  }
0xc3: {  	_ =	shalt  }
tec
execute0_lowered:
.L_overlay_start_1:
0x0: {  	(tag) =	ssettag $0x1  }
0x1: {  	s0 =	rddreg [dreg:$0x0]  }
0x2: {  	s1 =	rddreg [dreg:$0x1];
	s2 =	simm.s32 $0x0;
	s3 =	srdreg.scid  }
0x3: {  	s12 =	stileid.u32;
	s28 =	simm.s32 $0x1E000;
	[smem:$0x7FF] =	sst s2  }
0x4: {  	s4 =	sadd.s32 $0x21400, s0;
	s3 =	sand.u32 $0x1, s3;
	s10 =	smul.u32 $0x50000, s12  }
0x5: {  	s5 =	sshrl.u32 s12, $0x2;
	s6 =	sshll.u32 s12, $0x8;
	s22 =	smul.u32 $0x2800, s12  }
0x6: {  	s13 =	sadd.s32 $0x3600, s0;
	_ =	strace $0x80000050;
	s5 =	smul.u32 $0x14000, s5  }
0x7: {  	s7 =	sshll.u32 s3, $0x7;
	s8 =	sand.u32 $0x300, s6;
	s6 =	sadd.s32 $0x17400, s0  }
0x8: {  	s9 =	ssub.s32 $0x2, s3;
	[dreg:$0x3] =	wrdreg s13;
	s13 =	sshll.u32 s12, $0x6  }
0x9: {  	p0 =	seq.s32 s3, $0x1;
	s3 =	simm.s32 $0x71400;
	s7 =	sor.u32 s7, s8  }
0xa: {  	s30 =	sshrl.u32 s9, $0x1;
	s10 =	sshrl.u32 s10, $0x2;
	s23 =	sor.u32 $0x1C10, s13  }
0xb: {  	s3 =	simm.s32 @!p0 $0x49400;
	s11 =	sor.u32 s5, s7;
	s8 =	ssub.s32 s9, s30  }
0xc: {  	s0 =	sadd.s32 s3, s0;
	[dreg:$0x5] =	wrdreg s23;
	s30 =	smax.u32 s8, $0x1  }
0xd: {  	s15 =	sadd.s32 s10, s1;
	s0 =	sadd.s32 s0, s22;
	[dreg:$0xf] =	wrdreg s30  }
0xe: {  	s11 =	sshrl.u32 s11, $0x3;
	s3 =	sshrl.u32 s15, $0x3;
	[dreg:$0x10] =	wrdreg s0  }
0xf: {  	s31 =	simm.s32 $0x40;
	s14 =	sadd.s32 s6, s11;
	[dreg:$0x11] =	wrdreg s3  }
0x10: {  	s29 =	simm.s32 $0xA;
	s16 =	sadd.s32 $0x8, s14;
	[dreg:$0x4] =	wrdreg s14  }
0x11: {  	s13 =	simm.s32 $0x3;
	s17 =	sadd.s32 $0x80, s14;
	[dreg:$0x6] =	wrdreg s16  }
0x12: {  	s9 =	simm.s32 $0x6;
	s18 =	sadd.s32 $0x88, s14;
	[dreg:$0x7] =	wrdreg s17  }
0x13: {  	s10 =	simm.s32 $0xF;
	s19 =	sadd.s32 $0x100, s14;
	[dreg:$0x8] =	wrdreg s18  }
0x14: {  	s15 =	simm.s32 $0x1E300;
	s20 =	sadd.s32 $0x108, s14;
	[dreg:$0x9] =	wrdreg s19  }
0x15: {  	s22 =	simm.s32 $0x7;
	s21 =	sadd.s32 $0x180, s14;
	[dreg:$0xa] =	wrdreg s20  }
0x16: {  	s8 =	simm.s32 $0x0;
	s24 =	sadd.s32 $0x188, s14;
	[dreg:$0xb] =	wrdreg s21  }
0x17: {  	s11 =	simm.s32 $0xB;
	s25 =	sadd.s32 $0x200, s14;
	[dreg:$0xc] =	wrdreg s24  }
0x18: {  	s26 =	sadd.s32 $0x208, s14;
	s14 =	simm.s32 $0xC;
	[dreg:$0xd] =	wrdreg s25  }
0x19: {  	[dreg:$0xe] =	wrdreg s26;
	s25 =	simm.s32 $0x10;
	s21 =	simm.s32 $0x1E380  }
0x1a: {  	s16 =	simm.s32 $0x4;
	s19 =	simm.s32 $0x5;
	s24 =	simm.s32 $0x8  }
0x1b: {  	s26 =	simm.s32 $0x9;
	s17 =	simm.s32 $0xD;
	s20 =	simm.s32 $0xE  }
.LBB2_1:
0x1c: {  	[dreg:$0x12] =	wrdreg s8  }
0x1d: {  	s0 =	rddreg [dreg:$0x3]  }
0x1e: {  	[spmem:s3], [sflag:s23] =	dma.local [hbm:s0], $0x2800  }
0x1f: {  	_ =	swait.ge [sflag:s25], $0x2800  }
0x20: {  	[sflag:s25] =	ssyncset.done $0x0  }
0x21: {  	[sflag:s25] =	ssyncadd.s32 $0xFFFFD800  }
0x22: {  	[bflag:$0x0] =	sbarrier.arrive $0xFFFF  }
0x23: {  	s3 =	rddreg [dreg:$0x4]  }
0x24: {  	[tilespmem:s28], [sflag:$0x1] =	stream.linear.gather [hbm4b:s3+s2], $0x40, $0x38;
	[tilespmem:$0x1E780] =	vst v63  }
0x25: {  	s12 =	simm.s32 $0x1E080;
	s8 =	rddreg [dreg:$0x6]  }
0x26: {  	[tilespmem:s12], [sflag:$0x2] =	stream.linear.gather [hbm4b:s8+s2], $0x40, $0x38;
	[tilespmem:$0x1E780] =	vst v63  }
0x27: {  	s23 =	simm.s32 $0x1E100;
	s18 =	rddreg [dreg:$0x7]  }
0x28: {  	[tilespmem:s23], [sflag:$0x3] =	stream.linear.gather [hbm4b:s18+s2], $0x40, $0x38;
	[tilespmem:$0x1E780] =	vst v63  }
0x29: {  	s30 =	rddreg [dreg:$0x8];
	s3 =	simm.s32 $0x1E180  }
0x2a: {  	[tilespmem:s3], [sflag:$0x4] =	stream.linear.gather [hbm4b:s30+s2], $0x40, $0x38;
	[tilespmem:$0x1E780] =	vst v63  }
0x2b: {  	s8 =	rddreg [dreg:$0x9];
	s23 =	simm.s32 $0x1E200  }
0x2c: {  	[tilespmem:s23], [sflag:$0x5] =	stream.linear.gather [hbm4b:s8+s2], $0x40, $0x38;
	[tilespmem:$0x1E780] =	vst v63  }
0x2d: {  	s8 =	simm.s32 $0x1  }
0x2e: {  	_ =	swait.ge [sflag:s8], $0x40  }
0x2f: {  	[sflag:s8] =	ssyncset.done $0x0  }
0x30: {  	[sflag:s8] =	ssyncadd.s32 $0xFFFFFFC0  }
0x31: {  	v0 =	vld [tilespmem:$0x1E000];
	_ =	sdelay $0x1  }
0x32: {  	v1 =	vld [tilespmem:$0x1E010];
	_ =	sdelay $0x1  }
0x33: {  	v2 =	vld [tilespmem:$0x1E020]  }
0x34: {  	v3 =	vshrl.u32 v0, $0xE  }
0x35: {  	v0 =	vand.u32 $0x3FFF, v0;
	[tilespmem:$0x1E280] =	vst v3;
	v3 =	vld [tilespmem:$0x1E030]  }
0x36: {  	[tilespmem:$0x1E500] =	vst v0;
	v0 =	vshrl.u32 v1, $0xE  }
0x37: {  	[tilespmem:$0x1E290] =	vst v0;
	v0 =	vand.u32 $0x3FFF, v1  }
0x38: {  	[tilespmem:$0x1E510] =	vst v0;
	v0 =	vshrl.u32 v2, $0xE  }
0x39: {  	[tilespmem:$0x1E2A0] =	vst v0;
	v0 =	vand.u32 $0x3FFF, v2  }
0x3a: {  	[tilespmem:$0x1E520] =	vst v0;
	v0 =	vshrl.u32 v3, $0xE  }
0x3b: {  	[tilespmem:$0x1E2B0] =	vst v0;
	v0 =	vand.u32 $0x3FFF, v3  }
0x3c: {  	s12 =	rddreg [dreg:$0xa];
	[tilespmem:$0x1E530] =	vst v0  }
0x3d: {  	[tilespmem:s28], [sflag:$0x1] =	stream.linear.gather [hbm4b:s12+s2], $0x40, $0x38;
	[tilespmem:$0x1E780] =	vst v63  }
0x3e: {  	s30 =	simm.s32 $0x1E280;
	s12 =	simm.s32 $0x14000  }
0x3f: {  	[tilespmem:s12], [sflag:$0x6] =	stream.indirect.gather [hbm4b:s4+s31], $0x80, s30, s31, $0xb8;
	[tilespmem:$0x1E780] =	vst v63  }
0x40: {  	s30 =	simm.s32 $0x2  }
0x41: {  	_ =	swait.ge [sflag:s30], $0x40  }
0x42: {  	[sflag:s30] =	ssyncset.done $0x0  }
0x43: {  	[sflag:s30] =	ssyncadd.s32 $0xFFFFFFC0  }
0x44: {  	v0 =	vld [tilespmem:$0x1E080];
	_ =	sdelay $0x1  }
0x45: {  	v1 =	vld [tilespmem:$0x1E090];
	_ =	sdelay $0x1  }
0x46: {  	v2 =	vld [tilespmem:$0x1E0A0]  }
0x47: {  	v3 =	vshrl.u32 v0, $0xE  }
0x48: {  	v0 =	vand.u32 $0x3FFF, v0;
	[tilespmem:$0x1E300] =	vst v3;
	v3 =	vld [tilespmem:$0x1E0B0]  }
0x49: {  	[tilespmem:$0x1E580] =	vst v0;
	v0 =	vshrl.u32 v1, $0xE  }
0x4a: {  	[tilespmem:$0x1E310] =	vst v0;
	v0 =	vand.u32 $0x3FFF, v1  }
0x4b: {  	[tilespmem:$0x1E590] =	vst v0;
	v0 =	vshrl.u32 v2, $0xE  }
0x4c: {  	[tilespmem:$0x1E320] =	vst v0;
	v0 =	vand.u32 $0x3FFF, v2  }
0x4d: {  	[tilespmem:$0x1E5A0] =	vst v0;
	v0 =	vshrl.u32 v3, $0xE  }
0x4e: {  	[tilespmem:$0x1E330] =	vst v0;
	v0 =	vand.u32 $0x3FFF, v3  }
0x4f: {  	s25 =	simm.s32 $0x1E080;
	s0 =	rddreg [dreg:$0xb];
	[tilespmem:$0x1E5B0] =	vst v0  }
0x50: {  	[tilespmem:s25], [sflag:$0x2] =	stream.linear.gather [hbm4b:s0+s2], $0x40, $0x38;
	[tilespmem:$0x1E780] =	vst v63  }
0x51: {  	s25 =	simm.s32 $0x16000  }
0x52: {  	[tilespmem:s25], [sflag:$0x7] =	stream.indirect.gather [hbm4b:s4+s31], $0x80, s15, s31, $0xb8;
	[tilespmem:$0x1E780] =	vst v63  }
0x53: {  	_ =	swait.ge [sflag:s13], $0x40  }
0x54: {  	[sflag:s13] =	ssyncset.done $0x0  }
0x55: {  	[sflag:s13] =	ssyncadd.s32 $0xFFFFFFC0  }
0x56: {  	v0 =	vld [tilespmem:$0x1E100];
	_ =	sdelay $0x1  }
0x57: {  	v1 =	vld [tilespmem:$0x1E110];
	_ =	sdelay $0x1  }
0x58: {  	v2 =	vld [tilespmem:$0x1E120]  }
0x59: {  	v3 =	vshrl.u32 v0, $0xE  }
0x5a: {  	v0 =	vand.u32 $0x3FFF, v0;
	[tilespmem:$0x1E380] =	vst v3;
	v3 =	vld [tilespmem:$0x1E130]  }
0x5b: {  	[tilespmem:$0x1E600] =	vst v0;
	v0 =	vshrl.u32 v1, $0xE  }
0x5c: {  	[tilespmem:$0x1E390] =	vst v0;
	v0 =	vand.u32 $0x3FFF, v1  }
0x5d: {  	[tilespmem:$0x1E610] =	vst v0;
	v0 =	vshrl.u32 v2, $0xE  }
0x5e: {  	[tilespmem:$0x1E3A0] =	vst v0;
	v0 =	vand.u32 $0x3FFF, v2  }
0x5f: {  	[tilespmem:$0x1E620] =	vst v0;
	v0 =	vshrl.u32 v3, $0xE  }
0x60: {  	[tilespmem:$0x1E3B0] =	vst v0;
	v0 =	vand.u32 $0x3FFF, v3  }
0x61: {  	s18 =	simm.s32 $0x1E100;
	s0 =	rddreg [dreg:$0xc];
	[tilespmem:$0x1E630] =	vst v0  }
0x62: {  	[tilespmem:s18], [sflag:$0x3] =	stream.linear.gather [hbm4b:s0+s2], $0x40, $0x38;
	[tilespmem:$0x1E780] =	vst v63  }
0x63: {  	s18 =	simm.s32 $0x18000  }
0x64: {  	[tilespmem:s18], [sflag:$0x8] =	stream.indirect.gather [hbm4b:s4+s31], $0x80, s21, s31, $0xb8;
	[tilespmem:$0x1E780] =	vst v63  }
0x65: {  	_ =	swait.ge [sflag:s16], $0x40  }
0x66: {  	[sflag:s16] =	ssyncset.done $0x0  }
0x67: {  	[sflag:s16] =	ssyncadd.s32 $0xFFFFFFC0  }
0x68: {  	v0 =	vld [tilespmem:$0x1E180];
	_ =	sdelay $0x1  }
0x69: {  	v1 =	vld [tilespmem:$0x1E190];
	_ =	sdelay $0x1  }
0x6a: {  	v2 =	vld [tilespmem:$0x1E1A0]  }
0x6b: {  	v3 =	vshrl.u32 v0, $0xE  }
0x6c: {  	v0 =	vand.u32 $0x3FFF, v0;
	[tilespmem:$0x1E400] =	vst v3;
	v3 =	vld [tilespmem:$0x1E1B0]  }
0x6d: {  	[tilespmem:$0x1E680] =	vst v0;
	v0 =	vshrl.u32 v1, $0xE  }
0x6e: {  	[tilespmem:$0x1E410] =	vst v0;
	v0 =	vand.u32 $0x3FFF, v1  }
0x6f: {  	[tilespmem:$0x1E690] =	vst v0;
	v0 =	vshrl.u32 v2, $0xE  }
0x70: {  	[tilespmem:$0x1E420] =	vst v0;
	v0 =	vand.u32 $0x3FFF, v2  }
0x71: {  	[tilespmem:$0x1E6A0] =	vst v0;
	v0 =	vshrl.u32 v3, $0xE  }
0x72: {  	[tilespmem:$0x1E430] =	vst v0;
	v0 =	vand.u32 $0x3FFF, v3  }
0x73: {  	s0 =	rddreg [dreg:$0xd];
	[tilespmem:$0x1E6B0] =	vst v0  }
0x74: {  	[tilespmem:s3], [sflag:$0x4] =	stream.linear.gather [hbm4b:s0+s2], $0x40, $0x38;
	[tilespmem:$0x1E780] =	vst v63  }
0x75: {  	s0 =	simm.s32 $0x1E400;
	s3 =	simm.s32 $0x1A000  }
0x76: {  	[tilespmem:s3], [sflag:$0x9] =	stream.indirect.gather [hbm4b:s4+s31], $0x80, s0, s31, $0xb8;
	[tilespmem:$0x1E780] =	vst v63  }
0x77: {  	_ =	swait.ge [sflag:s19], $0x40  }
0x78: {  	[sflag:s19] =	ssyncset.done $0x0  }
0x79: {  	[sflag:s19] =	ssyncadd.s32 $0xFFFFFFC0  }
0x7a: {  	v0 =	vld [tilespmem:$0x1E200];
	_ =	sdelay $0x1  }
0x7b: {  	v1 =	vld [tilespmem:$0x1E210];
	_ =	sdelay $0x1  }
0x7c: {  	v2 =	vld [tilespmem:$0x1E220]  }
0x7d: {  	v3 =	vshrl.u32 v0, $0xE  }
0x7e: {  	v0 =	vand.u32 $0x3FFF, v0;
	[tilespmem:$0x1E480] =	vst v3;
	v3 =	vld [tilespmem:$0x1E230]  }
0x7f: {  	[tilespmem:$0x1E700] =	vst v0;
	v0 =	vshrl.u32 v1, $0xE  }
0x80: {  	[tilespmem:$0x1E490] =	vst v0;
	v0 =	vand.u32 $0x3FFF, v1  }
0x81: {  	[tilespmem:$0x1E710] =	vst v0;
	v0 =	vshrl.u32 v2, $0xE  }
0x82: {  	[tilespmem:$0x1E4A0] =	vst v0;
	v0 =	vand.u32 $0x3FFF, v2  }
0x83: {  	[tilespmem:$0x1E720] =	vst v0;
	v0 =	vshrl.u32 v3, $0xE  }
0x84: {  	[tilespmem:$0x1E4B0] =	vst v0;
	v0 =	vand.u32 $0x3FFF, v3  }
0x85: {  	s0 =	rddreg [dreg:$0xe];
	[tilespmem:$0x1E730] =	vst v0  }
0x86: {  	[tilespmem:s23], [sflag:$0x5] =	stream.linear.gather [hbm4b:s0+s2], $0x40, $0x38;
	[tilespmem:$0x1E780] =	vst v63  }
0x87: {  	s0 =	simm.s32 $0x1E480;
	s23 =	simm.s32 $0x1C000  }
0x88: {  	[tilespmem:s23], [sflag:$0xA] =	stream.indirect.gather [hbm4b:s4+s31], $0x80, s0, s31, $0xb8;
	[tilespmem:$0x1E780] =	vst v63  }
0x89: {  	_ =	swait.ge [sflag:s9], $0x2000  }
0x8a: {  	[sflag:s9] =	ssyncset.done $0x0  }
0x8b: {  	s0 =	simm.s32 $0x1E500;
	[sflag:s9] =	ssyncadd.s32 $0xFFFFE000  }
0x8c: {  	[spmem:s1] =	stream.indirect.scatter.add.f32 [tilespmem:s12], [sflag:$0xB], $0x80, s0, s31, $0xb8;
	[tilespmem:$0x1E780] =	vst v63  }
0x8d: {  	_ =	swait.ge [sflag:s22], $0x2000  }
0x8e: {  	[sflag:s22] =	ssyncset.done $0x0  }
0x8f: {  	s25 =	simm.s32 $0x16000;
	s0 =	simm.s32 $0x1E580;
	[sflag:s22] =	ssyncadd.s32 $0xFFFFE000  }
0x90: {  	[spmem:s1] =	stream.indirect.scatter.add.f32 [tilespmem:s25], [sflag:$0xC], $0x80, s0, s31, $0xb8;
	[tilespmem:$0x1E780] =	vst v63  }
0x91: {  	_ =	swait.ge [sflag:s24], $0x2000  }
0x92: {  	[sflag:s24] =	ssyncset.done $0x0  }
0x93: {  	s25 =	simm.s32 $0x1E600;
	[sflag:s24] =	ssyncadd.s32 $0xFFFFE000  }
0x94: {  	[spmem:s1] =	stream.indirect.scatter.add.f32 [tilespmem:s18], [sflag:$0xD], $0x80, s25, s31, $0xb8;
	[tilespmem:$0x1E780] =	vst v63  }
0x95: {  	_ =	swait.ge [sflag:s26], $0x2000  }
0x96: {  	[sflag:s26] =	ssyncset.done $0x0  }
0x97: {  	s25 =	simm.s32 $0x1E680;
	[sflag:s26] =	ssyncadd.s32 $0xFFFFE000  }
0x98: {  	[spmem:s1] =	stream.indirect.scatter.add.f32 [tilespmem:s3], [sflag:$0xE], $0x80, s25, s31, $0xb8;
	[tilespmem:$0x1E780] =	vst v63  }
0x99: {  	_ =	swait.ge [sflag:s29], $0x2000  }
0x9a: {  	[sflag:s29] =	ssyncset.done $0x0  }
0x9b: {  	s25 =	simm.s32 $0x1E700;
	[sflag:s29] =	ssyncadd.s32 $0xFFFFE000  }
0x9c: {  	[spmem:s1] =	stream.indirect.scatter.add.f32 [tilespmem:s23], [sflag:$0xF], $0x80, s25, s31, $0xb8;
	[tilespmem:$0x1E780] =	vst v63  }
0x9d: {  	_ =	swait.ge [sflag:s11], $0x2000  }
0x9e: {  	[sflag:s11] =	ssyncset.done $0x0  }
0x9f: {  	[sflag:s11] =	ssyncadd.s32 $0xFFFFE000  }
0xa0: {  	_ =	swait.ge [sflag:s8], $0x40  }
0xa1: {  	[sflag:s8] =	ssyncset.done $0x0  }
0xa2: {  	[sflag:s8] =	ssyncadd.s32 $0xFFFFFFC0  }
0xa3: {  	v0 =	vld [tilespmem:$0x1E030];
	_ =	sdelay $0x1  }
0xa4: {  	v1 =	vld [tilespmem:$0x1E020];
	_ =	sdelay $0x1  }
0xa5: {  	v2 =	vld [tilespmem:$0x1E000]  }
0xa6: {  	s3 =	smin.u32 s2, $0x95;
	v4 =	vshrl.u32 v0, $0xE  }
0xa7: {  	s23 =	sadd.s32 $0xA, s3;
	v3 =	vld [tilespmem:$0x1E010];
	v0 =	vand.u32 $0x3FFF, v0;
	[tilespmem:$0x1E2B0] =	vst v4  }
0xa8: {  	s8 =	sshll.u32 s23, $0x9;
	v59 =	vshrl.u32 v1, $0xE;
	[tilespmem:$0x1E530] =	vst v0  }
0xa9: {  	s23 =	sshll.u32 s23, $0x6;
	s25 =	sand.u32 $0x3FC00, s8;
	v1 =	vand.u32 $0x3FFF, v1;
	[tilespmem:$0x1E2A0] =	vst v59  }
0xaa: {  	s23 =	sand.u32 $0x40, s23;
	s25 =	sadd.s32 s5, s25;
	v0 =	vshrl.u32 v2, $0xE;
	[tilespmem:$0x1E520] =	vst v1  }
0xab: {  	s23 =	sor.u32 s23, s25;
	v2 =	vand.u32 $0x3FFF, v2;
	[tilespmem:$0x1E280] =	vst v0  }
0xac: {  	s23 =	sor.u32 s7, s23;
	v0 =	vand.u32 $0x3FFF, v3;
	[tilespmem:$0x1E500] =	vst v2  }
0xad: {  	s23 =	sshrl.u32 s23, $0x3;
	[tilespmem:$0x1E510] =	vst v0;
	v0 =	vshrl.u32 v3, $0xE  }
0xae: {  	s23 =	sadd.s32 s6, s23;
	[tilespmem:$0x1E290] =	vst v0  }
0xaf: {  	[tilespmem:s28], [sflag:$0x1] =	stream.linear.gather [hbm4b:s23+s2], $0x40, $0x38;
	[tilespmem:$0x1E780] =	vst v63  }
0xb0: {  	s28 =	simm.s32 $0x1E280  }
0xb1: {  	[tilespmem:s12], [sflag:$0x6] =	stream.indirect.gather [hbm4b:s4+s31], $0x80, s28, s31, $0xb8;
	[tilespmem:$0x1E780] =	vst v63  }
0xb2: {  	_ =	swait.ge [sflag:s14], $0x2000  }
0xb3: {  	[sflag:s14] =	ssyncset.done $0x0  }
0xb4: {  	[sflag:s14] =	ssyncadd.s32 $0xFFFFE000  }
0xb5: {  	_ =	swait.ge [sflag:s30], $0x40  }
0xb6: {  	[sflag:s30] =	ssyncset.done $0x0  }
0xb7: {  	[sflag:s30] =	ssyncadd.s32 $0xFFFFFFC0  }
0xb8: {  	v0 =	vld [tilespmem:$0x1E080];
	_ =	sdelay $0x1  }
0xb9: {  	v1 =	vld [tilespmem:$0x1E090];
	_ =	sdelay $0x1  }
0xba: {  	v2 =	vld [tilespmem:$0x1E0A0]  }
0xbb: {  	s3 =	smin.u32 s2, $0x94;
	v60 =	vand.u32 $0x3FFF, v0  }
0xbc: {  	s23 =	sadd.s32 $0xB, s3;
	v3 =	vld [tilespmem:$0x1E0B0];
	v0 =	vshrl.u32 v0, $0xE;
	[tilespmem:$0x1E580] =	vst v60  }
0xbd: {  	s8 =	sshll.u32 s23, $0x9;
	v61 =	vshrl.u32 v1, $0xE;
	[tilespmem:$0x1E300] =	vst v0  }
0xbe: {  	s23 =	sshll.u32 s23, $0x6;
	s25 =	sand.u32 $0x3FC00, s8;
	v1 =	vand.u32 $0x3FFF, v1;
	[tilespmem:$0x1E310] =	vst v61  }
0xbf: {  	s23 =	sand.u32 $0x40, s23;
	s25 =	sadd.s32 s5, s25;
	v0 =	vshrl.u32 v2, $0xE;
	[tilespmem:$0x1E590] =	vst v1  }
0xc0: {  	s23 =	sor.u32 s23, s25;
	v1 =	vand.u32 $0x3FFF, v2;
	[tilespmem:$0x1E320] =	vst v0  }
0xc1: {  	s23 =	sor.u32 s7, s23;
	v0 =	vand.u32 $0x3FFF, v3;
	[tilespmem:$0x1E5A0] =	vst v1  }
0xc2: {  	s23 =	sshrl.u32 s23, $0x3;
	[tilespmem:$0x1E5B0] =	vst v0;
	v0 =	vshrl.u32 v3, $0xE  }
0xc3: {  	s12 =	simm.s32 $0x1E080;
	s23 =	sadd.s32 s6, s23;
	[tilespmem:$0x1E330] =	vst v0  }
0xc4: {  	[tilespmem:s12], [sflag:$0x2] =	stream.linear.gather [hbm4b:s23+s2], $0x40, $0x38;
	[tilespmem:$0x1E780] =	vst v63  }
0xc5: {  	s23 =	simm.s32 $0x16000  }
0xc6: {  	[tilespmem:s23], [sflag:$0x7] =	stream.indirect.gather [hbm4b:s4+s31], $0x80, s15, s31, $0xb8;
	[tilespmem:$0x1E780] =	vst v63  }
0xc7: {  	_ =	swait.ge [sflag:s17], $0x2000  }
0xc8: {  	[sflag:s17] =	ssyncset.done $0x0  }
0xc9: {  	[sflag:s17] =	ssyncadd.s32 $0xFFFFE000  }
0xca: {  	_ =	swait.ge [sflag:s13], $0x40  }
0xcb: {  	[sflag:s13] =	ssyncset.done $0x0  }
0xcc: {  	[sflag:s13] =	ssyncadd.s32 $0xFFFFFFC0  }
0xcd: {  	v0 =	vld [tilespmem:$0x1E100];
	_ =	sdelay $0x1  }
0xce: {  	v1 =	vld [tilespmem:$0x1E110];
	_ =	sdelay $0x1  }
0xcf: {  	v2 =	vld [tilespmem:$0x1E120]  }
0xd0: {  	s25 =	smin.u32 s2, $0x93;
	v3 =	vld [tilespmem:$0x1E130];
	v62 =	vand.u32 $0x3FFF, v0  }
0xd1: {  	s23 =	sadd.s32 $0xC, s25;
	v0 =	vshrl.u32 v0, $0xE;
	[tilespmem:$0x1E600] =	vst v62  }
0xd2: {  	s28 =	sshll.u32 s23, $0x9;
	v63 =	vand.u32 $0x3FFF, v1;
	[tilespmem:$0x1E380] =	vst v0  }
0xd3: {  	s23 =	sshll.u32 s23, $0x6;
	s25 =	sand.u32 $0x3FC00, s28;
	v0 =	vshrl.u32 v1, $0xE;
	[tilespmem:$0x1E610] =	vst v63  }
0xd4: {  	s23 =	sand.u32 $0x40, s23;
	s25 =	sadd.s32 s5, s25;
	v1 =	vshrl.u32 v2, $0xE;
	[tilespmem:$0x1E390] =	vst v0  }
0xd5: {  	s23 =	sor.u32 s23, s25;
	v0 =	vand.u32 $0x3FFF, v3;
	[tilespmem:$0x1E3A0] =	vst v1  }
0xd6: {  	s23 =	sor.u32 s7, s23;
	v1 =	vshrl.u32 v3, $0xE;
	[tilespmem:$0x1E630] =	vst v0  }
0xd7: {  	s23 =	sshrl.u32 s23, $0x3;
	v0 =	vand.u32 $0x3FFF, v2;
	[tilespmem:$0x1E3B0] =	vst v1  }
0xd8: {  	s30 =	simm.s32 $0x1E100;
	s23 =	sadd.s32 s6, s23;
	[tilespmem:$0x1E620] =	vst v0  }
0xd9: {  	[tilespmem:s30], [sflag:$0x3] =	stream.linear.gather [hbm4b:s23+s2], $0x40, $0x38;
	[tilespmem:$0x1E780] =	vst v63  }
0xda: {  	_ = 	snop  }
0xdb: {  	[tilespmem:s18], [sflag:$0x8] =	stream.indirect.gather [hbm4b:s4+s31], $0x80, s21, s31, $0xb8;
	[tilespmem:$0x1E780] =	vst v63  }
0xdc: {  	_ =	swait.ge [sflag:s20], $0x2000  }
0xdd: {  	[sflag:s20] =	ssyncset.done $0x0  }
0xde: {  	[sflag:s20] =	ssyncadd.s32 $0xFFFFE000  }
0xdf: {  	_ =	swait.ge [sflag:s16], $0x40  }
0xe0: {  	[sflag:s16] =	ssyncset.done $0x0  }
0xe1: {  	[sflag:s16] =	ssyncadd.s32 $0xFFFFFFC0  }
0xe2: {  	v0 =	vld [tilespmem:$0x1E180]  }
0xe3: {  	v1 =	vld [tilespmem:$0x1E190]  }
0xe4: {  	s25 =	simm.s32 $0x5;
	s23 =	simm.s32 $0x0;
	v2 =	vld [tilespmem:$0x1E1A0]  }
.LBB2_2:
0xe5: {  	_ = 	snop  }
0xe6: {  	p0 =	sne.s32 s25, $0x96;
	s28 =	smov.u32 s25;
	s25 =	sadd.s32 $0x5, s25  }
0xe7: {  	s0 =	smin.u32 s23, $0x92;
	v4 =	vld [tilespmem:$0x1E1B0];
	v3 =	vshrl.u32 v0, $0xE;
	v0 =	vand.u32 $0x3FFF, v0  }
0xe8: {  	s0 =	sadd.s32 $0xD, s0;
	[tilespmem:$0x1E400] =	vst v3;
	v3 =	vshrl.u32 v1, $0xE;
	v1 =	vand.u32 $0x3FFF, v1  }
0xe9: {  	s3 =	sshll.u32 s0, $0x9;
	s0 =	sshll.u32 s0, $0x6;
	[tilespmem:$0x1E410] =	vst v3;
	v3 =	vshrl.u32 v2, $0xE;
	v2 =	vand.u32 $0x3FFF, v2  }
0xea: {  	s3 =	sand.u32 $0x3FC00, s3;
	[tilespmem:$0x1E420] =	vst v3  }
0xeb: {  	s0 =	sand.u32 $0x40, s0;
	s3 =	sadd.s32 s5, s3;
	[tilespmem:$0x1E6A0] =	vst v2  }
0xec: {  	s0 =	sor.u32 s0, s3;
	v2 =	vand.u32 $0x3FFF, v4;
	[tilespmem:$0x1E690] =	vst v1;
	v1 =	vshrl.u32 v4, $0xE  }
0xed: {  	s0 =	sor.u32 s7, s0;
	[tilespmem:$0x1E430] =	vst v1  }
0xee: {  	s0 =	sshrl.u32 s0, $0x3;
	[tilespmem:$0x1E680] =	vst v0  }
0xef: {  	s3 =	simm.s32 $0x1E180;
	s0 =	sadd.s32 s6, s0;
	[tilespmem:$0x1E6B0] =	vst v2  }
0xf0: {  	[tilespmem:s3], [sflag:$0x4] =	stream.linear.gather [hbm4b:s0+s2], $0x40, $0x38;
	[tilespmem:$0x1E780] =	vst v63  }
0xf1: {  	s8 =	simm.s32 $0x1A000;
	s0 =	simm.s32 $0x1E400  }
0xf2: {  	[tilespmem:s8], [sflag:$0x9] =	stream.indirect.gather [hbm4b:s4+s31], $0x80, s0, s31, $0xb8;
	[tilespmem:$0x1E780] =	vst v63  }
0xf3: {  	_ =	swait.ge [sflag:s10], $0x2000  }
0xf4: {  	[sflag:s10] =	ssyncset.done $0x0  }
0xf5: {  	[sflag:s10] =	ssyncadd.s32 $0xFFFFE000  }
0xf6: {  	_ =	swait.ge [sflag:s19], $0x40  }
0xf7: {  	[sflag:s19] =	ssyncset.done $0x0  }
0xf8: {  	[sflag:s19] =	ssyncadd.s32 $0xFFFFFFC0  }
0xf9: {  	v0 =	vld [tilespmem:$0x1E200]  }
0xfa: {  	v1 =	vld [tilespmem:$0x1E210]  }
0xfb: {  	v2 =	vld [tilespmem:$0x1E220]  }
0xfc: {  	v3 =	vld [tilespmem:$0x1E230]  }
0xfd: {  	s0 =	smin.u32 s23, $0x91;
	s23 =	smov.u32 s28;
	s28 =	simm.s32 $0x1E000  }
0xfe: {  	s0 =	sadd.s32 $0xE, s0;
	v4 =	vshrl.u32 v0, $0xE;
	v0 =	vand.u32 $0x3FFF, v0  }
0xff: {  	s3 =	sshll.u32 s0, $0x9;
	s0 =	sshll.u32 s0, $0x6;
	[tilespmem:$0x1E480] =	vst v4;
	v4 =	vshrl.u32 v1, $0xE;
	v1 =	vand.u32 $0x3FFF, v1  }
0x100: {  	s3 =	sand.u32 $0x3FC00, s3;
	[tilespmem:$0x1E490] =	vst v4;
	v4 =	vshrl.u32 v2, $0xE;
	v2 =	vand.u32 $0x3FFF, v2  }
0x101: {  	s0 =	sand.u32 $0x40, s0;
	s3 =	sadd.s32 s5, s3;
	[tilespmem:$0x1E700] =	vst v0;
	v0 =	vshrl.u32 v3, $0xE;
	v3 =	vand.u32 $0x3FFF, v3  }
0x102: {  	s0 =	sor.u32 s0, s3;
	[tilespmem:$0x1E4B0] =	vst v0  }
0x103: {  	s0 =	sor.u32 s7, s0;
	[tilespmem:$0x1E4A0] =	vst v4  }
0x104: {  	s0 =	sshrl.u32 s0, $0x3;
	[tilespmem:$0x1E720] =	vst v2  }
0x105: {  	s0 =	sadd.s32 s6, s0;
	[tilespmem:$0x1E710] =	vst v1  }
0x106: {  	s3 =	simm.s32 $0x1E200;
	[tilespmem:$0x1E730] =	vst v3  }
0x107: {  	[tilespmem:s3], [sflag:$0x5] =	stream.linear.gather [hbm4b:s0+s2], $0x40, $0x38;
	[tilespmem:$0x1E780] =	vst v63  }
0x108: {  	s0 =	simm.s32 $0x1E480;
	s3 =	simm.s32 $0x1C000  }
0x109: {  	[tilespmem:s3], [sflag:$0xA] =	stream.indirect.gather [hbm4b:s4+s31], $0x80, s0, s31, $0xb8;
	[tilespmem:$0x1E780] =	vst v63  }
0x10a: {  	_ =	swait.ge [sflag:s9], $0x2000  }
0x10b: {  	[sflag:s9] =	ssyncset.done $0x0  }
0x10c: {  	s15 =	simm.s32 $0x14000;
	s0 =	simm.s32 $0x1E500;
	[sflag:s9] =	ssyncadd.s32 $0xFFFFE000  }
0x10d: {  	[spmem:s1] =	stream.indirect.scatter.add.f32 [tilespmem:s15], [sflag:$0xB], $0x80, s0, s31, $0xb8;
	[tilespmem:$0x1E780] =	vst v63  }
0x10e: {  	_ =	swait.ge [sflag:s22], $0x2000  }
0x10f: {  	[sflag:s22] =	ssyncset.done $0x0  }
0x110: {  	s21 =	simm.s32 $0x16000;
	s0 =	simm.s32 $0x1E580;
	[sflag:s22] =	ssyncadd.s32 $0xFFFFE000  }
0x111: {  	[spmem:s1] =	stream.indirect.scatter.add.f32 [tilespmem:s21], [sflag:$0xC], $0x80, s0, s31, $0xb8;
	[tilespmem:$0x1E780] =	vst v63  }
0x112: {  	_ =	swait.ge [sflag:s24], $0x2000  }
0x113: {  	[sflag:s24] =	ssyncset.done $0x0  }
0x114: {  	s30 =	simm.s32 $0x18000;
	s0 =	simm.s32 $0x1E600;
	[sflag:s24] =	ssyncadd.s32 $0xFFFFE000  }
0x115: {  	[spmem:s1] =	stream.indirect.scatter.add.f32 [tilespmem:s30], [sflag:$0xD], $0x80, s0, s31, $0xb8;
	[tilespmem:$0x1E780] =	vst v63  }
0x116: {  	_ =	swait.ge [sflag:s26], $0x2000  }
0x117: {  	[sflag:s26] =	ssyncset.done $0x0  }
0x118: {  	s0 =	simm.s32 $0x1E680;
	[sflag:s26] =	ssyncadd.s32 $0xFFFFE000  }
0x119: {  	[spmem:s1] =	stream.indirect.scatter.add.f32 [tilespmem:s8], [sflag:$0xE], $0x80, s0, s31, $0xb8;
	[tilespmem:$0x1E780] =	vst v63  }
0x11a: {  	_ =	swait.ge [sflag:s29], $0x2000  }
0x11b: {  	[sflag:s29] =	ssyncset.done $0x0  }
0x11c: {  	s0 =	simm.s32 $0x1E700;
	[sflag:s29] =	ssyncadd.s32 $0xFFFFE000  }
0x11d: {  	[spmem:s1] =	stream.indirect.scatter.add.f32 [tilespmem:s3], [sflag:$0xF], $0x80, s0, s31, $0xb8;
	[tilespmem:$0x1E780] =	vst v63  }
0x11e: {  	_ =	swait.ge [sflag:s11], $0x2000  }
0x11f: {  	[sflag:s11] =	ssyncset.done $0x0  }
0x120: {  	s0 =	simm.s32 $0x1;
	[sflag:s11] =	ssyncadd.s32 $0xFFFFE000  }
0x121: {  	_ =	swait.ge [sflag:s0], $0x40  }
0x122: {  	[sflag:s0] =	ssyncset.done $0x0  }
0x123: {  	[sflag:s0] =	ssyncadd.s32 $0xFFFFFFC0  }
0x124: {  	v0 =	vld [tilespmem:$0x1E030]  }
0x125: {  	v1 =	vld [tilespmem:$0x1E020]  }
0x126: {  	v2 =	vld [tilespmem:$0x1E000];
	_ =	sdelay $0x1  }
0x127: {  	v3 =	vld [tilespmem:$0x1E010]  }
0x128: {  	s0 =	smin.u32 s23, $0x95;
	v4 =	vshrl.u32 v0, $0xE;
	v0 =	vand.u32 $0x3FFF, v0  }
0x129: {  	s0 =	sadd.s32 $0xA, s0;
	v5 =	vshrl.u32 v1, $0xE;
	v1 =	vand.u32 $0x3FFF, v1;
	[tilespmem:$0x1E2B0] =	vst v4  }
0x12a: {  	s3 =	sshll.u32 s0, $0x9;
	s0 =	sshll.u32 s0, $0x6;
	v4 =	vshrl.u32 v2, $0xE;
	v2 =	vand.u32 $0x3FFF, v2;
	[tilespmem:$0x1E530] =	vst v0  }
0x12b: {  	s3 =	sand.u32 $0x3FC00, s3;
	[tilespmem:$0x1E2A0] =	vst v5  }
0x12c: {  	s0 =	sand.u32 $0x40, s0;
	s3 =	sadd.s32 s5, s3;
	[tilespmem:$0x1E280] =	vst v4;
	v0 =	vshrl.u32 v3, $0xE;
	v3 =	vand.u32 $0x3FFF, v3  }
0x12d: {  	s0 =	sor.u32 s0, s3;
	[tilespmem:$0x1E500] =	vst v2  }
0x12e: {  	s0 =	sor.u32 s7, s0;
	[tilespmem:$0x1E510] =	vst v3  }
0x12f: {  	s0 =	sshrl.u32 s0, $0x3;
	[tilespmem:$0x1E520] =	vst v1  }
0x130: {  	s0 =	sadd.s32 s6, s0;
	[tilespmem:$0x1E290] =	vst v0  }
0x131: {  	[tilespmem:s28], [sflag:$0x1] =	stream.linear.gather [hbm4b:s0+s2], $0x40, $0x38;
	[tilespmem:$0x1E780] =	vst v63  }
0x132: {  	s0 =	simm.s32 $0x1E280  }
0x133: {  	[tilespmem:s15], [sflag:$0x6] =	stream.indirect.gather [hbm4b:s4+s31], $0x80, s0, s31, $0xb8;
	[tilespmem:$0x1E780] =	vst v63  }
0x134: {  	s12 =	simm.s32 $0x14000;
	s15 =	simm.s32 $0x1E300  }
0x135: {  	_ =	swait.ge [sflag:s14], $0x2000  }
0x136: {  	[sflag:s14] =	ssyncset.done $0x0  }
0x137: {  	s0 =	simm.s32 $0x2;
	[sflag:s14] =	ssyncadd.s32 $0xFFFFE000  }
0x138: {  	_ =	swait.ge [sflag:s0], $0x40  }
0x139: {  	[sflag:s0] =	ssyncset.done $0x0  }
0x13a: {  	[sflag:s0] =	ssyncadd.s32 $0xFFFFFFC0  }
0x13b: {  	v0 =	vld [tilespmem:$0x1E080]  }
0x13c: {  	v1 =	vld [tilespmem:$0x1E090]  }
0x13d: {  	v2 =	vld [tilespmem:$0x1E0A0];
	_ =	sdelay $0x1  }
0x13e: {  	v3 =	vld [tilespmem:$0x1E0B0]  }
0x13f: {  	s0 =	smin.u32 s23, $0x94;
	v4 =	vshrl.u32 v0, $0xE;
	v0 =	vand.u32 $0x3FFF, v0  }
0x140: {  	s0 =	sadd.s32 $0xB, s0;
	[tilespmem:$0x1E580] =	vst v0;
	v0 =	vshrl.u32 v1, $0xE;
	v1 =	vand.u32 $0x3FFF, v1  }
0x141: {  	s3 =	sshll.u32 s0, $0x9;
	s0 =	sshll.u32 s0, $0x6;
	[tilespmem:$0x1E300] =	vst v4;
	v4 =	vshrl.u32 v2, $0xE;
	v2 =	vand.u32 $0x3FFF, v2  }
0x142: {  	s3 =	sand.u32 $0x3FC00, s3;
	[tilespmem:$0x1E310] =	vst v0  }
0x143: {  	s0 =	sand.u32 $0x40, s0;
	s3 =	sadd.s32 s5, s3;
	[tilespmem:$0x1E320] =	vst v4;
	v0 =	vshrl.u32 v3, $0xE;
	v3 =	vand.u32 $0x3FFF, v3  }
0x144: {  	s0 =	sor.u32 s0, s3;
	[tilespmem:$0x1E590] =	vst v1  }
0x145: {  	s0 =	sor.u32 s7, s0;
	[tilespmem:$0x1E5B0] =	vst v3  }
0x146: {  	s0 =	sshrl.u32 s0, $0x3;
	[tilespmem:$0x1E5A0] =	vst v2  }
0x147: {  	s3 =	simm.s32 $0x1E080;
	s0 =	sadd.s32 s6, s0;
	[tilespmem:$0x1E330] =	vst v0  }
0x148: {  	[tilespmem:s3], [sflag:$0x2] =	stream.linear.gather [hbm4b:s0+s2], $0x40, $0x38;
	[tilespmem:$0x1E780] =	vst v63  }
0x149: {  	_ = 	snop  }
0x14a: {  	[tilespmem:s21], [sflag:$0x7] =	stream.indirect.gather [hbm4b:s4+s31], $0x80, s15, s31, $0xb8;
	[tilespmem:$0x1E780] =	vst v63  }
0x14b: {  	s18 =	simm.s32 $0x16000;
	s21 =	simm.s32 $0x1E380  }
0x14c: {  	_ =	swait.ge [sflag:s17], $0x2000  }
0x14d: {  	[sflag:s17] =	ssyncset.done $0x0  }
0x14e: {  	[sflag:s17] =	ssyncadd.s32 $0xFFFFE000  }
0x14f: {  	_ =	swait.ge [sflag:s13], $0x40  }
0x150: {  	[sflag:s13] =	ssyncset.done $0x0  }
0x151: {  	[sflag:s13] =	ssyncadd.s32 $0xFFFFFFC0  }
0x152: {  	v0 =	vld [tilespmem:$0x1E100]  }
0x153: {  	v1 =	vld [tilespmem:$0x1E110]  }
0x154: {  	v2 =	vld [tilespmem:$0x1E120]  }
0x155: {  	v3 =	vld [tilespmem:$0x1E130];
	_ =	sdelay $0x1  }
0x156: {  	s0 =	smin.u32 s23, $0x93;
	v4 =	vshrl.u32 v0, $0xE;
	v0 =	vand.u32 $0x3FFF, v0  }
0x157: {  	s0 =	sadd.s32 $0xC, s0;
	[tilespmem:$0x1E600] =	vst v0;
	v0 =	vshrl.u32 v1, $0xE;
	v1 =	vand.u32 $0x3FFF, v1  }
0x158: {  	s3 =	sshll.u32 s0, $0x9;
	s0 =	sshll.u32 s0, $0x6;
	[tilespmem:$0x1E380] =	vst v4;
	v4 =	vshrl.u32 v2, $0xE;
	v2 =	vand.u32 $0x3FFF, v2  }
0x159: {  	s3 =	sand.u32 $0x3FC00, s3;
	[tilespmem:$0x1E610] =	vst v1;
	v1 =	vshrl.u32 v3, $0xE;
	v3 =	vand.u32 $0x3FFF, v3  }
0x15a: {  	s0 =	sand.u32 $0x40, s0;
	s3 =	sadd.s32 s5, s3;
	[tilespmem:$0x1E390] =	vst v0  }
0x15b: {  	s0 =	sor.u32 s0, s3;
	[tilespmem:$0x1E3A0] =	vst v4  }
0x15c: {  	s0 =	sor.u32 s7, s0;
	[tilespmem:$0x1E630] =	vst v3  }
0x15d: {  	s0 =	sshrl.u32 s0, $0x3;
	[tilespmem:$0x1E3B0] =	vst v1  }
0x15e: {  	s3 =	simm.s32 $0x1E100;
	s0 =	sadd.s32 s6, s0;
	[tilespmem:$0x1E620] =	vst v2  }
0x15f: {  	[tilespmem:s3], [sflag:$0x3] =	stream.linear.gather [hbm4b:s0+s2], $0x40, $0x38;
	[tilespmem:$0x1E780] =	vst v63  }
0x160: {  	s8 =	simm.s32 $0x18000  }
0x161: {  	[tilespmem:s30], [sflag:$0x8] =	stream.indirect.gather [hbm4b:s4+s31], $0x80, s21, s31, $0xb8;
	[tilespmem:$0x1E780] =	vst v63  }
0x162: {  	_ =	swait.ge [sflag:s20], $0x2000  }
0x163: {  	[sflag:s20] =	ssyncset.done $0x0  }
0x164: {  	[sflag:s20] =	ssyncadd.s32 $0xFFFFE000  }
0x165: {  	_ =	swait.ge [sflag:s16], $0x40  }
.Ltmp0:
0x166: {  	[sflag:s16] =	ssyncset.done $0x0;
	(pc) =	sbr.rel @p0 .LBB2_2-.Ltmp0, $4  }
0x167: {  	[sflag:s16] =	ssyncadd.s32 $0xFFFFFFC0  }
0x168: {  	v0 =	vld [tilespmem:$0x1E180]  }
0x169: {  	v1 =	vld [tilespmem:$0x1E190]  }
0x16a: {  	v2 =	vld [tilespmem:$0x1E1A0]  }
0x16b: {  	_ =	sdelay $0x1  }
0x16c: {  	s0 =	smin.u32 s23, $0x92;
	v3 =	vshrl.u32 v0, $0xE  }
0x16d: {  	v4 =	vld [tilespmem:$0x1E1B0];
	s0 =	sadd.s32 $0xD, s0;
	v52 =	vand.u32 $0x3FFF, v0;
	[tilespmem:$0x1E400] =	vst v3  }
0x16e: {  	s3 =	sshll.u32 s0, $0x9;
	v47 =	vshrl.u32 v1, $0xE;
	[tilespmem:$0x1E680] =	vst v52  }
0x16f: {  	s0 =	sshll.u32 s0, $0x6;
	s3 =	sand.u32 $0x3FC00, s3;
	v50 =	vand.u32 $0x3FFF, v1;
	[tilespmem:$0x1E410] =	vst v47  }
0x170: {  	s0 =	sand.u32 $0x40, s0;
	v48 =	vshrl.u32 v2, $0xE;
	s3 =	sadd.s32 s5, s3;
	[tilespmem:$0x1E690] =	vst v50  }
0x171: {  	v49 =	vand.u32 $0x3FFF, v2;
	[tilespmem:$0x1E420] =	vst v48;
	s0 =	sor.u32 s0, s3  }
0x172: {  	[tilespmem:$0x1E6A0] =	vst v49;
	v51 =	vshrl.u32 v4, $0xE;
	s0 =	sor.u32 s7, s0  }
0x173: {  	v53 =	vand.u32 $0x3FFF, v4;
	[tilespmem:$0x1E430] =	vst v51;
	s0 =	sshrl.u32 s0, $0x3  }
0x174: {  	s25 =	simm.s32 $0x1E180;
	[tilespmem:$0x1E6B0] =	vst v53;
	s0 =	sadd.s32 s6, s0  }
0x175: {  	[tilespmem:s25], [sflag:$0x4] =	stream.linear.gather [hbm4b:s0+s2], $0x40, $0x38;
	[tilespmem:$0x1E780] =	vst v63  }
0x176: {  	s30 =	simm.s32 $0x1E400;
	s25 =	simm.s32 $0x1A000  }
0x177: {  	[tilespmem:s25], [sflag:$0x9] =	stream.indirect.gather [hbm4b:s4+s31], $0x80, s30, s31, $0xb8;
	[tilespmem:$0x1E780] =	vst v63  }
0x178: {  	_ =	swait.ge [sflag:s10], $0x2000  }
0x179: {  	[sflag:s10] =	ssyncset.done $0x0  }
0x17a: {  	[sflag:s10] =	ssyncadd.s32 $0xFFFFE000  }
0x17b: {  	_ =	swait.ge [sflag:s19], $0x40  }
0x17c: {  	[sflag:s19] =	ssyncset.done $0x0  }
0x17d: {  	[sflag:s19] =	ssyncadd.s32 $0xFFFFFFC0  }
0x17e: {  	v54 =	vld [tilespmem:$0x1E200]  }
0x17f: {  	v55 =	vld [tilespmem:$0x1E210];
	_ =	sdelay $0x1  }
0x180: {  	v56 =	vld [tilespmem:$0x1E230]  }
0x181: {  	v57 =	vld [tilespmem:$0x1E220]  }
0x182: {  	s3 =	smin.u32 s23, $0x91;
	v58 =	vshrl.u32 v54, $0xE  }
0x183: {  	s0 =	sadd.s32 $0xE, s3;
	v59 =	vshrl.u32 v55, $0xE;
	[tilespmem:$0x1E480] =	vst v58  }
0x184: {  	s23 =	sshll.u32 s0, $0x9;
	v0 =	vand.u32 $0x3FFF, v54;
	[tilespmem:$0x1E490] =	vst v59  }
0x185: {  	s0 =	sshll.u32 s0, $0x6;
	s3 =	sand.u32 $0x3FC00, s23;
	v60 =	vshrl.u32 v56, $0xE;
	[tilespmem:$0x1E700] =	vst v0  }
0x186: {  	s0 =	sand.u32 $0x40, s0;
	s3 =	sadd.s32 s5, s3;
	v61 =	vshrl.u32 v57, $0xE;
	[tilespmem:$0x1E4B0] =	vst v60  }
0x187: {  	s0 =	sor.u32 s0, s3;
	v62 =	vand.u32 $0x3FFF, v57;
	[tilespmem:$0x1E4A0] =	vst v61  }
0x188: {  	s0 =	sor.u32 s7, s0;
	v1 =	vand.u32 $0x3FFF, v55;
	[tilespmem:$0x1E720] =	vst v62  }
0x189: {  	s0 =	sshrl.u32 s0, $0x3;
	v63 =	vand.u32 $0x3FFF, v56;
	[tilespmem:$0x1E710] =	vst v1  }
0x18a: {  	s30 =	simm.s32 $0x1E200;
	s0 =	sadd.s32 s6, s0;
	[tilespmem:$0x1E730] =	vst v63  }
0x18b: {  	[tilespmem:s30], [sflag:$0x5] =	stream.linear.gather [hbm4b:s0+s2], $0x40, $0x38;
	[tilespmem:$0x1E780] =	vst v63  }
0x18c: {  	s23 =	simm.s32 $0x1E480;
	s3 =	simm.s32 $0x1C000  }
0x18d: {  	[tilespmem:s3], [sflag:$0xA] =	stream.indirect.gather [hbm4b:s4+s31], $0x80, s23, s31, $0xb8;
	[tilespmem:$0x1E780] =	vst v63  }
0x18e: {  	_ =	swait.ge [sflag:s9], $0x2000  }
0x18f: {  	[sflag:s9] =	ssyncset.done $0x0  }
0x190: {  	s30 =	simm.s32 $0x1E500;
	[sflag:s9] =	ssyncadd.s32 $0xFFFFE000  }
0x191: {  	[spmem:s1] =	stream.indirect.scatter.add.f32 [tilespmem:s12], [sflag:$0xB], $0x80, s30, s31, $0xb8;
	[tilespmem:$0x1E780] =	vst v63  }
0x192: {  	_ =	swait.ge [sflag:s22], $0x2000  }
0x193: {  	[sflag:s22] =	ssyncset.done $0x0  }
0x194: {  	s12 =	simm.s32 $0x1E580;
	[sflag:s22] =	ssyncadd.s32 $0xFFFFE000  }
0x195: {  	[spmem:s1] =	stream.indirect.scatter.add.f32 [tilespmem:s18], [sflag:$0xC], $0x80, s12, s31, $0xb8;
	[tilespmem:$0x1E780] =	vst v63  }
0x196: {  	_ =	swait.ge [sflag:s24], $0x2000  }
0x197: {  	[sflag:s24] =	ssyncset.done $0x0  }
0x198: {  	s18 =	simm.s32 $0x1E600;
	[sflag:s24] =	ssyncadd.s32 $0xFFFFE000  }
0x199: {  	[spmem:s1] =	stream.indirect.scatter.add.f32 [tilespmem:s8], [sflag:$0xD], $0x80, s18, s31, $0xb8;
	[tilespmem:$0x1E780] =	vst v63  }
0x19a: {  	_ =	swait.ge [sflag:s26], $0x2000  }
0x19b: {  	[sflag:s26] =	ssyncset.done $0x0  }
0x19c: {  	s23 =	simm.s32 $0x1E680;
	[sflag:s26] =	ssyncadd.s32 $0xFFFFE000  }
0x19d: {  	[spmem:s1] =	stream.indirect.scatter.add.f32 [tilespmem:s25], [sflag:$0xE], $0x80, s23, s31, $0xb8;
	[tilespmem:$0x1E780] =	vst v63  }
0x19e: {  	_ =	swait.ge [sflag:s29], $0x2000  }
0x19f: {  	[sflag:s29] =	ssyncset.done $0x0  }
0x1a0: {  	s30 =	simm.s32 $0x1E700;
	[sflag:s29] =	ssyncadd.s32 $0xFFFFE000  }
0x1a1: {  	[spmem:s1] =	stream.indirect.scatter.add.f32 [tilespmem:s3], [sflag:$0xF], $0x80, s30, s31, $0xb8;
	[tilespmem:$0x1E780] =	vst v63  }
0x1a2: {  	_ =	swait.ge [sflag:s11], $0x2000  }
0x1a3: {  	[sflag:s11] =	ssyncset.done $0x0  }
0x1a4: {  	s3 =	simm.s32 $0x1;
	[sflag:s11] =	ssyncadd.s32 $0xFFFFE000  }
0x1a5: {  	_ =	swait.ge [sflag:s3], $0x40  }
0x1a6: {  	[sflag:s3] =	ssyncset.done $0x0  }
0x1a7: {  	[sflag:s3] =	ssyncadd.s32 $0xFFFFFFC0  }
0x1a8: {  	_ =	swait.ge [sflag:s14], $0x2000  }
0x1a9: {  	[sflag:s14] =	ssyncset.done $0x0  }
0x1aa: {  	s8 =	simm.s32 $0x2;
	[sflag:s14] =	ssyncadd.s32 $0xFFFFE000  }
0x1ab: {  	_ =	swait.ge [sflag:s8], $0x40  }
0x1ac: {  	[sflag:s8] =	ssyncset.done $0x0  }
0x1ad: {  	[sflag:s8] =	ssyncadd.s32 $0xFFFFFFC0  }
0x1ae: {  	_ =	swait.ge [sflag:s17], $0x2000  }
0x1af: {  	[sflag:s17] =	ssyncset.done $0x0  }
0x1b0: {  	[sflag:s17] =	ssyncadd.s32 $0xFFFFE000  }
0x1b1: {  	_ =	swait.ge [sflag:s13], $0x40  }
0x1b2: {  	[sflag:s13] =	ssyncset.done $0x0  }
0x1b3: {  	[sflag:s13] =	ssyncadd.s32 $0xFFFFFFC0  }
0x1b4: {  	_ =	swait.ge [sflag:s20], $0x2000  }
0x1b5: {  	[sflag:s20] =	ssyncset.done $0x0  }
0x1b6: {  	[sflag:s20] =	ssyncadd.s32 $0xFFFFE000  }
0x1b7: {  	_ =	swait.ge [sflag:s16], $0x40  }
0x1b8: {  	[sflag:s16] =	ssyncset.done $0x0  }
0x1b9: {  	[sflag:s16] =	ssyncadd.s32 $0xFFFFFFC0  }
0x1ba: {  	_ =	swait.ge [sflag:s10], $0x2000  }
0x1bb: {  	[sflag:s10] =	ssyncset.done $0x0  }
0x1bc: {  	[sflag:s10] =	ssyncadd.s32 $0xFFFFE000  }
0x1bd: {  	_ =	swait.ge [sflag:s19], $0x40  }
0x1be: {  	[sflag:s19] =	ssyncset.done $0x0  }
0x1bf: {  	[sflag:s19] =	ssyncadd.s32 $0xFFFFFFC0  }
0x1c0: {  	[bflag:$0x0] =	sbarrier.arrive $0xFFFF  }
0x1c1: {  	s23 =	rddreg [dreg:$0x5]  }
0x1c2: {  	s12 =	rddreg [dreg:$0x10]  }
0x1c3: {  	s25 =	simm.s32 $0x10;
	s3 =	rddreg [dreg:$0x11]  }
0x1c4: {  	[hbm:s12], [sflag:s23] =	dma.local [spmem:s3], $0x2800  }
0x1c5: {  	_ =	swait.ge [sflag:s25], $0x2800  }
0x1c6: {  	s18 =	rddreg [dreg:$0x12]  }
0x1c7: {  	s30 =	rddreg [dreg:$0xf];
	s8 =	sadd.s32 $0x1, s18  }
0x1c8: {  	p0 =	sne.s32 s8, s30  }
.Ltmp1:
0x1c9: {  	_ = 	snop;
	(pc) =	sbr.rel @p0 .LBB2_1-.Ltmp1, $3  }
0x1ca: {  	_ =	sdelay $0x1  }
0x1cb: {  	[sflag:s25] =	ssyncset.done $0x0  }
0x1cc: {  	[sflag:s25] =	ssyncadd.s32 $0xFFFFD800  }
0x1cd: {  	_ =	sfence.sel $0x180000  }
0x1ce: {  	[bflag:$0x0] =	sbarrier.arrive $0xFFFF  }
0x1cf: {  	_ =	strace $0x90000050  }
0x1d0: {  	s0 =	stileid.u32;
	[bflag:$0x2] =	sbarrier.arrive $0xFFFF  }
0x1d1: {  	p0 =	sne.s32 s0, $0x0;
	s0 =	rddreg [dreg:$0x2]  }
0x1d2: {  	s0 =	sadd.s32 @!p0 $0x100000, s0  }
0x1d3: {  	[sflag:s0] =	ssyncadd.tile.s32 @!p0 $0x1;
	_ =	shalt  }
.Lfunc_end2:
_tile_overlayer_lowered:
.L_overlay_start_2:
0x1d4: {  	(tag) =	ssettag $0x2  }
0x1d5: {  	s0 =	rddreg [dreg:$0x0];
	s2 =	stileid.u32  }
0x1d6: {  	s1 =	rddreg [dreg:$0x1];
	p0 =	sne.s32 s2, $0x0  }
0x1d7: {  	s3 =	rddreg [dreg:$0x2];
	[bflag:$0x3] =	sbarrier.arrive $0xFFFF;
	s2 =	simm.s32 @!p0 $0x1C10  }
0x1d8: {  	[timem:s3], [sflag:s2] =	dma.local @!p0 [hbm:s0], s1  }
0x1d9: {  	s0 =	simm.s32 @!p0 $0x10  }
0x1da: {  	_ =	swait.ge @!p0 [sflag:s0], s1  }
0x1db: {  	s1 =	ssub.s32 @!p0 $0x0, s1;
	[sflag:s0] =	ssyncset.done @!p0 $0x0  }
0x1dc: {  	[sflag:s0] =	ssyncadd.s32 @!p0 s1  }
0x1dd: {  	[bflag:$0x3] =	sbarrier.arrive $0xFFFF  }
0x1de: {  	_ =	shalt  }

</sc_bundles>
